<compile_context>
chip_gen: v7x
topology: tpu7x:2x2x1
jax: 0.10.2.dev20260603
libtpu: 0.0.44.dev20260713+nightly
codegen_flags: <defaults>
</compile_context>

<pallas_src>
import dataclasses

import jax
import jax.numpy as jnp
from jax import lax
from jax.experimental import pallas as pl
from jax.experimental.pallas import tpu as pltpu
from jax.experimental.pallas import tpu_sc as plsc

N = 1048576
CH = 8
DIMS = (64, 64, 64, 32)
STRIDES = (DIMS[1] * DIMS[2] * DIMS[3], DIMS[2] * DIMS[3], DIMS[3], 1)
NW = 32
PPW = N // NW
B = 128
NBLK = PPW // B
NSG = B // 16
NROW = 8 * B
NSTREAM = NROW // 128


def _body(
    xs_hbm, data_hbm, out_hbm,
    xsbA, xsbB, idxA, idxB, wbA, wbB, gA, gB, outA, outB, semA, semB,
):
    wid = lax.axis_index("s") * 2 + lax.axis_index("c")
    base_pt = wid * PPW

    iota16 = lax.iota(jnp.int32, 16)
    cconst = [jnp.full((16,), c, jnp.int32) for c in range(2 * CH)]

    def phase1(start, xsb, idxb, wbuf):
        pltpu.sync_copy(xs_hbm.at[start // B], xsb)

        @pl.loop(0, NSG)
        def _(sg):
            lo = []
            hi = []
            f = []
            for d in range(4):
                cd = xsb[d, pl.ds(sg * 16, 16)]
                half = 0.5 * DIMS[d]
                sd = cd * half + half
                idx_i = sd.astype(jnp.int32)
                f.append(sd - idx_i.astype(jnp.float32))
                lod = jnp.minimum(jnp.maximum(idx_i, 0), DIMS[d] - 1)
                lo.append(lod)
                hi.append(jnp.minimum(lod + 1, DIMS[d] - 1))
            px = [lo[0] * STRIDES[0], hi[0] * STRIDES[0]]
            py = [lo[1] * STRIDES[1], hi[1] * STRIDES[1]]
            pz = [lo[2] * STRIDES[2], hi[2] * STRIDES[2]]
            t0 = lo[3]
            wx = [1.0 - f[0], f[0]]
            wy = [1.0 - f[1], f[1]]
            wz = [1.0 - f[2], f[2]]
            wt = [1.0 - f[3], f[3]]
            for b in range(8):
                bx, by, bz = b & 1, (b >> 1) & 1, (b >> 2) & 1
                wxyz = (wx[bx] * wy[by]) * wz[bz]
                ofs = sg * 128 + b * 16
                idxb[pl.ds(ofs, 16)] = (px[bx] + py[by]) + pz[bz] + t0
                wbuf[pl.ds(2 * ofs, 16)] = wxyz * wt[0]
                wbuf[pl.ds(2 * ofs + 16, 16)] = wxyz * wt[1]

    def fire(idxb, gbuf, sem):
        for j in range(NSTREAM):
            pltpu.async_copy(
                data_hbm.at[idxb.at[pl.ds(j * 128, 128)]],
                gbuf.at[pl.ds(j * 128, 128)],
                sem,
            )

    def drain(idxb, gbuf, sem):
        for j in range(NSTREAM):
            pltpu.make_async_copy(
                data_hbm.at[idxb.at[pl.ds(j * 128, 128)]],
                gbuf.at[pl.ds(j * 128, 128)],
                sem,
            ).wait()

    def phase3(start, wbuf, gbuf, outc):
        @pl.loop(0, NSG)
        def _(sg):
            base = sg * 128
            acc = [None] * CH
            for r in range(8):
                wa = wbuf[pl.ds(2 * (base + r * 16), 16)]
                wb = wbuf[pl.ds(2 * (base + r * 16) + 16, 16)]
                kvec = iota16 + (base + r * 16)
                for c in range(CH):
                    cola = plsc.load_gather(gbuf, [kvec, cconst[c]])
                    colb = plsc.load_gather(gbuf, [kvec, cconst[CH + c]])
                    term = wa * cola + wb * colb
                    acc[c] = term if acc[c] is None else acc[c] + term
            for c in range(CH):
                outc[c, pl.ds(sg * 16, 16)] = acc[c]

        pltpu.sync_copy(outc, out_hbm.at[start // B])

    phase1(base_pt, xsbA, idxA, wbA)
    fire(idxA, gA, semA)

    @pl.loop(0, NBLK, step=2)
    def _(blk):
        s0 = base_pt + blk * B
        s1 = s0 + B
        phase1(s1, xsbB, idxB, wbB)
        fire(idxB, gB, semB)
        drain(idxA, gA, semA)
        phase3(s0, wbA, gA, outA)

        @pl.when(blk + 2 < NBLK)
        def _():
            phase1(s1 + B, xsbA, idxA, wbA)
            fire(idxA, gA, semA)

        drain(idxB, gB, semB)
        phase3(s1, wbB, gB, outB)


def _repack_body(in_ref, out_ref):
    def one_y(y, _):
        inb = in_ref[0, y]
        ishift = jnp.concatenate([inb[1:], inb[31:32]], axis=0)
        ip = jnp.concatenate([inb, ishift], axis=1)
        tr = jnp.transpose(ip.reshape(512, 64))
        parts = [tr[:, j * 128:(j + 1) * 128][:, None, :] for j in range(4)]
        out_ref[pl.ds(y * 256, 256), :] = (
            jnp.concatenate(parts, axis=1).reshape(256, 128)
        )
        return _

    lax.fori_loop(0, 16, one_y, None)


def _repack(dp):
    out2 = pl.pallas_call(
        _repack_body,
        out_shape=jax.ShapeDtypeStruct((1048576, 128), jnp.float32),
        grid=(256,),
        in_specs=[
            pl.BlockSpec((1, 16, 32, 8, 64), lambda xq: (xq // 4, xq % 4, 0, 0, 0))
        ],
        out_specs=pl.BlockSpec((4096, 128), lambda xq: (xq, 0)),
    )(dp)
    return out2.reshape(-1).reshape(-1, 2 * CH)


def kernel(xs, data):
    xs_t = jnp.transpose(xs.reshape(N // B, B, 4), (0, 2, 1))
    dp = jnp.transpose(data, (0, 1, 3, 4, 2))
    data2 = _repack(dp)
    mesh = plsc.VectorSubcoreMesh(core_axis_name="c", subcore_axis_name="s")
    cp = pltpu.CompilerParams()
    if "needs_layout_passes" in pltpu.CompilerParams.__dataclass_fields__:
        cp = dataclasses.replace(cp, needs_layout_passes=False)
    if "use_tc_tiling_on_sc" in pltpu.CompilerParams.__dataclass_fields__:
        cp = dataclasses.replace(cp, use_tc_tiling_on_sc=False)
    k = pl.kernel(
        _body,
        out_type=jax.ShapeDtypeStruct((N // B, CH, B), jnp.float32),
        mesh=mesh,
        scratch_types=[
            pltpu.VMEM((4, B), jnp.float32),
            pltpu.VMEM((4, B), jnp.float32),
            pltpu.VMEM((NROW,), jnp.int32),
            pltpu.VMEM((NROW,), jnp.int32),
            pltpu.VMEM((2 * NROW,), jnp.float32),
            pltpu.VMEM((2 * NROW,), jnp.float32),
            pltpu.VMEM((NROW, 2 * CH), jnp.float32),
            pltpu.VMEM((NROW, 2 * CH), jnp.float32),
            pltpu.VMEM((CH, B), jnp.float32),
            pltpu.VMEM((CH, B), jnp.float32),
            pltpu.SemaphoreType.DMA,
            pltpu.SemaphoreType.DMA,
        ],
        compiler_params=cp,
    )
    out = k(xs_t, data2)
    return jnp.transpose(out, (0, 2, 1)).reshape(N, CH)

# --- scband reference (transcript-rebuilt; emitter-appended) ---
"""Pipeline reference for scband-volume4d-impl-65085934403719 (READ-ONLY COPY).

The authoritative reference and input builder live on the scoring server;
editing this copy changes nothing except your own understanding.
"""

import jax, jax.numpy as jnp
import numpy as np

DOMAIN_HALF_SIZE = 1.0


def setup_inputs(seed: int = 0) -> dict:
    key = jax.random.key(seed)
    k1, k2 = jax.random.split(key)
    xs = jax.random.normal(k1, (1048576, 4), dtype=jnp.float32)
    # learned/stored 4D volume with 8 channels: [X, Y, Z, T, C]
    data = jax.random.normal(k2, (64, 64, 64, 32, 8), dtype=jnp.float32)
    return {"xs": xs, "data": data}


def reference(xs, data):
    shape = data.shape
    xs = xs.reshape(-1, 4)
    xs = 0.5 * xs / DOMAIN_HALF_SIZE + 0.5
    xs = xs * jnp.array([shape[0], shape[1], shape[2], shape[3]], dtype=jnp.float32)
    indices = xs.astype(jnp.int32)  # trunc-toward-zero, matches torch .long()
    lerpw = xs - indices.astype(jnp.float32)
    x0 = jnp.clip(indices[:, 0], 0, shape[0] - 1)
    y0 = jnp.clip(indices[:, 1], 0, shape[1] - 1)
    z0 = jnp.clip(indices[:, 2], 0, shape[2] - 1)
    t0 = jnp.clip(indices[:, 3], 0, shape[3] - 1)
    x1 = jnp.minimum(x0 + 1, shape[0] - 1)
    y1 = jnp.minimum(y0 + 1, shape[1] - 1)
    z1 = jnp.minimum(z0 + 1, shape[2] - 1)
    t1 = jnp.minimum(t0 + 1, shape[3] - 1)
    lo = (x0, y0, z0, t0)
    hi = (x1, y1, z1, t1)
    out = jnp.zeros((xs.shape[0], shape[4]), dtype=data.dtype)
    for b in range(16):
        sel = [(b >> d) & 1 for d in range(4)]
        ii = [hi[d] if sel[d] else lo[d] for d in range(4)]
        w = jnp.ones((xs.shape[0], 1), dtype=data.dtype)
        for d in range(4):
            w = w * (lerpw[:, d:d + 1] if sel[d] else (1.0 - lerpw[:, d:d + 1]))
        out = out + data[ii[0], ii[1], ii[2], ii[3]] * w
    return jnp.squeeze(out)

if __name__ == "__main__":
    import jax
    _d = setup_inputs()
    print(jax.jit(kernel)(*tuple(_d.values())))

</pallas_src>

<mosaic_0001>
#map = affine_map<(d0, d1) -> (0, 0, 0)>
#map1 = affine_map<(d0, d1) -> (0, 0)>
module attributes {stable_mosaic.version = 14 : i64} {
  func.func @_body(%arg0: i32, %arg1: i32, %arg2: memref<8192x4x128xf32, #tpu.memory_space<hbm>>, %arg3: memref<8388608x16xf32, #tpu.memory_space<hbm>>, %arg4: memref<8192x8x128xf32, #tpu.memory_space<hbm>>, %arg5: memref<4x128xf32, #tpu.memory_space<vmem>>, %arg6: memref<4x128xf32, #tpu.memory_space<vmem>>, %arg7: memref<1024xi32, #tpu.memory_space<vmem>>, %arg8: memref<1024xi32, #tpu.memory_space<vmem>>, %arg9: memref<2048xf32, #tpu.memory_space<vmem>>, %arg10: memref<2048xf32, #tpu.memory_space<vmem>>, %arg11: memref<1024x16xf32, #tpu.memory_space<vmem>>, %arg12: memref<1024x16xf32, #tpu.memory_space<vmem>>, %arg13: memref<8x128xf32, #tpu.memory_space<vmem>>, %arg14: memref<8x128xf32, #tpu.memory_space<vmem>>, %arg15: memref<!tpu.dma_semaphore, #tpu.memory_space<semaphore_mem>>, %arg16: memref<!tpu.dma_semaphore, #tpu.memory_space<semaphore_mem>>) attributes {dimension_semantics = [#tpu.dimension_semantics<core_parallel>, #tpu.dimension_semantics<subcore_parallel>], iteration_bounds = array<i64: 2, 16>, scalar_prefetch = 0 : i64, scratch_operands = 12 : i64, tpu.core_type = #tpu.core_type<sc_vector_subcore>, window_params = [{transform_indices = #map}, {transform_indices = #map1}, {transform_indices = #map}]} {
    %mul3A = arith.constant 2 : i32
    %mul3A_0 = arith.muli %arg1, %mul3A : i32
    %add3A = arith.addi %mul3A_0, %arg0 : i32
    %mul3A_1 = arith.constant 32768 : i32
    %mul3A_2 = arith.muli %add3A, %mul3A_1 : i32
    %iota3A = tpu.iota {dimensions = array<i32: 0>} : vector<16xi32>
    %broadcast_in_dim3A = arith.constant 0 : i32
    %broadcast_in_dim3A_3 = vector.broadcast %broadcast_in_dim3A : i32 to vector<16xi32>
    %broadcast_in_dim3A_4 = arith.constant 1 : i32
    %broadcast_in_dim3A_5 = vector.broadcast %broadcast_in_dim3A_4 : i32 to vector<16xi32>
    %broadcast_in_dim3A_6 = arith.constant 2 : i32
    %broadcast_in_dim3A_7 = vector.broadcast %broadcast_in_dim3A_6 : i32 to vector<16xi32>
    %broadcast_in_dim3A_8 = arith.constant 3 : i32
    %broadcast_in_dim3A_9 = vector.broadcast %broadcast_in_dim3A_8 : i32 to vector<16xi32>
    %broadcast_in_dim3A_10 = arith.constant 4 : i32
    %broadcast_in_dim3A_11 = vector.broadcast %broadcast_in_dim3A_10 : i32 to vector<16xi32>
    %broadcast_in_dim3A_12 = arith.constant 5 : i32
    %broadcast_in_dim3A_13 = vector.broadcast %broadcast_in_dim3A_12 : i32 to vector<16xi32>
    %broadcast_in_dim3A_14 = arith.constant 6 : i32
    %broadcast_in_dim3A_15 = vector.broadcast %broadcast_in_dim3A_14 : i32 to vector<16xi32>
    %broadcast_in_dim3A_16 = arith.constant 7 : i32
    %broadcast_in_dim3A_17 = vector.broadcast %broadcast_in_dim3A_16 : i32 to vector<16xi32>
    %broadcast_in_dim3A_18 = arith.constant 8 : i32
    %broadcast_in_dim3A_19 = vector.broadcast %broadcast_in_dim3A_18 : i32 to vector<16xi32>
    %broadcast_in_dim3A_20 = arith.constant 9 : i32
    %broadcast_in_dim3A_21 = vector.broadcast %broadcast_in_dim3A_20 : i32 to vector<16xi32>
    %broadcast_in_dim3A_22 = arith.constant 10 : i32
    %broadcast_in_dim3A_23 = vector.broadcast %broadcast_in_dim3A_22 : i32 to vector<16xi32>
    %broadcast_in_dim3A_24 = arith.constant 11 : i32
    %broadcast_in_dim3A_25 = vector.broadcast %broadcast_in_dim3A_24 : i32 to vector<16xi32>
    %broadcast_in_dim3A_26 = arith.constant 12 : i32
    %broadcast_in_dim3A_27 = vector.broadcast %broadcast_in_dim3A_26 : i32 to vector<16xi32>
    %broadcast_in_dim3A_28 = arith.constant 13 : i32
    %broadcast_in_dim3A_29 = vector.broadcast %broadcast_in_dim3A_28 : i32 to vector<16xi32>
    %broadcast_in_dim3A_30 = arith.constant 14 : i32
    %broadcast_in_dim3A_31 = vector.broadcast %broadcast_in_dim3A_30 : i32 to vector<16xi32>
    %broadcast_in_dim3A_32 = arith.constant 15 : i32
    %broadcast_in_dim3A_33 = vector.broadcast %broadcast_in_dim3A_32 : i32 to vector<16xi32>
    %jit3A = arith.constant 128 : i32
    %div3A = arith.divsi %mul3A_2, %jit3A : i32
    %sign3A = arith.constant 0 : i32
    %sign3A_34 = arith.cmpi sgt, %mul3A_2, %sign3A : i32
    %sign3A_35 = arith.extui %sign3A_34 : i1 to i32
    %sign3A_36 = arith.constant 0 : i32
    %sign3A_37 = arith.cmpi slt, %mul3A_2, %sign3A_36 : i32
    %sign3A_38 = arith.extui %sign3A_37 : i1 to i32
    %sign3A_39 = arith.subi %sign3A_35, %sign3A_38 : i32
    %sign3A_40 = arith.constant 0 : i32
    %sign3A_41 = arith.cmpi sgt, %jit3A, %sign3A_40 : i32
    %sign3A_42 = arith.extui %sign3A_41 : i1 to i32
    %sign3A_43 = arith.constant 0 : i32
    %sign3A_44 = arith.cmpi slt, %jit3A, %sign3A_43 : i32
    %sign3A_45 = arith.extui %sign3A_44 : i1 to i32
    %sign3A_46 = arith.subi %sign3A_42, %sign3A_45 : i32
    %ne3A = arith.cmpi ne, %sign3A_39, %sign3A_46 : i32
    %rem3A = arith.remsi %mul3A_2, %jit3A : i32
    %ne3A_47 = arith.constant 0 : i32
    %ne3A_48 = arith.cmpi ne, %rem3A, %ne3A_47 : i32
    %and3A = arith.andi %ne3A, %ne3A_48 : i1
    %sub3A = arith.constant 1 : i32
    %sub3A_49 = arith.subi %div3A, %sub3A : i32
    %select_n3A = arith.select %and3A, %sub3A_49, %div3A : i32
    "tpu.region"() ({
      %run_scoped3A = tpu.sem_alloc : memref<!tpu.dma_semaphore, #tpu.memory_space<semaphore_mem>>
      %dma_start3A_122 = arith.constant 0 : i32
      %dma_start3A_123 = arith.constant 0 : i32
      %dma_start3A_124 = tpu.memref_slice %arg2[%select_n3A, %dma_start3A_122, %dma_start3A_123] : memref<8192x4x128xf32, #tpu.memory_space<hbm>> -> memref<1x4x128xf32, #tpu.memory_space<hbm>>
      %dma_start3A_125 = tpu.memref_squeeze %dma_start3A_124 : memref<1x4x128xf32, #tpu.memory_space<hbm>> -> memref<4x128xf32, #tpu.memory_space<hbm>>
      %dma_start3A_126 = arith.constant 0 : i32
      %dma_start3A_127 = arith.constant 0 : i32
      %dma_start3A_128 = tpu.memref_slice %arg2[%select_n3A, %dma_start3A_126, %dma_start3A_127] : memref<8192x4x128xf32, #tpu.memory_space<hbm>> -> memref<1x4x128xf32, #tpu.memory_space<hbm>>
      %dma_start3A_129 = tpu.memref_squeeze %dma_start3A_128 : memref<1x4x128xf32, #tpu.memory_space<hbm>> -> memref<4x128xf32, #tpu.memory_space<hbm>>
      tpu.enqueue_dma source(%dma_start3A_129 : memref<4x128xf32, #tpu.memory_space<hbm>>) target(%arg5 : memref<4x128xf32, #tpu.memory_space<vmem>>) target_semaphore(%run_scoped3A : memref<!tpu.dma_semaphore, #tpu.memory_space<semaphore_mem>>)
      %dma_wait3A = arith.constant 0 : i32
      %dma_wait3A_130 = arith.constant 0 : i32
      %dma_wait3A_131 = tpu.memref_slice %arg2[%select_n3A, %dma_wait3A, %dma_wait3A_130] : memref<8192x4x128xf32, #tpu.memory_space<hbm>> -> memref<1x4x128xf32, #tpu.memory_space<hbm>>
      %dma_wait3A_132 = tpu.memref_squeeze %dma_wait3A_131 : memref<1x4x128xf32, #tpu.memory_space<hbm>> -> memref<4x128xf32, #tpu.memory_space<hbm>>
      %dma_wait3A_133 = arith.constant 0 : i32
      %dma_wait3A_134 = arith.constant 0 : i32
      %dma_wait3A_135 = tpu.memref_slice %arg2[%select_n3A, %dma_wait3A_133, %dma_wait3A_134] : memref<8192x4x128xf32, #tpu.memory_space<hbm>> -> memref<1x4x128xf32, #tpu.memory_space<hbm>>
      %dma_wait3A_136 = tpu.memref_squeeze %dma_wait3A_135 : memref<1x4x128xf32, #tpu.memory_space<hbm>> -> memref<4x128xf32, #tpu.memory_space<hbm>>
      tpu.wait_dma2 semaphore(%run_scoped3A : memref<!tpu.dma_semaphore, #tpu.memory_space<semaphore_mem>>) src(%dma_wait3A_136 : memref<4x128xf32, #tpu.memory_space<hbm>>) dst(%arg5 : memref<4x128xf32, #tpu.memory_space<vmem>>)
      tpu.yield
    }) : () -> ()
    %scan3A = arith.constant 0 : i32
    %scan3A_50 = arith.constant 8 : i32
    %scan3A_51 = arith.addi %scan3A, %scan3A_50 : i32
    %scan3A_52 = arith.constant 1 : i32
    scf.for %scan3A_122 = %scan3A to %scan3A_51 step %scan3A_52  : i32 {
      %mul3A_123 = arith.constant 1 : i32
      %mul3A_124 = arith.muli %scan3A_122, %mul3A_123 : i32
      %add3A_125 = arith.constant 0 : i32
      %add3A_126 = arith.addi %add3A_125, %mul3A_124 : i32
      %mul3A_127 = arith.constant 16 : i32
      %mul3A_128 = arith.muli %add3A_126, %mul3A_127 : i32
      %get3A = arith.constant 0 : i32
      %get3A_129 = arith.index_cast %get3A : i32 to index
      %get3A_130 = arith.index_cast %mul3A_128 : i32 to index
      %get3A_131 = tpu.vector_load %arg5[%get3A_129, %get3A_130] {strides = array<i32>} : memref<4x128xf32, #tpu.memory_space<vmem>>, vector<16xf32>,
      %mul3A_132 = arith.constant 3.200000e+01 : f32
      %mul3A_133 = vector.broadcast %mul3A_132 : f32 to vector<16xf32>
      %mul3A_134 = arith.mulf %get3A_131, %mul3A_133 : vector<16xf32>
      %add3A_135 = arith.constant 3.200000e+01 : f32
      %add3A_136 = vector.broadcast %add3A_135 : f32 to vector<16xf32>
      %add3A_137 = arith.addf %mul3A_134, %add3A_136 : vector<16xf32>
      %convert_element_type3A = arith.fptosi %add3A_137 : vector<16xf32> to vector<16xi32>
      %convert_element_type3A_138 = arith.sitofp %convert_element_type3A : vector<16xi32> to vector<16xf32>
      %sub3A_139 = arith.subf %add3A_137, %convert_element_type3A_138 : vector<16xf32>
      %max3A = arith.constant 0 : i32
      %max3A_140 = vector.broadcast %max3A : i32 to vector<16xi32>
      %max3A_141 = arith.maxsi %convert_element_type3A, %max3A_140 : vector<16xi32>
      %min3A = arith.constant 63 : i32
      %min3A_142 = vector.broadcast %min3A : i32 to vector<16xi32>
      %min3A_143 = arith.minsi %max3A_141, %min3A_142 : vector<16xi32>
      %add3A_144 = arith.constant 1 : i32
      %add3A_145 = vector.broadcast %add3A_144 : i32 to vector<16xi32>
      %add3A_146 = arith.addi %min3A_143, %add3A_145 : vector<16xi32>
      %min3A_147 = arith.constant 63 : i32
      %min3A_148 = vector.broadcast %min3A_147 : i32 to vector<16xi32>
      %min3A_149 = arith.minsi %add3A_146, %min3A_148 : vector<16xi32>
      %mul3A_150 = arith.constant 16 : i32
      %mul3A_151 = arith.muli %add3A_126, %mul3A_150 : i32
      %get3A_152 = arith.constant 1 : i32
      %get3A_153 = arith.index_cast %get3A_152 : i32 to index
      %get3A_154 = arith.index_cast %mul3A_151 : i32 to index
      %get3A_155 = tpu.vector_load %arg5[%get3A_153, %get3A_154] {strides = array<i32>} : memref<4x128xf32, #tpu.memory_space<vmem>>, vector<16xf32>,
      %mul3A_156 = arith.constant 3.200000e+01 : f32
      %mul3A_157 = vector.broadcast %mul3A_156 : f32 to vector<16xf32>
      %mul3A_158 = arith.mulf %get3A_155, %mul3A_157 : vector<16xf32>
      %add3A_159 = arith.constant 3.200000e+01 : f32
      %add3A_160 = vector.broadcast %add3A_159 : f32 to vector<16xf32>
      %add3A_161 = arith.addf %mul3A_158, %add3A_160 : vector<16xf32>
      %convert_element_type3A_162 = arith.fptosi %add3A_161 : vector<16xf32> to vector<16xi32>
      %convert_element_type3A_163 = arith.sitofp %convert_element_type3A_162 : vector<16xi32> to vector<16xf32>
      %sub3A_164 = arith.subf %add3A_161, %convert_element_type3A_163 : vector<16xf32>
      %max3A_165 = arith.constant 0 : i32
      %max3A_166 = vector.broadcast %max3A_165 : i32 to vector<16xi32>
      %max3A_167 = arith.maxsi %convert_element_type3A_162, %max3A_166 : vector<16xi32>
      %min3A_168 = arith.constant 63 : i32
      %min3A_169 = vector.broadcast %min3A_168 : i32 to vector<16xi32>
      %min3A_170 = arith.minsi %max3A_167, %min3A_169 : vector<16xi32>
      %add3A_171 = arith.constant 1 : i32
      %add3A_172 = vector.broadcast %add3A_171 : i32 to vector<16xi32>
      %add3A_173 = arith.addi %min3A_170, %add3A_172 : vector<16xi32>
      %min3A_174 = arith.constant 63 : i32
      %min3A_175 = vector.broadcast %min3A_174 : i32 to vector<16xi32>
      %min3A_176 = arith.minsi %add3A_173, %min3A_175 : vector<16xi32>
      %mul3A_177 = arith.constant 16 : i32
      %mul3A_178 = arith.muli %add3A_126, %mul3A_177 : i32
      %get3A_179 = arith.constant 2 : i32
      %get3A_180 = arith.index_cast %get3A_179 : i32 to index
      %get3A_181 = arith.index_cast %mul3A_178 : i32 to index
      %get3A_182 = tpu.vector_load %arg5[%get3A_180, %get3A_181] {strides = array<i32>} : memref<4x128xf32, #tpu.memory_space<vmem>>, vector<16xf32>,
      %mul3A_183 = arith.constant 3.200000e+01 : f32
      %mul3A_184 = vector.broadcast %mul3A_183 : f32 to vector<16xf32>
      %mul3A_185 = arith.mulf %get3A_182, %mul3A_184 : vector<16xf32>
      %add3A_186 = arith.constant 3.200000e+01 : f32
      %add3A_187 = vector.broadcast %add3A_186 : f32 to vector<16xf32>
      %add3A_188 = arith.addf %mul3A_185, %add3A_187 : vector<16xf32>
      %convert_element_type3A_189 = arith.fptosi %add3A_188 : vector<16xf32> to vector<16xi32>
      %convert_element_type3A_190 = arith.sitofp %convert_element_type3A_189 : vector<16xi32> to vector<16xf32>
      %sub3A_191 = arith.subf %add3A_188, %convert_element_type3A_190 : vector<16xf32>
      %max3A_192 = arith.constant 0 : i32
      %max3A_193 = vector.broadcast %max3A_192 : i32 to vector<16xi32>
      %max3A_194 = arith.maxsi %convert_element_type3A_189, %max3A_193 : vector<16xi32>
      %min3A_195 = arith.constant 63 : i32
      %min3A_196 = vector.broadcast %min3A_195 : i32 to vector<16xi32>
      %min3A_197 = arith.minsi %max3A_194, %min3A_196 : vector<16xi32>
      %add3A_198 = arith.constant 1 : i32
      %add3A_199 = vector.broadcast %add3A_198 : i32 to vector<16xi32>
      %add3A_200 = arith.addi %min3A_197, %add3A_199 : vector<16xi32>
      %min3A_201 = arith.constant 63 : i32
      %min3A_202 = vector.broadcast %min3A_201 : i32 to vector<16xi32>
      %min3A_203 = arith.minsi %add3A_200, %min3A_202 : vector<16xi32>
      %mul3A_204 = arith.constant 16 : i32
      %mul3A_205 = arith.muli %add3A_126, %mul3A_204 : i32
      %get3A_206 = arith.constant 3 : i32
      %get3A_207 = arith.index_cast %get3A_206 : i32 to index
      %get3A_208 = arith.index_cast %mul3A_205 : i32 to index
      %get3A_209 = tpu.vector_load %arg5[%get3A_207, %get3A_208] {strides = array<i32>} : memref<4x128xf32, #tpu.memory_space<vmem>>, vector<16xf32>,
      %mul3A_210 = arith.constant 1.600000e+01 : f32
      %mul3A_211 = vector.broadcast %mul3A_210 : f32 to vector<16xf32>
      %mul3A_212 = arith.mulf %get3A_209, %mul3A_211 : vector<16xf32>
      %add3A_213 = arith.constant 1.600000e+01 : f32
      %add3A_214 = vector.broadcast %add3A_213 : f32 to vector<16xf32>
      %add3A_215 = arith.addf %mul3A_212, %add3A_214 : vector<16xf32>
      %convert_element_type3A_216 = arith.fptosi %add3A_215 : vector<16xf32> to vector<16xi32>
      %convert_element_type3A_217 = arith.sitofp %convert_element_type3A_216 : vector<16xi32> to vector<16xf32>
      %sub3A_218 = arith.subf %add3A_215, %convert_element_type3A_217 : vector<16xf32>
      %max3A_219 = arith.constant 0 : i32
      %max3A_220 = vector.broadcast %max3A_219 : i32 to vector<16xi32>
      %max3A_221 = arith.maxsi %convert_element_type3A_216, %max3A_220 : vector<16xi32>
      %min3A_222 = arith.constant 31 : i32
      %min3A_223 = vector.broadcast %min3A_222 : i32 to vector<16xi32>
      %min3A_224 = arith.minsi %max3A_221, %min3A_223 : vector<16xi32>
      %add3A_225 = arith.constant 1 : i32
      %add3A_226 = vector.broadcast %add3A_225 : i32 to vector<16xi32>
      %add3A_227 = arith.addi %min3A_224, %add3A_226 : vector<16xi32>
      %min3A_228 = arith.constant 31 : i32
      %min3A_229 = vector.broadcast %min3A_228 : i32 to vector<16xi32>
      %min3A_230 = arith.minsi %add3A_227, %min3A_229 : vector<16xi32>
      %mul3A_231 = arith.constant 131072 : i32
      %mul3A_232 = vector.broadcast %mul3A_231 : i32 to vector<16xi32>
      %mul3A_233 = arith.muli %min3A_143, %mul3A_232 : vector<16xi32>
      %mul3A_234 = arith.constant 131072 : i32
      %mul3A_235 = vector.broadcast %mul3A_234 : i32 to vector<16xi32>
      %mul3A_236 = arith.muli %min3A_149, %mul3A_235 : vector<16xi32>
      %mul3A_237 = arith.constant 2048 : i32
      %mul3A_238 = vector.broadcast %mul3A_237 : i32 to vector<16xi32>
      %mul3A_239 = arith.muli %min3A_170, %mul3A_238 : vector<16xi32>
      %mul3A_240 = arith.constant 2048 : i32
      %mul3A_241 = vector.broadcast %mul3A_240 : i32 to vector<16xi32>
      %mul3A_242 = arith.muli %min3A_176, %mul3A_241 : vector<16xi32>
      %mul3A_243 = arith.constant 32 : i32
      %mul3A_244 = vector.broadcast %mul3A_243 : i32 to vector<16xi32>
      %mul3A_245 = arith.muli %min3A_197, %mul3A_244 : vector<16xi32>
      %mul3A_246 = arith.constant 32 : i32
      %mul3A_247 = vector.broadcast %mul3A_246 : i32 to vector<16xi32>
      %mul3A_248 = arith.muli %min3A_203, %mul3A_247 : vector<16xi32>
      %sub3A_249 = arith.constant 1.000000e+00 : f32
      %sub3A_250 = vector.broadcast %sub3A_249 : f32 to vector<16xf32>
      %sub3A_251 = arith.subf %sub3A_250, %sub3A_139 : vector<16xf32>
      %sub3A_252 = arith.constant 1.000000e+00 : f32
      %sub3A_253 = vector.broadcast %sub3A_252 : f32 to vector<16xf32>
      %sub3A_254 = arith.subf %sub3A_253, %sub3A_164 : vector<16xf32>
      %sub3A_255 = arith.constant 1.000000e+00 : f32
      %sub3A_256 = vector.broadcast %sub3A_255 : f32 to vector<16xf32>
      %sub3A_257 = arith.subf %sub3A_256, %sub3A_191 : vector<16xf32>
      %sub3A_258 = arith.constant 1.000000e+00 : f32
      %sub3A_259 = vector.broadcast %sub3A_258 : f32 to vector<16xf32>
      %sub3A_260 = arith.subf %sub3A_259, %sub3A_218 : vector<16xf32>
      %mul3A_261 = arith.mulf %sub3A_251, %sub3A_254 : vector<16xf32>
      %mul3A_262 = arith.mulf %mul3A_261, %sub3A_257 : vector<16xf32>
      %mul3A_263 = arith.constant 128 : i32
      %mul3A_264 = arith.muli %add3A_126, %mul3A_263 : i32
      %add3A_265 = arith.constant 0 : i32
      %add3A_266 = arith.addi %mul3A_264, %add3A_265 : i32
      %add3A_267 = arith.addi %mul3A_233, %mul3A_239 : vector<16xi32>
      %add3A_268 = arith.addi %add3A_267, %mul3A_245 : vector<16xi32>
      %add3A_269 = arith.addi %add3A_268, %min3A_224 : vector<16xi32>
      %swap3A = arith.index_cast %add3A_266 : i32 to index
      %swap3A_270 = tpu.vector_load %arg7[%swap3A] {strides = array<i32>} : memref<1024xi32, #tpu.memory_space<vmem>>, vector<16xi32>,
      tpu.vector_store %arg7[%swap3A], %add3A_269 {strides = array<i32>} : memref<1024xi32, #tpu.memory_space<vmem>>, vector<16xi32>,
      %mul3A_271 = arith.mulf %mul3A_262, %sub3A_260 : vector<16xf32>
      %mul3A_272 = arith.constant 2 : i32
      %mul3A_273 = arith.muli %mul3A_272, %add3A_266 : i32
      %swap3A_274 = arith.index_cast %mul3A_273 : i32 to index
      %swap3A_275 = tpu.vector_load %arg9[%swap3A_274] {strides = array<i32>} : memref<2048xf32, #tpu.memory_space<vmem>>, vector<16xf32>,
      tpu.vector_store %arg9[%swap3A_274], %mul3A_271 {strides = array<i32>} : memref<2048xf32, #tpu.memory_space<vmem>>, vector<16xf32>,
      %mul3A_276 = arith.mulf %mul3A_262, %sub3A_218 : vector<16xf32>
      %mul3A_277 = arith.constant 2 : i32
      %mul3A_278 = arith.muli %mul3A_277, %add3A_266 : i32
      %add3A_279 = arith.constant 16 : i32
      %add3A_280 = arith.addi %mul3A_278, %add3A_279 : i32
      %swap3A_281 = arith.index_cast %add3A_280 : i32 to index
      %swap3A_282 = tpu.vector_load %arg9[%swap3A_281] {strides = array<i32>} : memref<2048xf32, #tpu.memory_space<vmem>>, vector<16xf32>,
      tpu.vector_store %arg9[%swap3A_281], %mul3A_276 {strides = array<i32>} : memref<2048xf32, #tpu.memory_space<vmem>>, vector<16xf32>,
      %mul3A_283 = arith.mulf %sub3A_139, %sub3A_254 : vector<16xf32>
      %mul3A_284 = arith.mulf %mul3A_283, %sub3A_257 : vector<16xf32>
      %mul3A_285 = arith.constant 128 : i32
      %mul3A_286 = arith.muli %add3A_126, %mul3A_285 : i32
      %add3A_287 = arith.constant 16 : i32
      %add3A_288 = arith.addi %mul3A_286, %add3A_287 : i32
      %add3A_289 = arith.addi %mul3A_236, %mul3A_239 : vector<16xi32>
      %add3A_290 = arith.addi %add3A_289, %mul3A_245 : vector<16xi32>
      %add3A_291 = arith.addi %add3A_290, %min3A_224 : vector<16xi32>
      %swap3A_292 = arith.index_cast %add3A_288 : i32 to index
      %swap3A_293 = tpu.vector_load %arg7[%swap3A_292] {strides = array<i32>} : memref<1024xi32, #tpu.memory_space<vmem>>, vector<16xi32>,
      tpu.vector_store %arg7[%swap3A_292], %add3A_291 {strides = array<i32>} : memref<1024xi32, #tpu.memory_space<vmem>>, vector<16xi32>,
      %mul3A_294 = arith.mulf %mul3A_284, %sub3A_260 : vector<16xf32>
      %mul3A_295 = arith.constant 2 : i32
      %mul3A_296 = arith.muli %mul3A_295, %add3A_288 : i32
      %swap3A_297 = arith.index_cast %mul3A_296 : i32 to index
      %swap3A_298 = tpu.vector_load %arg9[%swap3A_297] {strides = array<i32>} : memref<2048xf32, #tpu.memory_space<vmem>>, vector<16xf32>,
      tpu.vector_store %arg9[%swap3A_297], %mul3A_294 {strides = array<i32>} : memref<2048xf32, #tpu.memory_space<vmem>>, vector<16xf32>,
      %mul3A_299 = arith.mulf %mul3A_284, %sub3A_218 : vector<16xf32>
      %mul3A_300 = arith.constant 2 : i32
      %mul3A_301 = arith.muli %mul3A_300, %add3A_288 : i32
      %add3A_302 = arith.constant 16 : i32
      %add3A_303 = arith.addi %mul3A_301, %add3A_302 : i32
      %swap3A_304 = arith.index_cast %add3A_303 : i32 to index
      %swap3A_305 = tpu.vector_load %arg9[%swap3A_304] {strides = array<i32>} : memref<2048xf32, #tpu.memory_space<vmem>>, vector<16xf32>,
      tpu.vector_store %arg9[%swap3A_304], %mul3A_299 {strides = array<i32>} : memref<2048xf32, #tpu.memory_space<vmem>>, vector<16xf32>,
      %mul3A_306 = arith.mulf %sub3A_251, %sub3A_164 : vector<16xf32>
      %mul3A_307 = arith.mulf %mul3A_306, %sub3A_257 : vector<16xf32>
      %mul3A_308 = arith.constant 128 : i32
      %mul3A_309 = arith.muli %add3A_126, %mul3A_308 : i32
      %add3A_310 = arith.constant 32 : i32
      %add3A_311 = arith.addi %mul3A_309, %add3A_310 : i32
      %add3A_312 = arith.addi %mul3A_233, %mul3A_242 : vector<16xi32>
      %add3A_313 = arith.addi %add3A_312, %mul3A_245 : vector<16xi32>
      %add3A_314 = arith.addi %add3A_313, %min3A_224 : vector<16xi32>
      %swap3A_315 = arith.index_cast %add3A_311 : i32 to index
      %swap3A_316 = tpu.vector_load %arg7[%swap3A_315] {strides = array<i32>} : memref<1024xi32, #tpu.memory_space<vmem>>, vector<16xi32>,
      tpu.vector_store %arg7[%swap3A_315], %add3A_314 {strides = array<i32>} : memref<1024xi32, #tpu.memory_space<vmem>>, vector<16xi32>,
      %mul3A_317 = arith.mulf %mul3A_307, %sub3A_260 : vector<16xf32>
      %mul3A_318 = arith.constant 2 : i32
      %mul3A_319 = arith.muli %mul3A_318, %add3A_311 : i32
      %swap3A_320 = arith.index_cast %mul3A_319 : i32 to index
      %swap3A_321 = tpu.vector_load %arg9[%swap3A_320] {strides = array<i32>} : memref<2048xf32, #tpu.memory_space<vmem>>, vector<16xf32>,
      tpu.vector_store %arg9[%swap3A_320], %mul3A_317 {strides = array<i32>} : memref<2048xf32, #tpu.memory_space<vmem>>, vector<16xf32>,
      %mul3A_322 = arith.mulf %mul3A_307, %sub3A_218 : vector<16xf32>
      %mul3A_323 = arith.constant 2 : i32
      %mul3A_324 = arith.muli %mul3A_323, %add3A_311 : i32
      %add3A_325 = arith.constant 16 : i32
      %add3A_326 = arith.addi %mul3A_324, %add3A_325 : i32
      %swap3A_327 = arith.index_cast %add3A_326 : i32 to index
      %swap3A_328 = tpu.vector_load %arg9[%swap3A_327] {strides = array<i32>} : memref<2048xf32, #tpu.memory_space<vmem>>, vector<16xf32>,
      tpu.vector_store %arg9[%swap3A_327], %mul3A_322 {strides = array<i32>} : memref<2048xf32, #tpu.memory_space<vmem>>, vector<16xf32>,
      %mul3A_329 = arith.mulf %sub3A_139, %sub3A_164 : vector<16xf32>
      %mul3A_330 = arith.mulf %mul3A_329, %sub3A_257 : vector<16xf32>
      %mul3A_331 = arith.constant 128 : i32
      %mul3A_332 = arith.muli %add3A_126, %mul3A_331 : i32
      %add3A_333 = arith.constant 48 : i32
      %add3A_334 = arith.addi %mul3A_332, %add3A_333 : i32
      %add3A_335 = arith.addi %mul3A_236, %mul3A_242 : vector<16xi32>
      %add3A_336 = arith.addi %add3A_335, %mul3A_245 : vector<16xi32>
      %add3A_337 = arith.addi %add3A_336, %min3A_224 : vector<16xi32>
      %swap3A_338 = arith.index_cast %add3A_334 : i32 to index
      %swap3A_339 = tpu.vector_load %arg7[%swap3A_338] {strides = array<i32>} : memref<1024xi32, #tpu.memory_space<vmem>>, vector<16xi32>,
      tpu.vector_store %arg7[%swap3A_338], %add3A_337 {strides = array<i32>} : memref<1024xi32, #tpu.memory_space<vmem>>, vector<16xi32>,
      %mul3A_340 = arith.mulf %mul3A_330, %sub3A_260 : vector<16xf32>
      %mul3A_341 = arith.constant 2 : i32
      %mul3A_342 = arith.muli %mul3A_341, %add3A_334 : i32
      %swap3A_343 = arith.index_cast %mul3A_342 : i32 to index
      %swap3A_344 = tpu.vector_load %arg9[%swap3A_343] {strides = array<i32>} : memref<2048xf32, #tpu.memory_space<vmem>>, vector<16xf32>,
      tpu.vector_store %arg9[%swap3A_343], %mul3A_340 {strides = array<i32>} : memref<2048xf32, #tpu.memory_space<vmem>>, vector<16xf32>,
      %mul3A_345 = arith.mulf %mul3A_330, %sub3A_218 : vector<16xf32>
      %mul3A_346 = arith.constant 2 : i32
      %mul3A_347 = arith.muli %mul3A_346, %add3A_334 : i32
      %add3A_348 = arith.constant 16 : i32
      %add3A_349 = arith.addi %mul3A_347, %add3A_348 : i32
      %swap3A_350 = arith.index_cast %add3A_349 : i32 to index
      %swap3A_351 = tpu.vector_load %arg9[%swap3A_350] {strides = array<i32>} : memref<2048xf32, #tpu.memory_space<vmem>>, vector<16xf32>,
      tpu.vector_store %arg9[%swap3A_350], %mul3A_345 {strides = array<i32>} : memref<2048xf32, #tpu.memory_space<vmem>>, vector<16xf32>,
      %mul3A_352 = arith.mulf %sub3A_251, %sub3A_254 : vector<16xf32>
      %mul3A_353 = arith.mulf %mul3A_352, %sub3A_191 : vector<16xf32>
      %mul3A_354 = arith.constant 128 : i32
      %mul3A_355 = arith.muli %add3A_126, %mul3A_354 : i32
      %add3A_356 = arith.constant 64 : i32
      %add3A_357 = arith.addi %mul3A_355, %add3A_356 : i32
      %add3A_358 = arith.addi %mul3A_233, %mul3A_239 : vector<16xi32>
      %add3A_359 = arith.addi %add3A_358, %mul3A_248 : vector<16xi32>
      %add3A_360 = arith.addi %add3A_359, %min3A_224 : vector<16xi32>
      %swap3A_361 = arith.index_cast %add3A_357 : i32 to index
      %swap3A_362 = tpu.vector_load %arg7[%swap3A_361] {strides = array<i32>} : memref<1024xi32, #tpu.memory_space<vmem>>, vector<16xi32>,
      tpu.vector_store %arg7[%swap3A_361], %add3A_360 {strides = array<i32>} : memref<1024xi32, #tpu.memory_space<vmem>>, vector<16xi32>,
      %mul3A_363 = arith.mulf %mul3A_353, %sub3A_260 : vector<16xf32>
      %mul3A_364 = arith.constant 2 : i32
      %mul3A_365 = arith.muli %mul3A_364, %add3A_357 : i32
      %swap3A_366 = arith.index_cast %mul3A_365 : i32 to index
      %swap3A_367 = tpu.vector_load %arg9[%swap3A_366] {strides = array<i32>} : memref<2048xf32, #tpu.memory_space<vmem>>, vector<16xf32>,
      tpu.vector_store %arg9[%swap3A_366], %mul3A_363 {strides = array<i32>} : memref<2048xf32, #tpu.memory_space<vmem>>, vector<16xf32>,
      %mul3A_368 = arith.mulf %mul3A_353, %sub3A_218 : vector<16xf32>
      %mul3A_369 = arith.constant 2 : i32
      %mul3A_370 = arith.muli %mul3A_369, %add3A_357 : i32
      %add3A_371 = arith.constant 16 : i32
      %add3A_372 = arith.addi %mul3A_370, %add3A_371 : i32
      %swap3A_373 = arith.index_cast %add3A_372 : i32 to index
      %swap3A_374 = tpu.vector_load %arg9[%swap3A_373] {strides = array<i32>} : memref<2048xf32, #tpu.memory_space<vmem>>, vector<16xf32>,
      tpu.vector_store %arg9[%swap3A_373], %mul3A_368 {strides = array<i32>} : memref<2048xf32, #tpu.memory_space<vmem>>, vector<16xf32>,
      %mul3A_375 = arith.mulf %sub3A_139, %sub3A_254 : vector<16xf32>
      %mul3A_376 = arith.mulf %mul3A_375, %sub3A_191 : vector<16xf32>
      %mul3A_377 = arith.constant 128 : i32
      %mul3A_378 = arith.muli %add3A_126, %mul3A_377 : i32
      %add3A_379 = arith.constant 80 : i32
      %add3A_380 = arith.addi %mul3A_378, %add3A_379 : i32
      %add3A_381 = arith.addi %mul3A_236, %mul3A_239 : vector<16xi32>
      %add3A_382 = arith.addi %add3A_381, %mul3A_248 : vector<16xi32>
      %add3A_383 = arith.addi %add3A_382, %min3A_224 : vector<16xi32>
      %swap3A_384 = arith.index_cast %add3A_380 : i32 to index
      %swap3A_385 = tpu.vector_load %arg7[%swap3A_384] {strides = array<i32>} : memref<1024xi32, #tpu.memory_space<vmem>>, vector<16xi32>,
      tpu.vector_store %arg7[%swap3A_384], %add3A_383 {strides = array<i32>} : memref<1024xi32, #tpu.memory_space<vmem>>, vector<16xi32>,
      %mul3A_386 = arith.mulf %mul3A_376, %sub3A_260 : vector<16xf32>
      %mul3A_387 = arith.constant 2 : i32
      %mul3A_388 = arith.muli %mul3A_387, %add3A_380 : i32
      %swap3A_389 = arith.index_cast %mul3A_388 : i32 to index
      %swap3A_390 = tpu.vector_load %arg9[%swap3A_389] {strides = array<i32>} : memref<2048xf32, #tpu.memory_space<vmem>>, vector<16xf32>,
      tpu.vector_store %arg9[%swap3A_389], %mul3A_386 {strides = array<i32>} : memref<2048xf32, #tpu.memory_space<vmem>>, vector<16xf32>,
      %mul3A_391 = arith.mulf %mul3A_376, %sub3A_218 : vector<16xf32>
      %mul3A_392 = arith.constant 2 : i32
      %mul3A_393 = arith.muli %mul3A_392, %add3A_380 : i32
      %add3A_394 = arith.constant 16 : i32
      %add3A_395 = arith.addi %mul3A_393, %add3A_394 : i32
      %swap3A_396 = arith.index_cast %add3A_395 : i32 to index
      %swap3A_397 = tpu.vector_load %arg9[%swap3A_396] {strides = array<i32>} : memref<2048xf32, #tpu.memory_space<vmem>>, vector<16xf32>,
      tpu.vector_store %arg9[%swap3A_396], %mul3A_391 {strides = array<i32>} : memref<2048xf32, #tpu.memory_space<vmem>>, vector<16xf32>,
      %mul3A_398 = arith.mulf %sub3A_251, %sub3A_164 : vector<16xf32>
      %mul3A_399 = arith.mulf %mul3A_398, %sub3A_191 : vector<16xf32>
      %mul3A_400 = arith.constant 128 : i32
      %mul3A_401 = arith.muli %add3A_126, %mul3A_400 : i32
      %add3A_402 = arith.constant 96 : i32
      %add3A_403 = arith.addi %mul3A_401, %add3A_402 : i32
      %add3A_404 = arith.addi %mul3A_233, %mul3A_242 : vector<16xi32>
      %add3A_405 = arith.addi %add3A_404, %mul3A_248 : vector<16xi32>
      %add3A_406 = arith.addi %add3A_405, %min3A_224 : vector<16xi32>
      %swap3A_407 = arith.index_cast %add3A_403 : i32 to index
      %swap3A_408 = tpu.vector_load %arg7[%swap3A_407] {strides = array<i32>} : memref<1024xi32, #tpu.memory_space<vmem>>, vector<16xi32>,
      tpu.vector_store %arg7[%swap3A_407], %add3A_406 {strides = array<i32>} : memref<1024xi32, #tpu.memory_space<vmem>>, vector<16xi32>,
      %mul3A_409 = arith.mulf %mul3A_399, %sub3A_260 : vector<16xf32>
      %mul3A_410 = arith.constant 2 : i32
      %mul3A_411 = arith.muli %mul3A_410, %add3A_403 : i32
      %swap3A_412 = arith.index_cast %mul3A_411 : i32 to index
      %swap3A_413 = tpu.vector_load %arg9[%swap3A_412] {strides = array<i32>} : memref<2048xf32, #tpu.memory_space<vmem>>, vector<16xf32>,
      tpu.vector_store %arg9[%swap3A_412], %mul3A_409 {strides = array<i32>} : memref<2048xf32, #tpu.memory_space<vmem>>, vector<16xf32>,
      %mul3A_414 = arith.mulf %mul3A_399, %sub3A_218 : vector<16xf32>
      %mul3A_415 = arith.constant 2 : i32
      %mul3A_416 = arith.muli %mul3A_415, %add3A_403 : i32
      %add3A_417 = arith.constant 16 : i32
      %add3A_418 = arith.addi %mul3A_416, %add3A_417 : i32
      %swap3A_419 = arith.index_cast %add3A_418 : i32 to index
      %swap3A_420 = tpu.vector_load %arg9[%swap3A_419] {strides = array<i32>} : memref<2048xf32, #tpu.memory_space<vmem>>, vector<16xf32>,
      tpu.vector_store %arg9[%swap3A_419], %mul3A_414 {strides = array<i32>} : memref<2048xf32, #tpu.memory_space<vmem>>, vector<16xf32>,
      %mul3A_421 = arith.mulf %sub3A_139, %sub3A_164 : vector<16xf32>
      %mul3A_422 = arith.mulf %mul3A_421, %sub3A_191 : vector<16xf32>
      %mul3A_423 = arith.constant 128 : i32
      %mul3A_424 = arith.muli %add3A_126, %mul3A_423 : i32
      %add3A_425 = arith.constant 112 : i32
      %add3A_426 = arith.addi %mul3A_424, %add3A_425 : i32
      %add3A_427 = arith.addi %mul3A_236, %mul3A_242 : vector<16xi32>
      %add3A_428 = arith.addi %add3A_427, %mul3A_248 : vector<16xi32>
      %add3A_429 = arith.addi %add3A_428, %min3A_224 : vector<16xi32>
      %swap3A_430 = arith.index_cast %add3A_426 : i32 to index
      %swap3A_431 = tpu.vector_load %arg7[%swap3A_430] {strides = array<i32>} : memref<1024xi32, #tpu.memory_space<vmem>>, vector<16xi32>,
      tpu.vector_store %arg7[%swap3A_430], %add3A_429 {strides = array<i32>} : memref<1024xi32, #tpu.memory_space<vmem>>, vector<16xi32>,
      %mul3A_432 = arith.mulf %mul3A_422, %sub3A_260 : vector<16xf32>
      %mul3A_433 = arith.constant 2 : i32
      %mul3A_434 = arith.muli %mul3A_433, %add3A_426 : i32
      %swap3A_435 = arith.index_cast %mul3A_434 : i32 to index
      %swap3A_436 = tpu.vector_load %arg9[%swap3A_435] {strides = array<i32>} : memref<2048xf32, #tpu.memory_space<vmem>>, vector<16xf32>,
      tpu.vector_store %arg9[%swap3A_435], %mul3A_432 {strides = array<i32>} : memref<2048xf32, #tpu.memory_space<vmem>>, vector<16xf32>,
      %mul3A_437 = arith.mulf %mul3A_422, %sub3A_218 : vector<16xf32>
      %mul3A_438 = arith.constant 2 : i32
      %mul3A_439 = arith.muli %mul3A_438, %add3A_426 : i32
      %add3A_440 = arith.constant 16 : i32
      %add3A_441 = arith.addi %mul3A_439, %add3A_440 : i32
      %swap3A_442 = arith.index_cast %add3A_441 : i32 to index
      %swap3A_443 = tpu.vector_load %arg9[%swap3A_442] {strides = array<i32>} : memref<2048xf32, #tpu.memory_space<vmem>>, vector<16xf32>,
      tpu.vector_store %arg9[%swap3A_442], %mul3A_437 {strides = array<i32>} : memref<2048xf32, #tpu.memory_space<vmem>>, vector<16xf32>,
    }
    %scan3A_53 = arith.constant 8 : i32
    %dma_start3A = arith.constant 0 : i32
    %dma_start3A_54 = arith.constant 0 : i32
    %dma_start3A_55 = tpu.memref_slice %arg11[%dma_start3A, %dma_start3A_54] : memref<1024x16xf32, #tpu.memory_space<vmem>> -> memref<128x16xf32, #tpu.memory_space<vmem>>
    %dma_start3A_56 = arith.constant 0 : i32
    %dma_start3A_57 = tpu.memref_slice %arg7[%dma_start3A_56] : memref<1024xi32, #tpu.memory_space<vmem>> -> memref<128xi32, #tpu.memory_space<vmem>>
    %dma_start3A_58 = arith.constant 0 : i32
    %dma_start3A_59 = arith.constant 0 : i32
    %dma_start3A_60 = tpu.memref_slice %arg3[%dma_start3A_58, %dma_start3A_59] : memref<8388608x16xf32, #tpu.memory_space<hbm>> -> memref<8388608x16xf32, #tpu.memory_space<hbm>>
    tpu.enqueue_indirect_dma source(%dma_start3A_60 : memref<8388608x16xf32, #tpu.memory_space<hbm>>) target(%dma_start3A_55 : memref<128x16xf32, #tpu.memory_space<vmem>>) offsets(%dma_start3A_57 : memref<128xi32, #tpu.memory_space<vmem>>) semaphore(%arg15 : memref<!tpu.dma_semaphore, #tpu.memory_space<semaphore_mem>>)
    %dma_start3A_61 = arith.constant 128 : i32
    %dma_start3A_62 = arith.constant 0 : i32
    %dma_start3A_63 = tpu.memref_slice %arg11[%dma_start3A_61, %dma_start3A_62] : memref<1024x16xf32, #tpu.memory_space<vmem>> -> memref<128x16xf32, #tpu.memory_space<vmem>>
    %dma_start3A_64 = arith.constant 128 : i32
    %dma_start3A_65 = tpu.memref_slice %arg7[%dma_start3A_64] : memref<1024xi32, #tpu.memory_space<vmem>> -> memref<128xi32, #tpu.memory_space<vmem>>
    %dma_start3A_66 = arith.constant 0 : i32
    %dma_start3A_67 = arith.constant 0 : i32
    %dma_start3A_68 = tpu.memref_slice %arg3[%dma_start3A_66, %dma_start3A_67] : memref<8388608x16xf32, #tpu.memory_space<hbm>> -> memref<8388608x16xf32, #tpu.memory_space<hbm>>
    tpu.enqueue_indirect_dma source(%dma_start3A_68 : memref<8388608x16xf32, #tpu.memory_space<hbm>>) target(%dma_start3A_63 : memref<128x16xf32, #tpu.memory_space<vmem>>) offsets(%dma_start3A_65 : memref<128xi32, #tpu.memory_space<vmem>>) semaphore(%arg15 : memref<!tpu.dma_semaphore, #tpu.memory_space<semaphore_mem>>)
    %dma_start3A_69 = arith.constant 256 : i32
    %dma_start3A_70 = arith.constant 0 : i32
    %dma_start3A_71 = tpu.memref_slice %arg11[%dma_start3A_69, %dma_start3A_70] : memref<1024x16xf32, #tpu.memory_space<vmem>> -> memref<128x16xf32, #tpu.memory_space<vmem>>
    %dma_start3A_72 = arith.constant 256 : i32
    %dma_start3A_73 = tpu.memref_slice %arg7[%dma_start3A_72] : memref<1024xi32, #tpu.memory_space<vmem>> -> memref<128xi32, #tpu.memory_space<vmem>>
    %dma_start3A_74 = arith.constant 0 : i32
    %dma_start3A_75 = arith.constant 0 : i32
    %dma_start3A_76 = tpu.memref_slice %arg3[%dma_start3A_74, %dma_start3A_75] : memref<8388608x16xf32, #tpu.memory_space<hbm>> -> memref<8388608x16xf32, #tpu.memory_space<hbm>>
    tpu.enqueue_indirect_dma source(%dma_start3A_76 : memref<8388608x16xf32, #tpu.memory_space<hbm>>) target(%dma_start3A_71 : memref<128x16xf32, #tpu.memory_space<vmem>>) offsets(%dma_start3A_73 : memref<128xi32, #tpu.memory_space<vmem>>) semaphore(%arg15 : memref<!tpu.dma_semaphore, #tpu.memory_space<semaphore_mem>>)
    %dma_start3A_77 = arith.constant 384 : i32
    %dma_start3A_78 = arith.constant 0 : i32
    %dma_start3A_79 = tpu.memref_slice %arg11[%dma_start3A_77, %dma_start3A_78] : memref<1024x16xf32, #tpu.memory_space<vmem>> -> memref<128x16xf32, #tpu.memory_space<vmem>>
    %dma_start3A_80 = arith.constant 384 : i32
    %dma_start3A_81 = tpu.memref_slice %arg7[%dma_start3A_80] : memref<1024xi32, #tpu.memory_space<vmem>> -> memref<128xi32, #tpu.memory_space<vmem>>
    %dma_start3A_82 = arith.constant 0 : i32
    %dma_start3A_83 = arith.constant 0 : i32
    %dma_start3A_84 = tpu.memref_slice %arg3[%dma_start3A_82, %dma_start3A_83] : memref<8388608x16xf32, #tpu.memory_space<hbm>> -> memref<8388608x16xf32, #tpu.memory_space<hbm>>
    tpu.enqueue_indirect_dma source(%dma_start3A_84 : memref<8388608x16xf32, #tpu.memory_space<hbm>>) target(%dma_start3A_79 : memref<128x16xf32, #tpu.memory_space<vmem>>) offsets(%dma_start3A_81 : memref<128xi32, #tpu.memory_space<vmem>>) semaphore(%arg15 : memref<!tpu.dma_semaphore, #tpu.memory_space<semaphore_mem>>)
    %dma_start3A_85 = arith.constant 512 : i32
    %dma_start3A_86 = arith.constant 0 : i32
    %dma_start3A_87 = tpu.memref_slice %arg11[%dma_start3A_85, %dma_start3A_86] : memref<1024x16xf32, #tpu.memory_space<vmem>> -> memref<128x16xf32, #tpu.memory_space<vmem>>
    %dma_start3A_88 = arith.constant 512 : i32
    %dma_start3A_89 = tpu.memref_slice %arg7[%dma_start3A_88] : memref<1024xi32, #tpu.memory_space<vmem>> -> memref<128xi32, #tpu.memory_space<vmem>>
    %dma_start3A_90 = arith.constant 0 : i32
    %dma_start3A_91 = arith.constant 0 : i32
    %dma_start3A_92 = tpu.memref_slice %arg3[%dma_start3A_90, %dma_start3A_91] : memref<8388608x16xf32, #tpu.memory_space<hbm>> -> memref<8388608x16xf32, #tpu.memory_space<hbm>>
    tpu.enqueue_indirect_dma source(%dma_start3A_92 : memref<8388608x16xf32, #tpu.memory_space<hbm>>) target(%dma_start3A_87 : memref<128x16xf32, #tpu.memory_space<vmem>>) offsets(%dma_start3A_89 : memref<128xi32, #tpu.memory_space<vmem>>) semaphore(%arg15 : memref<!tpu.dma_semaphore, #tpu.memory_space<semaphore_mem>>)
    %dma_start3A_93 = arith.constant 640 : i32
    %dma_start3A_94 = arith.constant 0 : i32
    %dma_start3A_95 = tpu.memref_slice %arg11[%dma_start3A_93, %dma_start3A_94] : memref<1024x16xf32, #tpu.memory_space<vmem>> -> memref<128x16xf32, #tpu.memory_space<vmem>>
    %dma_start3A_96 = arith.constant 640 : i32
    %dma_start3A_97 = tpu.memref_slice %arg7[%dma_start3A_96] : memref<1024xi32, #tpu.memory_space<vmem>> -> memref<128xi32, #tpu.memory_space<vmem>>
    %dma_start3A_98 = arith.constant 0 : i32
    %dma_start3A_99 = arith.constant 0 : i32
    %dma_start3A_100 = tpu.memref_slice %arg3[%dma_start3A_98, %dma_start3A_99] : memref<8388608x16xf32, #tpu.memory_space<hbm>> -> memref<8388608x16xf32, #tpu.memory_space<hbm>>
    tpu.enqueue_indirect_dma source(%dma_start3A_100 : memref<8388608x16xf32, #tpu.memory_space<hbm>>) target(%dma_start3A_95 : memref<128x16xf32, #tpu.memory_space<vmem>>) offsets(%dma_start3A_97 : memref<128xi32, #tpu.memory_space<vmem>>) semaphore(%arg15 : memref<!tpu.dma_semaphore, #tpu.memory_space<semaphore_mem>>)
    %dma_start3A_101 = arith.constant 768 : i32
    %dma_start3A_102 = arith.constant 0 : i32
    %dma_start3A_103 = tpu.memref_slice %arg11[%dma_start3A_101, %dma_start3A_102] : memref<1024x16xf32, #tpu.memory_space<vmem>> -> memref<128x16xf32, #tpu.memory_space<vmem>>
    %dma_start3A_104 = arith.constant 768 : i32
    %dma_start3A_105 = tpu.memref_slice %arg7[%dma_start3A_104] : memref<1024xi32, #tpu.memory_space<vmem>> -> memref<128xi32, #tpu.memory_space<vmem>>
    %dma_start3A_106 = arith.constant 0 : i32
    %dma_start3A_107 = arith.constant 0 : i32
    %dma_start3A_108 = tpu.memref_slice %arg3[%dma_start3A_106, %dma_start3A_107] : memref<8388608x16xf32, #tpu.memory_space<hbm>> -> memref<8388608x16xf32, #tpu.memory_space<hbm>>
    tpu.enqueue_indirect_dma source(%dma_start3A_108 : memref<8388608x16xf32, #tpu.memory_space<hbm>>) target(%dma_start3A_103 : memref<128x16xf32, #tpu.memory_space<vmem>>) offsets(%dma_start3A_105 : memref<128xi32, #tpu.memory_space<vmem>>) semaphore(%arg15 : memref<!tpu.dma_semaphore, #tpu.memory_space<semaphore_mem>>)
    %dma_start3A_109 = arith.constant 896 : i32
    %dma_start3A_110 = arith.constant 0 : i32
    %dma_start3A_111 = tpu.memref_slice %arg11[%dma_start3A_109, %dma_start3A_110] : memref<1024x16xf32, #tpu.memory_space<vmem>> -> memref<128x16xf32, #tpu.memory_space<vmem>>
    %dma_start3A_112 = arith.constant 896 : i32
    %dma_start3A_113 = tpu.memref_slice %arg7[%dma_start3A_112] : memref<1024xi32, #tpu.memory_space<vmem>> -> memref<128xi32, #tpu.memory_space<vmem>>
    %dma_start3A_114 = arith.constant 0 : i32
    %dma_start3A_115 = arith.constant 0 : i32
    %dma_start3A_116 = tpu.memref_slice %arg3[%dma_start3A_114, %dma_start3A_115] : memref<8388608x16xf32, #tpu.memory_space<hbm>> -> memref<8388608x16xf32, #tpu.memory_space<hbm>>
    tpu.enqueue_indirect_dma source(%dma_start3A_116 : memref<8388608x16xf32, #tpu.memory_space<hbm>>) target(%dma_start3A_111 : memref<128x16xf32, #tpu.memory_space<vmem>>) offsets(%dma_start3A_113 : memref<128xi32, #tpu.memory_space<vmem>>) semaphore(%arg15 : memref<!tpu.dma_semaphore, #tpu.memory_space<semaphore_mem>>)
    %scan3A_117 = arith.constant 0 : i32
    %scan3A_118 = arith.constant 128 : i32
    %scan3A_119 = arith.addi %scan3A_117, %scan3A_118 : i32
    %scan3A_120 = arith.constant 1 : i32
    scf.for %scan3A_122 = %scan3A_117 to %scan3A_119 step %scan3A_120  : i32 {
      %mul3A_123 = arith.constant 2 : i32
      %mul3A_124 = arith.muli %scan3A_122, %mul3A_123 : i32
      %add3A_125 = arith.constant 0 : i32
      %add3A_126 = arith.addi %add3A_125, %mul3A_124 : i32
      %mul3A_127 = arith.constant 128 : i32
      %mul3A_128 = arith.muli %add3A_126, %mul3A_127 : i32
      %add3A_129 = arith.addi %mul3A_2, %mul3A_128 : i32
      %add3A_130 = arith.constant 128 : i32
      %add3A_131 = arith.addi %add3A_129, %add3A_130 : i32
      %jit3A_132 = arith.constant 128 : i32
      %div3A_133 = arith.divsi %add3A_131, %jit3A_132 : i32
      %sign3A_134 = arith.constant 0 : i32
      %sign3A_135 = arith.cmpi sgt, %add3A_131, %sign3A_134 : i32
      %sign3A_136 = arith.extui %sign3A_135 : i1 to i32
      %sign3A_137 = arith.constant 0 : i32
      %sign3A_138 = arith.cmpi slt, %add3A_131, %sign3A_137 : i32
      %sign3A_139 = arith.extui %sign3A_138 : i1 to i32
      %sign3A_140 = arith.subi %sign3A_136, %sign3A_139 : i32
      %sign3A_141 = arith.constant 0 : i32
      %sign3A_142 = arith.cmpi sgt, %jit3A_132, %sign3A_141 : i32
      %sign3A_143 = arith.extui %sign3A_142 : i1 to i32
      %sign3A_144 = arith.constant 0 : i32
      %sign3A_145 = arith.cmpi slt, %jit3A_132, %sign3A_144 : i32
      %sign3A_146 = arith.extui %sign3A_145 : i1 to i32
      %sign3A_147 = arith.subi %sign3A_143, %sign3A_146 : i32
      %ne3A_148 = arith.cmpi ne, %sign3A_140, %sign3A_147 : i32
      %rem3A_149 = arith.remsi %add3A_131, %jit3A_132 : i32
      %ne3A_150 = arith.constant 0 : i32
      %ne3A_151 = arith.cmpi ne, %rem3A_149, %ne3A_150 : i32
      %and3A_152 = arith.andi %ne3A_148, %ne3A_151 : i1
      %sub3A_153 = arith.constant 1 : i32
      %sub3A_154 = arith.subi %div3A_133, %sub3A_153 : i32
      %select_n3A_155 = arith.select %and3A_152, %sub3A_154, %div3A_133 : i32
      "tpu.region"() ({
        %run_scoped3A = tpu.sem_alloc : memref<!tpu.dma_semaphore, #tpu.memory_space<semaphore_mem>>
        %dma_start3A_414 = arith.constant 0 : i32
        %dma_start3A_415 = arith.constant 0 : i32
        %dma_start3A_416 = tpu.memref_slice %arg2[%select_n3A_155, %dma_start3A_414, %dma_start3A_415] : memref<8192x4x128xf32, #tpu.memory_space<hbm>> -> memref<1x4x128xf32, #tpu.memory_space<hbm>>
        %dma_start3A_417 = tpu.memref_squeeze %dma_start3A_416 : memref<1x4x128xf32, #tpu.memory_space<hbm>> -> memref<4x128xf32, #tpu.memory_space<hbm>>
        %dma_start3A_418 = arith.constant 0 : i32
        %dma_start3A_419 = arith.constant 0 : i32
        %dma_start3A_420 = tpu.memref_slice %arg2[%select_n3A_155, %dma_start3A_418, %dma_start3A_419] : memref<8192x4x128xf32, #tpu.memory_space<hbm>> -> memref<1x4x128xf32, #tpu.memory_space<hbm>>
        %dma_start3A_421 = tpu.memref_squeeze %dma_start3A_420 : memref<1x4x128xf32, #tpu.memory_space<hbm>> -> memref<4x128xf32, #tpu.memory_space<hbm>>
        tpu.enqueue_dma source(%dma_start3A_421 : memref<4x128xf32, #tpu.memory_space<hbm>>) target(%arg6 : memref<4x128xf32, #tpu.memory_space<vmem>>) target_semaphore(%run_scoped3A : memref<!tpu.dma_semaphore, #tpu.memory_space<semaphore_mem>>)
        %dma_wait3A_422 = arith.constant 0 : i32
        %dma_wait3A_423 = arith.constant 0 : i32
        %dma_wait3A_424 = tpu.memref_slice %arg2[%select_n3A_155, %dma_wait3A_422, %dma_wait3A_423] : memref<8192x4x128xf32, #tpu.memory_space<hbm>> -> memref<1x4x128xf32, #tpu.memory_space<hbm>>
        %dma_wait3A_425 = tpu.memref_squeeze %dma_wait3A_424 : memref<1x4x128xf32, #tpu.memory_space<hbm>> -> memref<4x128xf32, #tpu.memory_space<hbm>>
        %dma_wait3A_426 = arith.constant 0 : i32
        %dma_wait3A_427 = arith.constant 0 : i32
        %dma_wait3A_428 = tpu.memref_slice %arg2[%select_n3A_155, %dma_wait3A_426, %dma_wait3A_427] : memref<8192x4x128xf32, #tpu.memory_space<hbm>> -> memref<1x4x128xf32, #tpu.memory_space<hbm>>
        %dma_wait3A_429 = tpu.memref_squeeze %dma_wait3A_428 : memref<1x4x128xf32, #tpu.memory_space<hbm>> -> memref<4x128xf32, #tpu.memory_space<hbm>>
        tpu.wait_dma2 semaphore(%run_scoped3A : memref<!tpu.dma_semaphore, #tpu.memory_space<semaphore_mem>>) src(%dma_wait3A_429 : memref<4x128xf32, #tpu.memory_space<hbm>>) dst(%arg6 : memref<4x128xf32, #tpu.memory_space<vmem>>)
        tpu.yield
      }) : () -> ()
      %scan3A_156 = arith.constant 0 : i32
      %scan3A_157 = arith.constant 8 : i32
      %scan3A_158 = arith.addi %scan3A_156, %scan3A_157 : i32
      %scan3A_159 = arith.constant 1 : i32
      scf.for %scan3A_414 = %scan3A_156 to %scan3A_158 step %scan3A_159  : i32 {
        %mul3A_415 = arith.constant 1 : i32
        %mul3A_416 = arith.muli %scan3A_414, %mul3A_415 : i32
        %add3A_417 = arith.constant 0 : i32
        %add3A_418 = arith.addi %add3A_417, %mul3A_416 : i32
        %mul3A_419 = arith.constant 16 : i32
        %mul3A_420 = arith.muli %add3A_418, %mul3A_419 : i32
        %get3A = arith.constant 0 : i32
        %get3A_421 = arith.index_cast %get3A : i32 to index
        %get3A_422 = arith.index_cast %mul3A_420 : i32 to index
        %get3A_423 = tpu.vector_load %arg6[%get3A_421, %get3A_422] {strides = array<i32>} : memref<4x128xf32, #tpu.memory_space<vmem>>, vector<16xf32>,
        %mul3A_424 = arith.constant 3.200000e+01 : f32
        %mul3A_425 = vector.broadcast %mul3A_424 : f32 to vector<16xf32>
        %mul3A_426 = arith.mulf %get3A_423, %mul3A_425 : vector<16xf32>
        %add3A_427 = arith.constant 3.200000e+01 : f32
        %add3A_428 = vector.broadcast %add3A_427 : f32 to vector<16xf32>
        %add3A_429 = arith.addf %mul3A_426, %add3A_428 : vector<16xf32>
        %convert_element_type3A_430 = arith.fptosi %add3A_429 : vector<16xf32> to vector<16xi32>
        %convert_element_type3A_431 = arith.sitofp %convert_element_type3A_430 : vector<16xi32> to vector<16xf32>
        %sub3A_432 = arith.subf %add3A_429, %convert_element_type3A_431 : vector<16xf32>
        %max3A = arith.constant 0 : i32
        %max3A_433 = vector.broadcast %max3A : i32 to vector<16xi32>
        %max3A_434 = arith.maxsi %convert_element_type3A_430, %max3A_433 : vector<16xi32>
        %min3A = arith.constant 63 : i32
        %min3A_435 = vector.broadcast %min3A : i32 to vector<16xi32>
        %min3A_436 = arith.minsi %max3A_434, %min3A_435 : vector<16xi32>
        %add3A_437 = arith.constant 1 : i32
        %add3A_438 = vector.broadcast %add3A_437 : i32 to vector<16xi32>
        %add3A_439 = arith.addi %min3A_436, %add3A_438 : vector<16xi32>
        %min3A_440 = arith.constant 63 : i32
        %min3A_441 = vector.broadcast %min3A_440 : i32 to vector<16xi32>
        %min3A_442 = arith.minsi %add3A_439, %min3A_441 : vector<16xi32>
        %mul3A_443 = arith.constant 16 : i32
        %mul3A_444 = arith.muli %add3A_418, %mul3A_443 : i32
        %get3A_445 = arith.constant 1 : i32
        %get3A_446 = arith.index_cast %get3A_445 : i32 to index
        %get3A_447 = arith.index_cast %mul3A_444 : i32 to index
        %get3A_448 = tpu.vector_load %arg6[%get3A_446, %get3A_447] {strides = array<i32>} : memref<4x128xf32, #tpu.memory_space<vmem>>, vector<16xf32>,
        %mul3A_449 = arith.constant 3.200000e+01 : f32
        %mul3A_450 = vector.broadcast %mul3A_449 : f32 to vector<16xf32>
        %mul3A_451 = arith.mulf %get3A_448, %mul3A_450 : vector<16xf32>
        %add3A_452 = arith.constant 3.200000e+01 : f32
        %add3A_453 = vector.broadcast %add3A_452 : f32 to vector<16xf32>
        %add3A_454 = arith.addf %mul3A_451, %add3A_453 : vector<16xf32>
        %convert_element_type3A_455 = arith.fptosi %add3A_454 : vector<16xf32> to vector<16xi32>
        %convert_element_type3A_456 = arith.sitofp %convert_element_type3A_455 : vector<16xi32> to vector<16xf32>
        %sub3A_457 = arith.subf %add3A_454, %convert_element_type3A_456 : vector<16xf32>
        %max3A_458 = arith.constant 0 : i32
        %max3A_459 = vector.broadcast %max3A_458 : i32 to vector<16xi32>
        %max3A_460 = arith.maxsi %convert_element_type3A_455, %max3A_459 : vector<16xi32>
        %min3A_461 = arith.constant 63 : i32
        %min3A_462 = vector.broadcast %min3A_461 : i32 to vector<16xi32>
        %min3A_463 = arith.minsi %max3A_460, %min3A_462 : vector<16xi32>
        %add3A_464 = arith.constant 1 : i32
        %add3A_465 = vector.broadcast %add3A_464 : i32 to vector<16xi32>
        %add3A_466 = arith.addi %min3A_463, %add3A_465 : vector<16xi32>
        %min3A_467 = arith.constant 63 : i32
        %min3A_468 = vector.broadcast %min3A_467 : i32 to vector<16xi32>
        %min3A_469 = arith.minsi %add3A_466, %min3A_468 : vector<16xi32>
        %mul3A_470 = arith.constant 16 : i32
        %mul3A_471 = arith.muli %add3A_418, %mul3A_470 : i32
        %get3A_472 = arith.constant 2 : i32
        %get3A_473 = arith.index_cast %get3A_472 : i32 to index
        %get3A_474 = arith.index_cast %mul3A_471 : i32 to index
        %get3A_475 = tpu.vector_load %arg6[%get3A_473, %get3A_474] {strides = array<i32>} : memref<4x128xf32, #tpu.memory_space<vmem>>, vector<16xf32>,
        %mul3A_476 = arith.constant 3.200000e+01 : f32
        %mul3A_477 = vector.broadcast %mul3A_476 : f32 to vector<16xf32>
        %mul3A_478 = arith.mulf %get3A_475, %mul3A_477 : vector<16xf32>
        %add3A_479 = arith.constant 3.200000e+01 : f32
        %add3A_480 = vector.broadcast %add3A_479 : f32 to vector<16xf32>
        %add3A_481 = arith.addf %mul3A_478, %add3A_480 : vector<16xf32>
        %convert_element_type3A_482 = arith.fptosi %add3A_481 : vector<16xf32> to vector<16xi32>
        %convert_element_type3A_483 = arith.sitofp %convert_element_type3A_482 : vector<16xi32> to vector<16xf32>
        %sub3A_484 = arith.subf %add3A_481, %convert_element_type3A_483 : vector<16xf32>
        %max3A_485 = arith.constant 0 : i32
        %max3A_486 = vector.broadcast %max3A_485 : i32 to vector<16xi32>
        %max3A_487 = arith.maxsi %convert_element_type3A_482, %max3A_486 : vector<16xi32>
        %min3A_488 = arith.constant 63 : i32
        %min3A_489 = vector.broadcast %min3A_488 : i32 to vector<16xi32>
        %min3A_490 = arith.minsi %max3A_487, %min3A_489 : vector<16xi32>
        %add3A_491 = arith.constant 1 : i32
        %add3A_492 = vector.broadcast %add3A_491 : i32 to vector<16xi32>
        %add3A_493 = arith.addi %min3A_490, %add3A_492 : vector<16xi32>
        %min3A_494 = arith.constant 63 : i32
        %min3A_495 = vector.broadcast %min3A_494 : i32 to vector<16xi32>
        %min3A_496 = arith.minsi %add3A_493, %min3A_495 : vector<16xi32>
        %mul3A_497 = arith.constant 16 : i32
        %mul3A_498 = arith.muli %add3A_418, %mul3A_497 : i32
        %get3A_499 = arith.constant 3 : i32
        %get3A_500 = arith.index_cast %get3A_499 : i32 to index
        %get3A_501 = arith.index_cast %mul3A_498 : i32 to index
        %get3A_502 = tpu.vector_load %arg6[%get3A_500, %get3A_501] {strides = array<i32>} : memref<4x128xf32, #tpu.memory_space<vmem>>, vector<16xf32>,
        %mul3A_503 = arith.constant 1.600000e+01 : f32
        %mul3A_504 = vector.broadcast %mul3A_503 : f32 to vector<16xf32>
        %mul3A_505 = arith.mulf %get3A_502, %mul3A_504 : vector<16xf32>
        %add3A_506 = arith.constant 1.600000e+01 : f32
        %add3A_507 = vector.broadcast %add3A_506 : f32 to vector<16xf32>
        %add3A_508 = arith.addf %mul3A_505, %add3A_507 : vector<16xf32>
        %convert_element_type3A_509 = arith.fptosi %add3A_508 : vector<16xf32> to vector<16xi32>
        %convert_element_type3A_510 = arith.sitofp %convert_element_type3A_509 : vector<16xi32> to vector<16xf32>
        %sub3A_511 = arith.subf %add3A_508, %convert_element_type3A_510 : vector<16xf32>
        %max3A_512 = arith.constant 0 : i32
        %max3A_513 = vector.broadcast %max3A_512 : i32 to vector<16xi32>
        %max3A_514 = arith.maxsi %convert_element_type3A_509, %max3A_513 : vector<16xi32>
        %min3A_515 = arith.constant 31 : i32
        %min3A_516 = vector.broadcast %min3A_515 : i32 to vector<16xi32>
        %min3A_517 = arith.minsi %max3A_514, %min3A_516 : vector<16xi32>
        %add3A_518 = arith.constant 1 : i32
        %add3A_519 = vector.broadcast %add3A_518 : i32 to vector<16xi32>
        %add3A_520 = arith.addi %min3A_517, %add3A_519 : vector<16xi32>
        %min3A_521 = arith.constant 31 : i32
        %min3A_522 = vector.broadcast %min3A_521 : i32 to vector<16xi32>
        %min3A_523 = arith.minsi %add3A_520, %min3A_522 : vector<16xi32>
        %mul3A_524 = arith.constant 131072 : i32
        %mul3A_525 = vector.broadcast %mul3A_524 : i32 to vector<16xi32>
        %mul3A_526 = arith.muli %min3A_436, %mul3A_525 : vector<16xi32>
        %mul3A_527 = arith.constant 131072 : i32
        %mul3A_528 = vector.broadcast %mul3A_527 : i32 to vector<16xi32>
        %mul3A_529 = arith.muli %min3A_442, %mul3A_528 : vector<16xi32>
        %mul3A_530 = arith.constant 2048 : i32
        %mul3A_531 = vector.broadcast %mul3A_530 : i32 to vector<16xi32>
        %mul3A_532 = arith.muli %min3A_463, %mul3A_531 : vector<16xi32>
        %mul3A_533 = arith.constant 2048 : i32
        %mul3A_534 = vector.broadcast %mul3A_533 : i32 to vector<16xi32>
        %mul3A_535 = arith.muli %min3A_469, %mul3A_534 : vector<16xi32>
        %mul3A_536 = arith.constant 32 : i32
        %mul3A_537 = vector.broadcast %mul3A_536 : i32 to vector<16xi32>
        %mul3A_538 = arith.muli %min3A_490, %mul3A_537 : vector<16xi32>
        %mul3A_539 = arith.constant 32 : i32
        %mul3A_540 = vector.broadcast %mul3A_539 : i32 to vector<16xi32>
        %mul3A_541 = arith.muli %min3A_496, %mul3A_540 : vector<16xi32>
        %sub3A_542 = arith.constant 1.000000e+00 : f32
        %sub3A_543 = vector.broadcast %sub3A_542 : f32 to vector<16xf32>
        %sub3A_544 = arith.subf %sub3A_543, %sub3A_432 : vector<16xf32>
        %sub3A_545 = arith.constant 1.000000e+00 : f32
        %sub3A_546 = vector.broadcast %sub3A_545 : f32 to vector<16xf32>
        %sub3A_547 = arith.subf %sub3A_546, %sub3A_457 : vector<16xf32>
        %sub3A_548 = arith.constant 1.000000e+00 : f32
        %sub3A_549 = vector.broadcast %sub3A_548 : f32 to vector<16xf32>
        %sub3A_550 = arith.subf %sub3A_549, %sub3A_484 : vector<16xf32>
        %sub3A_551 = arith.constant 1.000000e+00 : f32
        %sub3A_552 = vector.broadcast %sub3A_551 : f32 to vector<16xf32>
        %sub3A_553 = arith.subf %sub3A_552, %sub3A_511 : vector<16xf32>
        %mul3A_554 = arith.mulf %sub3A_544, %sub3A_547 : vector<16xf32>
        %mul3A_555 = arith.mulf %mul3A_554, %sub3A_550 : vector<16xf32>
        %mul3A_556 = arith.constant 128 : i32
        %mul3A_557 = arith.muli %add3A_418, %mul3A_556 : i32
        %add3A_558 = arith.constant 0 : i32
        %add3A_559 = arith.addi %mul3A_557, %add3A_558 : i32
        %add3A_560 = arith.addi %mul3A_526, %mul3A_532 : vector<16xi32>
        %add3A_561 = arith.addi %add3A_560, %mul3A_538 : vector<16xi32>
        %add3A_562 = arith.addi %add3A_561, %min3A_517 : vector<16xi32>
        %swap3A = arith.index_cast %add3A_559 : i32 to index
        %swap3A_563 = tpu.vector_load %arg8[%swap3A] {strides = array<i32>} : memref<1024xi32, #tpu.memory_space<vmem>>, vector<16xi32>,
        tpu.vector_store %arg8[%swap3A], %add3A_562 {strides = array<i32>} : memref<1024xi32, #tpu.memory_space<vmem>>, vector<16xi32>,
        %mul3A_564 = arith.mulf %mul3A_555, %sub3A_553 : vector<16xf32>
        %mul3A_565 = arith.constant 2 : i32
        %mul3A_566 = arith.muli %mul3A_565, %add3A_559 : i32
        %swap3A_567 = arith.index_cast %mul3A_566 : i32 to index
        %swap3A_568 = tpu.vector_load %arg10[%swap3A_567] {strides = array<i32>} : memref<2048xf32, #tpu.memory_space<vmem>>, vector<16xf32>,
        tpu.vector_store %arg10[%swap3A_567], %mul3A_564 {strides = array<i32>} : memref<2048xf32, #tpu.memory_space<vmem>>, vector<16xf32>,
        %mul3A_569 = arith.mulf %mul3A_555, %sub3A_511 : vector<16xf32>
        %mul3A_570 = arith.constant 2 : i32
        %mul3A_571 = arith.muli %mul3A_570, %add3A_559 : i32
        %add3A_572 = arith.constant 16 : i32
        %add3A_573 = arith.addi %mul3A_571, %add3A_572 : i32
        %swap3A_574 = arith.index_cast %add3A_573 : i32 to index
        %swap3A_575 = tpu.vector_load %arg10[%swap3A_574] {strides = array<i32>} : memref<2048xf32, #tpu.memory_space<vmem>>, vector<16xf32>,
        tpu.vector_store %arg10[%swap3A_574], %mul3A_569 {strides = array<i32>} : memref<2048xf32, #tpu.memory_space<vmem>>, vector<16xf32>,
        %mul3A_576 = arith.mulf %sub3A_432, %sub3A_547 : vector<16xf32>
        %mul3A_577 = arith.mulf %mul3A_576, %sub3A_550 : vector<16xf32>
        %mul3A_578 = arith.constant 128 : i32
        %mul3A_579 = arith.muli %add3A_418, %mul3A_578 : i32
        %add3A_580 = arith.constant 16 : i32
        %add3A_581 = arith.addi %mul3A_579, %add3A_580 : i32
        %add3A_582 = arith.addi %mul3A_529, %mul3A_532 : vector<16xi32>
        %add3A_583 = arith.addi %add3A_582, %mul3A_538 : vector<16xi32>
        %add3A_584 = arith.addi %add3A_583, %min3A_517 : vector<16xi32>
        %swap3A_585 = arith.index_cast %add3A_581 : i32 to index
        %swap3A_586 = tpu.vector_load %arg8[%swap3A_585] {strides = array<i32>} : memref<1024xi32, #tpu.memory_space<vmem>>, vector<16xi32>,
        tpu.vector_store %arg8[%swap3A_585], %add3A_584 {strides = array<i32>} : memref<1024xi32, #tpu.memory_space<vmem>>, vector<16xi32>,
        %mul3A_587 = arith.mulf %mul3A_577, %sub3A_553 : vector<16xf32>
        %mul3A_588 = arith.constant 2 : i32
        %mul3A_589 = arith.muli %mul3A_588, %add3A_581 : i32
        %swap3A_590 = arith.index_cast %mul3A_589 : i32 to index
        %swap3A_591 = tpu.vector_load %arg10[%swap3A_590] {strides = array<i32>} : memref<2048xf32, #tpu.memory_space<vmem>>, vector<16xf32>,
        tpu.vector_store %arg10[%swap3A_590], %mul3A_587 {strides = array<i32>} : memref<2048xf32, #tpu.memory_space<vmem>>, vector<16xf32>,
        %mul3A_592 = arith.mulf %mul3A_577, %sub3A_511 : vector<16xf32>
        %mul3A_593 = arith.constant 2 : i32
        %mul3A_594 = arith.muli %mul3A_593, %add3A_581 : i32
        %add3A_595 = arith.constant 16 : i32
        %add3A_596 = arith.addi %mul3A_594, %add3A_595 : i32
        %swap3A_597 = arith.index_cast %add3A_596 : i32 to index
        %swap3A_598 = tpu.vector_load %arg10[%swap3A_597] {strides = array<i32>} : memref<2048xf32, #tpu.memory_space<vmem>>, vector<16xf32>,
        tpu.vector_store %arg10[%swap3A_597], %mul3A_592 {strides = array<i32>} : memref<2048xf32, #tpu.memory_space<vmem>>, vector<16xf32>,
        %mul3A_599 = arith.mulf %sub3A_544, %sub3A_457 : vector<16xf32>
        %mul3A_600 = arith.mulf %mul3A_599, %sub3A_550 : vector<16xf32>
        %mul3A_601 = arith.constant 128 : i32
        %mul3A_602 = arith.muli %add3A_418, %mul3A_601 : i32
        %add3A_603 = arith.constant 32 : i32
        %add3A_604 = arith.addi %mul3A_602, %add3A_603 : i32
        %add3A_605 = arith.addi %mul3A_526, %mul3A_535 : vector<16xi32>
        %add3A_606 = arith.addi %add3A_605, %mul3A_538 : vector<16xi32>
        %add3A_607 = arith.addi %add3A_606, %min3A_517 : vector<16xi32>
        %swap3A_608 = arith.index_cast %add3A_604 : i32 to index
        %swap3A_609 = tpu.vector_load %arg8[%swap3A_608] {strides = array<i32>} : memref<1024xi32, #tpu.memory_space<vmem>>, vector<16xi32>,
        tpu.vector_store %arg8[%swap3A_608], %add3A_607 {strides = array<i32>} : memref<1024xi32, #tpu.memory_space<vmem>>, vector<16xi32>,
        %mul3A_610 = arith.mulf %mul3A_600, %sub3A_553 : vector<16xf32>
        %mul3A_611 = arith.constant 2 : i32
        %mul3A_612 = arith.muli %mul3A_611, %add3A_604 : i32
        %swap3A_613 = arith.index_cast %mul3A_612 : i32 to index
        %swap3A_614 = tpu.vector_load %arg10[%swap3A_613] {strides = array<i32>} : memref<2048xf32, #tpu.memory_space<vmem>>, vector<16xf32>,
        tpu.vector_store %arg10[%swap3A_613], %mul3A_610 {strides = array<i32>} : memref<2048xf32, #tpu.memory_space<vmem>>, vector<16xf32>,
        %mul3A_615 = arith.mulf %mul3A_600, %sub3A_511 : vector<16xf32>
        %mul3A_616 = arith.constant 2 : i32
        %mul3A_617 = arith.muli %mul3A_616, %add3A_604 : i32
        %add3A_618 = arith.constant 16 : i32
        %add3A_619 = arith.addi %mul3A_617, %add3A_618 : i32
        %swap3A_620 = arith.index_cast %add3A_619 : i32 to index
        %swap3A_621 = tpu.vector_load %arg10[%swap3A_620] {strides = array<i32>} : memref<2048xf32, #tpu.memory_space<vmem>>, vector<16xf32>,
        tpu.vector_store %arg10[%swap3A_620], %mul3A_615 {strides = array<i32>} : memref<2048xf32, #tpu.memory_space<vmem>>, vector<16xf32>,
        %mul3A_622 = arith.mulf %sub3A_432, %sub3A_457 : vector<16xf32>
        %mul3A_623 = arith.mulf %mul3A_622, %sub3A_550 : vector<16xf32>
        %mul3A_624 = arith.constant 128 : i32
        %mul3A_625 = arith.muli %add3A_418, %mul3A_624 : i32
        %add3A_626 = arith.constant 48 : i32
        %add3A_627 = arith.addi %mul3A_625, %add3A_626 : i32
        %add3A_628 = arith.addi %mul3A_529, %mul3A_535 : vector<16xi32>
        %add3A_629 = arith.addi %add3A_628, %mul3A_538 : vector<16xi32>
        %add3A_630 = arith.addi %add3A_629, %min3A_517 : vector<16xi32>
        %swap3A_631 = arith.index_cast %add3A_627 : i32 to index
        %swap3A_632 = tpu.vector_load %arg8[%swap3A_631] {strides = array<i32>} : memref<1024xi32, #tpu.memory_space<vmem>>, vector<16xi32>,
        tpu.vector_store %arg8[%swap3A_631], %add3A_630 {strides = array<i32>} : memref<1024xi32, #tpu.memory_space<vmem>>, vector<16xi32>,
        %mul3A_633 = arith.mulf %mul3A_623, %sub3A_553 : vector<16xf32>
        %mul3A_634 = arith.constant 2 : i32
        %mul3A_635 = arith.muli %mul3A_634, %add3A_627 : i32
        %swap3A_636 = arith.index_cast %mul3A_635 : i32 to index
        %swap3A_637 = tpu.vector_load %arg10[%swap3A_636] {strides = array<i32>} : memref<2048xf32, #tpu.memory_space<vmem>>, vector<16xf32>,
        tpu.vector_store %arg10[%swap3A_636], %mul3A_633 {strides = array<i32>} : memref<2048xf32, #tpu.memory_space<vmem>>, vector<16xf32>,
        %mul3A_638 = arith.mulf %mul3A_623, %sub3A_511 : vector<16xf32>
        %mul3A_639 = arith.constant 2 : i32
        %mul3A_640 = arith.muli %mul3A_639, %add3A_627 : i32
        %add3A_641 = arith.constant 16 : i32
        %add3A_642 = arith.addi %mul3A_640, %add3A_641 : i32
        %swap3A_643 = arith.index_cast %add3A_642 : i32 to index
        %swap3A_644 = tpu.vector_load %arg10[%swap3A_643] {strides = array<i32>} : memref<2048xf32, #tpu.memory_space<vmem>>, vector<16xf32>,
        tpu.vector_store %arg10[%swap3A_643], %mul3A_638 {strides = array<i32>} : memref<2048xf32, #tpu.memory_space<vmem>>, vector<16xf32>,
        %mul3A_645 = arith.mulf %sub3A_544, %sub3A_547 : vector<16xf32>
        %mul3A_646 = arith.mulf %mul3A_645, %sub3A_484 : vector<16xf32>
        %mul3A_647 = arith.constant 128 : i32
        %mul3A_648 = arith.muli %add3A_418, %mul3A_647 : i32
        %add3A_649 = arith.constant 64 : i32
        %add3A_650 = arith.addi %mul3A_648, %add3A_649 : i32
        %add3A_651 = arith.addi %mul3A_526, %mul3A_532 : vector<16xi32>
        %add3A_652 = arith.addi %add3A_651, %mul3A_541 : vector<16xi32>
        %add3A_653 = arith.addi %add3A_652, %min3A_517 : vector<16xi32>
        %swap3A_654 = arith.index_cast %add3A_650 : i32 to index
        %swap3A_655 = tpu.vector_load %arg8[%swap3A_654] {strides = array<i32>} : memref<1024xi32, #tpu.memory_space<vmem>>, vector<16xi32>,
        tpu.vector_store %arg8[%swap3A_654], %add3A_653 {strides = array<i32>} : memref<1024xi32, #tpu.memory_space<vmem>>, vector<16xi32>,
        %mul3A_656 = arith.mulf %mul3A_646, %sub3A_553 : vector<16xf32>
        %mul3A_657 = arith.constant 2 : i32
        %mul3A_658 = arith.muli %mul3A_657, %add3A_650 : i32
        %swap3A_659 = arith.index_cast %mul3A_658 : i32 to index
        %swap3A_660 = tpu.vector_load %arg10[%swap3A_659] {strides = array<i32>} : memref<2048xf32, #tpu.memory_space<vmem>>, vector<16xf32>,
        tpu.vector_store %arg10[%swap3A_659], %mul3A_656 {strides = array<i32>} : memref<2048xf32, #tpu.memory_space<vmem>>, vector<16xf32>,
        %mul3A_661 = arith.mulf %mul3A_646, %sub3A_511 : vector<16xf32>
        %mul3A_662 = arith.constant 2 : i32
        %mul3A_663 = arith.muli %mul3A_662, %add3A_650 : i32
        %add3A_664 = arith.constant 16 : i32
        %add3A_665 = arith.addi %mul3A_663, %add3A_664 : i32
        %swap3A_666 = arith.index_cast %add3A_665 : i32 to index
        %swap3A_667 = tpu.vector_load %arg10[%swap3A_666] {strides = array<i32>} : memref<2048xf32, #tpu.memory_space<vmem>>, vector<16xf32>,
        tpu.vector_store %arg10[%swap3A_666], %mul3A_661 {strides = array<i32>} : memref<2048xf32, #tpu.memory_space<vmem>>, vector<16xf32>,
        %mul3A_668 = arith.mulf %sub3A_432, %sub3A_547 : vector<16xf32>
        %mul3A_669 = arith.mulf %mul3A_668, %sub3A_484 : vector<16xf32>
        %mul3A_670 = arith.constant 128 : i32
        %mul3A_671 = arith.muli %add3A_418, %mul3A_670 : i32
        %add3A_672 = arith.constant 80 : i32
        %add3A_673 = arith.addi %mul3A_671, %add3A_672 : i32
        %add3A_674 = arith.addi %mul3A_529, %mul3A_532 : vector<16xi32>
        %add3A_675 = arith.addi %add3A_674, %mul3A_541 : vector<16xi32>
        %add3A_676 = arith.addi %add3A_675, %min3A_517 : vector<16xi32>
        %swap3A_677 = arith.index_cast %add3A_673 : i32 to index
        %swap3A_678 = tpu.vector_load %arg8[%swap3A_677] {strides = array<i32>} : memref<1024xi32, #tpu.memory_space<vmem>>, vector<16xi32>,
        tpu.vector_store %arg8[%swap3A_677], %add3A_676 {strides = array<i32>} : memref<1024xi32, #tpu.memory_space<vmem>>, vector<16xi32>,
        %mul3A_679 = arith.mulf %mul3A_669, %sub3A_553 : vector<16xf32>
        %mul3A_680 = arith.constant 2 : i32
        %mul3A_681 = arith.muli %mul3A_680, %add3A_673 : i32
        %swap3A_682 = arith.index_cast %mul3A_681 : i32 to index
        %swap3A_683 = tpu.vector_load %arg10[%swap3A_682] {strides = array<i32>} : memref<2048xf32, #tpu.memory_space<vmem>>, vector<16xf32>,
        tpu.vector_store %arg10[%swap3A_682], %mul3A_679 {strides = array<i32>} : memref<2048xf32, #tpu.memory_space<vmem>>, vector<16xf32>,
        %mul3A_684 = arith.mulf %mul3A_669, %sub3A_511 : vector<16xf32>
        %mul3A_685 = arith.constant 2 : i32
        %mul3A_686 = arith.muli %mul3A_685, %add3A_673 : i32
        %add3A_687 = arith.constant 16 : i32
        %add3A_688 = arith.addi %mul3A_686, %add3A_687 : i32
        %swap3A_689 = arith.index_cast %add3A_688 : i32 to index
        %swap3A_690 = tpu.vector_load %arg10[%swap3A_689] {strides = array<i32>} : memref<2048xf32, #tpu.memory_space<vmem>>, vector<16xf32>,
        tpu.vector_store %arg10[%swap3A_689], %mul3A_684 {strides = array<i32>} : memref<2048xf32, #tpu.memory_space<vmem>>, vector<16xf32>,
        %mul3A_691 = arith.mulf %sub3A_544, %sub3A_457 : vector<16xf32>
        %mul3A_692 = arith.mulf %mul3A_691, %sub3A_484 : vector<16xf32>
        %mul3A_693 = arith.constant 128 : i32
        %mul3A_694 = arith.muli %add3A_418, %mul3A_693 : i32
        %add3A_695 = arith.constant 96 : i32
        %add3A_696 = arith.addi %mul3A_694, %add3A_695 : i32
        %add3A_697 = arith.addi %mul3A_526, %mul3A_535 : vector<16xi32>
        %add3A_698 = arith.addi %add3A_697, %mul3A_541 : vector<16xi32>
        %add3A_699 = arith.addi %add3A_698, %min3A_517 : vector<16xi32>
        %swap3A_700 = arith.index_cast %add3A_696 : i32 to index
        %swap3A_701 = tpu.vector_load %arg8[%swap3A_700] {strides = array<i32>} : memref<1024xi32, #tpu.memory_space<vmem>>, vector<16xi32>,
        tpu.vector_store %arg8[%swap3A_700], %add3A_699 {strides = array<i32>} : memref<1024xi32, #tpu.memory_space<vmem>>, vector<16xi32>,
        %mul3A_702 = arith.mulf %mul3A_692, %sub3A_553 : vector<16xf32>
        %mul3A_703 = arith.constant 2 : i32
        %mul3A_704 = arith.muli %mul3A_703, %add3A_696 : i32
        %swap3A_705 = arith.index_cast %mul3A_704 : i32 to index
        %swap3A_706 = tpu.vector_load %arg10[%swap3A_705] {strides = array<i32>} : memref<2048xf32, #tpu.memory_space<vmem>>, vector<16xf32>,
        tpu.vector_store %arg10[%swap3A_705], %mul3A_702 {strides = array<i32>} : memref<2048xf32, #tpu.memory_space<vmem>>, vector<16xf32>,
        %mul3A_707 = arith.mulf %mul3A_692, %sub3A_511 : vector<16xf32>
        %mul3A_708 = arith.constant 2 : i32
        %mul3A_709 = arith.muli %mul3A_708, %add3A_696 : i32
        %add3A_710 = arith.constant 16 : i32
        %add3A_711 = arith.addi %mul3A_709, %add3A_710 : i32
        %swap3A_712 = arith.index_cast %add3A_711 : i32 to index
        %swap3A_713 = tpu.vector_load %arg10[%swap3A_712] {strides = array<i32>} : memref<2048xf32, #tpu.memory_space<vmem>>, vector<16xf32>,
        tpu.vector_store %arg10[%swap3A_712], %mul3A_707 {strides = array<i32>} : memref<2048xf32, #tpu.memory_space<vmem>>, vector<16xf32>,
        %mul3A_714 = arith.mulf %sub3A_432, %sub3A_457 : vector<16xf32>
        %mul3A_715 = arith.mulf %mul3A_714, %sub3A_484 : vector<16xf32>
        %mul3A_716 = arith.constant 128 : i32
        %mul3A_717 = arith.muli %add3A_418, %mul3A_716 : i32
        %add3A_718 = arith.constant 112 : i32
        %add3A_719 = arith.addi %mul3A_717, %add3A_718 : i32
        %add3A_720 = arith.addi %mul3A_529, %mul3A_535 : vector<16xi32>
        %add3A_721 = arith.addi %add3A_720, %mul3A_541 : vector<16xi32>
        %add3A_722 = arith.addi %add3A_721, %min3A_517 : vector<16xi32>
        %swap3A_723 = arith.index_cast %add3A_719 : i32 to index
        %swap3A_724 = tpu.vector_load %arg8[%swap3A_723] {strides = array<i32>} : memref<1024xi32, #tpu.memory_space<vmem>>, vector<16xi32>,
        tpu.vector_store %arg8[%swap3A_723], %add3A_722 {strides = array<i32>} : memref<1024xi32, #tpu.memory_space<vmem>>, vector<16xi32>,
        %mul3A_725 = arith.mulf %mul3A_715, %sub3A_553 : vector<16xf32>
        %mul3A_726 = arith.constant 2 : i32
        %mul3A_727 = arith.muli %mul3A_726, %add3A_719 : i32
        %swap3A_728 = arith.index_cast %mul3A_727 : i32 to index
        %swap3A_729 = tpu.vector_load %arg10[%swap3A_728] {strides = array<i32>} : memref<2048xf32, #tpu.memory_space<vmem>>, vector<16xf32>,
        tpu.vector_store %arg10[%swap3A_728], %mul3A_725 {strides = array<i32>} : memref<2048xf32, #tpu.memory_space<vmem>>, vector<16xf32>,
        %mul3A_730 = arith.mulf %mul3A_715, %sub3A_511 : vector<16xf32>
        %mul3A_731 = arith.constant 2 : i32
        %mul3A_732 = arith.muli %mul3A_731, %add3A_719 : i32
        %add3A_733 = arith.constant 16 : i32
        %add3A_734 = arith.addi %mul3A_732, %add3A_733 : i32
        %swap3A_735 = arith.index_cast %add3A_734 : i32 to index
        %swap3A_736 = tpu.vector_load %arg10[%swap3A_735] {strides = array<i32>} : memref<2048xf32, #tpu.memory_space<vmem>>, vector<16xf32>,
        tpu.vector_store %arg10[%swap3A_735], %mul3A_730 {strides = array<i32>} : memref<2048xf32, #tpu.memory_space<vmem>>, vector<16xf32>,
      }
      %scan3A_160 = arith.constant 8 : i32
      %dma_start3A_161 = arith.constant 0 : i32
      %dma_start3A_162 = arith.constant 0 : i32
      %dma_start3A_163 = tpu.memref_slice %arg12[%dma_start3A_161, %dma_start3A_162] : memref<1024x16xf32, #tpu.memory_space<vmem>> -> memref<128x16xf32, #tpu.memory_space<vmem>>
      %dma_start3A_164 = arith.constant 0 : i32
      %dma_start3A_165 = tpu.memref_slice %arg8[%dma_start3A_164] : memref<1024xi32, #tpu.memory_space<vmem>> -> memref<128xi32, #tpu.memory_space<vmem>>
      %dma_start3A_166 = arith.constant 0 : i32
      %dma_start3A_167 = arith.constant 0 : i32
      %dma_start3A_168 = tpu.memref_slice %arg3[%dma_start3A_166, %dma_start3A_167] : memref<8388608x16xf32, #tpu.memory_space<hbm>> -> memref<8388608x16xf32, #tpu.memory_space<hbm>>
      tpu.enqueue_indirect_dma source(%dma_start3A_168 : memref<8388608x16xf32, #tpu.memory_space<hbm>>) target(%dma_start3A_163 : memref<128x16xf32, #tpu.memory_space<vmem>>) offsets(%dma_start3A_165 : memref<128xi32, #tpu.memory_space<vmem>>) semaphore(%arg16 : memref<!tpu.dma_semaphore, #tpu.memory_space<semaphore_mem>>)
      %dma_start3A_169 = arith.constant 128 : i32
      %dma_start3A_170 = arith.constant 0 : i32
      %dma_start3A_171 = tpu.memref_slice %arg12[%dma_start3A_169, %dma_start3A_170] : memref<1024x16xf32, #tpu.memory_space<vmem>> -> memref<128x16xf32, #tpu.memory_space<vmem>>
      %dma_start3A_172 = arith.constant 128 : i32
      %dma_start3A_173 = tpu.memref_slice %arg8[%dma_start3A_172] : memref<1024xi32, #tpu.memory_space<vmem>> -> memref<128xi32, #tpu.memory_space<vmem>>
      %dma_start3A_174 = arith.constant 0 : i32
      %dma_start3A_175 = arith.constant 0 : i32
      %dma_start3A_176 = tpu.memref_slice %arg3[%dma_start3A_174, %dma_start3A_175] : memref<8388608x16xf32, #tpu.memory_space<hbm>> -> memref<8388608x16xf32, #tpu.memory_space<hbm>>
      tpu.enqueue_indirect_dma source(%dma_start3A_176 : memref<8388608x16xf32, #tpu.memory_space<hbm>>) target(%dma_start3A_171 : memref<128x16xf32, #tpu.memory_space<vmem>>) offsets(%dma_start3A_173 : memref<128xi32, #tpu.memory_space<vmem>>) semaphore(%arg16 : memref<!tpu.dma_semaphore, #tpu.memory_space<semaphore_mem>>)
      %dma_start3A_177 = arith.constant 256 : i32
      %dma_start3A_178 = arith.constant 0 : i32
      %dma_start3A_179 = tpu.memref_slice %arg12[%dma_start3A_177, %dma_start3A_178] : memref<1024x16xf32, #tpu.memory_space<vmem>> -> memref<128x16xf32, #tpu.memory_space<vmem>>
      %dma_start3A_180 = arith.constant 256 : i32
      %dma_start3A_181 = tpu.memref_slice %arg8[%dma_start3A_180] : memref<1024xi32, #tpu.memory_space<vmem>> -> memref<128xi32, #tpu.memory_space<vmem>>
      %dma_start3A_182 = arith.constant 0 : i32
      %dma_start3A_183 = arith.constant 0 : i32
      %dma_start3A_184 = tpu.memref_slice %arg3[%dma_start3A_182, %dma_start3A_183] : memref<8388608x16xf32, #tpu.memory_space<hbm>> -> memref<8388608x16xf32, #tpu.memory_space<hbm>>
      tpu.enqueue_indirect_dma source(%dma_start3A_184 : memref<8388608x16xf32, #tpu.memory_space<hbm>>) target(%dma_start3A_179 : memref<128x16xf32, #tpu.memory_space<vmem>>) offsets(%dma_start3A_181 : memref<128xi32, #tpu.memory_space<vmem>>) semaphore(%arg16 : memref<!tpu.dma_semaphore, #tpu.memory_space<semaphore_mem>>)
      %dma_start3A_185 = arith.constant 384 : i32
      %dma_start3A_186 = arith.constant 0 : i32
      %dma_start3A_187 = tpu.memref_slice %arg12[%dma_start3A_185, %dma_start3A_186] : memref<1024x16xf32, #tpu.memory_space<vmem>> -> memref<128x16xf32, #tpu.memory_space<vmem>>
      %dma_start3A_188 = arith.constant 384 : i32
      %dma_start3A_189 = tpu.memref_slice %arg8[%dma_start3A_188] : memref<1024xi32, #tpu.memory_space<vmem>> -> memref<128xi32, #tpu.memory_space<vmem>>
      %dma_start3A_190 = arith.constant 0 : i32
      %dma_start3A_191 = arith.constant 0 : i32
      %dma_start3A_192 = tpu.memref_slice %arg3[%dma_start3A_190, %dma_start3A_191] : memref<8388608x16xf32, #tpu.memory_space<hbm>> -> memref<8388608x16xf32, #tpu.memory_space<hbm>>
      tpu.enqueue_indirect_dma source(%dma_start3A_192 : memref<8388608x16xf32, #tpu.memory_space<hbm>>) target(%dma_start3A_187 : memref<128x16xf32, #tpu.memory_space<vmem>>) offsets(%dma_start3A_189 : memref<128xi32, #tpu.memory_space<vmem>>) semaphore(%arg16 : memref<!tpu.dma_semaphore, #tpu.memory_space<semaphore_mem>>)
      %dma_start3A_193 = arith.constant 512 : i32
      %dma_start3A_194 = arith.constant 0 : i32
      %dma_start3A_195 = tpu.memref_slice %arg12[%dma_start3A_193, %dma_start3A_194] : memref<1024x16xf32, #tpu.memory_space<vmem>> -> memref<128x16xf32, #tpu.memory_space<vmem>>
      %dma_start3A_196 = arith.constant 512 : i32
      %dma_start3A_197 = tpu.memref_slice %arg8[%dma_start3A_196] : memref<1024xi32, #tpu.memory_space<vmem>> -> memref<128xi32, #tpu.memory_space<vmem>>
      %dma_start3A_198 = arith.constant 0 : i32
      %dma_start3A_199 = arith.constant 0 : i32
      %dma_start3A_200 = tpu.memref_slice %arg3[%dma_start3A_198, %dma_start3A_199] : memref<8388608x16xf32, #tpu.memory_space<hbm>> -> memref<8388608x16xf32, #tpu.memory_space<hbm>>
      tpu.enqueue_indirect_dma source(%dma_start3A_200 : memref<8388608x16xf32, #tpu.memory_space<hbm>>) target(%dma_start3A_195 : memref<128x16xf32, #tpu.memory_space<vmem>>) offsets(%dma_start3A_197 : memref<128xi32, #tpu.memory_space<vmem>>) semaphore(%arg16 : memref<!tpu.dma_semaphore, #tpu.memory_space<semaphore_mem>>)
      %dma_start3A_201 = arith.constant 640 : i32
      %dma_start3A_202 = arith.constant 0 : i32
      %dma_start3A_203 = tpu.memref_slice %arg12[%dma_start3A_201, %dma_start3A_202] : memref<1024x16xf32, #tpu.memory_space<vmem>> -> memref<128x16xf32, #tpu.memory_space<vmem>>
      %dma_start3A_204 = arith.constant 640 : i32
      %dma_start3A_205 = tpu.memref_slice %arg8[%dma_start3A_204] : memref<1024xi32, #tpu.memory_space<vmem>> -> memref<128xi32, #tpu.memory_space<vmem>>
      %dma_start3A_206 = arith.constant 0 : i32
      %dma_start3A_207 = arith.constant 0 : i32
      %dma_start3A_208 = tpu.memref_slice %arg3[%dma_start3A_206, %dma_start3A_207] : memref<8388608x16xf32, #tpu.memory_space<hbm>> -> memref<8388608x16xf32, #tpu.memory_space<hbm>>
      tpu.enqueue_indirect_dma source(%dma_start3A_208 : memref<8388608x16xf32, #tpu.memory_space<hbm>>) target(%dma_start3A_203 : memref<128x16xf32, #tpu.memory_space<vmem>>) offsets(%dma_start3A_205 : memref<128xi32, #tpu.memory_space<vmem>>) semaphore(%arg16 : memref<!tpu.dma_semaphore, #tpu.memory_space<semaphore_mem>>)
      %dma_start3A_209 = arith.constant 768 : i32
      %dma_start3A_210 = arith.constant 0 : i32
      %dma_start3A_211 = tpu.memref_slice %arg12[%dma_start3A_209, %dma_start3A_210] : memref<1024x16xf32, #tpu.memory_space<vmem>> -> memref<128x16xf32, #tpu.memory_space<vmem>>
      %dma_start3A_212 = arith.constant 768 : i32
      %dma_start3A_213 = tpu.memref_slice %arg8[%dma_start3A_212] : memref<1024xi32, #tpu.memory_space<vmem>> -> memref<128xi32, #tpu.memory_space<vmem>>
      %dma_start3A_214 = arith.constant 0 : i32
      %dma_start3A_215 = arith.constant 0 : i32
      %dma_start3A_216 = tpu.memref_slice %arg3[%dma_start3A_214, %dma_start3A_215] : memref<8388608x16xf32, #tpu.memory_space<hbm>> -> memref<8388608x16xf32, #tpu.memory_space<hbm>>
      tpu.enqueue_indirect_dma source(%dma_start3A_216 : memref<8388608x16xf32, #tpu.memory_space<hbm>>) target(%dma_start3A_211 : memref<128x16xf32, #tpu.memory_space<vmem>>) offsets(%dma_start3A_213 : memref<128xi32, #tpu.memory_space<vmem>>) semaphore(%arg16 : memref<!tpu.dma_semaphore, #tpu.memory_space<semaphore_mem>>)
      %dma_start3A_217 = arith.constant 896 : i32
      %dma_start3A_218 = arith.constant 0 : i32
      %dma_start3A_219 = tpu.memref_slice %arg12[%dma_start3A_217, %dma_start3A_218] : memref<1024x16xf32, #tpu.memory_space<vmem>> -> memref<128x16xf32, #tpu.memory_space<vmem>>
      %dma_start3A_220 = arith.constant 896 : i32
      %dma_start3A_221 = tpu.memref_slice %arg8[%dma_start3A_220] : memref<1024xi32, #tpu.memory_space<vmem>> -> memref<128xi32, #tpu.memory_space<vmem>>
      %dma_start3A_222 = arith.constant 0 : i32
      %dma_start3A_223 = arith.constant 0 : i32
      %dma_start3A_224 = tpu.memref_slice %arg3[%dma_start3A_222, %dma_start3A_223] : memref<8388608x16xf32, #tpu.memory_space<hbm>> -> memref<8388608x16xf32, #tpu.memory_space<hbm>>
      tpu.enqueue_indirect_dma source(%dma_start3A_224 : memref<8388608x16xf32, #tpu.memory_space<hbm>>) target(%dma_start3A_219 : memref<128x16xf32, #tpu.memory_space<vmem>>) offsets(%dma_start3A_221 : memref<128xi32, #tpu.memory_space<vmem>>) semaphore(%arg16 : memref<!tpu.dma_semaphore, #tpu.memory_space<semaphore_mem>>)
      %dma_wait3A = arith.constant 0 : i32
      %dma_wait3A_225 = arith.constant 0 : i32
      %dma_wait3A_226 = tpu.memref_slice %arg11[%dma_wait3A, %dma_wait3A_225] : memref<1024x16xf32, #tpu.memory_space<vmem>> -> memref<128x16xf32, #tpu.memory_space<vmem>>
      %dma_wait3A_227 = arith.constant 0 : i32
      %dma_wait3A_228 = tpu.memref_slice %arg7[%dma_wait3A_227] : memref<1024xi32, #tpu.memory_space<vmem>> -> memref<128xi32, #tpu.memory_space<vmem>>
      %dma_wait3A_229 = arith.constant 0 : i32
      %dma_wait3A_230 = arith.constant 0 : i32
      %dma_wait3A_231 = tpu.memref_slice %arg3[%dma_wait3A_229, %dma_wait3A_230] : memref<8388608x16xf32, #tpu.memory_space<hbm>> -> memref<8388608x16xf32, #tpu.memory_space<hbm>>
      tpu.wait_indirect_dma semaphore(%arg15 : memref<!tpu.dma_semaphore, #tpu.memory_space<semaphore_mem>>) src(%dma_wait3A_231 : memref<8388608x16xf32, #tpu.memory_space<hbm>>) dst(%dma_wait3A_226 : memref<128x16xf32, #tpu.memory_space<vmem>>)
      %dma_wait3A_232 = arith.constant 128 : i32
      %dma_wait3A_233 = arith.constant 0 : i32
      %dma_wait3A_234 = tpu.memref_slice %arg11[%dma_wait3A_232, %dma_wait3A_233] : memref<1024x16xf32, #tpu.memory_space<vmem>> -> memref<128x16xf32, #tpu.memory_space<vmem>>
      %dma_wait3A_235 = arith.constant 128 : i32
      %dma_wait3A_236 = tpu.memref_slice %arg7[%dma_wait3A_235] : memref<1024xi32, #tpu.memory_space<vmem>> -> memref<128xi32, #tpu.memory_space<vmem>>
      %dma_wait3A_237 = arith.constant 0 : i32
      %dma_wait3A_238 = arith.constant 0 : i32
      %dma_wait3A_239 = tpu.memref_slice %arg3[%dma_wait3A_237, %dma_wait3A_238] : memref<8388608x16xf32, #tpu.memory_space<hbm>> -> memref<8388608x16xf32, #tpu.memory_space<hbm>>
      tpu.wait_indirect_dma semaphore(%arg15 : memref<!tpu.dma_semaphore, #tpu.memory_space<semaphore_mem>>) src(%dma_wait3A_239 : memref<8388608x16xf32, #tpu.memory_space<hbm>>) dst(%dma_wait3A_234 : memref<128x16xf32, #tpu.memory_space<vmem>>)
      %dma_wait3A_240 = arith.constant 256 : i32
      %dma_wait3A_241 = arith.constant 0 : i32
      %dma_wait3A_242 = tpu.memref_slice %arg11[%dma_wait3A_240, %dma_wait3A_241] : memref<1024x16xf32, #tpu.memory_space<vmem>> -> memref<128x16xf32, #tpu.memory_space<vmem>>
      %dma_wait3A_243 = arith.constant 256 : i32
      %dma_wait3A_244 = tpu.memref_slice %arg7[%dma_wait3A_243] : memref<1024xi32, #tpu.memory_space<vmem>> -> memref<128xi32, #tpu.memory_space<vmem>>
      %dma_wait3A_245 = arith.constant 0 : i32
      %dma_wait3A_246 = arith.constant 0 : i32
      %dma_wait3A_247 = tpu.memref_slice %arg3[%dma_wait3A_245, %dma_wait3A_246] : memref<8388608x16xf32, #tpu.memory_space<hbm>> -> memref<8388608x16xf32, #tpu.memory_space<hbm>>
      tpu.wait_indirect_dma semaphore(%arg15 : memref<!tpu.dma_semaphore, #tpu.memory_space<semaphore_mem>>) src(%dma_wait3A_247 : memref<8388608x16xf32, #tpu.memory_space<hbm>>) dst(%dma_wait3A_242 : memref<128x16xf32, #tpu.memory_space<vmem>>)
      %dma_wait3A_248 = arith.constant 384 : i32
      %dma_wait3A_249 = arith.constant 0 : i32
      %dma_wait3A_250 = tpu.memref_slice %arg11[%dma_wait3A_248, %dma_wait3A_249] : memref<1024x16xf32, #tpu.memory_space<vmem>> -> memref<128x16xf32, #tpu.memory_space<vmem>>
      %dma_wait3A_251 = arith.constant 384 : i32
      %dma_wait3A_252 = tpu.memref_slice %arg7[%dma_wait3A_251] : memref<1024xi32, #tpu.memory_space<vmem>> -> memref<128xi32, #tpu.memory_space<vmem>>
      %dma_wait3A_253 = arith.constant 0 : i32
      %dma_wait3A_254 = arith.constant 0 : i32
      %dma_wait3A_255 = tpu.memref_slice %arg3[%dma_wait3A_253, %dma_wait3A_254] : memref<8388608x16xf32, #tpu.memory_space<hbm>> -> memref<8388608x16xf32, #tpu.memory_space<hbm>>
      tpu.wait_indirect_dma semaphore(%arg15 : memref<!tpu.dma_semaphore, #tpu.memory_space<semaphore_mem>>) src(%dma_wait3A_255 : memref<8388608x16xf32, #tpu.memory_space<hbm>>) dst(%dma_wait3A_250 : memref<128x16xf32, #tpu.memory_space<vmem>>)
      %dma_wait3A_256 = arith.constant 512 : i32
      %dma_wait3A_257 = arith.constant 0 : i32
      %dma_wait3A_258 = tpu.memref_slice %arg11[%dma_wait3A_256, %dma_wait3A_257] : memref<1024x16xf32, #tpu.memory_space<vmem>> -> memref<128x16xf32, #tpu.memory_space<vmem>>
      %dma_wait3A_259 = arith.constant 512 : i32
      %dma_wait3A_260 = tpu.memref_slice %arg7[%dma_wait3A_259] : memref<1024xi32, #tpu.memory_space<vmem>> -> memref<128xi32, #tpu.memory_space<vmem>>
      %dma_wait3A_261 = arith.constant 0 : i32
      %dma_wait3A_262 = arith.constant 0 : i32
      %dma_wait3A_263 = tpu.memref_slice %arg3[%dma_wait3A_261, %dma_wait3A_262] : memref<8388608x16xf32, #tpu.memory_space<hbm>> -> memref<8388608x16xf32, #tpu.memory_space<hbm>>
      tpu.wait_indirect_dma semaphore(%arg15 : memref<!tpu.dma_semaphore, #tpu.memory_space<semaphore_mem>>) src(%dma_wait3A_263 : memref<8388608x16xf32, #tpu.memory_space<hbm>>) dst(%dma_wait3A_258 : memref<128x16xf32, #tpu.memory_space<vmem>>)
      %dma_wait3A_264 = arith.constant 640 : i32
      %dma_wait3A_265 = arith.constant 0 : i32
      %dma_wait3A_266 = tpu.memref_slice %arg11[%dma_wait3A_264, %dma_wait3A_265] : memref<1024x16xf32, #tpu.memory_space<vmem>> -> memref<128x16xf32, #tpu.memory_space<vmem>>
      %dma_wait3A_267 = arith.constant 640 : i32
      %dma_wait3A_268 = tpu.memref_slice %arg7[%dma_wait3A_267] : memref<1024xi32, #tpu.memory_space<vmem>> -> memref<128xi32, #tpu.memory_space<vmem>>
      %dma_wait3A_269 = arith.constant 0 : i32
      %dma_wait3A_270 = arith.constant 0 : i32
      %dma_wait3A_271 = tpu.memref_slice %arg3[%dma_wait3A_269, %dma_wait3A_270] : memref<8388608x16xf32, #tpu.memory_space<hbm>> -> memref<8388608x16xf32, #tpu.memory_space<hbm>>
      tpu.wait_indirect_dma semaphore(%arg15 : memref<!tpu.dma_semaphore, #tpu.memory_space<semaphore_mem>>) src(%dma_wait3A_271 : memref<8388608x16xf32, #tpu.memory_space<hbm>>) dst(%dma_wait3A_266 : memref<128x16xf32, #tpu.memory_space<vmem>>)
      %dma_wait3A_272 = arith.constant 768 : i32
      %dma_wait3A_273 = arith.constant 0 : i32
      %dma_wait3A_274 = tpu.memref_slice %arg11[%dma_wait3A_272, %dma_wait3A_273] : memref<1024x16xf32, #tpu.memory_space<vmem>> -> memref<128x16xf32, #tpu.memory_space<vmem>>
      %dma_wait3A_275 = arith.constant 768 : i32
      %dma_wait3A_276 = tpu.memref_slice %arg7[%dma_wait3A_275] : memref<1024xi32, #tpu.memory_space<vmem>> -> memref<128xi32, #tpu.memory_space<vmem>>
      %dma_wait3A_277 = arith.constant 0 : i32
      %dma_wait3A_278 = arith.constant 0 : i32
      %dma_wait3A_279 = tpu.memref_slice %arg3[%dma_wait3A_277, %dma_wait3A_278] : memref<8388608x16xf32, #tpu.memory_space<hbm>> -> memref<8388608x16xf32, #tpu.memory_space<hbm>>
      tpu.wait_indirect_dma semaphore(%arg15 : memref<!tpu.dma_semaphore, #tpu.memory_space<semaphore_mem>>) src(%dma_wait3A_279 : memref<8388608x16xf32, #tpu.memory_space<hbm>>) dst(%dma_wait3A_274 : memref<128x16xf32, #tpu.memory_space<vmem>>)
      %dma_wait3A_280 = arith.constant 896 : i32
      %dma_wait3A_281 = arith.constant 0 : i32
      %dma_wait3A_282 = tpu.memref_slice %arg11[%dma_wait3A_280, %dma_wait3A_281] : memref<1024x16xf32, #tpu.memory_space<vmem>> -> memref<128x16xf32, #tpu.memory_space<vmem>>
      %dma_wait3A_283 = arith.constant 896 : i32
      %dma_wait3A_284 = tpu.memref_slice %arg7[%dma_wait3A_283] : memref<1024xi32, #tpu.memory_space<vmem>> -> memref<128xi32, #tpu.memory_space<vmem>>
      %dma_wait3A_285 = arith.constant 0 : i32
      %dma_wait3A_286 = arith.constant 0 : i32
      %dma_wait3A_287 = tpu.memref_slice %arg3[%dma_wait3A_285, %dma_wait3A_286] : memref<8388608x16xf32, #tpu.memory_space<hbm>> -> memref<8388608x16xf32, #tpu.memory_space<hbm>>
      tpu.wait_indirect_dma semaphore(%arg15 : memref<!tpu.dma_semaphore, #tpu.memory_space<semaphore_mem>>) src(%dma_wait3A_287 : memref<8388608x16xf32, #tpu.memory_space<hbm>>) dst(%dma_wait3A_282 : memref<128x16xf32, #tpu.memory_space<vmem>>)
      %scan3A_288 = arith.constant 0 : i32
      %scan3A_289 = arith.constant 8 : i32
      %scan3A_290 = arith.addi %scan3A_288, %scan3A_289 : i32
      %scan3A_291 = arith.constant 1 : i32
      scf.for %scan3A_414 = %scan3A_288 to %scan3A_290 step %scan3A_291  : i32 {
        %mul3A_415 = arith.constant 1 : i32
        %mul3A_416 = arith.muli %scan3A_414, %mul3A_415 : i32
        %add3A_417 = arith.constant 0 : i32
        %add3A_418 = arith.addi %add3A_417, %mul3A_416 : i32
        %mul3A_419 = arith.constant 128 : i32
        %mul3A_420 = arith.muli %add3A_418, %mul3A_419 : i32
        %add3A_421 = arith.constant 0 : i32
        %add3A_422 = arith.addi %mul3A_420, %add3A_421 : i32
        %mul3A_423 = arith.constant 2 : i32
        %mul3A_424 = arith.muli %mul3A_423, %add3A_422 : i32
        %get3A = arith.index_cast %mul3A_424 : i32 to index
        %get3A_425 = tpu.vector_load %arg9[%get3A] {strides = array<i32>} : memref<2048xf32, #tpu.memory_space<vmem>>, vector<16xf32>,
        %add3A_426 = arith.constant 0 : i32
        %add3A_427 = arith.addi %mul3A_420, %add3A_426 : i32
        %mul3A_428 = arith.constant 2 : i32
        %mul3A_429 = arith.muli %mul3A_428, %add3A_427 : i32
        %add3A_430 = arith.constant 16 : i32
        %add3A_431 = arith.addi %mul3A_429, %add3A_430 : i32
        %get3A_432 = arith.index_cast %add3A_431 : i32 to index
        %get3A_433 = tpu.vector_load %arg9[%get3A_432] {strides = array<i32>} : memref<2048xf32, #tpu.memory_space<vmem>>, vector<16xf32>,
        %add3A_434 = arith.constant 0 : i32
        %add3A_435 = arith.addi %mul3A_420, %add3A_434 : i32
        %add3A_436 = vector.broadcast %add3A_435 : i32 to vector<16xi32>
        %add3A_437 = arith.addi %iota3A, %add3A_436 : vector<16xi32>
        %gather3A = tpu.vector_load_idx %arg11[%add3A_437, %broadcast_in_dim3A_3] : memref<1024x16xf32, #tpu.memory_space<vmem>>[vector<16xi32>, vector<16xi32>], vector<16xf32>,
        %gather3A_438 = tpu.vector_load_idx %arg11[%add3A_437, %broadcast_in_dim3A_19] : memref<1024x16xf32, #tpu.memory_space<vmem>>[vector<16xi32>, vector<16xi32>], vector<16xf32>,
        %mul3A_439 = arith.mulf %get3A_425, %gather3A : vector<16xf32>
        %mul3A_440 = arith.mulf %get3A_433, %gather3A_438 : vector<16xf32>
        %add3A_441 = arith.addf %mul3A_439, %mul3A_440 : vector<16xf32>
        %gather3A_442 = tpu.vector_load_idx %arg11[%add3A_437, %broadcast_in_dim3A_5] : memref<1024x16xf32, #tpu.memory_space<vmem>>[vector<16xi32>, vector<16xi32>], vector<16xf32>,
        %gather3A_443 = tpu.vector_load_idx %arg11[%add3A_437, %broadcast_in_dim3A_21] : memref<1024x16xf32, #tpu.memory_space<vmem>>[vector<16xi32>, vector<16xi32>], vector<16xf32>,
        %mul3A_444 = arith.mulf %get3A_425, %gather3A_442 : vector<16xf32>
        %mul3A_445 = arith.mulf %get3A_433, %gather3A_443 : vector<16xf32>
        %add3A_446 = arith.addf %mul3A_444, %mul3A_445 : vector<16xf32>
        %gather3A_447 = tpu.vector_load_idx %arg11[%add3A_437, %broadcast_in_dim3A_7] : memref<1024x16xf32, #tpu.memory_space<vmem>>[vector<16xi32>, vector<16xi32>], vector<16xf32>,
        %gather3A_448 = tpu.vector_load_idx %arg11[%add3A_437, %broadcast_in_dim3A_23] : memref<1024x16xf32, #tpu.memory_space<vmem>>[vector<16xi32>, vector<16xi32>], vector<16xf32>,
        %mul3A_449 = arith.mulf %get3A_425, %gather3A_447 : vector<16xf32>
        %mul3A_450 = arith.mulf %get3A_433, %gather3A_448 : vector<16xf32>
        %add3A_451 = arith.addf %mul3A_449, %mul3A_450 : vector<16xf32>
        %gather3A_452 = tpu.vector_load_idx %arg11[%add3A_437, %broadcast_in_dim3A_9] : memref<1024x16xf32, #tpu.memory_space<vmem>>[vector<16xi32>, vector<16xi32>], vector<16xf32>,
        %gather3A_453 = tpu.vector_load_idx %arg11[%add3A_437, %broadcast_in_dim3A_25] : memref<1024x16xf32, #tpu.memory_space<vmem>>[vector<16xi32>, vector<16xi32>], vector<16xf32>,
        %mul3A_454 = arith.mulf %get3A_425, %gather3A_452 : vector<16xf32>
        %mul3A_455 = arith.mulf %get3A_433, %gather3A_453 : vector<16xf32>
        %add3A_456 = arith.addf %mul3A_454, %mul3A_455 : vector<16xf32>
        %gather3A_457 = tpu.vector_load_idx %arg11[%add3A_437, %broadcast_in_dim3A_11] : memref<1024x16xf32, #tpu.memory_space<vmem>>[vector<16xi32>, vector<16xi32>], vector<16xf32>,
        %gather3A_458 = tpu.vector_load_idx %arg11[%add3A_437, %broadcast_in_dim3A_27] : memref<1024x16xf32, #tpu.memory_space<vmem>>[vector<16xi32>, vector<16xi32>], vector<16xf32>,
        %mul3A_459 = arith.mulf %get3A_425, %gather3A_457 : vector<16xf32>
        %mul3A_460 = arith.mulf %get3A_433, %gather3A_458 : vector<16xf32>
        %add3A_461 = arith.addf %mul3A_459, %mul3A_460 : vector<16xf32>
        %gather3A_462 = tpu.vector_load_idx %arg11[%add3A_437, %broadcast_in_dim3A_13] : memref<1024x16xf32, #tpu.memory_space<vmem>>[vector<16xi32>, vector<16xi32>], vector<16xf32>,
        %gather3A_463 = tpu.vector_load_idx %arg11[%add3A_437, %broadcast_in_dim3A_29] : memref<1024x16xf32, #tpu.memory_space<vmem>>[vector<16xi32>, vector<16xi32>], vector<16xf32>,
        %mul3A_464 = arith.mulf %get3A_425, %gather3A_462 : vector<16xf32>
        %mul3A_465 = arith.mulf %get3A_433, %gather3A_463 : vector<16xf32>
        %add3A_466 = arith.addf %mul3A_464, %mul3A_465 : vector<16xf32>
        %gather3A_467 = tpu.vector_load_idx %arg11[%add3A_437, %broadcast_in_dim3A_15] : memref<1024x16xf32, #tpu.memory_space<vmem>>[vector<16xi32>, vector<16xi32>], vector<16xf32>,
        %gather3A_468 = tpu.vector_load_idx %arg11[%add3A_437, %broadcast_in_dim3A_31] : memref<1024x16xf32, #tpu.memory_space<vmem>>[vector<16xi32>, vector<16xi32>], vector<16xf32>,
        %mul3A_469 = arith.mulf %get3A_425, %gather3A_467 : vector<16xf32>
        %mul3A_470 = arith.mulf %get3A_433, %gather3A_468 : vector<16xf32>
        %add3A_471 = arith.addf %mul3A_469, %mul3A_470 : vector<16xf32>
        %gather3A_472 = tpu.vector_load_idx %arg11[%add3A_437, %broadcast_in_dim3A_17] : memref<1024x16xf32, #tpu.memory_space<vmem>>[vector<16xi32>, vector<16xi32>], vector<16xf32>,
        %gather3A_473 = tpu.vector_load_idx %arg11[%add3A_437, %broadcast_in_dim3A_33] : memref<1024x16xf32, #tpu.memory_space<vmem>>[vector<16xi32>, vector<16xi32>], vector<16xf32>,
        %mul3A_474 = arith.mulf %get3A_425, %gather3A_472 : vector<16xf32>
        %mul3A_475 = arith.mulf %get3A_433, %gather3A_473 : vector<16xf32>
        %add3A_476 = arith.addf %mul3A_474, %mul3A_475 : vector<16xf32>
        %add3A_477 = arith.constant 16 : i32
        %add3A_478 = arith.addi %mul3A_420, %add3A_477 : i32
        %mul3A_479 = arith.constant 2 : i32
        %mul3A_480 = arith.muli %mul3A_479, %add3A_478 : i32
        %get3A_481 = arith.index_cast %mul3A_480 : i32 to index
        %get3A_482 = tpu.vector_load %arg9[%get3A_481] {strides = array<i32>} : memref<2048xf32, #tpu.memory_space<vmem>>, vector<16xf32>,
        %add3A_483 = arith.constant 16 : i32
        %add3A_484 = arith.addi %mul3A_420, %add3A_483 : i32
        %mul3A_485 = arith.constant 2 : i32
        %mul3A_486 = arith.muli %mul3A_485, %add3A_484 : i32
        %add3A_487 = arith.constant 16 : i32
        %add3A_488 = arith.addi %mul3A_486, %add3A_487 : i32
        %get3A_489 = arith.index_cast %add3A_488 : i32 to index
        %get3A_490 = tpu.vector_load %arg9[%get3A_489] {strides = array<i32>} : memref<2048xf32, #tpu.memory_space<vmem>>, vector<16xf32>,
        %add3A_491 = arith.constant 16 : i32
        %add3A_492 = arith.addi %mul3A_420, %add3A_491 : i32
        %add3A_493 = vector.broadcast %add3A_492 : i32 to vector<16xi32>
        %add3A_494 = arith.addi %iota3A, %add3A_493 : vector<16xi32>
        %gather3A_495 = tpu.vector_load_idx %arg11[%add3A_494, %broadcast_in_dim3A_3] : memref<1024x16xf32, #tpu.memory_space<vmem>>[vector<16xi32>, vector<16xi32>], vector<16xf32>,
        %gather3A_496 = tpu.vector_load_idx %arg11[%add3A_494, %broadcast_in_dim3A_19] : memref<1024x16xf32, #tpu.memory_space<vmem>>[vector<16xi32>, vector<16xi32>], vector<16xf32>,
        %mul3A_497 = arith.mulf %get3A_482, %gather3A_495 : vector<16xf32>
        %mul3A_498 = arith.mulf %get3A_490, %gather3A_496 : vector<16xf32>
        %add3A_499 = arith.addf %mul3A_497, %mul3A_498 : vector<16xf32>
        %add3A_500 = arith.addf %add3A_441, %add3A_499 : vector<16xf32>
        %gather3A_501 = tpu.vector_load_idx %arg11[%add3A_494, %broadcast_in_dim3A_5] : memref<1024x16xf32, #tpu.memory_space<vmem>>[vector<16xi32>, vector<16xi32>], vector<16xf32>,
        %gather3A_502 = tpu.vector_load_idx %arg11[%add3A_494, %broadcast_in_dim3A_21] : memref<1024x16xf32, #tpu.memory_space<vmem>>[vector<16xi32>, vector<16xi32>], vector<16xf32>,
        %mul3A_503 = arith.mulf %get3A_482, %gather3A_501 : vector<16xf32>
        %mul3A_504 = arith.mulf %get3A_490, %gather3A_502 : vector<16xf32>
        %add3A_505 = arith.addf %mul3A_503, %mul3A_504 : vector<16xf32>
        %add3A_506 = arith.addf %add3A_446, %add3A_505 : vector<16xf32>
        %gather3A_507 = tpu.vector_load_idx %arg11[%add3A_494, %broadcast_in_dim3A_7] : memref<1024x16xf32, #tpu.memory_space<vmem>>[vector<16xi32>, vector<16xi32>], vector<16xf32>,
        %gather3A_508 = tpu.vector_load_idx %arg11[%add3A_494, %broadcast_in_dim3A_23] : memref<1024x16xf32, #tpu.memory_space<vmem>>[vector<16xi32>, vector<16xi32>], vector<16xf32>,
        %mul3A_509 = arith.mulf %get3A_482, %gather3A_507 : vector<16xf32>
        %mul3A_510 = arith.mulf %get3A_490, %gather3A_508 : vector<16xf32>
        %add3A_511 = arith.addf %mul3A_509, %mul3A_510 : vector<16xf32>
        %add3A_512 = arith.addf %add3A_451, %add3A_511 : vector<16xf32>
        %gather3A_513 = tpu.vector_load_idx %arg11[%add3A_494, %broadcast_in_dim3A_9] : memref<1024x16xf32, #tpu.memory_space<vmem>>[vector<16xi32>, vector<16xi32>], vector<16xf32>,
        %gather3A_514 = tpu.vector_load_idx %arg11[%add3A_494, %broadcast_in_dim3A_25] : memref<1024x16xf32, #tpu.memory_space<vmem>>[vector<16xi32>, vector<16xi32>], vector<16xf32>,
        %mul3A_515 = arith.mulf %get3A_482, %gather3A_513 : vector<16xf32>
        %mul3A_516 = arith.mulf %get3A_490, %gather3A_514 : vector<16xf32>
        %add3A_517 = arith.addf %mul3A_515, %mul3A_516 : vector<16xf32>
        %add3A_518 = arith.addf %add3A_456, %add3A_517 : vector<16xf32>
        %gather3A_519 = tpu.vector_load_idx %arg11[%add3A_494, %broadcast_in_dim3A_11] : memref<1024x16xf32, #tpu.memory_space<vmem>>[vector<16xi32>, vector<16xi32>], vector<16xf32>,
        %gather3A_520 = tpu.vector_load_idx %arg11[%add3A_494, %broadcast_in_dim3A_27] : memref<1024x16xf32, #tpu.memory_space<vmem>>[vector<16xi32>, vector<16xi32>], vector<16xf32>,
        %mul3A_521 = arith.mulf %get3A_482, %gather3A_519 : vector<16xf32>
        %mul3A_522 = arith.mulf %get3A_490, %gather3A_520 : vector<16xf32>
        %add3A_523 = arith.addf %mul3A_521, %mul3A_522 : vector<16xf32>
        %add3A_524 = arith.addf %add3A_461, %add3A_523 : vector<16xf32>
        %gather3A_525 = tpu.vector_load_idx %arg11[%add3A_494, %broadcast_in_dim3A_13] : memref<1024x16xf32, #tpu.memory_space<vmem>>[vector<16xi32>, vector<16xi32>], vector<16xf32>,
        %gather3A_526 = tpu.vector_load_idx %arg11[%add3A_494, %broadcast_in_dim3A_29] : memref<1024x16xf32, #tpu.memory_space<vmem>>[vector<16xi32>, vector<16xi32>], vector<16xf32>,
        %mul3A_527 = arith.mulf %get3A_482, %gather3A_525 : vector<16xf32>
        %mul3A_528 = arith.mulf %get3A_490, %gather3A_526 : vector<16xf32>
        %add3A_529 = arith.addf %mul3A_527, %mul3A_528 : vector<16xf32>
        %add3A_530 = arith.addf %add3A_466, %add3A_529 : vector<16xf32>
        %gather3A_531 = tpu.vector_load_idx %arg11[%add3A_494, %broadcast_in_dim3A_15] : memref<1024x16xf32, #tpu.memory_space<vmem>>[vector<16xi32>, vector<16xi32>], vector<16xf32>,
        %gather3A_532 = tpu.vector_load_idx %arg11[%add3A_494, %broadcast_in_dim3A_31] : memref<1024x16xf32, #tpu.memory_space<vmem>>[vector<16xi32>, vector<16xi32>], vector<16xf32>,
        %mul3A_533 = arith.mulf %get3A_482, %gather3A_531 : vector<16xf32>
        %mul3A_534 = arith.mulf %get3A_490, %gather3A_532 : vector<16xf32>
        %add3A_535 = arith.addf %mul3A_533, %mul3A_534 : vector<16xf32>
        %add3A_536 = arith.addf %add3A_471, %add3A_535 : vector<16xf32>
        %gather3A_537 = tpu.vector_load_idx %arg11[%add3A_494, %broadcast_in_dim3A_17] : memref<1024x16xf32, #tpu.memory_space<vmem>>[vector<16xi32>, vector<16xi32>], vector<16xf32>,
        %gather3A_538 = tpu.vector_load_idx %arg11[%add3A_494, %broadcast_in_dim3A_33] : memref<1024x16xf32, #tpu.memory_space<vmem>>[vector<16xi32>, vector<16xi32>], vector<16xf32>,
        %mul3A_539 = arith.mulf %get3A_482, %gather3A_537 : vector<16xf32>
        %mul3A_540 = arith.mulf %get3A_490, %gather3A_538 : vector<16xf32>
        %add3A_541 = arith.addf %mul3A_539, %mul3A_540 : vector<16xf32>
        %add3A_542 = arith.addf %add3A_476, %add3A_541 : vector<16xf32>
        %add3A_543 = arith.constant 32 : i32
        %add3A_544 = arith.addi %mul3A_420, %add3A_543 : i32
        %mul3A_545 = arith.constant 2 : i32
        %mul3A_546 = arith.muli %mul3A_545, %add3A_544 : i32
        %get3A_547 = arith.index_cast %mul3A_546 : i32 to index
        %get3A_548 = tpu.vector_load %arg9[%get3A_547] {strides = array<i32>} : memref<2048xf32, #tpu.memory_space<vmem>>, vector<16xf32>,
        %add3A_549 = arith.constant 32 : i32
        %add3A_550 = arith.addi %mul3A_420, %add3A_549 : i32
        %mul3A_551 = arith.constant 2 : i32
        %mul3A_552 = arith.muli %mul3A_551, %add3A_550 : i32
        %add3A_553 = arith.constant 16 : i32
        %add3A_554 = arith.addi %mul3A_552, %add3A_553 : i32
        %get3A_555 = arith.index_cast %add3A_554 : i32 to index
        %get3A_556 = tpu.vector_load %arg9[%get3A_555] {strides = array<i32>} : memref<2048xf32, #tpu.memory_space<vmem>>, vector<16xf32>,
        %add3A_557 = arith.constant 32 : i32
        %add3A_558 = arith.addi %mul3A_420, %add3A_557 : i32
        %add3A_559 = vector.broadcast %add3A_558 : i32 to vector<16xi32>
        %add3A_560 = arith.addi %iota3A, %add3A_559 : vector<16xi32>
        %gather3A_561 = tpu.vector_load_idx %arg11[%add3A_560, %broadcast_in_dim3A_3] : memref<1024x16xf32, #tpu.memory_space<vmem>>[vector<16xi32>, vector<16xi32>], vector<16xf32>,
        %gather3A_562 = tpu.vector_load_idx %arg11[%add3A_560, %broadcast_in_dim3A_19] : memref<1024x16xf32, #tpu.memory_space<vmem>>[vector<16xi32>, vector<16xi32>], vector<16xf32>,
        %mul3A_563 = arith.mulf %get3A_548, %gather3A_561 : vector<16xf32>
        %mul3A_564 = arith.mulf %get3A_556, %gather3A_562 : vector<16xf32>
        %add3A_565 = arith.addf %mul3A_563, %mul3A_564 : vector<16xf32>
        %add3A_566 = arith.addf %add3A_500, %add3A_565 : vector<16xf32>
        %gather3A_567 = tpu.vector_load_idx %arg11[%add3A_560, %broadcast_in_dim3A_5] : memref<1024x16xf32, #tpu.memory_space<vmem>>[vector<16xi32>, vector<16xi32>], vector<16xf32>,
        %gather3A_568 = tpu.vector_load_idx %arg11[%add3A_560, %broadcast_in_dim3A_21] : memref<1024x16xf32, #tpu.memory_space<vmem>>[vector<16xi32>, vector<16xi32>], vector<16xf32>,
        %mul3A_569 = arith.mulf %get3A_548, %gather3A_567 : vector<16xf32>
        %mul3A_570 = arith.mulf %get3A_556, %gather3A_568 : vector<16xf32>
        %add3A_571 = arith.addf %mul3A_569, %mul3A_570 : vector<16xf32>
        %add3A_572 = arith.addf %add3A_506, %add3A_571 : vector<16xf32>
        %gather3A_573 = tpu.vector_load_idx %arg11[%add3A_560, %broadcast_in_dim3A_7] : memref<1024x16xf32, #tpu.memory_space<vmem>>[vector<16xi32>, vector<16xi32>], vector<16xf32>,
        %gather3A_574 = tpu.vector_load_idx %arg11[%add3A_560, %broadcast_in_dim3A_23] : memref<1024x16xf32, #tpu.memory_space<vmem>>[vector<16xi32>, vector<16xi32>], vector<16xf32>,
        %mul3A_575 = arith.mulf %get3A_548, %gather3A_573 : vector<16xf32>
        %mul3A_576 = arith.mulf %get3A_556, %gather3A_574 : vector<16xf32>
        %add3A_577 = arith.addf %mul3A_575, %mul3A_576 : vector<16xf32>
        %add3A_578 = arith.addf %add3A_512, %add3A_577 : vector<16xf32>
        %gather3A_579 = tpu.vector_load_idx %arg11[%add3A_560, %broadcast_in_dim3A_9] : memref<1024x16xf32, #tpu.memory_space<vmem>>[vector<16xi32>, vector<16xi32>], vector<16xf32>,
        %gather3A_580 = tpu.vector_load_idx %arg11[%add3A_560, %broadcast_in_dim3A_25] : memref<1024x16xf32, #tpu.memory_space<vmem>>[vector<16xi32>, vector<16xi32>], vector<16xf32>,
        %mul3A_581 = arith.mulf %get3A_548, %gather3A_579 : vector<16xf32>
        %mul3A_582 = arith.mulf %get3A_556, %gather3A_580 : vector<16xf32>
        %add3A_583 = arith.addf %mul3A_581, %mul3A_582 : vector<16xf32>
        %add3A_584 = arith.addf %add3A_518, %add3A_583 : vector<16xf32>
        %gather3A_585 = tpu.vector_load_idx %arg11[%add3A_560, %broadcast_in_dim3A_11] : memref<1024x16xf32, #tpu.memory_space<vmem>>[vector<16xi32>, vector<16xi32>], vector<16xf32>,
        %gather3A_586 = tpu.vector_load_idx %arg11[%add3A_560, %broadcast_in_dim3A_27] : memref<1024x16xf32, #tpu.memory_space<vmem>>[vector<16xi32>, vector<16xi32>], vector<16xf32>,
        %mul3A_587 = arith.mulf %get3A_548, %gather3A_585 : vector<16xf32>
        %mul3A_588 = arith.mulf %get3A_556, %gather3A_586 : vector<16xf32>
        %add3A_589 = arith.addf %mul3A_587, %mul3A_588 : vector<16xf32>
        %add3A_590 = arith.addf %add3A_524, %add3A_589 : vector<16xf32>
        %gather3A_591 = tpu.vector_load_idx %arg11[%add3A_560, %broadcast_in_dim3A_13] : memref<1024x16xf32, #tpu.memory_space<vmem>>[vector<16xi32>, vector<16xi32>], vector<16xf32>,
        %gather3A_592 = tpu.vector_load_idx %arg11[%add3A_560, %broadcast_in_dim3A_29] : memref<1024x16xf32, #tpu.memory_space<vmem>>[vector<16xi32>, vector<16xi32>], vector<16xf32>,
        %mul3A_593 = arith.mulf %get3A_548, %gather3A_591 : vector<16xf32>
        %mul3A_594 = arith.mulf %get3A_556, %gather3A_592 : vector<16xf32>
        %add3A_595 = arith.addf %mul3A_593, %mul3A_594 : vector<16xf32>
        %add3A_596 = arith.addf %add3A_530, %add3A_595 : vector<16xf32>
        %gather3A_597 = tpu.vector_load_idx %arg11[%add3A_560, %broadcast_in_dim3A_15] : memref<1024x16xf32, #tpu.memory_space<vmem>>[vector<16xi32>, vector<16xi32>], vector<16xf32>,
        %gather3A_598 = tpu.vector_load_idx %arg11[%add3A_560, %broadcast_in_dim3A_31] : memref<1024x16xf32, #tpu.memory_space<vmem>>[vector<16xi32>, vector<16xi32>], vector<16xf32>,
        %mul3A_599 = arith.mulf %get3A_548, %gather3A_597 : vector<16xf32>
        %mul3A_600 = arith.mulf %get3A_556, %gather3A_598 : vector<16xf32>
        %add3A_601 = arith.addf %mul3A_599, %mul3A_600 : vector<16xf32>
        %add3A_602 = arith.addf %add3A_536, %add3A_601 : vector<16xf32>
        %gather3A_603 = tpu.vector_load_idx %arg11[%add3A_560, %broadcast_in_dim3A_17] : memref<1024x16xf32, #tpu.memory_space<vmem>>[vector<16xi32>, vector<16xi32>], vector<16xf32>,
        %gather3A_604 = tpu.vector_load_idx %arg11[%add3A_560, %broadcast_in_dim3A_33] : memref<1024x16xf32, #tpu.memory_space<vmem>>[vector<16xi32>, vector<16xi32>], vector<16xf32>,
        %mul3A_605 = arith.mulf %get3A_548, %gather3A_603 : vector<16xf32>
        %mul3A_606 = arith.mulf %get3A_556, %gather3A_604 : vector<16xf32>
        %add3A_607 = arith.addf %mul3A_605, %mul3A_606 : vector<16xf32>
        %add3A_608 = arith.addf %add3A_542, %add3A_607 : vector<16xf32>
        %add3A_609 = arith.constant 48 : i32
        %add3A_610 = arith.addi %mul3A_420, %add3A_609 : i32
        %mul3A_611 = arith.constant 2 : i32
        %mul3A_612 = arith.muli %mul3A_611, %add3A_610 : i32
        %get3A_613 = arith.index_cast %mul3A_612 : i32 to index
        %get3A_614 = tpu.vector_load %arg9[%get3A_613] {strides = array<i32>} : memref<2048xf32, #tpu.memory_space<vmem>>, vector<16xf32>,
        %add3A_615 = arith.constant 48 : i32
        %add3A_616 = arith.addi %mul3A_420, %add3A_615 : i32
        %mul3A_617 = arith.constant 2 : i32
        %mul3A_618 = arith.muli %mul3A_617, %add3A_616 : i32
        %add3A_619 = arith.constant 16 : i32
        %add3A_620 = arith.addi %mul3A_618, %add3A_619 : i32
        %get3A_621 = arith.index_cast %add3A_620 : i32 to index
        %get3A_622 = tpu.vector_load %arg9[%get3A_621] {strides = array<i32>} : memref<2048xf32, #tpu.memory_space<vmem>>, vector<16xf32>,
        %add3A_623 = arith.constant 48 : i32
        %add3A_624 = arith.addi %mul3A_420, %add3A_623 : i32
        %add3A_625 = vector.broadcast %add3A_624 : i32 to vector<16xi32>
        %add3A_626 = arith.addi %iota3A, %add3A_625 : vector<16xi32>
        %gather3A_627 = tpu.vector_load_idx %arg11[%add3A_626, %broadcast_in_dim3A_3] : memref<1024x16xf32, #tpu.memory_space<vmem>>[vector<16xi32>, vector<16xi32>], vector<16xf32>,
        %gather3A_628 = tpu.vector_load_idx %arg11[%add3A_626, %broadcast_in_dim3A_19] : memref<1024x16xf32, #tpu.memory_space<vmem>>[vector<16xi32>, vector<16xi32>], vector<16xf32>,
        %mul3A_629 = arith.mulf %get3A_614, %gather3A_627 : vector<16xf32>
        %mul3A_630 = arith.mulf %get3A_622, %gather3A_628 : vector<16xf32>
        %add3A_631 = arith.addf %mul3A_629, %mul3A_630 : vector<16xf32>
        %add3A_632 = arith.addf %add3A_566, %add3A_631 : vector<16xf32>
        %gather3A_633 = tpu.vector_load_idx %arg11[%add3A_626, %broadcast_in_dim3A_5] : memref<1024x16xf32, #tpu.memory_space<vmem>>[vector<16xi32>, vector<16xi32>], vector<16xf32>,
        %gather3A_634 = tpu.vector_load_idx %arg11[%add3A_626, %broadcast_in_dim3A_21] : memref<1024x16xf32, #tpu.memory_space<vmem>>[vector<16xi32>, vector<16xi32>], vector<16xf32>,
        %mul3A_635 = arith.mulf %get3A_614, %gather3A_633 : vector<16xf32>
        %mul3A_636 = arith.mulf %get3A_622, %gather3A_634 : vector<16xf32>
        %add3A_637 = arith.addf %mul3A_635, %mul3A_636 : vector<16xf32>
        %add3A_638 = arith.addf %add3A_572, %add3A_637 : vector<16xf32>
        %gather3A_639 = tpu.vector_load_idx %arg11[%add3A_626, %broadcast_in_dim3A_7] : memref<1024x16xf32, #tpu.memory_space<vmem>>[vector<16xi32>, vector<16xi32>], vector<16xf32>,
        %gather3A_640 = tpu.vector_load_idx %arg11[%add3A_626, %broadcast_in_dim3A_23] : memref<1024x16xf32, #tpu.memory_space<vmem>>[vector<16xi32>, vector<16xi32>], vector<16xf32>,
        %mul3A_641 = arith.mulf %get3A_614, %gather3A_639 : vector<16xf32>
        %mul3A_642 = arith.mulf %get3A_622, %gather3A_640 : vector<16xf32>
        %add3A_643 = arith.addf %mul3A_641, %mul3A_642 : vector<16xf32>
        %add3A_644 = arith.addf %add3A_578, %add3A_643 : vector<16xf32>
        %gather3A_645 = tpu.vector_load_idx %arg11[%add3A_626, %broadcast_in_dim3A_9] : memref<1024x16xf32, #tpu.memory_space<vmem>>[vector<16xi32>, vector<16xi32>], vector<16xf32>,
        %gather3A_646 = tpu.vector_load_idx %arg11[%add3A_626, %broadcast_in_dim3A_25] : memref<1024x16xf32, #tpu.memory_space<vmem>>[vector<16xi32>, vector<16xi32>], vector<16xf32>,
        %mul3A_647 = arith.mulf %get3A_614, %gather3A_645 : vector<16xf32>
        %mul3A_648 = arith.mulf %get3A_622, %gather3A_646 : vector<16xf32>
        %add3A_649 = arith.addf %mul3A_647, %mul3A_648 : vector<16xf32>
        %add3A_650 = arith.addf %add3A_584, %add3A_649 : vector<16xf32>
        %gather3A_651 = tpu.vector_load_idx %arg11[%add3A_626, %broadcast_in_dim3A_11] : memref<1024x16xf32, #tpu.memory_space<vmem>>[vector<16xi32>, vector<16xi32>], vector<16xf32>,
        %gather3A_652 = tpu.vector_load_idx %arg11[%add3A_626, %broadcast_in_dim3A_27] : memref<1024x16xf32, #tpu.memory_space<vmem>>[vector<16xi32>, vector<16xi32>], vector<16xf32>,
        %mul3A_653 = arith.mulf %get3A_614, %gather3A_651 : vector<16xf32>
        %mul3A_654 = arith.mulf %get3A_622, %gather3A_652 : vector<16xf32>
        %add3A_655 = arith.addf %mul3A_653, %mul3A_654 : vector<16xf32>
        %add3A_656 = arith.addf %add3A_590, %add3A_655 : vector<16xf32>
        %gather3A_657 = tpu.vector_load_idx %arg11[%add3A_626, %broadcast_in_dim3A_13] : memref<1024x16xf32, #tpu.memory_space<vmem>>[vector<16xi32>, vector<16xi32>], vector<16xf32>,
        %gather3A_658 = tpu.vector_load_idx %arg11[%add3A_626, %broadcast_in_dim3A_29] : memref<1024x16xf32, #tpu.memory_space<vmem>>[vector<16xi32>, vector<16xi32>], vector<16xf32>,
        %mul3A_659 = arith.mulf %get3A_614, %gather3A_657 : vector<16xf32>
        %mul3A_660 = arith.mulf %get3A_622, %gather3A_658 : vector<16xf32>
        %add3A_661 = arith.addf %mul3A_659, %mul3A_660 : vector<16xf32>
        %add3A_662 = arith.addf %add3A_596, %add3A_661 : vector<16xf32>
        %gather3A_663 = tpu.vector_load_idx %arg11[%add3A_626, %broadcast_in_dim3A_15] : memref<1024x16xf32, #tpu.memory_space<vmem>>[vector<16xi32>, vector<16xi32>], vector<16xf32>,
        %gather3A_664 = tpu.vector_load_idx %arg11[%add3A_626, %broadcast_in_dim3A_31] : memref<1024x16xf32, #tpu.memory_space<vmem>>[vector<16xi32>, vector<16xi32>], vector<16xf32>,
        %mul3A_665 = arith.mulf %get3A_614, %gather3A_663 : vector<16xf32>
        %mul3A_666 = arith.mulf %get3A_622, %gather3A_664 : vector<16xf32>
        %add3A_667 = arith.addf %mul3A_665, %mul3A_666 : vector<16xf32>
        %add3A_668 = arith.addf %add3A_602, %add3A_667 : vector<16xf32>
        %gather3A_669 = tpu.vector_load_idx %arg11[%add3A_626, %broadcast_in_dim3A_17] : memref<1024x16xf32, #tpu.memory_space<vmem>>[vector<16xi32>, vector<16xi32>], vector<16xf32>,
        %gather3A_670 = tpu.vector_load_idx %arg11[%add3A_626, %broadcast_in_dim3A_33] : memref<1024x16xf32, #tpu.memory_space<vmem>>[vector<16xi32>, vector<16xi32>], vector<16xf32>,
        %mul3A_671 = arith.mulf %get3A_614, %gather3A_669 : vector<16xf32>
        %mul3A_672 = arith.mulf %get3A_622, %gather3A_670 : vector<16xf32>
        %add3A_673 = arith.addf %mul3A_671, %mul3A_672 : vector<16xf32>
        %add3A_674 = arith.addf %add3A_608, %add3A_673 : vector<16xf32>
        %add3A_675 = arith.constant 64 : i32
        %add3A_676 = arith.addi %mul3A_420, %add3A_675 : i32
        %mul3A_677 = arith.constant 2 : i32
        %mul3A_678 = arith.muli %mul3A_677, %add3A_676 : i32
        %get3A_679 = arith.index_cast %mul3A_678 : i32 to index
        %get3A_680 = tpu.vector_load %arg9[%get3A_679] {strides = array<i32>} : memref<2048xf32, #tpu.memory_space<vmem>>, vector<16xf32>,
        %add3A_681 = arith.constant 64 : i32
        %add3A_682 = arith.addi %mul3A_420, %add3A_681 : i32
        %mul3A_683 = arith.constant 2 : i32
        %mul3A_684 = arith.muli %mul3A_683, %add3A_682 : i32
        %add3A_685 = arith.constant 16 : i32
        %add3A_686 = arith.addi %mul3A_684, %add3A_685 : i32
        %get3A_687 = arith.index_cast %add3A_686 : i32 to index
        %get3A_688 = tpu.vector_load %arg9[%get3A_687] {strides = array<i32>} : memref<2048xf32, #tpu.memory_space<vmem>>, vector<16xf32>,
        %add3A_689 = arith.constant 64 : i32
        %add3A_690 = arith.addi %mul3A_420, %add3A_689 : i32
        %add3A_691 = vector.broadcast %add3A_690 : i32 to vector<16xi32>
        %add3A_692 = arith.addi %iota3A, %add3A_691 : vector<16xi32>
        %gather3A_693 = tpu.vector_load_idx %arg11[%add3A_692, %broadcast_in_dim3A_3] : memref<1024x16xf32, #tpu.memory_space<vmem>>[vector<16xi32>, vector<16xi32>], vector<16xf32>,
        %gather3A_694 = tpu.vector_load_idx %arg11[%add3A_692, %broadcast_in_dim3A_19] : memref<1024x16xf32, #tpu.memory_space<vmem>>[vector<16xi32>, vector<16xi32>], vector<16xf32>,
        %mul3A_695 = arith.mulf %get3A_680, %gather3A_693 : vector<16xf32>
        %mul3A_696 = arith.mulf %get3A_688, %gather3A_694 : vector<16xf32>
        %add3A_697 = arith.addf %mul3A_695, %mul3A_696 : vector<16xf32>
        %add3A_698 = arith.addf %add3A_632, %add3A_697 : vector<16xf32>
        %gather3A_699 = tpu.vector_load_idx %arg11[%add3A_692, %broadcast_in_dim3A_5] : memref<1024x16xf32, #tpu.memory_space<vmem>>[vector<16xi32>, vector<16xi32>], vector<16xf32>,
        %gather3A_700 = tpu.vector_load_idx %arg11[%add3A_692, %broadcast_in_dim3A_21] : memref<1024x16xf32, #tpu.memory_space<vmem>>[vector<16xi32>, vector<16xi32>], vector<16xf32>,
        %mul3A_701 = arith.mulf %get3A_680, %gather3A_699 : vector<16xf32>
        %mul3A_702 = arith.mulf %get3A_688, %gather3A_700 : vector<16xf32>
        %add3A_703 = arith.addf %mul3A_701, %mul3A_702 : vector<16xf32>
        %add3A_704 = arith.addf %add3A_638, %add3A_703 : vector<16xf32>
        %gather3A_705 = tpu.vector_load_idx %arg11[%add3A_692, %broadcast_in_dim3A_7] : memref<1024x16xf32, #tpu.memory_space<vmem>>[vector<16xi32>, vector<16xi32>], vector<16xf32>,
        %gather3A_706 = tpu.vector_load_idx %arg11[%add3A_692, %broadcast_in_dim3A_23] : memref<1024x16xf32, #tpu.memory_space<vmem>>[vector<16xi32>, vector<16xi32>], vector<16xf32>,
        %mul3A_707 = arith.mulf %get3A_680, %gather3A_705 : vector<16xf32>
        %mul3A_708 = arith.mulf %get3A_688, %gather3A_706 : vector<16xf32>
        %add3A_709 = arith.addf %mul3A_707, %mul3A_708 : vector<16xf32>
        %add3A_710 = arith.addf %add3A_644, %add3A_709 : vector<16xf32>
        %gather3A_711 = tpu.vector_load_idx %arg11[%add3A_692, %broadcast_in_dim3A_9] : memref<1024x16xf32, #tpu.memory_space<vmem>>[vector<16xi32>, vector<16xi32>], vector<16xf32>,
        %gather3A_712 = tpu.vector_load_idx %arg11[%add3A_692, %broadcast_in_dim3A_25] : memref<1024x16xf32, #tpu.memory_space<vmem>>[vector<16xi32>, vector<16xi32>], vector<16xf32>,
        %mul3A_713 = arith.mulf %get3A_680, %gather3A_711 : vector<16xf32>
        %mul3A_714 = arith.mulf %get3A_688, %gather3A_712 : vector<16xf32>
        %add3A_715 = arith.addf %mul3A_713, %mul3A_714 : vector<16xf32>
        %add3A_716 = arith.addf %add3A_650, %add3A_715 : vector<16xf32>
        %gather3A_717 = tpu.vector_load_idx %arg11[%add3A_692, %broadcast_in_dim3A_11] : memref<1024x16xf32, #tpu.memory_space<vmem>>[vector<16xi32>, vector<16xi32>], vector<16xf32>,
        %gather3A_718 = tpu.vector_load_idx %arg11[%add3A_692, %broadcast_in_dim3A_27] : memref<1024x16xf32, #tpu.memory_space<vmem>>[vector<16xi32>, vector<16xi32>], vector<16xf32>,
        %mul3A_719 = arith.mulf %get3A_680, %gather3A_717 : vector<16xf32>
        %mul3A_720 = arith.mulf %get3A_688, %gather3A_718 : vector<16xf32>
        %add3A_721 = arith.addf %mul3A_719, %mul3A_720 : vector<16xf32>
        %add3A_722 = arith.addf %add3A_656, %add3A_721 : vector<16xf32>
        %gather3A_723 = tpu.vector_load_idx %arg11[%add3A_692, %broadcast_in_dim3A_13] : memref<1024x16xf32, #tpu.memory_space<vmem>>[vector<16xi32>, vector<16xi32>], vector<16xf32>,
        %gather3A_724 = tpu.vector_load_idx %arg11[%add3A_692, %broadcast_in_dim3A_29] : memref<1024x16xf32, #tpu.memory_space<vmem>>[vector<16xi32>, vector<16xi32>], vector<16xf32>,
        %mul3A_725 = arith.mulf %get3A_680, %gather3A_723 : vector<16xf32>
        %mul3A_726 = arith.mulf %get3A_688, %gather3A_724 : vector<16xf32>
        %add3A_727 = arith.addf %mul3A_725, %mul3A_726 : vector<16xf32>
        %add3A_728 = arith.addf %add3A_662, %add3A_727 : vector<16xf32>
        %gather3A_729 = tpu.vector_load_idx %arg11[%add3A_692, %broadcast_in_dim3A_15] : memref<1024x16xf32, #tpu.memory_space<vmem>>[vector<16xi32>, vector<16xi32>], vector<16xf32>,
        %gather3A_730 = tpu.vector_load_idx %arg11[%add3A_692, %broadcast_in_dim3A_31] : memref<1024x16xf32, #tpu.memory_space<vmem>>[vector<16xi32>, vector<16xi32>], vector<16xf32>,
        %mul3A_731 = arith.mulf %get3A_680, %gather3A_729 : vector<16xf32>
        %mul3A_732 = arith.mulf %get3A_688, %gather3A_730 : vector<16xf32>
        %add3A_733 = arith.addf %mul3A_731, %mul3A_732 : vector<16xf32>
        %add3A_734 = arith.addf %add3A_668, %add3A_733 : vector<16xf32>
        %gather3A_735 = tpu.vector_load_idx %arg11[%add3A_692, %broadcast_in_dim3A_17] : memref<1024x16xf32, #tpu.memory_space<vmem>>[vector<16xi32>, vector<16xi32>], vector<16xf32>,
        %gather3A_736 = tpu.vector_load_idx %arg11[%add3A_692, %broadcast_in_dim3A_33] : memref<1024x16xf32, #tpu.memory_space<vmem>>[vector<16xi32>, vector<16xi32>], vector<16xf32>,
        %mul3A_737 = arith.mulf %get3A_680, %gather3A_735 : vector<16xf32>
        %mul3A_738 = arith.mulf %get3A_688, %gather3A_736 : vector<16xf32>
        %add3A_739 = arith.addf %mul3A_737, %mul3A_738 : vector<16xf32>
        %add3A_740 = arith.addf %add3A_674, %add3A_739 : vector<16xf32>
        %add3A_741 = arith.constant 80 : i32
        %add3A_742 = arith.addi %mul3A_420, %add3A_741 : i32
        %mul3A_743 = arith.constant 2 : i32
        %mul3A_744 = arith.muli %mul3A_743, %add3A_742 : i32
        %get3A_745 = arith.index_cast %mul3A_744 : i32 to index
        %get3A_746 = tpu.vector_load %arg9[%get3A_745] {strides = array<i32>} : memref<2048xf32, #tpu.memory_space<vmem>>, vector<16xf32>,
        %add3A_747 = arith.constant 80 : i32
        %add3A_748 = arith.addi %mul3A_420, %add3A_747 : i32
        %mul3A_749 = arith.constant 2 : i32
        %mul3A_750 = arith.muli %mul3A_749, %add3A_748 : i32
        %add3A_751 = arith.constant 16 : i32
        %add3A_752 = arith.addi %mul3A_750, %add3A_751 : i32
        %get3A_753 = arith.index_cast %add3A_752 : i32 to index
        %get3A_754 = tpu.vector_load %arg9[%get3A_753] {strides = array<i32>} : memref<2048xf32, #tpu.memory_space<vmem>>, vector<16xf32>,
        %add3A_755 = arith.constant 80 : i32
        %add3A_756 = arith.addi %mul3A_420, %add3A_755 : i32
        %add3A_757 = vector.broadcast %add3A_756 : i32 to vector<16xi32>
        %add3A_758 = arith.addi %iota3A, %add3A_757 : vector<16xi32>
        %gather3A_759 = tpu.vector_load_idx %arg11[%add3A_758, %broadcast_in_dim3A_3] : memref<1024x16xf32, #tpu.memory_space<vmem>>[vector<16xi32>, vector<16xi32>], vector<16xf32>,
        %gather3A_760 = tpu.vector_load_idx %arg11[%add3A_758, %broadcast_in_dim3A_19] : memref<1024x16xf32, #tpu.memory_space<vmem>>[vector<16xi32>, vector<16xi32>], vector<16xf32>,
        %mul3A_761 = arith.mulf %get3A_746, %gather3A_759 : vector<16xf32>
        %mul3A_762 = arith.mulf %get3A_754, %gather3A_760 : vector<16xf32>
        %add3A_763 = arith.addf %mul3A_761, %mul3A_762 : vector<16xf32>
        %add3A_764 = arith.addf %add3A_698, %add3A_763 : vector<16xf32>
        %gather3A_765 = tpu.vector_load_idx %arg11[%add3A_758, %broadcast_in_dim3A_5] : memref<1024x16xf32, #tpu.memory_space<vmem>>[vector<16xi32>, vector<16xi32>], vector<16xf32>,
        %gather3A_766 = tpu.vector_load_idx %arg11[%add3A_758, %broadcast_in_dim3A_21] : memref<1024x16xf32, #tpu.memory_space<vmem>>[vector<16xi32>, vector<16xi32>], vector<16xf32>,
        %mul3A_767 = arith.mulf %get3A_746, %gather3A_765 : vector<16xf32>
        %mul3A_768 = arith.mulf %get3A_754, %gather3A_766 : vector<16xf32>
        %add3A_769 = arith.addf %mul3A_767, %mul3A_768 : vector<16xf32>
        %add3A_770 = arith.addf %add3A_704, %add3A_769 : vector<16xf32>
        %gather3A_771 = tpu.vector_load_idx %arg11[%add3A_758, %broadcast_in_dim3A_7] : memref<1024x16xf32, #tpu.memory_space<vmem>>[vector<16xi32>, vector<16xi32>], vector<16xf32>,
        %gather3A_772 = tpu.vector_load_idx %arg11[%add3A_758, %broadcast_in_dim3A_23] : memref<1024x16xf32, #tpu.memory_space<vmem>>[vector<16xi32>, vector<16xi32>], vector<16xf32>,
        %mul3A_773 = arith.mulf %get3A_746, %gather3A_771 : vector<16xf32>
        %mul3A_774 = arith.mulf %get3A_754, %gather3A_772 : vector<16xf32>
        %add3A_775 = arith.addf %mul3A_773, %mul3A_774 : vector<16xf32>
        %add3A_776 = arith.addf %add3A_710, %add3A_775 : vector<16xf32>
        %gather3A_777 = tpu.vector_load_idx %arg11[%add3A_758, %broadcast_in_dim3A_9] : memref<1024x16xf32, #tpu.memory_space<vmem>>[vector<16xi32>, vector<16xi32>], vector<16xf32>,
        %gather3A_778 = tpu.vector_load_idx %arg11[%add3A_758, %broadcast_in_dim3A_25] : memref<1024x16xf32, #tpu.memory_space<vmem>>[vector<16xi32>, vector<16xi32>], vector<16xf32>,
        %mul3A_779 = arith.mulf %get3A_746, %gather3A_777 : vector<16xf32>
        %mul3A_780 = arith.mulf %get3A_754, %gather3A_778 : vector<16xf32>
        %add3A_781 = arith.addf %mul3A_779, %mul3A_780 : vector<16xf32>
        %add3A_782 = arith.addf %add3A_716, %add3A_781 : vector<16xf32>
        %gather3A_783 = tpu.vector_load_idx %arg11[%add3A_758, %broadcast_in_dim3A_11] : memref<1024x16xf32, #tpu.memory_space<vmem>>[vector<16xi32>, vector<16xi32>], vector<16xf32>,
        %gather3A_784 = tpu.vector_load_idx %arg11[%add3A_758, %broadcast_in_dim3A_27] : memref<1024x16xf32, #tpu.memory_space<vmem>>[vector<16xi32>, vector<16xi32>], vector<16xf32>,
        %mul3A_785 = arith.mulf %get3A_746, %gather3A_783 : vector<16xf32>
        %mul3A_786 = arith.mulf %get3A_754, %gather3A_784 : vector<16xf32>
        %add3A_787 = arith.addf %mul3A_785, %mul3A_786 : vector<16xf32>
        %add3A_788 = arith.addf %add3A_722, %add3A_787 : vector<16xf32>
        %gather3A_789 = tpu.vector_load_idx %arg11[%add3A_758, %broadcast_in_dim3A_13] : memref<1024x16xf32, #tpu.memory_space<vmem>>[vector<16xi32>, vector<16xi32>], vector<16xf32>,
        %gather3A_790 = tpu.vector_load_idx %arg11[%add3A_758, %broadcast_in_dim3A_29] : memref<1024x16xf32, #tpu.memory_space<vmem>>[vector<16xi32>, vector<16xi32>], vector<16xf32>,
        %mul3A_791 = arith.mulf %get3A_746, %gather3A_789 : vector<16xf32>
        %mul3A_792 = arith.mulf %get3A_754, %gather3A_790 : vector<16xf32>
        %add3A_793 = arith.addf %mul3A_791, %mul3A_792 : vector<16xf32>
        %add3A_794 = arith.addf %add3A_728, %add3A_793 : vector<16xf32>
        %gather3A_795 = tpu.vector_load_idx %arg11[%add3A_758, %broadcast_in_dim3A_15] : memref<1024x16xf32, #tpu.memory_space<vmem>>[vector<16xi32>, vector<16xi32>], vector<16xf32>,
        %gather3A_796 = tpu.vector_load_idx %arg11[%add3A_758, %broadcast_in_dim3A_31] : memref<1024x16xf32, #tpu.memory_space<vmem>>[vector<16xi32>, vector<16xi32>], vector<16xf32>,
        %mul3A_797 = arith.mulf %get3A_746, %gather3A_795 : vector<16xf32>
        %mul3A_798 = arith.mulf %get3A_754, %gather3A_796 : vector<16xf32>
        %add3A_799 = arith.addf %mul3A_797, %mul3A_798 : vector<16xf32>
        %add3A_800 = arith.addf %add3A_734, %add3A_799 : vector<16xf32>
        %gather3A_801 = tpu.vector_load_idx %arg11[%add3A_758, %broadcast_in_dim3A_17] : memref<1024x16xf32, #tpu.memory_space<vmem>>[vector<16xi32>, vector<16xi32>], vector<16xf32>,
        %gather3A_802 = tpu.vector_load_idx %arg11[%add3A_758, %broadcast_in_dim3A_33] : memref<1024x16xf32, #tpu.memory_space<vmem>>[vector<16xi32>, vector<16xi32>], vector<16xf32>,
        %mul3A_803 = arith.mulf %get3A_746, %gather3A_801 : vector<16xf32>
        %mul3A_804 = arith.mulf %get3A_754, %gather3A_802 : vector<16xf32>
        %add3A_805 = arith.addf %mul3A_803, %mul3A_804 : vector<16xf32>
        %add3A_806 = arith.addf %add3A_740, %add3A_805 : vector<16xf32>
        %add3A_807 = arith.constant 96 : i32
        %add3A_808 = arith.addi %mul3A_420, %add3A_807 : i32
        %mul3A_809 = arith.constant 2 : i32
        %mul3A_810 = arith.muli %mul3A_809, %add3A_808 : i32
        %get3A_811 = arith.index_cast %mul3A_810 : i32 to index
        %get3A_812 = tpu.vector_load %arg9[%get3A_811] {strides = array<i32>} : memref<2048xf32, #tpu.memory_space<vmem>>, vector<16xf32>,
        %add3A_813 = arith.constant 96 : i32
        %add3A_814 = arith.addi %mul3A_420, %add3A_813 : i32
        %mul3A_815 = arith.constant 2 : i32
        %mul3A_816 = arith.muli %mul3A_815, %add3A_814 : i32
        %add3A_817 = arith.constant 16 : i32
        %add3A_818 = arith.addi %mul3A_816, %add3A_817 : i32
        %get3A_819 = arith.index_cast %add3A_818 : i32 to index
        %get3A_820 = tpu.vector_load %arg9[%get3A_819] {strides = array<i32>} : memref<2048xf32, #tpu.memory_space<vmem>>, vector<16xf32>,
        %add3A_821 = arith.constant 96 : i32
        %add3A_822 = arith.addi %mul3A_420, %add3A_821 : i32
        %add3A_823 = vector.broadcast %add3A_822 : i32 to vector<16xi32>
        %add3A_824 = arith.addi %iota3A, %add3A_823 : vector<16xi32>
        %gather3A_825 = tpu.vector_load_idx %arg11[%add3A_824, %broadcast_in_dim3A_3] : memref<1024x16xf32, #tpu.memory_space<vmem>>[vector<16xi32>, vector<16xi32>], vector<16xf32>,
        %gather3A_826 = tpu.vector_load_idx %arg11[%add3A_824, %broadcast_in_dim3A_19] : memref<1024x16xf32, #tpu.memory_space<vmem>>[vector<16xi32>, vector<16xi32>], vector<16xf32>,
        %mul3A_827 = arith.mulf %get3A_812, %gather3A_825 : vector<16xf32>
        %mul3A_828 = arith.mulf %get3A_820, %gather3A_826 : vector<16xf32>
        %add3A_829 = arith.addf %mul3A_827, %mul3A_828 : vector<16xf32>
        %add3A_830 = arith.addf %add3A_764, %add3A_829 : vector<16xf32>
        %gather3A_831 = tpu.vector_load_idx %arg11[%add3A_824, %broadcast_in_dim3A_5] : memref<1024x16xf32, #tpu.memory_space<vmem>>[vector<16xi32>, vector<16xi32>], vector<16xf32>,
        %gather3A_832 = tpu.vector_load_idx %arg11[%add3A_824, %broadcast_in_dim3A_21] : memref<1024x16xf32, #tpu.memory_space<vmem>>[vector<16xi32>, vector<16xi32>], vector<16xf32>,
        %mul3A_833 = arith.mulf %get3A_812, %gather3A_831 : vector<16xf32>
        %mul3A_834 = arith.mulf %get3A_820, %gather3A_832 : vector<16xf32>
        %add3A_835 = arith.addf %mul3A_833, %mul3A_834 : vector<16xf32>
        %add3A_836 = arith.addf %add3A_770, %add3A_835 : vector<16xf32>
        %gather3A_837 = tpu.vector_load_idx %arg11[%add3A_824, %broadcast_in_dim3A_7] : memref<1024x16xf32, #tpu.memory_space<vmem>>[vector<16xi32>, vector<16xi32>], vector<16xf32>,
        %gather3A_838 = tpu.vector_load_idx %arg11[%add3A_824, %broadcast_in_dim3A_23] : memref<1024x16xf32, #tpu.memory_space<vmem>>[vector<16xi32>, vector<16xi32>], vector<16xf32>,
        %mul3A_839 = arith.mulf %get3A_812, %gather3A_837 : vector<16xf32>
        %mul3A_840 = arith.mulf %get3A_820, %gather3A_838 : vector<16xf32>
        %add3A_841 = arith.addf %mul3A_839, %mul3A_840 : vector<16xf32>
        %add3A_842 = arith.addf %add3A_776, %add3A_841 : vector<16xf32>
        %gather3A_843 = tpu.vector_load_idx %arg11[%add3A_824, %broadcast_in_dim3A_9] : memref<1024x16xf32, #tpu.memory_space<vmem>>[vector<16xi32>, vector<16xi32>], vector<16xf32>,
        %gather3A_844 = tpu.vector_load_idx %arg11[%add3A_824, %broadcast_in_dim3A_25] : memref<1024x16xf32, #tpu.memory_space<vmem>>[vector<16xi32>, vector<16xi32>], vector<16xf32>,
        %mul3A_845 = arith.mulf %get3A_812, %gather3A_843 : vector<16xf32>
        %mul3A_846 = arith.mulf %get3A_820, %gather3A_844 : vector<16xf32>
        %add3A_847 = arith.addf %mul3A_845, %mul3A_846 : vector<16xf32>
        %add3A_848 = arith.addf %add3A_782, %add3A_847 : vector<16xf32>
        %gather3A_849 = tpu.vector_load_idx %arg11[%add3A_824, %broadcast_in_dim3A_11] : memref<1024x16xf32, #tpu.memory_space<vmem>>[vector<16xi32>, vector<16xi32>], vector<16xf32>,
        %gather3A_850 = tpu.vector_load_idx %arg11[%add3A_824, %broadcast_in_dim3A_27] : memref<1024x16xf32, #tpu.memory_space<vmem>>[vector<16xi32>, vector<16xi32>], vector<16xf32>,
        %mul3A_851 = arith.mulf %get3A_812, %gather3A_849 : vector<16xf32>
        %mul3A_852 = arith.mulf %get3A_820, %gather3A_850 : vector<16xf32>
        %add3A_853 = arith.addf %mul3A_851, %mul3A_852 : vector<16xf32>
        %add3A_854 = arith.addf %add3A_788, %add3A_853 : vector<16xf32>
        %gather3A_855 = tpu.vector_load_idx %arg11[%add3A_824, %broadcast_in_dim3A_13] : memref<1024x16xf32, #tpu.memory_space<vmem>>[vector<16xi32>, vector<16xi32>], vector<16xf32>,
        %gather3A_856 = tpu.vector_load_idx %arg11[%add3A_824, %broadcast_in_dim3A_29] : memref<1024x16xf32, #tpu.memory_space<vmem>>[vector<16xi32>, vector<16xi32>], vector<16xf32>,
        %mul3A_857 = arith.mulf %get3A_812, %gather3A_855 : vector<16xf32>
        %mul3A_858 = arith.mulf %get3A_820, %gather3A_856 : vector<16xf32>
        %add3A_859 = arith.addf %mul3A_857, %mul3A_858 : vector<16xf32>
        %add3A_860 = arith.addf %add3A_794, %add3A_859 : vector<16xf32>
        %gather3A_861 = tpu.vector_load_idx %arg11[%add3A_824, %broadcast_in_dim3A_15] : memref<1024x16xf32, #tpu.memory_space<vmem>>[vector<16xi32>, vector<16xi32>], vector<16xf32>,
        %gather3A_862 = tpu.vector_load_idx %arg11[%add3A_824, %broadcast_in_dim3A_31] : memref<1024x16xf32, #tpu.memory_space<vmem>>[vector<16xi32>, vector<16xi32>], vector<16xf32>,
        %mul3A_863 = arith.mulf %get3A_812, %gather3A_861 : vector<16xf32>
        %mul3A_864 = arith.mulf %get3A_820, %gather3A_862 : vector<16xf32>
        %add3A_865 = arith.addf %mul3A_863, %mul3A_864 : vector<16xf32>
        %add3A_866 = arith.addf %add3A_800, %add3A_865 : vector<16xf32>
        %gather3A_867 = tpu.vector_load_idx %arg11[%add3A_824, %broadcast_in_dim3A_17] : memref<1024x16xf32, #tpu.memory_space<vmem>>[vector<16xi32>, vector<16xi32>], vector<16xf32>,
        %gather3A_868 = tpu.vector_load_idx %arg11[%add3A_824, %broadcast_in_dim3A_33] : memref<1024x16xf32, #tpu.memory_space<vmem>>[vector<16xi32>, vector<16xi32>], vector<16xf32>,
        %mul3A_869 = arith.mulf %get3A_812, %gather3A_867 : vector<16xf32>
        %mul3A_870 = arith.mulf %get3A_820, %gather3A_868 : vector<16xf32>
        %add3A_871 = arith.addf %mul3A_869, %mul3A_870 : vector<16xf32>
        %add3A_872 = arith.addf %add3A_806, %add3A_871 : vector<16xf32>
        %add3A_873 = arith.constant 112 : i32
        %add3A_874 = arith.addi %mul3A_420, %add3A_873 : i32
        %mul3A_875 = arith.constant 2 : i32
        %mul3A_876 = arith.muli %mul3A_875, %add3A_874 : i32
        %get3A_877 = arith.index_cast %mul3A_876 : i32 to index
        %get3A_878 = tpu.vector_load %arg9[%get3A_877] {strides = array<i32>} : memref<2048xf32, #tpu.memory_space<vmem>>, vector<16xf32>,
        %add3A_879 = arith.constant 112 : i32
        %add3A_880 = arith.addi %mul3A_420, %add3A_879 : i32
        %mul3A_881 = arith.constant 2 : i32
        %mul3A_882 = arith.muli %mul3A_881, %add3A_880 : i32
        %add3A_883 = arith.constant 16 : i32
        %add3A_884 = arith.addi %mul3A_882, %add3A_883 : i32
        %get3A_885 = arith.index_cast %add3A_884 : i32 to index
        %get3A_886 = tpu.vector_load %arg9[%get3A_885] {strides = array<i32>} : memref<2048xf32, #tpu.memory_space<vmem>>, vector<16xf32>,
        %add3A_887 = arith.constant 112 : i32
        %add3A_888 = arith.addi %mul3A_420, %add3A_887 : i32
        %add3A_889 = vector.broadcast %add3A_888 : i32 to vector<16xi32>
        %add3A_890 = arith.addi %iota3A, %add3A_889 : vector<16xi32>
        %gather3A_891 = tpu.vector_load_idx %arg11[%add3A_890, %broadcast_in_dim3A_3] : memref<1024x16xf32, #tpu.memory_space<vmem>>[vector<16xi32>, vector<16xi32>], vector<16xf32>,
        %gather3A_892 = tpu.vector_load_idx %arg11[%add3A_890, %broadcast_in_dim3A_19] : memref<1024x16xf32, #tpu.memory_space<vmem>>[vector<16xi32>, vector<16xi32>], vector<16xf32>,
        %mul3A_893 = arith.mulf %get3A_878, %gather3A_891 : vector<16xf32>
        %mul3A_894 = arith.mulf %get3A_886, %gather3A_892 : vector<16xf32>
        %add3A_895 = arith.addf %mul3A_893, %mul3A_894 : vector<16xf32>
        %add3A_896 = arith.addf %add3A_830, %add3A_895 : vector<16xf32>
        %gather3A_897 = tpu.vector_load_idx %arg11[%add3A_890, %broadcast_in_dim3A_5] : memref<1024x16xf32, #tpu.memory_space<vmem>>[vector<16xi32>, vector<16xi32>], vector<16xf32>,
        %gather3A_898 = tpu.vector_load_idx %arg11[%add3A_890, %broadcast_in_dim3A_21] : memref<1024x16xf32, #tpu.memory_space<vmem>>[vector<16xi32>, vector<16xi32>], vector<16xf32>,
        %mul3A_899 = arith.mulf %get3A_878, %gather3A_897 : vector<16xf32>
        %mul3A_900 = arith.mulf %get3A_886, %gather3A_898 : vector<16xf32>
        %add3A_901 = arith.addf %mul3A_899, %mul3A_900 : vector<16xf32>
        %add3A_902 = arith.addf %add3A_836, %add3A_901 : vector<16xf32>
        %gather3A_903 = tpu.vector_load_idx %arg11[%add3A_890, %broadcast_in_dim3A_7] : memref<1024x16xf32, #tpu.memory_space<vmem>>[vector<16xi32>, vector<16xi32>], vector<16xf32>,
        %gather3A_904 = tpu.vector_load_idx %arg11[%add3A_890, %broadcast_in_dim3A_23] : memref<1024x16xf32, #tpu.memory_space<vmem>>[vector<16xi32>, vector<16xi32>], vector<16xf32>,
        %mul3A_905 = arith.mulf %get3A_878, %gather3A_903 : vector<16xf32>
        %mul3A_906 = arith.mulf %get3A_886, %gather3A_904 : vector<16xf32>
        %add3A_907 = arith.addf %mul3A_905, %mul3A_906 : vector<16xf32>
        %add3A_908 = arith.addf %add3A_842, %add3A_907 : vector<16xf32>
        %gather3A_909 = tpu.vector_load_idx %arg11[%add3A_890, %broadcast_in_dim3A_9] : memref<1024x16xf32, #tpu.memory_space<vmem>>[vector<16xi32>, vector<16xi32>], vector<16xf32>,
        %gather3A_910 = tpu.vector_load_idx %arg11[%add3A_890, %broadcast_in_dim3A_25] : memref<1024x16xf32, #tpu.memory_space<vmem>>[vector<16xi32>, vector<16xi32>], vector<16xf32>,
        %mul3A_911 = arith.mulf %get3A_878, %gather3A_909 : vector<16xf32>
        %mul3A_912 = arith.mulf %get3A_886, %gather3A_910 : vector<16xf32>
        %add3A_913 = arith.addf %mul3A_911, %mul3A_912 : vector<16xf32>
        %add3A_914 = arith.addf %add3A_848, %add3A_913 : vector<16xf32>
        %gather3A_915 = tpu.vector_load_idx %arg11[%add3A_890, %broadcast_in_dim3A_11] : memref<1024x16xf32, #tpu.memory_space<vmem>>[vector<16xi32>, vector<16xi32>], vector<16xf32>,
        %gather3A_916 = tpu.vector_load_idx %arg11[%add3A_890, %broadcast_in_dim3A_27] : memref<1024x16xf32, #tpu.memory_space<vmem>>[vector<16xi32>, vector<16xi32>], vector<16xf32>,
        %mul3A_917 = arith.mulf %get3A_878, %gather3A_915 : vector<16xf32>
        %mul3A_918 = arith.mulf %get3A_886, %gather3A_916 : vector<16xf32>
        %add3A_919 = arith.addf %mul3A_917, %mul3A_918 : vector<16xf32>
        %add3A_920 = arith.addf %add3A_854, %add3A_919 : vector<16xf32>
        %gather3A_921 = tpu.vector_load_idx %arg11[%add3A_890, %broadcast_in_dim3A_13] : memref<1024x16xf32, #tpu.memory_space<vmem>>[vector<16xi32>, vector<16xi32>], vector<16xf32>,
        %gather3A_922 = tpu.vector_load_idx %arg11[%add3A_890, %broadcast_in_dim3A_29] : memref<1024x16xf32, #tpu.memory_space<vmem>>[vector<16xi32>, vector<16xi32>], vector<16xf32>,
        %mul3A_923 = arith.mulf %get3A_878, %gather3A_921 : vector<16xf32>
        %mul3A_924 = arith.mulf %get3A_886, %gather3A_922 : vector<16xf32>
        %add3A_925 = arith.addf %mul3A_923, %mul3A_924 : vector<16xf32>
        %add3A_926 = arith.addf %add3A_860, %add3A_925 : vector<16xf32>
        %gather3A_927 = tpu.vector_load_idx %arg11[%add3A_890, %broadcast_in_dim3A_15] : memref<1024x16xf32, #tpu.memory_space<vmem>>[vector<16xi32>, vector<16xi32>], vector<16xf32>,
        %gather3A_928 = tpu.vector_load_idx %arg11[%add3A_890, %broadcast_in_dim3A_31] : memref<1024x16xf32, #tpu.memory_space<vmem>>[vector<16xi32>, vector<16xi32>], vector<16xf32>,
        %mul3A_929 = arith.mulf %get3A_878, %gather3A_927 : vector<16xf32>
        %mul3A_930 = arith.mulf %get3A_886, %gather3A_928 : vector<16xf32>
        %add3A_931 = arith.addf %mul3A_929, %mul3A_930 : vector<16xf32>
        %add3A_932 = arith.addf %add3A_866, %add3A_931 : vector<16xf32>
        %gather3A_933 = tpu.vector_load_idx %arg11[%add3A_890, %broadcast_in_dim3A_17] : memref<1024x16xf32, #tpu.memory_space<vmem>>[vector<16xi32>, vector<16xi32>], vector<16xf32>,
        %gather3A_934 = tpu.vector_load_idx %arg11[%add3A_890, %broadcast_in_dim3A_33] : memref<1024x16xf32, #tpu.memory_space<vmem>>[vector<16xi32>, vector<16xi32>], vector<16xf32>,
        %mul3A_935 = arith.mulf %get3A_878, %gather3A_933 : vector<16xf32>
        %mul3A_936 = arith.mulf %get3A_886, %gather3A_934 : vector<16xf32>
        %add3A_937 = arith.addf %mul3A_935, %mul3A_936 : vector<16xf32>
        %add3A_938 = arith.addf %add3A_872, %add3A_937 : vector<16xf32>
        %mul3A_939 = arith.constant 16 : i32
        %mul3A_940 = arith.muli %add3A_418, %mul3A_939 : i32
        %swap3A = arith.constant 0 : i32
        %swap3A_941 = arith.index_cast %swap3A : i32 to index
        %swap3A_942 = arith.index_cast %mul3A_940 : i32 to index
        %swap3A_943 = tpu.vector_load %arg13[%swap3A_941, %swap3A_942] {strides = array<i32>} : memref<8x128xf32, #tpu.memory_space<vmem>>, vector<16xf32>,
        tpu.vector_store %arg13[%swap3A_941, %swap3A_942], %add3A_896 {strides = array<i32>} : memref<8x128xf32, #tpu.memory_space<vmem>>, vector<16xf32>,
        %mul3A_944 = arith.constant 16 : i32
        %mul3A_945 = arith.muli %add3A_418, %mul3A_944 : i32
        %swap3A_946 = arith.constant 1 : i32
        %swap3A_947 = arith.index_cast %swap3A_946 : i32 to index
        %swap3A_948 = arith.index_cast %mul3A_945 : i32 to index
        %swap3A_949 = tpu.vector_load %arg13[%swap3A_947, %swap3A_948] {strides = array<i32>} : memref<8x128xf32, #tpu.memory_space<vmem>>, vector<16xf32>,
        tpu.vector_store %arg13[%swap3A_947, %swap3A_948], %add3A_902 {strides = array<i32>} : memref<8x128xf32, #tpu.memory_space<vmem>>, vector<16xf32>,
        %mul3A_950 = arith.constant 16 : i32
        %mul3A_951 = arith.muli %add3A_418, %mul3A_950 : i32
        %swap3A_952 = arith.constant 2 : i32
        %swap3A_953 = arith.index_cast %swap3A_952 : i32 to index
        %swap3A_954 = arith.index_cast %mul3A_951 : i32 to index
        %swap3A_955 = tpu.vector_load %arg13[%swap3A_953, %swap3A_954] {strides = array<i32>} : memref<8x128xf32, #tpu.memory_space<vmem>>, vector<16xf32>,
        tpu.vector_store %arg13[%swap3A_953, %swap3A_954], %add3A_908 {strides = array<i32>} : memref<8x128xf32, #tpu.memory_space<vmem>>, vector<16xf32>,
        %mul3A_956 = arith.constant 16 : i32
        %mul3A_957 = arith.muli %add3A_418, %mul3A_956 : i32
        %swap3A_958 = arith.constant 3 : i32
        %swap3A_959 = arith.index_cast %swap3A_958 : i32 to index
        %swap3A_960 = arith.index_cast %mul3A_957 : i32 to index
        %swap3A_961 = tpu.vector_load %arg13[%swap3A_959, %swap3A_960] {strides = array<i32>} : memref<8x128xf32, #tpu.memory_space<vmem>>, vector<16xf32>,
        tpu.vector_store %arg13[%swap3A_959, %swap3A_960], %add3A_914 {strides = array<i32>} : memref<8x128xf32, #tpu.memory_space<vmem>>, vector<16xf32>,
        %mul3A_962 = arith.constant 16 : i32
        %mul3A_963 = arith.muli %add3A_418, %mul3A_962 : i32
        %swap3A_964 = arith.constant 4 : i32
        %swap3A_965 = arith.index_cast %swap3A_964 : i32 to index
        %swap3A_966 = arith.index_cast %mul3A_963 : i32 to index
        %swap3A_967 = tpu.vector_load %arg13[%swap3A_965, %swap3A_966] {strides = array<i32>} : memref<8x128xf32, #tpu.memory_space<vmem>>, vector<16xf32>,
        tpu.vector_store %arg13[%swap3A_965, %swap3A_966], %add3A_920 {strides = array<i32>} : memref<8x128xf32, #tpu.memory_space<vmem>>, vector<16xf32>,
        %mul3A_968 = arith.constant 16 : i32
        %mul3A_969 = arith.muli %add3A_418, %mul3A_968 : i32
        %swap3A_970 = arith.constant 5 : i32
        %swap3A_971 = arith.index_cast %swap3A_970 : i32 to index
        %swap3A_972 = arith.index_cast %mul3A_969 : i32 to index
        %swap3A_973 = tpu.vector_load %arg13[%swap3A_971, %swap3A_972] {strides = array<i32>} : memref<8x128xf32, #tpu.memory_space<vmem>>, vector<16xf32>,
        tpu.vector_store %arg13[%swap3A_971, %swap3A_972], %add3A_926 {strides = array<i32>} : memref<8x128xf32, #tpu.memory_space<vmem>>, vector<16xf32>,
        %mul3A_974 = arith.constant 16 : i32
        %mul3A_975 = arith.muli %add3A_418, %mul3A_974 : i32
        %swap3A_976 = arith.constant 6 : i32
        %swap3A_977 = arith.index_cast %swap3A_976 : i32 to index
        %swap3A_978 = arith.index_cast %mul3A_975 : i32 to index
        %swap3A_979 = tpu.vector_load %arg13[%swap3A_977, %swap3A_978] {strides = array<i32>} : memref<8x128xf32, #tpu.memory_space<vmem>>, vector<16xf32>,
        tpu.vector_store %arg13[%swap3A_977, %swap3A_978], %add3A_932 {strides = array<i32>} : memref<8x128xf32, #tpu.memory_space<vmem>>, vector<16xf32>,
        %mul3A_980 = arith.constant 16 : i32
        %mul3A_981 = arith.muli %add3A_418, %mul3A_980 : i32
        %swap3A_982 = arith.constant 7 : i32
        %swap3A_983 = arith.index_cast %swap3A_982 : i32 to index
        %swap3A_984 = arith.index_cast %mul3A_981 : i32 to index
        %swap3A_985 = tpu.vector_load %arg13[%swap3A_983, %swap3A_984] {strides = array<i32>} : memref<8x128xf32, #tpu.memory_space<vmem>>, vector<16xf32>,
        tpu.vector_store %arg13[%swap3A_983, %swap3A_984], %add3A_938 {strides = array<i32>} : memref<8x128xf32, #tpu.memory_space<vmem>>, vector<16xf32>,
      }
      %scan3A_292 = arith.constant 8 : i32
      %jit3A_293 = arith.constant 128 : i32
      %div3A_294 = arith.divsi %add3A_129, %jit3A_293 : i32
      %sign3A_295 = arith.constant 0 : i32
      %sign3A_296 = arith.cmpi sgt, %add3A_129, %sign3A_295 : i32
      %sign3A_297 = arith.extui %sign3A_296 : i1 to i32
      %sign3A_298 = arith.constant 0 : i32
      %sign3A_299 = arith.cmpi slt, %add3A_129, %sign3A_298 : i32
      %sign3A_300 = arith.extui %sign3A_299 : i1 to i32
      %sign3A_301 = arith.subi %sign3A_297, %sign3A_300 : i32
      %sign3A_302 = arith.constant 0 : i32
      %sign3A_303 = arith.cmpi sgt, %jit3A_293, %sign3A_302 : i32
      %sign3A_304 = arith.extui %sign3A_303 : i1 to i32
      %sign3A_305 = arith.constant 0 : i32
      %sign3A_306 = arith.cmpi slt, %jit3A_293, %sign3A_305 : i32
      %sign3A_307 = arith.extui %sign3A_306 : i1 to i32
      %sign3A_308 = arith.subi %sign3A_304, %sign3A_307 : i32
      %ne3A_309 = arith.cmpi ne, %sign3A_301, %sign3A_308 : i32
      %rem3A_310 = arith.remsi %add3A_129, %jit3A_293 : i32
      %ne3A_311 = arith.constant 0 : i32
      %ne3A_312 = arith.cmpi ne, %rem3A_310, %ne3A_311 : i32
      %and3A_313 = arith.andi %ne3A_309, %ne3A_312 : i1
      %sub3A_314 = arith.constant 1 : i32
      %sub3A_315 = arith.subi %div3A_294, %sub3A_314 : i32
      %select_n3A_316 = arith.select %and3A_313, %sub3A_315, %div3A_294 : i32
      "tpu.region"() ({
        %run_scoped3A = tpu.sem_alloc : memref<!tpu.dma_semaphore, #tpu.memory_space<semaphore_mem>>
        %dma_start3A_414 = arith.constant 0 : i32
        %dma_start3A_415 = arith.constant 0 : i32
        %dma_start3A_416 = tpu.memref_slice %arg4[%select_n3A_316, %dma_start3A_414, %dma_start3A_415] : memref<8192x8x128xf32, #tpu.memory_space<hbm>> -> memref<1x8x128xf32, #tpu.memory_space<hbm>>
        %dma_start3A_417 = tpu.memref_squeeze %dma_start3A_416 : memref<1x8x128xf32, #tpu.memory_space<hbm>> -> memref<8x128xf32, #tpu.memory_space<hbm>>
        %dma_start3A_418 = arith.constant 0 : i32
        %dma_start3A_419 = arith.constant 0 : i32
        %dma_start3A_420 = tpu.memref_slice %arg4[%select_n3A_316, %dma_start3A_418, %dma_start3A_419] : memref<8192x8x128xf32, #tpu.memory_space<hbm>> -> memref<1x8x128xf32, #tpu.memory_space<hbm>>
        %dma_start3A_421 = tpu.memref_squeeze %dma_start3A_420 : memref<1x8x128xf32, #tpu.memory_space<hbm>> -> memref<8x128xf32, #tpu.memory_space<hbm>>
        tpu.enqueue_dma source(%arg13 : memref<8x128xf32, #tpu.memory_space<vmem>>) target(%dma_start3A_421 : memref<8x128xf32, #tpu.memory_space<hbm>>) target_semaphore(%run_scoped3A : memref<!tpu.dma_semaphore, #tpu.memory_space<semaphore_mem>>)
        %dma_wait3A_422 = arith.constant 0 : i32
        %dma_wait3A_423 = arith.constant 0 : i32
        %dma_wait3A_424 = tpu.memref_slice %arg4[%select_n3A_316, %dma_wait3A_422, %dma_wait3A_423] : memref<8192x8x128xf32, #tpu.memory_space<hbm>> -> memref<1x8x128xf32, #tpu.memory_space<hbm>>
        %dma_wait3A_425 = tpu.memref_squeeze %dma_wait3A_424 : memref<1x8x128xf32, #tpu.memory_space<hbm>> -> memref<8x128xf32, #tpu.memory_space<hbm>>
        %dma_wait3A_426 = arith.constant 0 : i32
        %dma_wait3A_427 = arith.constant 0 : i32
        %dma_wait3A_428 = tpu.memref_slice %arg4[%select_n3A_316, %dma_wait3A_426, %dma_wait3A_427] : memref<8192x8x128xf32, #tpu.memory_space<hbm>> -> memref<1x8x128xf32, #tpu.memory_space<hbm>>
        %dma_wait3A_429 = tpu.memref_squeeze %dma_wait3A_428 : memref<1x8x128xf32, #tpu.memory_space<hbm>> -> memref<8x128xf32, #tpu.memory_space<hbm>>
        tpu.wait_dma2 semaphore(%run_scoped3A : memref<!tpu.dma_semaphore, #tpu.memory_space<semaphore_mem>>) src(%arg13 : memref<8x128xf32, #tpu.memory_space<vmem>>) dst(%dma_wait3A_429 : memref<8x128xf32, #tpu.memory_space<hbm>>)
        tpu.yield
      }) : () -> ()
      %add3A_317 = arith.constant 2 : i32
      %add3A_318 = arith.addi %add3A_126, %add3A_317 : i32
      %lt3A = arith.constant 256 : i32
      %lt3A_319 = arith.cmpi slt, %add3A_318, %lt3A : i32
      %convert_element_type3A = arith.extui %lt3A_319 : i1 to i32
      %cond3A = arith.constant 0 : i32
      %cond3A_320 = arith.cmpi ne, %convert_element_type3A, %cond3A : i32
      scf.if %cond3A_320 {
        %add3A_414 = arith.constant 128 : i32
        %add3A_415 = arith.addi %add3A_131, %add3A_414 : i32
        %jit3A_416 = arith.constant 128 : i32
        %div3A_417 = arith.divsi %add3A_415, %jit3A_416 : i32
        %sign3A_418 = arith.constant 0 : i32
        %sign3A_419 = arith.cmpi sgt, %add3A_415, %sign3A_418 : i32
        %sign3A_420 = arith.extui %sign3A_419 : i1 to i32
        %sign3A_421 = arith.constant 0 : i32
        %sign3A_422 = arith.cmpi slt, %add3A_415, %sign3A_421 : i32
        %sign3A_423 = arith.extui %sign3A_422 : i1 to i32
        %sign3A_424 = arith.subi %sign3A_420, %sign3A_423 : i32
        %sign3A_425 = arith.constant 0 : i32
        %sign3A_426 = arith.cmpi sgt, %jit3A_416, %sign3A_425 : i32
        %sign3A_427 = arith.extui %sign3A_426 : i1 to i32
        %sign3A_428 = arith.constant 0 : i32
        %sign3A_429 = arith.cmpi slt, %jit3A_416, %sign3A_428 : i32
        %sign3A_430 = arith.extui %sign3A_429 : i1 to i32
        %sign3A_431 = arith.subi %sign3A_427, %sign3A_430 : i32
        %ne3A_432 = arith.cmpi ne, %sign3A_424, %sign3A_431 : i32
        %rem3A_433 = arith.remsi %add3A_415, %jit3A_416 : i32
        %ne3A_434 = arith.constant 0 : i32
        %ne3A_435 = arith.cmpi ne, %rem3A_433, %ne3A_434 : i32
        %and3A_436 = arith.andi %ne3A_432, %ne3A_435 : i1
        %sub3A_437 = arith.constant 1 : i32
        %sub3A_438 = arith.subi %div3A_417, %sub3A_437 : i32
        %select_n3A_439 = arith.select %and3A_436, %sub3A_438, %div3A_417 : i32
        "tpu.region"() ({
          %run_scoped3A = tpu.sem_alloc : memref<!tpu.dma_semaphore, #tpu.memory_space<semaphore_mem>>
          %dma_start3A_509 = arith.constant 0 : i32
          %dma_start3A_510 = arith.constant 0 : i32
          %dma_start3A_511 = tpu.memref_slice %arg2[%select_n3A_439, %dma_start3A_509, %dma_start3A_510] : memref<8192x4x128xf32, #tpu.memory_space<hbm>> -> memref<1x4x128xf32, #tpu.memory_space<hbm>>
          %dma_start3A_512 = tpu.memref_squeeze %dma_start3A_511 : memref<1x4x128xf32, #tpu.memory_space<hbm>> -> memref<4x128xf32, #tpu.memory_space<hbm>>
          %dma_start3A_513 = arith.constant 0 : i32
          %dma_start3A_514 = arith.constant 0 : i32
          %dma_start3A_515 = tpu.memref_slice %arg2[%select_n3A_439, %dma_start3A_513, %dma_start3A_514] : memref<8192x4x128xf32, #tpu.memory_space<hbm>> -> memref<1x4x128xf32, #tpu.memory_space<hbm>>
          %dma_start3A_516 = tpu.memref_squeeze %dma_start3A_515 : memref<1x4x128xf32, #tpu.memory_space<hbm>> -> memref<4x128xf32, #tpu.memory_space<hbm>>
          tpu.enqueue_dma source(%dma_start3A_516 : memref<4x128xf32, #tpu.memory_space<hbm>>) target(%arg5 : memref<4x128xf32, #tpu.memory_space<vmem>>) target_semaphore(%run_scoped3A : memref<!tpu.dma_semaphore, #tpu.memory_space<semaphore_mem>>)
          %dma_wait3A_517 = arith.constant 0 : i32
          %dma_wait3A_518 = arith.constant 0 : i32
          %dma_wait3A_519 = tpu.memref_slice %arg2[%select_n3A_439, %dma_wait3A_517, %dma_wait3A_518] : memref<8192x4x128xf32, #tpu.memory_space<hbm>> -> memref<1x4x128xf32, #tpu.memory_space<hbm>>
          %dma_wait3A_520 = tpu.memref_squeeze %dma_wait3A_519 : memref<1x4x128xf32, #tpu.memory_space<hbm>> -> memref<4x128xf32, #tpu.memory_space<hbm>>
          %dma_wait3A_521 = arith.constant 0 : i32
          %dma_wait3A_522 = arith.constant 0 : i32
          %dma_wait3A_523 = tpu.memref_slice %arg2[%select_n3A_439, %dma_wait3A_521, %dma_wait3A_522] : memref<8192x4x128xf32, #tpu.memory_space<hbm>> -> memref<1x4x128xf32, #tpu.memory_space<hbm>>
          %dma_wait3A_524 = tpu.memref_squeeze %dma_wait3A_523 : memref<1x4x128xf32, #tpu.memory_space<hbm>> -> memref<4x128xf32, #tpu.memory_space<hbm>>
          tpu.wait_dma2 semaphore(%run_scoped3A : memref<!tpu.dma_semaphore, #tpu.memory_space<semaphore_mem>>) src(%dma_wait3A_524 : memref<4x128xf32, #tpu.memory_space<hbm>>) dst(%arg5 : memref<4x128xf32, #tpu.memory_space<vmem>>)
          tpu.yield
        }) : () -> ()
        %scan3A_440 = arith.constant 0 : i32
        %scan3A_441 = arith.constant 8 : i32
        %scan3A_442 = arith.addi %scan3A_440, %scan3A_441 : i32
        %scan3A_443 = arith.constant 1 : i32
        scf.for %scan3A_509 = %scan3A_440 to %scan3A_442 step %scan3A_443  : i32 {
          %mul3A_510 = arith.constant 1 : i32
          %mul3A_511 = arith.muli %scan3A_509, %mul3A_510 : i32
          %add3A_512 = arith.constant 0 : i32
          %add3A_513 = arith.addi %add3A_512, %mul3A_511 : i32
          %mul3A_514 = arith.constant 16 : i32
          %mul3A_515 = arith.muli %add3A_513, %mul3A_514 : i32
          %get3A = arith.constant 0 : i32
          %get3A_516 = arith.index_cast %get3A : i32 to index
          %get3A_517 = arith.index_cast %mul3A_515 : i32 to index
          %get3A_518 = tpu.vector_load %arg5[%get3A_516, %get3A_517] {strides = array<i32>} : memref<4x128xf32, #tpu.memory_space<vmem>>, vector<16xf32>,
          %mul3A_519 = arith.constant 3.200000e+01 : f32
          %mul3A_520 = vector.broadcast %mul3A_519 : f32 to vector<16xf32>
          %mul3A_521 = arith.mulf %get3A_518, %mul3A_520 : vector<16xf32>
          %add3A_522 = arith.constant 3.200000e+01 : f32
          %add3A_523 = vector.broadcast %add3A_522 : f32 to vector<16xf32>
          %add3A_524 = arith.addf %mul3A_521, %add3A_523 : vector<16xf32>
          %convert_element_type3A_525 = arith.fptosi %add3A_524 : vector<16xf32> to vector<16xi32>
          %convert_element_type3A_526 = arith.sitofp %convert_element_type3A_525 : vector<16xi32> to vector<16xf32>
          %sub3A_527 = arith.subf %add3A_524, %convert_element_type3A_526 : vector<16xf32>
          %max3A = arith.constant 0 : i32
          %max3A_528 = vector.broadcast %max3A : i32 to vector<16xi32>
          %max3A_529 = arith.maxsi %convert_element_type3A_525, %max3A_528 : vector<16xi32>
          %min3A = arith.constant 63 : i32
          %min3A_530 = vector.broadcast %min3A : i32 to vector<16xi32>
          %min3A_531 = arith.minsi %max3A_529, %min3A_530 : vector<16xi32>
          %add3A_532 = arith.constant 1 : i32
          %add3A_533 = vector.broadcast %add3A_532 : i32 to vector<16xi32>
          %add3A_534 = arith.addi %min3A_531, %add3A_533 : vector<16xi32>
          %min3A_535 = arith.constant 63 : i32
          %min3A_536 = vector.broadcast %min3A_535 : i32 to vector<16xi32>
          %min3A_537 = arith.minsi %add3A_534, %min3A_536 : vector<16xi32>
          %mul3A_538 = arith.constant 16 : i32
          %mul3A_539 = arith.muli %add3A_513, %mul3A_538 : i32
          %get3A_540 = arith.constant 1 : i32
          %get3A_541 = arith.index_cast %get3A_540 : i32 to index
          %get3A_542 = arith.index_cast %mul3A_539 : i32 to index
          %get3A_543 = tpu.vector_load %arg5[%get3A_541, %get3A_542] {strides = array<i32>} : memref<4x128xf32, #tpu.memory_space<vmem>>, vector<16xf32>,
          %mul3A_544 = arith.constant 3.200000e+01 : f32
          %mul3A_545 = vector.broadcast %mul3A_544 : f32 to vector<16xf32>
          %mul3A_546 = arith.mulf %get3A_543, %mul3A_545 : vector<16xf32>
          %add3A_547 = arith.constant 3.200000e+01 : f32
          %add3A_548 = vector.broadcast %add3A_547 : f32 to vector<16xf32>
          %add3A_549 = arith.addf %mul3A_546, %add3A_548 : vector<16xf32>
          %convert_element_type3A_550 = arith.fptosi %add3A_549 : vector<16xf32> to vector<16xi32>
          %convert_element_type3A_551 = arith.sitofp %convert_element_type3A_550 : vector<16xi32> to vector<16xf32>
          %sub3A_552 = arith.subf %add3A_549, %convert_element_type3A_551 : vector<16xf32>
          %max3A_553 = arith.constant 0 : i32
          %max3A_554 = vector.broadcast %max3A_553 : i32 to vector<16xi32>
          %max3A_555 = arith.maxsi %convert_element_type3A_550, %max3A_554 : vector<16xi32>
          %min3A_556 = arith.constant 63 : i32
          %min3A_557 = vector.broadcast %min3A_556 : i32 to vector<16xi32>
          %min3A_558 = arith.minsi %max3A_555, %min3A_557 : vector<16xi32>
          %add3A_559 = arith.constant 1 : i32
          %add3A_560 = vector.broadcast %add3A_559 : i32 to vector<16xi32>
          %add3A_561 = arith.addi %min3A_558, %add3A_560 : vector<16xi32>
          %min3A_562 = arith.constant 63 : i32
          %min3A_563 = vector.broadcast %min3A_562 : i32 to vector<16xi32>
          %min3A_564 = arith.minsi %add3A_561, %min3A_563 : vector<16xi32>
          %mul3A_565 = arith.constant 16 : i32
          %mul3A_566 = arith.muli %add3A_513, %mul3A_565 : i32
          %get3A_567 = arith.constant 2 : i32
          %get3A_568 = arith.index_cast %get3A_567 : i32 to index
          %get3A_569 = arith.index_cast %mul3A_566 : i32 to index
          %get3A_570 = tpu.vector_load %arg5[%get3A_568, %get3A_569] {strides = array<i32>} : memref<4x128xf32, #tpu.memory_space<vmem>>, vector<16xf32>,
          %mul3A_571 = arith.constant 3.200000e+01 : f32
          %mul3A_572 = vector.broadcast %mul3A_571 : f32 to vector<16xf32>
          %mul3A_573 = arith.mulf %get3A_570, %mul3A_572 : vector<16xf32>
          %add3A_574 = arith.constant 3.200000e+01 : f32
          %add3A_575 = vector.broadcast %add3A_574 : f32 to vector<16xf32>
          %add3A_576 = arith.addf %mul3A_573, %add3A_575 : vector<16xf32>
          %convert_element_type3A_577 = arith.fptosi %add3A_576 : vector<16xf32> to vector<16xi32>
          %convert_element_type3A_578 = arith.sitofp %convert_element_type3A_577 : vector<16xi32> to vector<16xf32>
          %sub3A_579 = arith.subf %add3A_576, %convert_element_type3A_578 : vector<16xf32>
          %max3A_580 = arith.constant 0 : i32
          %max3A_581 = vector.broadcast %max3A_580 : i32 to vector<16xi32>
          %max3A_582 = arith.maxsi %convert_element_type3A_577, %max3A_581 : vector<16xi32>
          %min3A_583 = arith.constant 63 : i32
          %min3A_584 = vector.broadcast %min3A_583 : i32 to vector<16xi32>
          %min3A_585 = arith.minsi %max3A_582, %min3A_584 : vector<16xi32>
          %add3A_586 = arith.constant 1 : i32
          %add3A_587 = vector.broadcast %add3A_586 : i32 to vector<16xi32>
          %add3A_588 = arith.addi %min3A_585, %add3A_587 : vector<16xi32>
          %min3A_589 = arith.constant 63 : i32
          %min3A_590 = vector.broadcast %min3A_589 : i32 to vector<16xi32>
          %min3A_591 = arith.minsi %add3A_588, %min3A_590 : vector<16xi32>
          %mul3A_592 = arith.constant 16 : i32
          %mul3A_593 = arith.muli %add3A_513, %mul3A_592 : i32
          %get3A_594 = arith.constant 3 : i32
          %get3A_595 = arith.index_cast %get3A_594 : i32 to index
          %get3A_596 = arith.index_cast %mul3A_593 : i32 to index
          %get3A_597 = tpu.vector_load %arg5[%get3A_595, %get3A_596] {strides = array<i32>} : memref<4x128xf32, #tpu.memory_space<vmem>>, vector<16xf32>,
          %mul3A_598 = arith.constant 1.600000e+01 : f32
          %mul3A_599 = vector.broadcast %mul3A_598 : f32 to vector<16xf32>
          %mul3A_600 = arith.mulf %get3A_597, %mul3A_599 : vector<16xf32>
          %add3A_601 = arith.constant 1.600000e+01 : f32
          %add3A_602 = vector.broadcast %add3A_601 : f32 to vector<16xf32>
          %add3A_603 = arith.addf %mul3A_600, %add3A_602 : vector<16xf32>
          %convert_element_type3A_604 = arith.fptosi %add3A_603 : vector<16xf32> to vector<16xi32>
          %convert_element_type3A_605 = arith.sitofp %convert_element_type3A_604 : vector<16xi32> to vector<16xf32>
          %sub3A_606 = arith.subf %add3A_603, %convert_element_type3A_605 : vector<16xf32>
          %max3A_607 = arith.constant 0 : i32
          %max3A_608 = vector.broadcast %max3A_607 : i32 to vector<16xi32>
          %max3A_609 = arith.maxsi %convert_element_type3A_604, %max3A_608 : vector<16xi32>
          %min3A_610 = arith.constant 31 : i32
          %min3A_611 = vector.broadcast %min3A_610 : i32 to vector<16xi32>
          %min3A_612 = arith.minsi %max3A_609, %min3A_611 : vector<16xi32>
          %add3A_613 = arith.constant 1 : i32
          %add3A_614 = vector.broadcast %add3A_613 : i32 to vector<16xi32>
          %add3A_615 = arith.addi %min3A_612, %add3A_614 : vector<16xi32>
          %min3A_616 = arith.constant 31 : i32
          %min3A_617 = vector.broadcast %min3A_616 : i32 to vector<16xi32>
          %min3A_618 = arith.minsi %add3A_615, %min3A_617 : vector<16xi32>
          %mul3A_619 = arith.constant 131072 : i32
          %mul3A_620 = vector.broadcast %mul3A_619 : i32 to vector<16xi32>
          %mul3A_621 = arith.muli %min3A_531, %mul3A_620 : vector<16xi32>
          %mul3A_622 = arith.constant 131072 : i32
          %mul3A_623 = vector.broadcast %mul3A_622 : i32 to vector<16xi32>
          %mul3A_624 = arith.muli %min3A_537, %mul3A_623 : vector<16xi32>
          %mul3A_625 = arith.constant 2048 : i32
          %mul3A_626 = vector.broadcast %mul3A_625 : i32 to vector<16xi32>
          %mul3A_627 = arith.muli %min3A_558, %mul3A_626 : vector<16xi32>
          %mul3A_628 = arith.constant 2048 : i32
          %mul3A_629 = vector.broadcast %mul3A_628 : i32 to vector<16xi32>
          %mul3A_630 = arith.muli %min3A_564, %mul3A_629 : vector<16xi32>
          %mul3A_631 = arith.constant 32 : i32
          %mul3A_632 = vector.broadcast %mul3A_631 : i32 to vector<16xi32>
          %mul3A_633 = arith.muli %min3A_585, %mul3A_632 : vector<16xi32>
          %mul3A_634 = arith.constant 32 : i32
          %mul3A_635 = vector.broadcast %mul3A_634 : i32 to vector<16xi32>
          %mul3A_636 = arith.muli %min3A_591, %mul3A_635 : vector<16xi32>
          %sub3A_637 = arith.constant 1.000000e+00 : f32
          %sub3A_638 = vector.broadcast %sub3A_637 : f32 to vector<16xf32>
          %sub3A_639 = arith.subf %sub3A_638, %sub3A_527 : vector<16xf32>
          %sub3A_640 = arith.constant 1.000000e+00 : f32
          %sub3A_641 = vector.broadcast %sub3A_640 : f32 to vector<16xf32>
          %sub3A_642 = arith.subf %sub3A_641, %sub3A_552 : vector<16xf32>
          %sub3A_643 = arith.constant 1.000000e+00 : f32
          %sub3A_644 = vector.broadcast %sub3A_643 : f32 to vector<16xf32>
          %sub3A_645 = arith.subf %sub3A_644, %sub3A_579 : vector<16xf32>
          %sub3A_646 = arith.constant 1.000000e+00 : f32
          %sub3A_647 = vector.broadcast %sub3A_646 : f32 to vector<16xf32>
          %sub3A_648 = arith.subf %sub3A_647, %sub3A_606 : vector<16xf32>
          %mul3A_649 = arith.mulf %sub3A_639, %sub3A_642 : vector<16xf32>
          %mul3A_650 = arith.mulf %mul3A_649, %sub3A_645 : vector<16xf32>
          %mul3A_651 = arith.constant 128 : i32
          %mul3A_652 = arith.muli %add3A_513, %mul3A_651 : i32
          %add3A_653 = arith.constant 0 : i32
          %add3A_654 = arith.addi %mul3A_652, %add3A_653 : i32
          %add3A_655 = arith.addi %mul3A_621, %mul3A_627 : vector<16xi32>
          %add3A_656 = arith.addi %add3A_655, %mul3A_633 : vector<16xi32>
          %add3A_657 = arith.addi %add3A_656, %min3A_612 : vector<16xi32>
          %swap3A = arith.index_cast %add3A_654 : i32 to index
          %swap3A_658 = tpu.vector_load %arg7[%swap3A] {strides = array<i32>} : memref<1024xi32, #tpu.memory_space<vmem>>, vector<16xi32>,
          tpu.vector_store %arg7[%swap3A], %add3A_657 {strides = array<i32>} : memref<1024xi32, #tpu.memory_space<vmem>>, vector<16xi32>,
          %mul3A_659 = arith.mulf %mul3A_650, %sub3A_648 : vector<16xf32>
          %mul3A_660 = arith.constant 2 : i32
          %mul3A_661 = arith.muli %mul3A_660, %add3A_654 : i32
          %swap3A_662 = arith.index_cast %mul3A_661 : i32 to index
          %swap3A_663 = tpu.vector_load %arg9[%swap3A_662] {strides = array<i32>} : memref<2048xf32, #tpu.memory_space<vmem>>, vector<16xf32>,
          tpu.vector_store %arg9[%swap3A_662], %mul3A_659 {strides = array<i32>} : memref<2048xf32, #tpu.memory_space<vmem>>, vector<16xf32>,
          %mul3A_664 = arith.mulf %mul3A_650, %sub3A_606 : vector<16xf32>
          %mul3A_665 = arith.constant 2 : i32
          %mul3A_666 = arith.muli %mul3A_665, %add3A_654 : i32
          %add3A_667 = arith.constant 16 : i32
          %add3A_668 = arith.addi %mul3A_666, %add3A_667 : i32
          %swap3A_669 = arith.index_cast %add3A_668 : i32 to index
          %swap3A_670 = tpu.vector_load %arg9[%swap3A_669] {strides = array<i32>} : memref<2048xf32, #tpu.memory_space<vmem>>, vector<16xf32>,
          tpu.vector_store %arg9[%swap3A_669], %mul3A_664 {strides = array<i32>} : memref<2048xf32, #tpu.memory_space<vmem>>, vector<16xf32>,
          %mul3A_671 = arith.mulf %sub3A_527, %sub3A_642 : vector<16xf32>
          %mul3A_672 = arith.mulf %mul3A_671, %sub3A_645 : vector<16xf32>
          %mul3A_673 = arith.constant 128 : i32
          %mul3A_674 = arith.muli %add3A_513, %mul3A_673 : i32
          %add3A_675 = arith.constant 16 : i32
          %add3A_676 = arith.addi %mul3A_674, %add3A_675 : i32
          %add3A_677 = arith.addi %mul3A_624, %mul3A_627 : vector<16xi32>
          %add3A_678 = arith.addi %add3A_677, %mul3A_633 : vector<16xi32>
          %add3A_679 = arith.addi %add3A_678, %min3A_612 : vector<16xi32>
          %swap3A_680 = arith.index_cast %add3A_676 : i32 to index
          %swap3A_681 = tpu.vector_load %arg7[%swap3A_680] {strides = array<i32>} : memref<1024xi32, #tpu.memory_space<vmem>>, vector<16xi32>,
          tpu.vector_store %arg7[%swap3A_680], %add3A_679 {strides = array<i32>} : memref<1024xi32, #tpu.memory_space<vmem>>, vector<16xi32>,
          %mul3A_682 = arith.mulf %mul3A_672, %sub3A_648 : vector<16xf32>
          %mul3A_683 = arith.constant 2 : i32
          %mul3A_684 = arith.muli %mul3A_683, %add3A_676 : i32
          %swap3A_685 = arith.index_cast %mul3A_684 : i32 to index
          %swap3A_686 = tpu.vector_load %arg9[%swap3A_685] {strides = array<i32>} : memref<2048xf32, #tpu.memory_space<vmem>>, vector<16xf32>,
          tpu.vector_store %arg9[%swap3A_685], %mul3A_682 {strides = array<i32>} : memref<2048xf32, #tpu.memory_space<vmem>>, vector<16xf32>,
          %mul3A_687 = arith.mulf %mul3A_672, %sub3A_606 : vector<16xf32>
          %mul3A_688 = arith.constant 2 : i32
          %mul3A_689 = arith.muli %mul3A_688, %add3A_676 : i32
          %add3A_690 = arith.constant 16 : i32
          %add3A_691 = arith.addi %mul3A_689, %add3A_690 : i32
          %swap3A_692 = arith.index_cast %add3A_691 : i32 to index
          %swap3A_693 = tpu.vector_load %arg9[%swap3A_692] {strides = array<i32>} : memref<2048xf32, #tpu.memory_space<vmem>>, vector<16xf32>,
          tpu.vector_store %arg9[%swap3A_692], %mul3A_687 {strides = array<i32>} : memref<2048xf32, #tpu.memory_space<vmem>>, vector<16xf32>,
          %mul3A_694 = arith.mulf %sub3A_639, %sub3A_552 : vector<16xf32>
          %mul3A_695 = arith.mulf %mul3A_694, %sub3A_645 : vector<16xf32>
          %mul3A_696 = arith.constant 128 : i32
          %mul3A_697 = arith.muli %add3A_513, %mul3A_696 : i32
          %add3A_698 = arith.constant 32 : i32
          %add3A_699 = arith.addi %mul3A_697, %add3A_698 : i32
          %add3A_700 = arith.addi %mul3A_621, %mul3A_630 : vector<16xi32>
          %add3A_701 = arith.addi %add3A_700, %mul3A_633 : vector<16xi32>
          %add3A_702 = arith.addi %add3A_701, %min3A_612 : vector<16xi32>
          %swap3A_703 = arith.index_cast %add3A_699 : i32 to index
          %swap3A_704 = tpu.vector_load %arg7[%swap3A_703] {strides = array<i32>} : memref<1024xi32, #tpu.memory_space<vmem>>, vector<16xi32>,
          tpu.vector_store %arg7[%swap3A_703], %add3A_702 {strides = array<i32>} : memref<1024xi32, #tpu.memory_space<vmem>>, vector<16xi32>,
          %mul3A_705 = arith.mulf %mul3A_695, %sub3A_648 : vector<16xf32>
          %mul3A_706 = arith.constant 2 : i32
          %mul3A_707 = arith.muli %mul3A_706, %add3A_699 : i32
          %swap3A_708 = arith.index_cast %mul3A_707 : i32 to index
          %swap3A_709 = tpu.vector_load %arg9[%swap3A_708] {strides = array<i32>} : memref<2048xf32, #tpu.memory_space<vmem>>, vector<16xf32>,
          tpu.vector_store %arg9[%swap3A_708], %mul3A_705 {strides = array<i32>} : memref<2048xf32, #tpu.memory_space<vmem>>, vector<16xf32>,
          %mul3A_710 = arith.mulf %mul3A_695, %sub3A_606 : vector<16xf32>
          %mul3A_711 = arith.constant 2 : i32
          %mul3A_712 = arith.muli %mul3A_711, %add3A_699 : i32
          %add3A_713 = arith.constant 16 : i32
          %add3A_714 = arith.addi %mul3A_712, %add3A_713 : i32
          %swap3A_715 = arith.index_cast %add3A_714 : i32 to index
          %swap3A_716 = tpu.vector_load %arg9[%swap3A_715] {strides = array<i32>} : memref<2048xf32, #tpu.memory_space<vmem>>, vector<16xf32>,
          tpu.vector_store %arg9[%swap3A_715], %mul3A_710 {strides = array<i32>} : memref<2048xf32, #tpu.memory_space<vmem>>, vector<16xf32>,
          %mul3A_717 = arith.mulf %sub3A_527, %sub3A_552 : vector<16xf32>
          %mul3A_718 = arith.mulf %mul3A_717, %sub3A_645 : vector<16xf32>
          %mul3A_719 = arith.constant 128 : i32
          %mul3A_720 = arith.muli %add3A_513, %mul3A_719 : i32
          %add3A_721 = arith.constant 48 : i32
          %add3A_722 = arith.addi %mul3A_720, %add3A_721 : i32
          %add3A_723 = arith.addi %mul3A_624, %mul3A_630 : vector<16xi32>
          %add3A_724 = arith.addi %add3A_723, %mul3A_633 : vector<16xi32>
          %add3A_725 = arith.addi %add3A_724, %min3A_612 : vector<16xi32>
          %swap3A_726 = arith.index_cast %add3A_722 : i32 to index
          %swap3A_727 = tpu.vector_load %arg7[%swap3A_726] {strides = array<i32>} : memref<1024xi32, #tpu.memory_space<vmem>>, vector<16xi32>,
          tpu.vector_store %arg7[%swap3A_726], %add3A_725 {strides = array<i32>} : memref<1024xi32, #tpu.memory_space<vmem>>, vector<16xi32>,
          %mul3A_728 = arith.mulf %mul3A_718, %sub3A_648 : vector<16xf32>
          %mul3A_729 = arith.constant 2 : i32
          %mul3A_730 = arith.muli %mul3A_729, %add3A_722 : i32
          %swap3A_731 = arith.index_cast %mul3A_730 : i32 to index
          %swap3A_732 = tpu.vector_load %arg9[%swap3A_731] {strides = array<i32>} : memref<2048xf32, #tpu.memory_space<vmem>>, vector<16xf32>,
          tpu.vector_store %arg9[%swap3A_731], %mul3A_728 {strides = array<i32>} : memref<2048xf32, #tpu.memory_space<vmem>>, vector<16xf32>,
          %mul3A_733 = arith.mulf %mul3A_718, %sub3A_606 : vector<16xf32>
          %mul3A_734 = arith.constant 2 : i32
          %mul3A_735 = arith.muli %mul3A_734, %add3A_722 : i32
          %add3A_736 = arith.constant 16 : i32
          %add3A_737 = arith.addi %mul3A_735, %add3A_736 : i32
          %swap3A_738 = arith.index_cast %add3A_737 : i32 to index
          %swap3A_739 = tpu.vector_load %arg9[%swap3A_738] {strides = array<i32>} : memref<2048xf32, #tpu.memory_space<vmem>>, vector<16xf32>,
          tpu.vector_store %arg9[%swap3A_738], %mul3A_733 {strides = array<i32>} : memref<2048xf32, #tpu.memory_space<vmem>>, vector<16xf32>,
          %mul3A_740 = arith.mulf %sub3A_639, %sub3A_642 : vector<16xf32>
          %mul3A_741 = arith.mulf %mul3A_740, %sub3A_579 : vector<16xf32>
          %mul3A_742 = arith.constant 128 : i32
          %mul3A_743 = arith.muli %add3A_513, %mul3A_742 : i32
          %add3A_744 = arith.constant 64 : i32
          %add3A_745 = arith.addi %mul3A_743, %add3A_744 : i32
          %add3A_746 = arith.addi %mul3A_621, %mul3A_627 : vector<16xi32>
          %add3A_747 = arith.addi %add3A_746, %mul3A_636 : vector<16xi32>
          %add3A_748 = arith.addi %add3A_747, %min3A_612 : vector<16xi32>
          %swap3A_749 = arith.index_cast %add3A_745 : i32 to index
          %swap3A_750 = tpu.vector_load %arg7[%swap3A_749] {strides = array<i32>} : memref<1024xi32, #tpu.memory_space<vmem>>, vector<16xi32>,
          tpu.vector_store %arg7[%swap3A_749], %add3A_748 {strides = array<i32>} : memref<1024xi32, #tpu.memory_space<vmem>>, vector<16xi32>,
          %mul3A_751 = arith.mulf %mul3A_741, %sub3A_648 : vector<16xf32>
          %mul3A_752 = arith.constant 2 : i32
          %mul3A_753 = arith.muli %mul3A_752, %add3A_745 : i32
          %swap3A_754 = arith.index_cast %mul3A_753 : i32 to index
          %swap3A_755 = tpu.vector_load %arg9[%swap3A_754] {strides = array<i32>} : memref<2048xf32, #tpu.memory_space<vmem>>, vector<16xf32>,
          tpu.vector_store %arg9[%swap3A_754], %mul3A_751 {strides = array<i32>} : memref<2048xf32, #tpu.memory_space<vmem>>, vector<16xf32>,
          %mul3A_756 = arith.mulf %mul3A_741, %sub3A_606 : vector<16xf32>
          %mul3A_757 = arith.constant 2 : i32
          %mul3A_758 = arith.muli %mul3A_757, %add3A_745 : i32
          %add3A_759 = arith.constant 16 : i32
          %add3A_760 = arith.addi %mul3A_758, %add3A_759 : i32
          %swap3A_761 = arith.index_cast %add3A_760 : i32 to index
          %swap3A_762 = tpu.vector_load %arg9[%swap3A_761] {strides = array<i32>} : memref<2048xf32, #tpu.memory_space<vmem>>, vector<16xf32>,
          tpu.vector_store %arg9[%swap3A_761], %mul3A_756 {strides = array<i32>} : memref<2048xf32, #tpu.memory_space<vmem>>, vector<16xf32>,
          %mul3A_763 = arith.mulf %sub3A_527, %sub3A_642 : vector<16xf32>
          %mul3A_764 = arith.mulf %mul3A_763, %sub3A_579 : vector<16xf32>
          %mul3A_765 = arith.constant 128 : i32
          %mul3A_766 = arith.muli %add3A_513, %mul3A_765 : i32
          %add3A_767 = arith.constant 80 : i32
          %add3A_768 = arith.addi %mul3A_766, %add3A_767 : i32
          %add3A_769 = arith.addi %mul3A_624, %mul3A_627 : vector<16xi32>
          %add3A_770 = arith.addi %add3A_769, %mul3A_636 : vector<16xi32>
          %add3A_771 = arith.addi %add3A_770, %min3A_612 : vector<16xi32>
          %swap3A_772 = arith.index_cast %add3A_768 : i32 to index
          %swap3A_773 = tpu.vector_load %arg7[%swap3A_772] {strides = array<i32>} : memref<1024xi32, #tpu.memory_space<vmem>>, vector<16xi32>,
          tpu.vector_store %arg7[%swap3A_772], %add3A_771 {strides = array<i32>} : memref<1024xi32, #tpu.memory_space<vmem>>, vector<16xi32>,
          %mul3A_774 = arith.mulf %mul3A_764, %sub3A_648 : vector<16xf32>
          %mul3A_775 = arith.constant 2 : i32
          %mul3A_776 = arith.muli %mul3A_775, %add3A_768 : i32
          %swap3A_777 = arith.index_cast %mul3A_776 : i32 to index
          %swap3A_778 = tpu.vector_load %arg9[%swap3A_777] {strides = array<i32>} : memref<2048xf32, #tpu.memory_space<vmem>>, vector<16xf32>,
          tpu.vector_store %arg9[%swap3A_777], %mul3A_774 {strides = array<i32>} : memref<2048xf32, #tpu.memory_space<vmem>>, vector<16xf32>,
          %mul3A_779 = arith.mulf %mul3A_764, %sub3A_606 : vector<16xf32>
          %mul3A_780 = arith.constant 2 : i32
          %mul3A_781 = arith.muli %mul3A_780, %add3A_768 : i32
          %add3A_782 = arith.constant 16 : i32
          %add3A_783 = arith.addi %mul3A_781, %add3A_782 : i32
          %swap3A_784 = arith.index_cast %add3A_783 : i32 to index
          %swap3A_785 = tpu.vector_load %arg9[%swap3A_784] {strides = array<i32>} : memref<2048xf32, #tpu.memory_space<vmem>>, vector<16xf32>,
          tpu.vector_store %arg9[%swap3A_784], %mul3A_779 {strides = array<i32>} : memref<2048xf32, #tpu.memory_space<vmem>>, vector<16xf32>,
          %mul3A_786 = arith.mulf %sub3A_639, %sub3A_552 : vector<16xf32>
          %mul3A_787 = arith.mulf %mul3A_786, %sub3A_579 : vector<16xf32>
          %mul3A_788 = arith.constant 128 : i32
          %mul3A_789 = arith.muli %add3A_513, %mul3A_788 : i32
          %add3A_790 = arith.constant 96 : i32
          %add3A_791 = arith.addi %mul3A_789, %add3A_790 : i32
          %add3A_792 = arith.addi %mul3A_621, %mul3A_630 : vector<16xi32>
          %add3A_793 = arith.addi %add3A_792, %mul3A_636 : vector<16xi32>
          %add3A_794 = arith.addi %add3A_793, %min3A_612 : vector<16xi32>
          %swap3A_795 = arith.index_cast %add3A_791 : i32 to index
          %swap3A_796 = tpu.vector_load %arg7[%swap3A_795] {strides = array<i32>} : memref<1024xi32, #tpu.memory_space<vmem>>, vector<16xi32>,
          tpu.vector_store %arg7[%swap3A_795], %add3A_794 {strides = array<i32>} : memref<1024xi32, #tpu.memory_space<vmem>>, vector<16xi32>,
          %mul3A_797 = arith.mulf %mul3A_787, %sub3A_648 : vector<16xf32>
          %mul3A_798 = arith.constant 2 : i32
          %mul3A_799 = arith.muli %mul3A_798, %add3A_791 : i32
          %swap3A_800 = arith.index_cast %mul3A_799 : i32 to index
          %swap3A_801 = tpu.vector_load %arg9[%swap3A_800] {strides = array<i32>} : memref<2048xf32, #tpu.memory_space<vmem>>, vector<16xf32>,
          tpu.vector_store %arg9[%swap3A_800], %mul3A_797 {strides = array<i32>} : memref<2048xf32, #tpu.memory_space<vmem>>, vector<16xf32>,
          %mul3A_802 = arith.mulf %mul3A_787, %sub3A_606 : vector<16xf32>
          %mul3A_803 = arith.constant 2 : i32
          %mul3A_804 = arith.muli %mul3A_803, %add3A_791 : i32
          %add3A_805 = arith.constant 16 : i32
          %add3A_806 = arith.addi %mul3A_804, %add3A_805 : i32
          %swap3A_807 = arith.index_cast %add3A_806 : i32 to index
          %swap3A_808 = tpu.vector_load %arg9[%swap3A_807] {strides = array<i32>} : memref<2048xf32, #tpu.memory_space<vmem>>, vector<16xf32>,
          tpu.vector_store %arg9[%swap3A_807], %mul3A_802 {strides = array<i32>} : memref<2048xf32, #tpu.memory_space<vmem>>, vector<16xf32>,
          %mul3A_809 = arith.mulf %sub3A_527, %sub3A_552 : vector<16xf32>
          %mul3A_810 = arith.mulf %mul3A_809, %sub3A_579 : vector<16xf32>
          %mul3A_811 = arith.constant 128 : i32
          %mul3A_812 = arith.muli %add3A_513, %mul3A_811 : i32
          %add3A_813 = arith.constant 112 : i32
          %add3A_814 = arith.addi %mul3A_812, %add3A_813 : i32
          %add3A_815 = arith.addi %mul3A_624, %mul3A_630 : vector<16xi32>
          %add3A_816 = arith.addi %add3A_815, %mul3A_636 : vector<16xi32>
          %add3A_817 = arith.addi %add3A_816, %min3A_612 : vector<16xi32>
          %swap3A_818 = arith.index_cast %add3A_814 : i32 to index
          %swap3A_819 = tpu.vector_load %arg7[%swap3A_818] {strides = array<i32>} : memref<1024xi32, #tpu.memory_space<vmem>>, vector<16xi32>,
          tpu.vector_store %arg7[%swap3A_818], %add3A_817 {strides = array<i32>} : memref<1024xi32, #tpu.memory_space<vmem>>, vector<16xi32>,
          %mul3A_820 = arith.mulf %mul3A_810, %sub3A_648 : vector<16xf32>
          %mul3A_821 = arith.constant 2 : i32
          %mul3A_822 = arith.muli %mul3A_821, %add3A_814 : i32
          %swap3A_823 = arith.index_cast %mul3A_822 : i32 to index
          %swap3A_824 = tpu.vector_load %arg9[%swap3A_823] {strides = array<i32>} : memref<2048xf32, #tpu.memory_space<vmem>>, vector<16xf32>,
          tpu.vector_store %arg9[%swap3A_823], %mul3A_820 {strides = array<i32>} : memref<2048xf32, #tpu.memory_space<vmem>>, vector<16xf32>,
          %mul3A_825 = arith.mulf %mul3A_810, %sub3A_606 : vector<16xf32>
          %mul3A_826 = arith.constant 2 : i32
          %mul3A_827 = arith.muli %mul3A_826, %add3A_814 : i32
          %add3A_828 = arith.constant 16 : i32
          %add3A_829 = arith.addi %mul3A_827, %add3A_828 : i32
          %swap3A_830 = arith.index_cast %add3A_829 : i32 to index
          %swap3A_831 = tpu.vector_load %arg9[%swap3A_830] {strides = array<i32>} : memref<2048xf32, #tpu.memory_space<vmem>>, vector<16xf32>,
          tpu.vector_store %arg9[%swap3A_830], %mul3A_825 {strides = array<i32>} : memref<2048xf32, #tpu.memory_space<vmem>>, vector<16xf32>,
        }
        %scan3A_444 = arith.constant 8 : i32
        %dma_start3A_445 = arith.constant 0 : i32
        %dma_start3A_446 = arith.constant 0 : i32
        %dma_start3A_447 = tpu.memref_slice %arg11[%dma_start3A_445, %dma_start3A_446] : memref<1024x16xf32, #tpu.memory_space<vmem>> -> memref<128x16xf32, #tpu.memory_space<vmem>>
        %dma_start3A_448 = arith.constant 0 : i32
        %dma_start3A_449 = tpu.memref_slice %arg7[%dma_start3A_448] : memref<1024xi32, #tpu.memory_space<vmem>> -> memref<128xi32, #tpu.memory_space<vmem>>
        %dma_start3A_450 = arith.constant 0 : i32
        %dma_start3A_451 = arith.constant 0 : i32
        %dma_start3A_452 = tpu.memref_slice %arg3[%dma_start3A_450, %dma_start3A_451] : memref<8388608x16xf32, #tpu.memory_space<hbm>> -> memref<8388608x16xf32, #tpu.memory_space<hbm>>
        tpu.enqueue_indirect_dma source(%dma_start3A_452 : memref<8388608x16xf32, #tpu.memory_space<hbm>>) target(%dma_start3A_447 : memref<128x16xf32, #tpu.memory_space<vmem>>) offsets(%dma_start3A_449 : memref<128xi32, #tpu.memory_space<vmem>>) semaphore(%arg15 : memref<!tpu.dma_semaphore, #tpu.memory_space<semaphore_mem>>)
        %dma_start3A_453 = arith.constant 128 : i32
        %dma_start3A_454 = arith.constant 0 : i32
        %dma_start3A_455 = tpu.memref_slice %arg11[%dma_start3A_453, %dma_start3A_454] : memref<1024x16xf32, #tpu.memory_space<vmem>> -> memref<128x16xf32, #tpu.memory_space<vmem>>
        %dma_start3A_456 = arith.constant 128 : i32
        %dma_start3A_457 = tpu.memref_slice %arg7[%dma_start3A_456] : memref<1024xi32, #tpu.memory_space<vmem>> -> memref<128xi32, #tpu.memory_space<vmem>>
        %dma_start3A_458 = arith.constant 0 : i32
        %dma_start3A_459 = arith.constant 0 : i32
        %dma_start3A_460 = tpu.memref_slice %arg3[%dma_start3A_458, %dma_start3A_459] : memref<8388608x16xf32, #tpu.memory_space<hbm>> -> memref<8388608x16xf32, #tpu.memory_space<hbm>>
        tpu.enqueue_indirect_dma source(%dma_start3A_460 : memref<8388608x16xf32, #tpu.memory_space<hbm>>) target(%dma_start3A_455 : memref<128x16xf32, #tpu.memory_space<vmem>>) offsets(%dma_start3A_457 : memref<128xi32, #tpu.memory_space<vmem>>) semaphore(%arg15 : memref<!tpu.dma_semaphore, #tpu.memory_space<semaphore_mem>>)
        %dma_start3A_461 = arith.constant 256 : i32
        %dma_start3A_462 = arith.constant 0 : i32
        %dma_start3A_463 = tpu.memref_slice %arg11[%dma_start3A_461, %dma_start3A_462] : memref<1024x16xf32, #tpu.memory_space<vmem>> -> memref<128x16xf32, #tpu.memory_space<vmem>>
        %dma_start3A_464 = arith.constant 256 : i32
        %dma_start3A_465 = tpu.memref_slice %arg7[%dma_start3A_464] : memref<1024xi32, #tpu.memory_space<vmem>> -> memref<128xi32, #tpu.memory_space<vmem>>
        %dma_start3A_466 = arith.constant 0 : i32
        %dma_start3A_467 = arith.constant 0 : i32
        %dma_start3A_468 = tpu.memref_slice %arg3[%dma_start3A_466, %dma_start3A_467] : memref<8388608x16xf32, #tpu.memory_space<hbm>> -> memref<8388608x16xf32, #tpu.memory_space<hbm>>
        tpu.enqueue_indirect_dma source(%dma_start3A_468 : memref<8388608x16xf32, #tpu.memory_space<hbm>>) target(%dma_start3A_463 : memref<128x16xf32, #tpu.memory_space<vmem>>) offsets(%dma_start3A_465 : memref<128xi32, #tpu.memory_space<vmem>>) semaphore(%arg15 : memref<!tpu.dma_semaphore, #tpu.memory_space<semaphore_mem>>)
        %dma_start3A_469 = arith.constant 384 : i32
        %dma_start3A_470 = arith.constant 0 : i32
        %dma_start3A_471 = tpu.memref_slice %arg11[%dma_start3A_469, %dma_start3A_470] : memref<1024x16xf32, #tpu.memory_space<vmem>> -> memref<128x16xf32, #tpu.memory_space<vmem>>
        %dma_start3A_472 = arith.constant 384 : i32
        %dma_start3A_473 = tpu.memref_slice %arg7[%dma_start3A_472] : memref<1024xi32, #tpu.memory_space<vmem>> -> memref<128xi32, #tpu.memory_space<vmem>>
        %dma_start3A_474 = arith.constant 0 : i32
        %dma_start3A_475 = arith.constant 0 : i32
        %dma_start3A_476 = tpu.memref_slice %arg3[%dma_start3A_474, %dma_start3A_475] : memref<8388608x16xf32, #tpu.memory_space<hbm>> -> memref<8388608x16xf32, #tpu.memory_space<hbm>>
        tpu.enqueue_indirect_dma source(%dma_start3A_476 : memref<8388608x16xf32, #tpu.memory_space<hbm>>) target(%dma_start3A_471 : memref<128x16xf32, #tpu.memory_space<vmem>>) offsets(%dma_start3A_473 : memref<128xi32, #tpu.memory_space<vmem>>) semaphore(%arg15 : memref<!tpu.dma_semaphore, #tpu.memory_space<semaphore_mem>>)
        %dma_start3A_477 = arith.constant 512 : i32
        %dma_start3A_478 = arith.constant 0 : i32
        %dma_start3A_479 = tpu.memref_slice %arg11[%dma_start3A_477, %dma_start3A_478] : memref<1024x16xf32, #tpu.memory_space<vmem>> -> memref<128x16xf32, #tpu.memory_space<vmem>>
        %dma_start3A_480 = arith.constant 512 : i32
        %dma_start3A_481 = tpu.memref_slice %arg7[%dma_start3A_480] : memref<1024xi32, #tpu.memory_space<vmem>> -> memref<128xi32, #tpu.memory_space<vmem>>
        %dma_start3A_482 = arith.constant 0 : i32
        %dma_start3A_483 = arith.constant 0 : i32
        %dma_start3A_484 = tpu.memref_slice %arg3[%dma_start3A_482, %dma_start3A_483] : memref<8388608x16xf32, #tpu.memory_space<hbm>> -> memref<8388608x16xf32, #tpu.memory_space<hbm>>
        tpu.enqueue_indirect_dma source(%dma_start3A_484 : memref<8388608x16xf32, #tpu.memory_space<hbm>>) target(%dma_start3A_479 : memref<128x16xf32, #tpu.memory_space<vmem>>) offsets(%dma_start3A_481 : memref<128xi32, #tpu.memory_space<vmem>>) semaphore(%arg15 : memref<!tpu.dma_semaphore, #tpu.memory_space<semaphore_mem>>)
        %dma_start3A_485 = arith.constant 640 : i32
        %dma_start3A_486 = arith.constant 0 : i32
        %dma_start3A_487 = tpu.memref_slice %arg11[%dma_start3A_485, %dma_start3A_486] : memref<1024x16xf32, #tpu.memory_space<vmem>> -> memref<128x16xf32, #tpu.memory_space<vmem>>
        %dma_start3A_488 = arith.constant 640 : i32
        %dma_start3A_489 = tpu.memref_slice %arg7[%dma_start3A_488] : memref<1024xi32, #tpu.memory_space<vmem>> -> memref<128xi32, #tpu.memory_space<vmem>>
        %dma_start3A_490 = arith.constant 0 : i32
        %dma_start3A_491 = arith.constant 0 : i32
        %dma_start3A_492 = tpu.memref_slice %arg3[%dma_start3A_490, %dma_start3A_491] : memref<8388608x16xf32, #tpu.memory_space<hbm>> -> memref<8388608x16xf32, #tpu.memory_space<hbm>>
        tpu.enqueue_indirect_dma source(%dma_start3A_492 : memref<8388608x16xf32, #tpu.memory_space<hbm>>) target(%dma_start3A_487 : memref<128x16xf32, #tpu.memory_space<vmem>>) offsets(%dma_start3A_489 : memref<128xi32, #tpu.memory_space<vmem>>) semaphore(%arg15 : memref<!tpu.dma_semaphore, #tpu.memory_space<semaphore_mem>>)
        %dma_start3A_493 = arith.constant 768 : i32
        %dma_start3A_494 = arith.constant 0 : i32
        %dma_start3A_495 = tpu.memref_slice %arg11[%dma_start3A_493, %dma_start3A_494] : memref<1024x16xf32, #tpu.memory_space<vmem>> -> memref<128x16xf32, #tpu.memory_space<vmem>>
        %dma_start3A_496 = arith.constant 768 : i32
        %dma_start3A_497 = tpu.memref_slice %arg7[%dma_start3A_496] : memref<1024xi32, #tpu.memory_space<vmem>> -> memref<128xi32, #tpu.memory_space<vmem>>
        %dma_start3A_498 = arith.constant 0 : i32
        %dma_start3A_499 = arith.constant 0 : i32
        %dma_start3A_500 = tpu.memref_slice %arg3[%dma_start3A_498, %dma_start3A_499] : memref<8388608x16xf32, #tpu.memory_space<hbm>> -> memref<8388608x16xf32, #tpu.memory_space<hbm>>
        tpu.enqueue_indirect_dma source(%dma_start3A_500 : memref<8388608x16xf32, #tpu.memory_space<hbm>>) target(%dma_start3A_495 : memref<128x16xf32, #tpu.memory_space<vmem>>) offsets(%dma_start3A_497 : memref<128xi32, #tpu.memory_space<vmem>>) semaphore(%arg15 : memref<!tpu.dma_semaphore, #tpu.memory_space<semaphore_mem>>)
        %dma_start3A_501 = arith.constant 896 : i32
        %dma_start3A_502 = arith.constant 0 : i32
        %dma_start3A_503 = tpu.memref_slice %arg11[%dma_start3A_501, %dma_start3A_502] : memref<1024x16xf32, #tpu.memory_space<vmem>> -> memref<128x16xf32, #tpu.memory_space<vmem>>
        %dma_start3A_504 = arith.constant 896 : i32
        %dma_start3A_505 = tpu.memref_slice %arg7[%dma_start3A_504] : memref<1024xi32, #tpu.memory_space<vmem>> -> memref<128xi32, #tpu.memory_space<vmem>>
        %dma_start3A_506 = arith.constant 0 : i32
        %dma_start3A_507 = arith.constant 0 : i32
        %dma_start3A_508 = tpu.memref_slice %arg3[%dma_start3A_506, %dma_start3A_507] : memref<8388608x16xf32, #tpu.memory_space<hbm>> -> memref<8388608x16xf32, #tpu.memory_space<hbm>>
        tpu.enqueue_indirect_dma source(%dma_start3A_508 : memref<8388608x16xf32, #tpu.memory_space<hbm>>) target(%dma_start3A_503 : memref<128x16xf32, #tpu.memory_space<vmem>>) offsets(%dma_start3A_505 : memref<128xi32, #tpu.memory_space<vmem>>) semaphore(%arg15 : memref<!tpu.dma_semaphore, #tpu.memory_space<semaphore_mem>>)
      } else {
      }
      %dma_wait3A_321 = arith.constant 0 : i32
      %dma_wait3A_322 = arith.constant 0 : i32
      %dma_wait3A_323 = tpu.memref_slice %arg12[%dma_wait3A_321, %dma_wait3A_322] : memref<1024x16xf32, #tpu.memory_space<vmem>> -> memref<128x16xf32, #tpu.memory_space<vmem>>
      %dma_wait3A_324 = arith.constant 0 : i32
      %dma_wait3A_325 = tpu.memref_slice %arg8[%dma_wait3A_324] : memref<1024xi32, #tpu.memory_space<vmem>> -> memref<128xi32, #tpu.memory_space<vmem>>
      %dma_wait3A_326 = arith.constant 0 : i32
      %dma_wait3A_327 = arith.constant 0 : i32
      %dma_wait3A_328 = tpu.memref_slice %arg3[%dma_wait3A_326, %dma_wait3A_327] : memref<8388608x16xf32, #tpu.memory_space<hbm>> -> memref<8388608x16xf32, #tpu.memory_space<hbm>>
      tpu.wait_indirect_dma semaphore(%arg16 : memref<!tpu.dma_semaphore, #tpu.memory_space<semaphore_mem>>) src(%dma_wait3A_328 : memref<8388608x16xf32, #tpu.memory_space<hbm>>) dst(%dma_wait3A_323 : memref<128x16xf32, #tpu.memory_space<vmem>>)
      %dma_wait3A_329 = arith.constant 128 : i32
      %dma_wait3A_330 = arith.constant 0 : i32
      %dma_wait3A_331 = tpu.memref_slice %arg12[%dma_wait3A_329, %dma_wait3A_330] : memref<1024x16xf32, #tpu.memory_space<vmem>> -> memref<128x16xf32, #tpu.memory_space<vmem>>
      %dma_wait3A_332 = arith.constant 128 : i32
      %dma_wait3A_333 = tpu.memref_slice %arg8[%dma_wait3A_332] : memref<1024xi32, #tpu.memory_space<vmem>> -> memref<128xi32, #tpu.memory_space<vmem>>
      %dma_wait3A_334 = arith.constant 0 : i32
      %dma_wait3A_335 = arith.constant 0 : i32
      %dma_wait3A_336 = tpu.memref_slice %arg3[%dma_wait3A_334, %dma_wait3A_335] : memref<8388608x16xf32, #tpu.memory_space<hbm>> -> memref<8388608x16xf32, #tpu.memory_space<hbm>>
      tpu.wait_indirect_dma semaphore(%arg16 : memref<!tpu.dma_semaphore, #tpu.memory_space<semaphore_mem>>) src(%dma_wait3A_336 : memref<8388608x16xf32, #tpu.memory_space<hbm>>) dst(%dma_wait3A_331 : memref<128x16xf32, #tpu.memory_space<vmem>>)
      %dma_wait3A_337 = arith.constant 256 : i32
      %dma_wait3A_338 = arith.constant 0 : i32
      %dma_wait3A_339 = tpu.memref_slice %arg12[%dma_wait3A_337, %dma_wait3A_338] : memref<1024x16xf32, #tpu.memory_space<vmem>> -> memref<128x16xf32, #tpu.memory_space<vmem>>
      %dma_wait3A_340 = arith.constant 256 : i32
      %dma_wait3A_341 = tpu.memref_slice %arg8[%dma_wait3A_340] : memref<1024xi32, #tpu.memory_space<vmem>> -> memref<128xi32, #tpu.memory_space<vmem>>
      %dma_wait3A_342 = arith.constant 0 : i32
      %dma_wait3A_343 = arith.constant 0 : i32
      %dma_wait3A_344 = tpu.memref_slice %arg3[%dma_wait3A_342, %dma_wait3A_343] : memref<8388608x16xf32, #tpu.memory_space<hbm>> -> memref<8388608x16xf32, #tpu.memory_space<hbm>>
      tpu.wait_indirect_dma semaphore(%arg16 : memref<!tpu.dma_semaphore, #tpu.memory_space<semaphore_mem>>) src(%dma_wait3A_344 : memref<8388608x16xf32, #tpu.memory_space<hbm>>) dst(%dma_wait3A_339 : memref<128x16xf32, #tpu.memory_space<vmem>>)
      %dma_wait3A_345 = arith.constant 384 : i32
      %dma_wait3A_346 = arith.constant 0 : i32
      %dma_wait3A_347 = tpu.memref_slice %arg12[%dma_wait3A_345, %dma_wait3A_346] : memref<1024x16xf32, #tpu.memory_space<vmem>> -> memref<128x16xf32, #tpu.memory_space<vmem>>
      %dma_wait3A_348 = arith.constant 384 : i32
      %dma_wait3A_349 = tpu.memref_slice %arg8[%dma_wait3A_348] : memref<1024xi32, #tpu.memory_space<vmem>> -> memref<128xi32, #tpu.memory_space<vmem>>
      %dma_wait3A_350 = arith.constant 0 : i32
      %dma_wait3A_351 = arith.constant 0 : i32
      %dma_wait3A_352 = tpu.memref_slice %arg3[%dma_wait3A_350, %dma_wait3A_351] : memref<8388608x16xf32, #tpu.memory_space<hbm>> -> memref<8388608x16xf32, #tpu.memory_space<hbm>>
      tpu.wait_indirect_dma semaphore(%arg16 : memref<!tpu.dma_semaphore, #tpu.memory_space<semaphore_mem>>) src(%dma_wait3A_352 : memref<8388608x16xf32, #tpu.memory_space<hbm>>) dst(%dma_wait3A_347 : memref<128x16xf32, #tpu.memory_space<vmem>>)
      %dma_wait3A_353 = arith.constant 512 : i32
      %dma_wait3A_354 = arith.constant 0 : i32
      %dma_wait3A_355 = tpu.memref_slice %arg12[%dma_wait3A_353, %dma_wait3A_354] : memref<1024x16xf32, #tpu.memory_space<vmem>> -> memref<128x16xf32, #tpu.memory_space<vmem>>
      %dma_wait3A_356 = arith.constant 512 : i32
      %dma_wait3A_357 = tpu.memref_slice %arg8[%dma_wait3A_356] : memref<1024xi32, #tpu.memory_space<vmem>> -> memref<128xi32, #tpu.memory_space<vmem>>
      %dma_wait3A_358 = arith.constant 0 : i32
      %dma_wait3A_359 = arith.constant 0 : i32
      %dma_wait3A_360 = tpu.memref_slice %arg3[%dma_wait3A_358, %dma_wait3A_359] : memref<8388608x16xf32, #tpu.memory_space<hbm>> -> memref<8388608x16xf32, #tpu.memory_space<hbm>>
      tpu.wait_indirect_dma semaphore(%arg16 : memref<!tpu.dma_semaphore, #tpu.memory_space<semaphore_mem>>) src(%dma_wait3A_360 : memref<8388608x16xf32, #tpu.memory_space<hbm>>) dst(%dma_wait3A_355 : memref<128x16xf32, #tpu.memory_space<vmem>>)
      %dma_wait3A_361 = arith.constant 640 : i32
      %dma_wait3A_362 = arith.constant 0 : i32
      %dma_wait3A_363 = tpu.memref_slice %arg12[%dma_wait3A_361, %dma_wait3A_362] : memref<1024x16xf32, #tpu.memory_space<vmem>> -> memref<128x16xf32, #tpu.memory_space<vmem>>
      %dma_wait3A_364 = arith.constant 640 : i32
      %dma_wait3A_365 = tpu.memref_slice %arg8[%dma_wait3A_364] : memref<1024xi32, #tpu.memory_space<vmem>> -> memref<128xi32, #tpu.memory_space<vmem>>
      %dma_wait3A_366 = arith.constant 0 : i32
      %dma_wait3A_367 = arith.constant 0 : i32
      %dma_wait3A_368 = tpu.memref_slice %arg3[%dma_wait3A_366, %dma_wait3A_367] : memref<8388608x16xf32, #tpu.memory_space<hbm>> -> memref<8388608x16xf32, #tpu.memory_space<hbm>>
      tpu.wait_indirect_dma semaphore(%arg16 : memref<!tpu.dma_semaphore, #tpu.memory_space<semaphore_mem>>) src(%dma_wait3A_368 : memref<8388608x16xf32, #tpu.memory_space<hbm>>) dst(%dma_wait3A_363 : memref<128x16xf32, #tpu.memory_space<vmem>>)
      %dma_wait3A_369 = arith.constant 768 : i32
      %dma_wait3A_370 = arith.constant 0 : i32
      %dma_wait3A_371 = tpu.memref_slice %arg12[%dma_wait3A_369, %dma_wait3A_370] : memref<1024x16xf32, #tpu.memory_space<vmem>> -> memref<128x16xf32, #tpu.memory_space<vmem>>
      %dma_wait3A_372 = arith.constant 768 : i32
      %dma_wait3A_373 = tpu.memref_slice %arg8[%dma_wait3A_372] : memref<1024xi32, #tpu.memory_space<vmem>> -> memref<128xi32, #tpu.memory_space<vmem>>
      %dma_wait3A_374 = arith.constant 0 : i32
      %dma_wait3A_375 = arith.constant 0 : i32
      %dma_wait3A_376 = tpu.memref_slice %arg3[%dma_wait3A_374, %dma_wait3A_375] : memref<8388608x16xf32, #tpu.memory_space<hbm>> -> memref<8388608x16xf32, #tpu.memory_space<hbm>>
      tpu.wait_indirect_dma semaphore(%arg16 : memref<!tpu.dma_semaphore, #tpu.memory_space<semaphore_mem>>) src(%dma_wait3A_376 : memref<8388608x16xf32, #tpu.memory_space<hbm>>) dst(%dma_wait3A_371 : memref<128x16xf32, #tpu.memory_space<vmem>>)
      %dma_wait3A_377 = arith.constant 896 : i32
      %dma_wait3A_378 = arith.constant 0 : i32
      %dma_wait3A_379 = tpu.memref_slice %arg12[%dma_wait3A_377, %dma_wait3A_378] : memref<1024x16xf32, #tpu.memory_space<vmem>> -> memref<128x16xf32, #tpu.memory_space<vmem>>
      %dma_wait3A_380 = arith.constant 896 : i32
      %dma_wait3A_381 = tpu.memref_slice %arg8[%dma_wait3A_380] : memref<1024xi32, #tpu.memory_space<vmem>> -> memref<128xi32, #tpu.memory_space<vmem>>
      %dma_wait3A_382 = arith.constant 0 : i32
      %dma_wait3A_383 = arith.constant 0 : i32
      %dma_wait3A_384 = tpu.memref_slice %arg3[%dma_wait3A_382, %dma_wait3A_383] : memref<8388608x16xf32, #tpu.memory_space<hbm>> -> memref<8388608x16xf32, #tpu.memory_space<hbm>>
      tpu.wait_indirect_dma semaphore(%arg16 : memref<!tpu.dma_semaphore, #tpu.memory_space<semaphore_mem>>) src(%dma_wait3A_384 : memref<8388608x16xf32, #tpu.memory_space<hbm>>) dst(%dma_wait3A_379 : memref<128x16xf32, #tpu.memory_space<vmem>>)
      %scan3A_385 = arith.constant 0 : i32
      %scan3A_386 = arith.constant 8 : i32
      %scan3A_387 = arith.addi %scan3A_385, %scan3A_386 : i32
      %scan3A_388 = arith.constant 1 : i32
      scf.for %scan3A_414 = %scan3A_385 to %scan3A_387 step %scan3A_388  : i32 {
        %mul3A_415 = arith.constant 1 : i32
        %mul3A_416 = arith.muli %scan3A_414, %mul3A_415 : i32
        %add3A_417 = arith.constant 0 : i32
        %add3A_418 = arith.addi %add3A_417, %mul3A_416 : i32
        %mul3A_419 = arith.constant 128 : i32
        %mul3A_420 = arith.muli %add3A_418, %mul3A_419 : i32
        %add3A_421 = arith.constant 0 : i32
        %add3A_422 = arith.addi %mul3A_420, %add3A_421 : i32
        %mul3A_423 = arith.constant 2 : i32
        %mul3A_424 = arith.muli %mul3A_423, %add3A_422 : i32
        %get3A = arith.index_cast %mul3A_424 : i32 to index
        %get3A_425 = tpu.vector_load %arg10[%get3A] {strides = array<i32>} : memref<2048xf32, #tpu.memory_space<vmem>>, vector<16xf32>,
        %add3A_426 = arith.constant 0 : i32
        %add3A_427 = arith.addi %mul3A_420, %add3A_426 : i32
        %mul3A_428 = arith.constant 2 : i32
        %mul3A_429 = arith.muli %mul3A_428, %add3A_427 : i32
        %add3A_430 = arith.constant 16 : i32
        %add3A_431 = arith.addi %mul3A_429, %add3A_430 : i32
        %get3A_432 = arith.index_cast %add3A_431 : i32 to index
        %get3A_433 = tpu.vector_load %arg10[%get3A_432] {strides = array<i32>} : memref<2048xf32, #tpu.memory_space<vmem>>, vector<16xf32>,
        %add3A_434 = arith.constant 0 : i32
        %add3A_435 = arith.addi %mul3A_420, %add3A_434 : i32
        %add3A_436 = vector.broadcast %add3A_435 : i32 to vector<16xi32>
        %add3A_437 = arith.addi %iota3A, %add3A_436 : vector<16xi32>
        %gather3A = tpu.vector_load_idx %arg12[%add3A_437, %broadcast_in_dim3A_3] : memref<1024x16xf32, #tpu.memory_space<vmem>>[vector<16xi32>, vector<16xi32>], vector<16xf32>,
        %gather3A_438 = tpu.vector_load_idx %arg12[%add3A_437, %broadcast_in_dim3A_19] : memref<1024x16xf32, #tpu.memory_space<vmem>>[vector<16xi32>, vector<16xi32>], vector<16xf32>,
        %mul3A_439 = arith.mulf %get3A_425, %gather3A : vector<16xf32>
        %mul3A_440 = arith.mulf %get3A_433, %gather3A_438 : vector<16xf32>
        %add3A_441 = arith.addf %mul3A_439, %mul3A_440 : vector<16xf32>
        %gather3A_442 = tpu.vector_load_idx %arg12[%add3A_437, %broadcast_in_dim3A_5] : memref<1024x16xf32, #tpu.memory_space<vmem>>[vector<16xi32>, vector<16xi32>], vector<16xf32>,
        %gather3A_443 = tpu.vector_load_idx %arg12[%add3A_437, %broadcast_in_dim3A_21] : memref<1024x16xf32, #tpu.memory_space<vmem>>[vector<16xi32>, vector<16xi32>], vector<16xf32>,
        %mul3A_444 = arith.mulf %get3A_425, %gather3A_442 : vector<16xf32>
        %mul3A_445 = arith.mulf %get3A_433, %gather3A_443 : vector<16xf32>
        %add3A_446 = arith.addf %mul3A_444, %mul3A_445 : vector<16xf32>
        %gather3A_447 = tpu.vector_load_idx %arg12[%add3A_437, %broadcast_in_dim3A_7] : memref<1024x16xf32, #tpu.memory_space<vmem>>[vector<16xi32>, vector<16xi32>], vector<16xf32>,
        %gather3A_448 = tpu.vector_load_idx %arg12[%add3A_437, %broadcast_in_dim3A_23] : memref<1024x16xf32, #tpu.memory_space<vmem>>[vector<16xi32>, vector<16xi32>], vector<16xf32>,
        %mul3A_449 = arith.mulf %get3A_425, %gather3A_447 : vector<16xf32>
        %mul3A_450 = arith.mulf %get3A_433, %gather3A_448 : vector<16xf32>
        %add3A_451 = arith.addf %mul3A_449, %mul3A_450 : vector<16xf32>
        %gather3A_452 = tpu.vector_load_idx %arg12[%add3A_437, %broadcast_in_dim3A_9] : memref<1024x16xf32, #tpu.memory_space<vmem>>[vector<16xi32>, vector<16xi32>], vector<16xf32>,
        %gather3A_453 = tpu.vector_load_idx %arg12[%add3A_437, %broadcast_in_dim3A_25] : memref<1024x16xf32, #tpu.memory_space<vmem>>[vector<16xi32>, vector<16xi32>], vector<16xf32>,
        %mul3A_454 = arith.mulf %get3A_425, %gather3A_452 : vector<16xf32>
        %mul3A_455 = arith.mulf %get3A_433, %gather3A_453 : vector<16xf32>
        %add3A_456 = arith.addf %mul3A_454, %mul3A_455 : vector<16xf32>
        %gather3A_457 = tpu.vector_load_idx %arg12[%add3A_437, %broadcast_in_dim3A_11] : memref<1024x16xf32, #tpu.memory_space<vmem>>[vector<16xi32>, vector<16xi32>], vector<16xf32>,
        %gather3A_458 = tpu.vector_load_idx %arg12[%add3A_437, %broadcast_in_dim3A_27] : memref<1024x16xf32, #tpu.memory_space<vmem>>[vector<16xi32>, vector<16xi32>], vector<16xf32>,
        %mul3A_459 = arith.mulf %get3A_425, %gather3A_457 : vector<16xf32>
        %mul3A_460 = arith.mulf %get3A_433, %gather3A_458 : vector<16xf32>
        %add3A_461 = arith.addf %mul3A_459, %mul3A_460 : vector<16xf32>
        %gather3A_462 = tpu.vector_load_idx %arg12[%add3A_437, %broadcast_in_dim3A_13] : memref<1024x16xf32, #tpu.memory_space<vmem>>[vector<16xi32>, vector<16xi32>], vector<16xf32>,
        %gather3A_463 = tpu.vector_load_idx %arg12[%add3A_437, %broadcast_in_dim3A_29] : memref<1024x16xf32, #tpu.memory_space<vmem>>[vector<16xi32>, vector<16xi32>], vector<16xf32>,
        %mul3A_464 = arith.mulf %get3A_425, %gather3A_462 : vector<16xf32>
        %mul3A_465 = arith.mulf %get3A_433, %gather3A_463 : vector<16xf32>
        %add3A_466 = arith.addf %mul3A_464, %mul3A_465 : vector<16xf32>
        %gather3A_467 = tpu.vector_load_idx %arg12[%add3A_437, %broadcast_in_dim3A_15] : memref<1024x16xf32, #tpu.memory_space<vmem>>[vector<16xi32>, vector<16xi32>], vector<16xf32>,
        %gather3A_468 = tpu.vector_load_idx %arg12[%add3A_437, %broadcast_in_dim3A_31] : memref<1024x16xf32, #tpu.memory_space<vmem>>[vector<16xi32>, vector<16xi32>], vector<16xf32>,
        %mul3A_469 = arith.mulf %get3A_425, %gather3A_467 : vector<16xf32>
        %mul3A_470 = arith.mulf %get3A_433, %gather3A_468 : vector<16xf32>
        %add3A_471 = arith.addf %mul3A_469, %mul3A_470 : vector<16xf32>
        %gather3A_472 = tpu.vector_load_idx %arg12[%add3A_437, %broadcast_in_dim3A_17] : memref<1024x16xf32, #tpu.memory_space<vmem>>[vector<16xi32>, vector<16xi32>], vector<16xf32>,
        %gather3A_473 = tpu.vector_load_idx %arg12[%add3A_437, %broadcast_in_dim3A_33] : memref<1024x16xf32, #tpu.memory_space<vmem>>[vector<16xi32>, vector<16xi32>], vector<16xf32>,
        %mul3A_474 = arith.mulf %get3A_425, %gather3A_472 : vector<16xf32>
        %mul3A_475 = arith.mulf %get3A_433, %gather3A_473 : vector<16xf32>
        %add3A_476 = arith.addf %mul3A_474, %mul3A_475 : vector<16xf32>
        %add3A_477 = arith.constant 16 : i32
        %add3A_478 = arith.addi %mul3A_420, %add3A_477 : i32
        %mul3A_479 = arith.constant 2 : i32
        %mul3A_480 = arith.muli %mul3A_479, %add3A_478 : i32
        %get3A_481 = arith.index_cast %mul3A_480 : i32 to index
        %get3A_482 = tpu.vector_load %arg10[%get3A_481] {strides = array<i32>} : memref<2048xf32, #tpu.memory_space<vmem>>, vector<16xf32>,
        %add3A_483 = arith.constant 16 : i32
        %add3A_484 = arith.addi %mul3A_420, %add3A_483 : i32
        %mul3A_485 = arith.constant 2 : i32
        %mul3A_486 = arith.muli %mul3A_485, %add3A_484 : i32
        %add3A_487 = arith.constant 16 : i32
        %add3A_488 = arith.addi %mul3A_486, %add3A_487 : i32
        %get3A_489 = arith.index_cast %add3A_488 : i32 to index
        %get3A_490 = tpu.vector_load %arg10[%get3A_489] {strides = array<i32>} : memref<2048xf32, #tpu.memory_space<vmem>>, vector<16xf32>,
        %add3A_491 = arith.constant 16 : i32
        %add3A_492 = arith.addi %mul3A_420, %add3A_491 : i32
        %add3A_493 = vector.broadcast %add3A_492 : i32 to vector<16xi32>
        %add3A_494 = arith.addi %iota3A, %add3A_493 : vector<16xi32>
        %gather3A_495 = tpu.vector_load_idx %arg12[%add3A_494, %broadcast_in_dim3A_3] : memref<1024x16xf32, #tpu.memory_space<vmem>>[vector<16xi32>, vector<16xi32>], vector<16xf32>,
        %gather3A_496 = tpu.vector_load_idx %arg12[%add3A_494, %broadcast_in_dim3A_19] : memref<1024x16xf32, #tpu.memory_space<vmem>>[vector<16xi32>, vector<16xi32>], vector<16xf32>,
        %mul3A_497 = arith.mulf %get3A_482, %gather3A_495 : vector<16xf32>
        %mul3A_498 = arith.mulf %get3A_490, %gather3A_496 : vector<16xf32>
        %add3A_499 = arith.addf %mul3A_497, %mul3A_498 : vector<16xf32>
        %add3A_500 = arith.addf %add3A_441, %add3A_499 : vector<16xf32>
        %gather3A_501 = tpu.vector_load_idx %arg12[%add3A_494, %broadcast_in_dim3A_5] : memref<1024x16xf32, #tpu.memory_space<vmem>>[vector<16xi32>, vector<16xi32>], vector<16xf32>,
        %gather3A_502 = tpu.vector_load_idx %arg12[%add3A_494, %broadcast_in_dim3A_21] : memref<1024x16xf32, #tpu.memory_space<vmem>>[vector<16xi32>, vector<16xi32>], vector<16xf32>,
        %mul3A_503 = arith.mulf %get3A_482, %gather3A_501 : vector<16xf32>
        %mul3A_504 = arith.mulf %get3A_490, %gather3A_502 : vector<16xf32>
        %add3A_505 = arith.addf %mul3A_503, %mul3A_504 : vector<16xf32>
        %add3A_506 = arith.addf %add3A_446, %add3A_505 : vector<16xf32>
        %gather3A_507 = tpu.vector_load_idx %arg12[%add3A_494, %broadcast_in_dim3A_7] : memref<1024x16xf32, #tpu.memory_space<vmem>>[vector<16xi32>, vector<16xi32>], vector<16xf32>,
        %gather3A_508 = tpu.vector_load_idx %arg12[%add3A_494, %broadcast_in_dim3A_23] : memref<1024x16xf32, #tpu.memory_space<vmem>>[vector<16xi32>, vector<16xi32>], vector<16xf32>,
        %mul3A_509 = arith.mulf %get3A_482, %gather3A_507 : vector<16xf32>
        %mul3A_510 = arith.mulf %get3A_490, %gather3A_508 : vector<16xf32>
        %add3A_511 = arith.addf %mul3A_509, %mul3A_510 : vector<16xf32>
        %add3A_512 = arith.addf %add3A_451, %add3A_511 : vector<16xf32>
        %gather3A_513 = tpu.vector_load_idx %arg12[%add3A_494, %broadcast_in_dim3A_9] : memref<1024x16xf32, #tpu.memory_space<vmem>>[vector<16xi32>, vector<16xi32>], vector<16xf32>,
        %gather3A_514 = tpu.vector_load_idx %arg12[%add3A_494, %broadcast_in_dim3A_25] : memref<1024x16xf32, #tpu.memory_space<vmem>>[vector<16xi32>, vector<16xi32>], vector<16xf32>,
        %mul3A_515 = arith.mulf %get3A_482, %gather3A_513 : vector<16xf32>
        %mul3A_516 = arith.mulf %get3A_490, %gather3A_514 : vector<16xf32>
        %add3A_517 = arith.addf %mul3A_515, %mul3A_516 : vector<16xf32>
        %add3A_518 = arith.addf %add3A_456, %add3A_517 : vector<16xf32>
        %gather3A_519 = tpu.vector_load_idx %arg12[%add3A_494, %broadcast_in_dim3A_11] : memref<1024x16xf32, #tpu.memory_space<vmem>>[vector<16xi32>, vector<16xi32>], vector<16xf32>,
        %gather3A_520 = tpu.vector_load_idx %arg12[%add3A_494, %broadcast_in_dim3A_27] : memref<1024x16xf32, #tpu.memory_space<vmem>>[vector<16xi32>, vector<16xi32>], vector<16xf32>,
        %mul3A_521 = arith.mulf %get3A_482, %gather3A_519 : vector<16xf32>
        %mul3A_522 = arith.mulf %get3A_490, %gather3A_520 : vector<16xf32>
        %add3A_523 = arith.addf %mul3A_521, %mul3A_522 : vector<16xf32>
        %add3A_524 = arith.addf %add3A_461, %add3A_523 : vector<16xf32>
        %gather3A_525 = tpu.vector_load_idx %arg12[%add3A_494, %broadcast_in_dim3A_13] : memref<1024x16xf32, #tpu.memory_space<vmem>>[vector<16xi32>, vector<16xi32>], vector<16xf32>,
        %gather3A_526 = tpu.vector_load_idx %arg12[%add3A_494, %broadcast_in_dim3A_29] : memref<1024x16xf32, #tpu.memory_space<vmem>>[vector<16xi32>, vector<16xi32>], vector<16xf32>,
        %mul3A_527 = arith.mulf %get3A_482, %gather3A_525 : vector<16xf32>
        %mul3A_528 = arith.mulf %get3A_490, %gather3A_526 : vector<16xf32>
        %add3A_529 = arith.addf %mul3A_527, %mul3A_528 : vector<16xf32>
        %add3A_530 = arith.addf %add3A_466, %add3A_529 : vector<16xf32>
        %gather3A_531 = tpu.vector_load_idx %arg12[%add3A_494, %broadcast_in_dim3A_15] : memref<1024x16xf32, #tpu.memory_space<vmem>>[vector<16xi32>, vector<16xi32>], vector<16xf32>,
        %gather3A_532 = tpu.vector_load_idx %arg12[%add3A_494, %broadcast_in_dim3A_31] : memref<1024x16xf32, #tpu.memory_space<vmem>>[vector<16xi32>, vector<16xi32>], vector<16xf32>,
        %mul3A_533 = arith.mulf %get3A_482, %gather3A_531 : vector<16xf32>
        %mul3A_534 = arith.mulf %get3A_490, %gather3A_532 : vector<16xf32>
        %add3A_535 = arith.addf %mul3A_533, %mul3A_534 : vector<16xf32>
        %add3A_536 = arith.addf %add3A_471, %add3A_535 : vector<16xf32>
        %gather3A_537 = tpu.vector_load_idx %arg12[%add3A_494, %broadcast_in_dim3A_17] : memref<1024x16xf32, #tpu.memory_space<vmem>>[vector<16xi32>, vector<16xi32>], vector<16xf32>,
        %gather3A_538 = tpu.vector_load_idx %arg12[%add3A_494, %broadcast_in_dim3A_33] : memref<1024x16xf32, #tpu.memory_space<vmem>>[vector<16xi32>, vector<16xi32>], vector<16xf32>,
        %mul3A_539 = arith.mulf %get3A_482, %gather3A_537 : vector<16xf32>
        %mul3A_540 = arith.mulf %get3A_490, %gather3A_538 : vector<16xf32>
        %add3A_541 = arith.addf %mul3A_539, %mul3A_540 : vector<16xf32>
        %add3A_542 = arith.addf %add3A_476, %add3A_541 : vector<16xf32>
        %add3A_543 = arith.constant 32 : i32
        %add3A_544 = arith.addi %mul3A_420, %add3A_543 : i32
        %mul3A_545 = arith.constant 2 : i32
        %mul3A_546 = arith.muli %mul3A_545, %add3A_544 : i32
        %get3A_547 = arith.index_cast %mul3A_546 : i32 to index
        %get3A_548 = tpu.vector_load %arg10[%get3A_547] {strides = array<i32>} : memref<2048xf32, #tpu.memory_space<vmem>>, vector<16xf32>,
        %add3A_549 = arith.constant 32 : i32
        %add3A_550 = arith.addi %mul3A_420, %add3A_549 : i32
        %mul3A_551 = arith.constant 2 : i32
        %mul3A_552 = arith.muli %mul3A_551, %add3A_550 : i32
        %add3A_553 = arith.constant 16 : i32
        %add3A_554 = arith.addi %mul3A_552, %add3A_553 : i32
        %get3A_555 = arith.index_cast %add3A_554 : i32 to index
        %get3A_556 = tpu.vector_load %arg10[%get3A_555] {strides = array<i32>} : memref<2048xf32, #tpu.memory_space<vmem>>, vector<16xf32>,
        %add3A_557 = arith.constant 32 : i32
        %add3A_558 = arith.addi %mul3A_420, %add3A_557 : i32
        %add3A_559 = vector.broadcast %add3A_558 : i32 to vector<16xi32>
        %add3A_560 = arith.addi %iota3A, %add3A_559 : vector<16xi32>
        %gather3A_561 = tpu.vector_load_idx %arg12[%add3A_560, %broadcast_in_dim3A_3] : memref<1024x16xf32, #tpu.memory_space<vmem>>[vector<16xi32>, vector<16xi32>], vector<16xf32>,
        %gather3A_562 = tpu.vector_load_idx %arg12[%add3A_560, %broadcast_in_dim3A_19] : memref<1024x16xf32, #tpu.memory_space<vmem>>[vector<16xi32>, vector<16xi32>], vector<16xf32>,
        %mul3A_563 = arith.mulf %get3A_548, %gather3A_561 : vector<16xf32>
        %mul3A_564 = arith.mulf %get3A_556, %gather3A_562 : vector<16xf32>
        %add3A_565 = arith.addf %mul3A_563, %mul3A_564 : vector<16xf32>
        %add3A_566 = arith.addf %add3A_500, %add3A_565 : vector<16xf32>
        %gather3A_567 = tpu.vector_load_idx %arg12[%add3A_560, %broadcast_in_dim3A_5] : memref<1024x16xf32, #tpu.memory_space<vmem>>[vector<16xi32>, vector<16xi32>], vector<16xf32>,
        %gather3A_568 = tpu.vector_load_idx %arg12[%add3A_560, %broadcast_in_dim3A_21] : memref<1024x16xf32, #tpu.memory_space<vmem>>[vector<16xi32>, vector<16xi32>], vector<16xf32>,
        %mul3A_569 = arith.mulf %get3A_548, %gather3A_567 : vector<16xf32>
        %mul3A_570 = arith.mulf %get3A_556, %gather3A_568 : vector<16xf32>
        %add3A_571 = arith.addf %mul3A_569, %mul3A_570 : vector<16xf32>
        %add3A_572 = arith.addf %add3A_506, %add3A_571 : vector<16xf32>
        %gather3A_573 = tpu.vector_load_idx %arg12[%add3A_560, %broadcast_in_dim3A_7] : memref<1024x16xf32, #tpu.memory_space<vmem>>[vector<16xi32>, vector<16xi32>], vector<16xf32>,
        %gather3A_574 = tpu.vector_load_idx %arg12[%add3A_560, %broadcast_in_dim3A_23] : memref<1024x16xf32, #tpu.memory_space<vmem>>[vector<16xi32>, vector<16xi32>], vector<16xf32>,
        %mul3A_575 = arith.mulf %get3A_548, %gather3A_573 : vector<16xf32>
        %mul3A_576 = arith.mulf %get3A_556, %gather3A_574 : vector<16xf32>
        %add3A_577 = arith.addf %mul3A_575, %mul3A_576 : vector<16xf32>
        %add3A_578 = arith.addf %add3A_512, %add3A_577 : vector<16xf32>
        %gather3A_579 = tpu.vector_load_idx %arg12[%add3A_560, %broadcast_in_dim3A_9] : memref<1024x16xf32, #tpu.memory_space<vmem>>[vector<16xi32>, vector<16xi32>], vector<16xf32>,
        %gather3A_580 = tpu.vector_load_idx %arg12[%add3A_560, %broadcast_in_dim3A_25] : memref<1024x16xf32, #tpu.memory_space<vmem>>[vector<16xi32>, vector<16xi32>], vector<16xf32>,
        %mul3A_581 = arith.mulf %get3A_548, %gather3A_579 : vector<16xf32>
        %mul3A_582 = arith.mulf %get3A_556, %gather3A_580 : vector<16xf32>
        %add3A_583 = arith.addf %mul3A_581, %mul3A_582 : vector<16xf32>
        %add3A_584 = arith.addf %add3A_518, %add3A_583 : vector<16xf32>
        %gather3A_585 = tpu.vector_load_idx %arg12[%add3A_560, %broadcast_in_dim3A_11] : memref<1024x16xf32, #tpu.memory_space<vmem>>[vector<16xi32>, vector<16xi32>], vector<16xf32>,
        %gather3A_586 = tpu.vector_load_idx %arg12[%add3A_560, %broadcast_in_dim3A_27] : memref<1024x16xf32, #tpu.memory_space<vmem>>[vector<16xi32>, vector<16xi32>], vector<16xf32>,
        %mul3A_587 = arith.mulf %get3A_548, %gather3A_585 : vector<16xf32>
        %mul3A_588 = arith.mulf %get3A_556, %gather3A_586 : vector<16xf32>
        %add3A_589 = arith.addf %mul3A_587, %mul3A_588 : vector<16xf32>
        %add3A_590 = arith.addf %add3A_524, %add3A_589 : vector<16xf32>
        %gather3A_591 = tpu.vector_load_idx %arg12[%add3A_560, %broadcast_in_dim3A_13] : memref<1024x16xf32, #tpu.memory_space<vmem>>[vector<16xi32>, vector<16xi32>], vector<16xf32>,
        %gather3A_592 = tpu.vector_load_idx %arg12[%add3A_560, %broadcast_in_dim3A_29] : memref<1024x16xf32, #tpu.memory_space<vmem>>[vector<16xi32>, vector<16xi32>], vector<16xf32>,
        %mul3A_593 = arith.mulf %get3A_548, %gather3A_591 : vector<16xf32>
        %mul3A_594 = arith.mulf %get3A_556, %gather3A_592 : vector<16xf32>
        %add3A_595 = arith.addf %mul3A_593, %mul3A_594 : vector<16xf32>
        %add3A_596 = arith.addf %add3A_530, %add3A_595 : vector<16xf32>
        %gather3A_597 = tpu.vector_load_idx %arg12[%add3A_560, %broadcast_in_dim3A_15] : memref<1024x16xf32, #tpu.memory_space<vmem>>[vector<16xi32>, vector<16xi32>], vector<16xf32>,
        %gather3A_598 = tpu.vector_load_idx %arg12[%add3A_560, %broadcast_in_dim3A_31] : memref<1024x16xf32, #tpu.memory_space<vmem>>[vector<16xi32>, vector<16xi32>], vector<16xf32>,
        %mul3A_599 = arith.mulf %get3A_548, %gather3A_597 : vector<16xf32>
        %mul3A_600 = arith.mulf %get3A_556, %gather3A_598 : vector<16xf32>
        %add3A_601 = arith.addf %mul3A_599, %mul3A_600 : vector<16xf32>
        %add3A_602 = arith.addf %add3A_536, %add3A_601 : vector<16xf32>
        %gather3A_603 = tpu.vector_load_idx %arg12[%add3A_560, %broadcast_in_dim3A_17] : memref<1024x16xf32, #tpu.memory_space<vmem>>[vector<16xi32>, vector<16xi32>], vector<16xf32>,
        %gather3A_604 = tpu.vector_load_idx %arg12[%add3A_560, %broadcast_in_dim3A_33] : memref<1024x16xf32, #tpu.memory_space<vmem>>[vector<16xi32>, vector<16xi32>], vector<16xf32>,
        %mul3A_605 = arith.mulf %get3A_548, %gather3A_603 : vector<16xf32>
        %mul3A_606 = arith.mulf %get3A_556, %gather3A_604 : vector<16xf32>
        %add3A_607 = arith.addf %mul3A_605, %mul3A_606 : vector<16xf32>
        %add3A_608 = arith.addf %add3A_542, %add3A_607 : vector<16xf32>
        %add3A_609 = arith.constant 48 : i32
        %add3A_610 = arith.addi %mul3A_420, %add3A_609 : i32
        %mul3A_611 = arith.constant 2 : i32
        %mul3A_612 = arith.muli %mul3A_611, %add3A_610 : i32
        %get3A_613 = arith.index_cast %mul3A_612 : i32 to index
        %get3A_614 = tpu.vector_load %arg10[%get3A_613] {strides = array<i32>} : memref<2048xf32, #tpu.memory_space<vmem>>, vector<16xf32>,
        %add3A_615 = arith.constant 48 : i32
        %add3A_616 = arith.addi %mul3A_420, %add3A_615 : i32
        %mul3A_617 = arith.constant 2 : i32
        %mul3A_618 = arith.muli %mul3A_617, %add3A_616 : i32
        %add3A_619 = arith.constant 16 : i32
        %add3A_620 = arith.addi %mul3A_618, %add3A_619 : i32
        %get3A_621 = arith.index_cast %add3A_620 : i32 to index
        %get3A_622 = tpu.vector_load %arg10[%get3A_621] {strides = array<i32>} : memref<2048xf32, #tpu.memory_space<vmem>>, vector<16xf32>,
        %add3A_623 = arith.constant 48 : i32
        %add3A_624 = arith.addi %mul3A_420, %add3A_623 : i32
        %add3A_625 = vector.broadcast %add3A_624 : i32 to vector<16xi32>
        %add3A_626 = arith.addi %iota3A, %add3A_625 : vector<16xi32>
        %gather3A_627 = tpu.vector_load_idx %arg12[%add3A_626, %broadcast_in_dim3A_3] : memref<1024x16xf32, #tpu.memory_space<vmem>>[vector<16xi32>, vector<16xi32>], vector<16xf32>,
        %gather3A_628 = tpu.vector_load_idx %arg12[%add3A_626, %broadcast_in_dim3A_19] : memref<1024x16xf32, #tpu.memory_space<vmem>>[vector<16xi32>, vector<16xi32>], vector<16xf32>,
        %mul3A_629 = arith.mulf %get3A_614, %gather3A_627 : vector<16xf32>
        %mul3A_630 = arith.mulf %get3A_622, %gather3A_628 : vector<16xf32>
        %add3A_631 = arith.addf %mul3A_629, %mul3A_630 : vector<16xf32>
        %add3A_632 = arith.addf %add3A_566, %add3A_631 : vector<16xf32>
        %gather3A_633 = tpu.vector_load_idx %arg12[%add3A_626, %broadcast_in_dim3A_5] : memref<1024x16xf32, #tpu.memory_space<vmem>>[vector<16xi32>, vector<16xi32>], vector<16xf32>,
        %gather3A_634 = tpu.vector_load_idx %arg12[%add3A_626, %broadcast_in_dim3A_21] : memref<1024x16xf32, #tpu.memory_space<vmem>>[vector<16xi32>, vector<16xi32>], vector<16xf32>,
        %mul3A_635 = arith.mulf %get3A_614, %gather3A_633 : vector<16xf32>
        %mul3A_636 = arith.mulf %get3A_622, %gather3A_634 : vector<16xf32>
        %add3A_637 = arith.addf %mul3A_635, %mul3A_636 : vector<16xf32>
        %add3A_638 = arith.addf %add3A_572, %add3A_637 : vector<16xf32>
        %gather3A_639 = tpu.vector_load_idx %arg12[%add3A_626, %broadcast_in_dim3A_7] : memref<1024x16xf32, #tpu.memory_space<vmem>>[vector<16xi32>, vector<16xi32>], vector<16xf32>,
        %gather3A_640 = tpu.vector_load_idx %arg12[%add3A_626, %broadcast_in_dim3A_23] : memref<1024x16xf32, #tpu.memory_space<vmem>>[vector<16xi32>, vector<16xi32>], vector<16xf32>,
        %mul3A_641 = arith.mulf %get3A_614, %gather3A_639 : vector<16xf32>
        %mul3A_642 = arith.mulf %get3A_622, %gather3A_640 : vector<16xf32>
        %add3A_643 = arith.addf %mul3A_641, %mul3A_642 : vector<16xf32>
        %add3A_644 = arith.addf %add3A_578, %add3A_643 : vector<16xf32>
        %gather3A_645 = tpu.vector_load_idx %arg12[%add3A_626, %broadcast_in_dim3A_9] : memref<1024x16xf32, #tpu.memory_space<vmem>>[vector<16xi32>, vector<16xi32>], vector<16xf32>,
        %gather3A_646 = tpu.vector_load_idx %arg12[%add3A_626, %broadcast_in_dim3A_25] : memref<1024x16xf32, #tpu.memory_space<vmem>>[vector<16xi32>, vector<16xi32>], vector<16xf32>,
        %mul3A_647 = arith.mulf %get3A_614, %gather3A_645 : vector<16xf32>
        %mul3A_648 = arith.mulf %get3A_622, %gather3A_646 : vector<16xf32>
        %add3A_649 = arith.addf %mul3A_647, %mul3A_648 : vector<16xf32>
        %add3A_650 = arith.addf %add3A_584, %add3A_649 : vector<16xf32>
        %gather3A_651 = tpu.vector_load_idx %arg12[%add3A_626, %broadcast_in_dim3A_11] : memref<1024x16xf32, #tpu.memory_space<vmem>>[vector<16xi32>, vector<16xi32>], vector<16xf32>,
        %gather3A_652 = tpu.vector_load_idx %arg12[%add3A_626, %broadcast_in_dim3A_27] : memref<1024x16xf32, #tpu.memory_space<vmem>>[vector<16xi32>, vector<16xi32>], vector<16xf32>,
        %mul3A_653 = arith.mulf %get3A_614, %gather3A_651 : vector<16xf32>
        %mul3A_654 = arith.mulf %get3A_622, %gather3A_652 : vector<16xf32>
        %add3A_655 = arith.addf %mul3A_653, %mul3A_654 : vector<16xf32>
        %add3A_656 = arith.addf %add3A_590, %add3A_655 : vector<16xf32>
        %gather3A_657 = tpu.vector_load_idx %arg12[%add3A_626, %broadcast_in_dim3A_13] : memref<1024x16xf32, #tpu.memory_space<vmem>>[vector<16xi32>, vector<16xi32>], vector<16xf32>,
        %gather3A_658 = tpu.vector_load_idx %arg12[%add3A_626, %broadcast_in_dim3A_29] : memref<1024x16xf32, #tpu.memory_space<vmem>>[vector<16xi32>, vector<16xi32>], vector<16xf32>,
        %mul3A_659 = arith.mulf %get3A_614, %gather3A_657 : vector<16xf32>
        %mul3A_660 = arith.mulf %get3A_622, %gather3A_658 : vector<16xf32>
        %add3A_661 = arith.addf %mul3A_659, %mul3A_660 : vector<16xf32>
        %add3A_662 = arith.addf %add3A_596, %add3A_661 : vector<16xf32>
        %gather3A_663 = tpu.vector_load_idx %arg12[%add3A_626, %broadcast_in_dim3A_15] : memref<1024x16xf32, #tpu.memory_space<vmem>>[vector<16xi32>, vector<16xi32>], vector<16xf32>,
        %gather3A_664 = tpu.vector_load_idx %arg12[%add3A_626, %broadcast_in_dim3A_31] : memref<1024x16xf32, #tpu.memory_space<vmem>>[vector<16xi32>, vector<16xi32>], vector<16xf32>,
        %mul3A_665 = arith.mulf %get3A_614, %gather3A_663 : vector<16xf32>
        %mul3A_666 = arith.mulf %get3A_622, %gather3A_664 : vector<16xf32>
        %add3A_667 = arith.addf %mul3A_665, %mul3A_666 : vector<16xf32>
        %add3A_668 = arith.addf %add3A_602, %add3A_667 : vector<16xf32>
        %gather3A_669 = tpu.vector_load_idx %arg12[%add3A_626, %broadcast_in_dim3A_17] : memref<1024x16xf32, #tpu.memory_space<vmem>>[vector<16xi32>, vector<16xi32>], vector<16xf32>,
        %gather3A_670 = tpu.vector_load_idx %arg12[%add3A_626, %broadcast_in_dim3A_33] : memref<1024x16xf32, #tpu.memory_space<vmem>>[vector<16xi32>, vector<16xi32>], vector<16xf32>,
        %mul3A_671 = arith.mulf %get3A_614, %gather3A_669 : vector<16xf32>
        %mul3A_672 = arith.mulf %get3A_622, %gather3A_670 : vector<16xf32>
        %add3A_673 = arith.addf %mul3A_671, %mul3A_672 : vector<16xf32>
        %add3A_674 = arith.addf %add3A_608, %add3A_673 : vector<16xf32>
        %add3A_675 = arith.constant 64 : i32
        %add3A_676 = arith.addi %mul3A_420, %add3A_675 : i32
        %mul3A_677 = arith.constant 2 : i32
        %mul3A_678 = arith.muli %mul3A_677, %add3A_676 : i32
        %get3A_679 = arith.index_cast %mul3A_678 : i32 to index
        %get3A_680 = tpu.vector_load %arg10[%get3A_679] {strides = array<i32>} : memref<2048xf32, #tpu.memory_space<vmem>>, vector<16xf32>,
        %add3A_681 = arith.constant 64 : i32
        %add3A_682 = arith.addi %mul3A_420, %add3A_681 : i32
        %mul3A_683 = arith.constant 2 : i32
        %mul3A_684 = arith.muli %mul3A_683, %add3A_682 : i32
        %add3A_685 = arith.constant 16 : i32
        %add3A_686 = arith.addi %mul3A_684, %add3A_685 : i32
        %get3A_687 = arith.index_cast %add3A_686 : i32 to index
        %get3A_688 = tpu.vector_load %arg10[%get3A_687] {strides = array<i32>} : memref<2048xf32, #tpu.memory_space<vmem>>, vector<16xf32>,
        %add3A_689 = arith.constant 64 : i32
        %add3A_690 = arith.addi %mul3A_420, %add3A_689 : i32
        %add3A_691 = vector.broadcast %add3A_690 : i32 to vector<16xi32>
        %add3A_692 = arith.addi %iota3A, %add3A_691 : vector<16xi32>
        %gather3A_693 = tpu.vector_load_idx %arg12[%add3A_692, %broadcast_in_dim3A_3] : memref<1024x16xf32, #tpu.memory_space<vmem>>[vector<16xi32>, vector<16xi32>], vector<16xf32>,
        %gather3A_694 = tpu.vector_load_idx %arg12[%add3A_692, %broadcast_in_dim3A_19] : memref<1024x16xf32, #tpu.memory_space<vmem>>[vector<16xi32>, vector<16xi32>], vector<16xf32>,
        %mul3A_695 = arith.mulf %get3A_680, %gather3A_693 : vector<16xf32>
        %mul3A_696 = arith.mulf %get3A_688, %gather3A_694 : vector<16xf32>
        %add3A_697 = arith.addf %mul3A_695, %mul3A_696 : vector<16xf32>
        %add3A_698 = arith.addf %add3A_632, %add3A_697 : vector<16xf32>
        %gather3A_699 = tpu.vector_load_idx %arg12[%add3A_692, %broadcast_in_dim3A_5] : memref<1024x16xf32, #tpu.memory_space<vmem>>[vector<16xi32>, vector<16xi32>], vector<16xf32>,
        %gather3A_700 = tpu.vector_load_idx %arg12[%add3A_692, %broadcast_in_dim3A_21] : memref<1024x16xf32, #tpu.memory_space<vmem>>[vector<16xi32>, vector<16xi32>], vector<16xf32>,
        %mul3A_701 = arith.mulf %get3A_680, %gather3A_699 : vector<16xf32>
        %mul3A_702 = arith.mulf %get3A_688, %gather3A_700 : vector<16xf32>
        %add3A_703 = arith.addf %mul3A_701, %mul3A_702 : vector<16xf32>
        %add3A_704 = arith.addf %add3A_638, %add3A_703 : vector<16xf32>
        %gather3A_705 = tpu.vector_load_idx %arg12[%add3A_692, %broadcast_in_dim3A_7] : memref<1024x16xf32, #tpu.memory_space<vmem>>[vector<16xi32>, vector<16xi32>], vector<16xf32>,
        %gather3A_706 = tpu.vector_load_idx %arg12[%add3A_692, %broadcast_in_dim3A_23] : memref<1024x16xf32, #tpu.memory_space<vmem>>[vector<16xi32>, vector<16xi32>], vector<16xf32>,
        %mul3A_707 = arith.mulf %get3A_680, %gather3A_705 : vector<16xf32>
        %mul3A_708 = arith.mulf %get3A_688, %gather3A_706 : vector<16xf32>
        %add3A_709 = arith.addf %mul3A_707, %mul3A_708 : vector<16xf32>
        %add3A_710 = arith.addf %add3A_644, %add3A_709 : vector<16xf32>
        %gather3A_711 = tpu.vector_load_idx %arg12[%add3A_692, %broadcast_in_dim3A_9] : memref<1024x16xf32, #tpu.memory_space<vmem>>[vector<16xi32>, vector<16xi32>], vector<16xf32>,
        %gather3A_712 = tpu.vector_load_idx %arg12[%add3A_692, %broadcast_in_dim3A_25] : memref<1024x16xf32, #tpu.memory_space<vmem>>[vector<16xi32>, vector<16xi32>], vector<16xf32>,
        %mul3A_713 = arith.mulf %get3A_680, %gather3A_711 : vector<16xf32>
        %mul3A_714 = arith.mulf %get3A_688, %gather3A_712 : vector<16xf32>
        %add3A_715 = arith.addf %mul3A_713, %mul3A_714 : vector<16xf32>
        %add3A_716 = arith.addf %add3A_650, %add3A_715 : vector<16xf32>
        %gather3A_717 = tpu.vector_load_idx %arg12[%add3A_692, %broadcast_in_dim3A_11] : memref<1024x16xf32, #tpu.memory_space<vmem>>[vector<16xi32>, vector<16xi32>], vector<16xf32>,
        %gather3A_718 = tpu.vector_load_idx %arg12[%add3A_692, %broadcast_in_dim3A_27] : memref<1024x16xf32, #tpu.memory_space<vmem>>[vector<16xi32>, vector<16xi32>], vector<16xf32>,
        %mul3A_719 = arith.mulf %get3A_680, %gather3A_717 : vector<16xf32>
        %mul3A_720 = arith.mulf %get3A_688, %gather3A_718 : vector<16xf32>
        %add3A_721 = arith.addf %mul3A_719, %mul3A_720 : vector<16xf32>
        %add3A_722 = arith.addf %add3A_656, %add3A_721 : vector<16xf32>
        %gather3A_723 = tpu.vector_load_idx %arg12[%add3A_692, %broadcast_in_dim3A_13] : memref<1024x16xf32, #tpu.memory_space<vmem>>[vector<16xi32>, vector<16xi32>], vector<16xf32>,
        %gather3A_724 = tpu.vector_load_idx %arg12[%add3A_692, %broadcast_in_dim3A_29] : memref<1024x16xf32, #tpu.memory_space<vmem>>[vector<16xi32>, vector<16xi32>], vector<16xf32>,
        %mul3A_725 = arith.mulf %get3A_680, %gather3A_723 : vector<16xf32>
        %mul3A_726 = arith.mulf %get3A_688, %gather3A_724 : vector<16xf32>
        %add3A_727 = arith.addf %mul3A_725, %mul3A_726 : vector<16xf32>
        %add3A_728 = arith.addf %add3A_662, %add3A_727 : vector<16xf32>
        %gather3A_729 = tpu.vector_load_idx %arg12[%add3A_692, %broadcast_in_dim3A_15] : memref<1024x16xf32, #tpu.memory_space<vmem>>[vector<16xi32>, vector<16xi32>], vector<16xf32>,
        %gather3A_730 = tpu.vector_load_idx %arg12[%add3A_692, %broadcast_in_dim3A_31] : memref<1024x16xf32, #tpu.memory_space<vmem>>[vector<16xi32>, vector<16xi32>], vector<16xf32>,
        %mul3A_731 = arith.mulf %get3A_680, %gather3A_729 : vector<16xf32>
        %mul3A_732 = arith.mulf %get3A_688, %gather3A_730 : vector<16xf32>
        %add3A_733 = arith.addf %mul3A_731, %mul3A_732 : vector<16xf32>
        %add3A_734 = arith.addf %add3A_668, %add3A_733 : vector<16xf32>
        %gather3A_735 = tpu.vector_load_idx %arg12[%add3A_692, %broadcast_in_dim3A_17] : memref<1024x16xf32, #tpu.memory_space<vmem>>[vector<16xi32>, vector<16xi32>], vector<16xf32>,
        %gather3A_736 = tpu.vector_load_idx %arg12[%add3A_692, %broadcast_in_dim3A_33] : memref<1024x16xf32, #tpu.memory_space<vmem>>[vector<16xi32>, vector<16xi32>], vector<16xf32>,
        %mul3A_737 = arith.mulf %get3A_680, %gather3A_735 : vector<16xf32>
        %mul3A_738 = arith.mulf %get3A_688, %gather3A_736 : vector<16xf32>
        %add3A_739 = arith.addf %mul3A_737, %mul3A_738 : vector<16xf32>
        %add3A_740 = arith.addf %add3A_674, %add3A_739 : vector<16xf32>
        %add3A_741 = arith.constant 80 : i32
        %add3A_742 = arith.addi %mul3A_420, %add3A_741 : i32
        %mul3A_743 = arith.constant 2 : i32
        %mul3A_744 = arith.muli %mul3A_743, %add3A_742 : i32
        %get3A_745 = arith.index_cast %mul3A_744 : i32 to index
        %get3A_746 = tpu.vector_load %arg10[%get3A_745] {strides = array<i32>} : memref<2048xf32, #tpu.memory_space<vmem>>, vector<16xf32>,
        %add3A_747 = arith.constant 80 : i32
        %add3A_748 = arith.addi %mul3A_420, %add3A_747 : i32
        %mul3A_749 = arith.constant 2 : i32
        %mul3A_750 = arith.muli %mul3A_749, %add3A_748 : i32
        %add3A_751 = arith.constant 16 : i32
        %add3A_752 = arith.addi %mul3A_750, %add3A_751 : i32
        %get3A_753 = arith.index_cast %add3A_752 : i32 to index
        %get3A_754 = tpu.vector_load %arg10[%get3A_753] {strides = array<i32>} : memref<2048xf32, #tpu.memory_space<vmem>>, vector<16xf32>,
        %add3A_755 = arith.constant 80 : i32
        %add3A_756 = arith.addi %mul3A_420, %add3A_755 : i32
        %add3A_757 = vector.broadcast %add3A_756 : i32 to vector<16xi32>
        %add3A_758 = arith.addi %iota3A, %add3A_757 : vector<16xi32>
        %gather3A_759 = tpu.vector_load_idx %arg12[%add3A_758, %broadcast_in_dim3A_3] : memref<1024x16xf32, #tpu.memory_space<vmem>>[vector<16xi32>, vector<16xi32>], vector<16xf32>,
        %gather3A_760 = tpu.vector_load_idx %arg12[%add3A_758, %broadcast_in_dim3A_19] : memref<1024x16xf32, #tpu.memory_space<vmem>>[vector<16xi32>, vector<16xi32>], vector<16xf32>,
        %mul3A_761 = arith.mulf %get3A_746, %gather3A_759 : vector<16xf32>
        %mul3A_762 = arith.mulf %get3A_754, %gather3A_760 : vector<16xf32>
        %add3A_763 = arith.addf %mul3A_761, %mul3A_762 : vector<16xf32>
        %add3A_764 = arith.addf %add3A_698, %add3A_763 : vector<16xf32>
        %gather3A_765 = tpu.vector_load_idx %arg12[%add3A_758, %broadcast_in_dim3A_5] : memref<1024x16xf32, #tpu.memory_space<vmem>>[vector<16xi32>, vector<16xi32>], vector<16xf32>,
        %gather3A_766 = tpu.vector_load_idx %arg12[%add3A_758, %broadcast_in_dim3A_21] : memref<1024x16xf32, #tpu.memory_space<vmem>>[vector<16xi32>, vector<16xi32>], vector<16xf32>,
        %mul3A_767 = arith.mulf %get3A_746, %gather3A_765 : vector<16xf32>
        %mul3A_768 = arith.mulf %get3A_754, %gather3A_766 : vector<16xf32>
        %add3A_769 = arith.addf %mul3A_767, %mul3A_768 : vector<16xf32>
        %add3A_770 = arith.addf %add3A_704, %add3A_769 : vector<16xf32>
        %gather3A_771 = tpu.vector_load_idx %arg12[%add3A_758, %broadcast_in_dim3A_7] : memref<1024x16xf32, #tpu.memory_space<vmem>>[vector<16xi32>, vector<16xi32>], vector<16xf32>,
        %gather3A_772 = tpu.vector_load_idx %arg12[%add3A_758, %broadcast_in_dim3A_23] : memref<1024x16xf32, #tpu.memory_space<vmem>>[vector<16xi32>, vector<16xi32>], vector<16xf32>,
        %mul3A_773 = arith.mulf %get3A_746, %gather3A_771 : vector<16xf32>
        %mul3A_774 = arith.mulf %get3A_754, %gather3A_772 : vector<16xf32>
        %add3A_775 = arith.addf %mul3A_773, %mul3A_774 : vector<16xf32>
        %add3A_776 = arith.addf %add3A_710, %add3A_775 : vector<16xf32>
        %gather3A_777 = tpu.vector_load_idx %arg12[%add3A_758, %broadcast_in_dim3A_9] : memref<1024x16xf32, #tpu.memory_space<vmem>>[vector<16xi32>, vector<16xi32>], vector<16xf32>,
        %gather3A_778 = tpu.vector_load_idx %arg12[%add3A_758, %broadcast_in_dim3A_25] : memref<1024x16xf32, #tpu.memory_space<vmem>>[vector<16xi32>, vector<16xi32>], vector<16xf32>,
        %mul3A_779 = arith.mulf %get3A_746, %gather3A_777 : vector<16xf32>
        %mul3A_780 = arith.mulf %get3A_754, %gather3A_778 : vector<16xf32>
        %add3A_781 = arith.addf %mul3A_779, %mul3A_780 : vector<16xf32>
        %add3A_782 = arith.addf %add3A_716, %add3A_781 : vector<16xf32>
        %gather3A_783 = tpu.vector_load_idx %arg12[%add3A_758, %broadcast_in_dim3A_11] : memref<1024x16xf32, #tpu.memory_space<vmem>>[vector<16xi32>, vector<16xi32>], vector<16xf32>,
        %gather3A_784 = tpu.vector_load_idx %arg12[%add3A_758, %broadcast_in_dim3A_27] : memref<1024x16xf32, #tpu.memory_space<vmem>>[vector<16xi32>, vector<16xi32>], vector<16xf32>,
        %mul3A_785 = arith.mulf %get3A_746, %gather3A_783 : vector<16xf32>
        %mul3A_786 = arith.mulf %get3A_754, %gather3A_784 : vector<16xf32>
        %add3A_787 = arith.addf %mul3A_785, %mul3A_786 : vector<16xf32>
        %add3A_788 = arith.addf %add3A_722, %add3A_787 : vector<16xf32>
        %gather3A_789 = tpu.vector_load_idx %arg12[%add3A_758, %broadcast_in_dim3A_13] : memref<1024x16xf32, #tpu.memory_space<vmem>>[vector<16xi32>, vector<16xi32>], vector<16xf32>,
        %gather3A_790 = tpu.vector_load_idx %arg12[%add3A_758, %broadcast_in_dim3A_29] : memref<1024x16xf32, #tpu.memory_space<vmem>>[vector<16xi32>, vector<16xi32>], vector<16xf32>,
        %mul3A_791 = arith.mulf %get3A_746, %gather3A_789 : vector<16xf32>
        %mul3A_792 = arith.mulf %get3A_754, %gather3A_790 : vector<16xf32>
        %add3A_793 = arith.addf %mul3A_791, %mul3A_792 : vector<16xf32>
        %add3A_794 = arith.addf %add3A_728, %add3A_793 : vector<16xf32>
        %gather3A_795 = tpu.vector_load_idx %arg12[%add3A_758, %broadcast_in_dim3A_15] : memref<1024x16xf32, #tpu.memory_space<vmem>>[vector<16xi32>, vector<16xi32>], vector<16xf32>,
        %gather3A_796 = tpu.vector_load_idx %arg12[%add3A_758, %broadcast_in_dim3A_31] : memref<1024x16xf32, #tpu.memory_space<vmem>>[vector<16xi32>, vector<16xi32>], vector<16xf32>,
        %mul3A_797 = arith.mulf %get3A_746, %gather3A_795 : vector<16xf32>
        %mul3A_798 = arith.mulf %get3A_754, %gather3A_796 : vector<16xf32>
        %add3A_799 = arith.addf %mul3A_797, %mul3A_798 : vector<16xf32>
        %add3A_800 = arith.addf %add3A_734, %add3A_799 : vector<16xf32>
        %gather3A_801 = tpu.vector_load_idx %arg12[%add3A_758, %broadcast_in_dim3A_17] : memref<1024x16xf32, #tpu.memory_space<vmem>>[vector<16xi32>, vector<16xi32>], vector<16xf32>,
        %gather3A_802 = tpu.vector_load_idx %arg12[%add3A_758, %broadcast_in_dim3A_33] : memref<1024x16xf32, #tpu.memory_space<vmem>>[vector<16xi32>, vector<16xi32>], vector<16xf32>,
        %mul3A_803 = arith.mulf %get3A_746, %gather3A_801 : vector<16xf32>
        %mul3A_804 = arith.mulf %get3A_754, %gather3A_802 : vector<16xf32>
        %add3A_805 = arith.addf %mul3A_803, %mul3A_804 : vector<16xf32>
        %add3A_806 = arith.addf %add3A_740, %add3A_805 : vector<16xf32>
        %add3A_807 = arith.constant 96 : i32
        %add3A_808 = arith.addi %mul3A_420, %add3A_807 : i32
        %mul3A_809 = arith.constant 2 : i32
        %mul3A_810 = arith.muli %mul3A_809, %add3A_808 : i32
        %get3A_811 = arith.index_cast %mul3A_810 : i32 to index
        %get3A_812 = tpu.vector_load %arg10[%get3A_811] {strides = array<i32>} : memref<2048xf32, #tpu.memory_space<vmem>>, vector<16xf32>,
        %add3A_813 = arith.constant 96 : i32
        %add3A_814 = arith.addi %mul3A_420, %add3A_813 : i32
        %mul3A_815 = arith.constant 2 : i32
        %mul3A_816 = arith.muli %mul3A_815, %add3A_814 : i32
        %add3A_817 = arith.constant 16 : i32
        %add3A_818 = arith.addi %mul3A_816, %add3A_817 : i32
        %get3A_819 = arith.index_cast %add3A_818 : i32 to index
        %get3A_820 = tpu.vector_load %arg10[%get3A_819] {strides = array<i32>} : memref<2048xf32, #tpu.memory_space<vmem>>, vector<16xf32>,
        %add3A_821 = arith.constant 96 : i32
        %add3A_822 = arith.addi %mul3A_420, %add3A_821 : i32
        %add3A_823 = vector.broadcast %add3A_822 : i32 to vector<16xi32>
        %add3A_824 = arith.addi %iota3A, %add3A_823 : vector<16xi32>
        %gather3A_825 = tpu.vector_load_idx %arg12[%add3A_824, %broadcast_in_dim3A_3] : memref<1024x16xf32, #tpu.memory_space<vmem>>[vector<16xi32>, vector<16xi32>], vector<16xf32>,
        %gather3A_826 = tpu.vector_load_idx %arg12[%add3A_824, %broadcast_in_dim3A_19] : memref<1024x16xf32, #tpu.memory_space<vmem>>[vector<16xi32>, vector<16xi32>], vector<16xf32>,
        %mul3A_827 = arith.mulf %get3A_812, %gather3A_825 : vector<16xf32>
        %mul3A_828 = arith.mulf %get3A_820, %gather3A_826 : vector<16xf32>
        %add3A_829 = arith.addf %mul3A_827, %mul3A_828 : vector<16xf32>
        %add3A_830 = arith.addf %add3A_764, %add3A_829 : vector<16xf32>
        %gather3A_831 = tpu.vector_load_idx %arg12[%add3A_824, %broadcast_in_dim3A_5] : memref<1024x16xf32, #tpu.memory_space<vmem>>[vector<16xi32>, vector<16xi32>], vector<16xf32>,
        %gather3A_832 = tpu.vector_load_idx %arg12[%add3A_824, %broadcast_in_dim3A_21] : memref<1024x16xf32, #tpu.memory_space<vmem>>[vector<16xi32>, vector<16xi32>], vector<16xf32>,
        %mul3A_833 = arith.mulf %get3A_812, %gather3A_831 : vector<16xf32>
        %mul3A_834 = arith.mulf %get3A_820, %gather3A_832 : vector<16xf32>
        %add3A_835 = arith.addf %mul3A_833, %mul3A_834 : vector<16xf32>
        %add3A_836 = arith.addf %add3A_770, %add3A_835 : vector<16xf32>
        %gather3A_837 = tpu.vector_load_idx %arg12[%add3A_824, %broadcast_in_dim3A_7] : memref<1024x16xf32, #tpu.memory_space<vmem>>[vector<16xi32>, vector<16xi32>], vector<16xf32>,
        %gather3A_838 = tpu.vector_load_idx %arg12[%add3A_824, %broadcast_in_dim3A_23] : memref<1024x16xf32, #tpu.memory_space<vmem>>[vector<16xi32>, vector<16xi32>], vector<16xf32>,
        %mul3A_839 = arith.mulf %get3A_812, %gather3A_837 : vector<16xf32>
        %mul3A_840 = arith.mulf %get3A_820, %gather3A_838 : vector<16xf32>
        %add3A_841 = arith.addf %mul3A_839, %mul3A_840 : vector<16xf32>
        %add3A_842 = arith.addf %add3A_776, %add3A_841 : vector<16xf32>
        %gather3A_843 = tpu.vector_load_idx %arg12[%add3A_824, %broadcast_in_dim3A_9] : memref<1024x16xf32, #tpu.memory_space<vmem>>[vector<16xi32>, vector<16xi32>], vector<16xf32>,
        %gather3A_844 = tpu.vector_load_idx %arg12[%add3A_824, %broadcast_in_dim3A_25] : memref<1024x16xf32, #tpu.memory_space<vmem>>[vector<16xi32>, vector<16xi32>], vector<16xf32>,
        %mul3A_845 = arith.mulf %get3A_812, %gather3A_843 : vector<16xf32>
        %mul3A_846 = arith.mulf %get3A_820, %gather3A_844 : vector<16xf32>
        %add3A_847 = arith.addf %mul3A_845, %mul3A_846 : vector<16xf32>
        %add3A_848 = arith.addf %add3A_782, %add3A_847 : vector<16xf32>
        %gather3A_849 = tpu.vector_load_idx %arg12[%add3A_824, %broadcast_in_dim3A_11] : memref<1024x16xf32, #tpu.memory_space<vmem>>[vector<16xi32>, vector<16xi32>], vector<16xf32>,
        %gather3A_850 = tpu.vector_load_idx %arg12[%add3A_824, %broadcast_in_dim3A_27] : memref<1024x16xf32, #tpu.memory_space<vmem>>[vector<16xi32>, vector<16xi32>], vector<16xf32>,
        %mul3A_851 = arith.mulf %get3A_812, %gather3A_849 : vector<16xf32>
        %mul3A_852 = arith.mulf %get3A_820, %gather3A_850 : vector<16xf32>
        %add3A_853 = arith.addf %mul3A_851, %mul3A_852 : vector<16xf32>
        %add3A_854 = arith.addf %add3A_788, %add3A_853 : vector<16xf32>
        %gather3A_855 = tpu.vector_load_idx %arg12[%add3A_824, %broadcast_in_dim3A_13] : memref<1024x16xf32, #tpu.memory_space<vmem>>[vector<16xi32>, vector<16xi32>], vector<16xf32>,
        %gather3A_856 = tpu.vector_load_idx %arg12[%add3A_824, %broadcast_in_dim3A_29] : memref<1024x16xf32, #tpu.memory_space<vmem>>[vector<16xi32>, vector<16xi32>], vector<16xf32>,
        %mul3A_857 = arith.mulf %get3A_812, %gather3A_855 : vector<16xf32>
        %mul3A_858 = arith.mulf %get3A_820, %gather3A_856 : vector<16xf32>
        %add3A_859 = arith.addf %mul3A_857, %mul3A_858 : vector<16xf32>
        %add3A_860 = arith.addf %add3A_794, %add3A_859 : vector<16xf32>
        %gather3A_861 = tpu.vector_load_idx %arg12[%add3A_824, %broadcast_in_dim3A_15] : memref<1024x16xf32, #tpu.memory_space<vmem>>[vector<16xi32>, vector<16xi32>], vector<16xf32>,
        %gather3A_862 = tpu.vector_load_idx %arg12[%add3A_824, %broadcast_in_dim3A_31] : memref<1024x16xf32, #tpu.memory_space<vmem>>[vector<16xi32>, vector<16xi32>], vector<16xf32>,
        %mul3A_863 = arith.mulf %get3A_812, %gather3A_861 : vector<16xf32>
        %mul3A_864 = arith.mulf %get3A_820, %gather3A_862 : vector<16xf32>
        %add3A_865 = arith.addf %mul3A_863, %mul3A_864 : vector<16xf32>
        %add3A_866 = arith.addf %add3A_800, %add3A_865 : vector<16xf32>
        %gather3A_867 = tpu.vector_load_idx %arg12[%add3A_824, %broadcast_in_dim3A_17] : memref<1024x16xf32, #tpu.memory_space<vmem>>[vector<16xi32>, vector<16xi32>], vector<16xf32>,
        %gather3A_868 = tpu.vector_load_idx %arg12[%add3A_824, %broadcast_in_dim3A_33] : memref<1024x16xf32, #tpu.memory_space<vmem>>[vector<16xi32>, vector<16xi32>], vector<16xf32>,
        %mul3A_869 = arith.mulf %get3A_812, %gather3A_867 : vector<16xf32>
        %mul3A_870 = arith.mulf %get3A_820, %gather3A_868 : vector<16xf32>
        %add3A_871 = arith.addf %mul3A_869, %mul3A_870 : vector<16xf32>
        %add3A_872 = arith.addf %add3A_806, %add3A_871 : vector<16xf32>
        %add3A_873 = arith.constant 112 : i32
        %add3A_874 = arith.addi %mul3A_420, %add3A_873 : i32
        %mul3A_875 = arith.constant 2 : i32
        %mul3A_876 = arith.muli %mul3A_875, %add3A_874 : i32
        %get3A_877 = arith.index_cast %mul3A_876 : i32 to index
        %get3A_878 = tpu.vector_load %arg10[%get3A_877] {strides = array<i32>} : memref<2048xf32, #tpu.memory_space<vmem>>, vector<16xf32>,
        %add3A_879 = arith.constant 112 : i32
        %add3A_880 = arith.addi %mul3A_420, %add3A_879 : i32
        %mul3A_881 = arith.constant 2 : i32
        %mul3A_882 = arith.muli %mul3A_881, %add3A_880 : i32
        %add3A_883 = arith.constant 16 : i32
        %add3A_884 = arith.addi %mul3A_882, %add3A_883 : i32
        %get3A_885 = arith.index_cast %add3A_884 : i32 to index
        %get3A_886 = tpu.vector_load %arg10[%get3A_885] {strides = array<i32>} : memref<2048xf32, #tpu.memory_space<vmem>>, vector<16xf32>,
        %add3A_887 = arith.constant 112 : i32
        %add3A_888 = arith.addi %mul3A_420, %add3A_887 : i32
        %add3A_889 = vector.broadcast %add3A_888 : i32 to vector<16xi32>
        %add3A_890 = arith.addi %iota3A, %add3A_889 : vector<16xi32>
        %gather3A_891 = tpu.vector_load_idx %arg12[%add3A_890, %broadcast_in_dim3A_3] : memref<1024x16xf32, #tpu.memory_space<vmem>>[vector<16xi32>, vector<16xi32>], vector<16xf32>,
        %gather3A_892 = tpu.vector_load_idx %arg12[%add3A_890, %broadcast_in_dim3A_19] : memref<1024x16xf32, #tpu.memory_space<vmem>>[vector<16xi32>, vector<16xi32>], vector<16xf32>,
        %mul3A_893 = arith.mulf %get3A_878, %gather3A_891 : vector<16xf32>
        %mul3A_894 = arith.mulf %get3A_886, %gather3A_892 : vector<16xf32>
        %add3A_895 = arith.addf %mul3A_893, %mul3A_894 : vector<16xf32>
        %add3A_896 = arith.addf %add3A_830, %add3A_895 : vector<16xf32>
        %gather3A_897 = tpu.vector_load_idx %arg12[%add3A_890, %broadcast_in_dim3A_5] : memref<1024x16xf32, #tpu.memory_space<vmem>>[vector<16xi32>, vector<16xi32>], vector<16xf32>,
        %gather3A_898 = tpu.vector_load_idx %arg12[%add3A_890, %broadcast_in_dim3A_21] : memref<1024x16xf32, #tpu.memory_space<vmem>>[vector<16xi32>, vector<16xi32>], vector<16xf32>,
        %mul3A_899 = arith.mulf %get3A_878, %gather3A_897 : vector<16xf32>
        %mul3A_900 = arith.mulf %get3A_886, %gather3A_898 : vector<16xf32>
        %add3A_901 = arith.addf %mul3A_899, %mul3A_900 : vector<16xf32>
        %add3A_902 = arith.addf %add3A_836, %add3A_901 : vector<16xf32>
        %gather3A_903 = tpu.vector_load_idx %arg12[%add3A_890, %broadcast_in_dim3A_7] : memref<1024x16xf32, #tpu.memory_space<vmem>>[vector<16xi32>, vector<16xi32>], vector<16xf32>,
        %gather3A_904 = tpu.vector_load_idx %arg12[%add3A_890, %broadcast_in_dim3A_23] : memref<1024x16xf32, #tpu.memory_space<vmem>>[vector<16xi32>, vector<16xi32>], vector<16xf32>,
        %mul3A_905 = arith.mulf %get3A_878, %gather3A_903 : vector<16xf32>
        %mul3A_906 = arith.mulf %get3A_886, %gather3A_904 : vector<16xf32>
        %add3A_907 = arith.addf %mul3A_905, %mul3A_906 : vector<16xf32>
        %add3A_908 = arith.addf %add3A_842, %add3A_907 : vector<16xf32>
        %gather3A_909 = tpu.vector_load_idx %arg12[%add3A_890, %broadcast_in_dim3A_9] : memref<1024x16xf32, #tpu.memory_space<vmem>>[vector<16xi32>, vector<16xi32>], vector<16xf32>,
        %gather3A_910 = tpu.vector_load_idx %arg12[%add3A_890, %broadcast_in_dim3A_25] : memref<1024x16xf32, #tpu.memory_space<vmem>>[vector<16xi32>, vector<16xi32>], vector<16xf32>,
        %mul3A_911 = arith.mulf %get3A_878, %gather3A_909 : vector<16xf32>
        %mul3A_912 = arith.mulf %get3A_886, %gather3A_910 : vector<16xf32>
        %add3A_913 = arith.addf %mul3A_911, %mul3A_912 : vector<16xf32>
        %add3A_914 = arith.addf %add3A_848, %add3A_913 : vector<16xf32>
        %gather3A_915 = tpu.vector_load_idx %arg12[%add3A_890, %broadcast_in_dim3A_11] : memref<1024x16xf32, #tpu.memory_space<vmem>>[vector<16xi32>, vector<16xi32>], vector<16xf32>,
        %gather3A_916 = tpu.vector_load_idx %arg12[%add3A_890, %broadcast_in_dim3A_27] : memref<1024x16xf32, #tpu.memory_space<vmem>>[vector<16xi32>, vector<16xi32>], vector<16xf32>,
        %mul3A_917 = arith.mulf %get3A_878, %gather3A_915 : vector<16xf32>
        %mul3A_918 = arith.mulf %get3A_886, %gather3A_916 : vector<16xf32>
        %add3A_919 = arith.addf %mul3A_917, %mul3A_918 : vector<16xf32>
        %add3A_920 = arith.addf %add3A_854, %add3A_919 : vector<16xf32>
        %gather3A_921 = tpu.vector_load_idx %arg12[%add3A_890, %broadcast_in_dim3A_13] : memref<1024x16xf32, #tpu.memory_space<vmem>>[vector<16xi32>, vector<16xi32>], vector<16xf32>,
        %gather3A_922 = tpu.vector_load_idx %arg12[%add3A_890, %broadcast_in_dim3A_29] : memref<1024x16xf32, #tpu.memory_space<vmem>>[vector<16xi32>, vector<16xi32>], vector<16xf32>,
        %mul3A_923 = arith.mulf %get3A_878, %gather3A_921 : vector<16xf32>
        %mul3A_924 = arith.mulf %get3A_886, %gather3A_922 : vector<16xf32>
        %add3A_925 = arith.addf %mul3A_923, %mul3A_924 : vector<16xf32>
        %add3A_926 = arith.addf %add3A_860, %add3A_925 : vector<16xf32>
        %gather3A_927 = tpu.vector_load_idx %arg12[%add3A_890, %broadcast_in_dim3A_15] : memref<1024x16xf32, #tpu.memory_space<vmem>>[vector<16xi32>, vector<16xi32>], vector<16xf32>,
        %gather3A_928 = tpu.vector_load_idx %arg12[%add3A_890, %broadcast_in_dim3A_31] : memref<1024x16xf32, #tpu.memory_space<vmem>>[vector<16xi32>, vector<16xi32>], vector<16xf32>,
        %mul3A_929 = arith.mulf %get3A_878, %gather3A_927 : vector<16xf32>
        %mul3A_930 = arith.mulf %get3A_886, %gather3A_928 : vector<16xf32>
        %add3A_931 = arith.addf %mul3A_929, %mul3A_930 : vector<16xf32>
        %add3A_932 = arith.addf %add3A_866, %add3A_931 : vector<16xf32>
        %gather3A_933 = tpu.vector_load_idx %arg12[%add3A_890, %broadcast_in_dim3A_17] : memref<1024x16xf32, #tpu.memory_space<vmem>>[vector<16xi32>, vector<16xi32>], vector<16xf32>,
        %gather3A_934 = tpu.vector_load_idx %arg12[%add3A_890, %broadcast_in_dim3A_33] : memref<1024x16xf32, #tpu.memory_space<vmem>>[vector<16xi32>, vector<16xi32>], vector<16xf32>,
        %mul3A_935 = arith.mulf %get3A_878, %gather3A_933 : vector<16xf32>
        %mul3A_936 = arith.mulf %get3A_886, %gather3A_934 : vector<16xf32>
        %add3A_937 = arith.addf %mul3A_935, %mul3A_936 : vector<16xf32>
        %add3A_938 = arith.addf %add3A_872, %add3A_937 : vector<16xf32>
        %mul3A_939 = arith.constant 16 : i32
        %mul3A_940 = arith.muli %add3A_418, %mul3A_939 : i32
        %swap3A = arith.constant 0 : i32
        %swap3A_941 = arith.index_cast %swap3A : i32 to index
        %swap3A_942 = arith.index_cast %mul3A_940 : i32 to index
        %swap3A_943 = tpu.vector_load %arg14[%swap3A_941, %swap3A_942] {strides = array<i32>} : memref<8x128xf32, #tpu.memory_space<vmem>>, vector<16xf32>,
        tpu.vector_store %arg14[%swap3A_941, %swap3A_942], %add3A_896 {strides = array<i32>} : memref<8x128xf32, #tpu.memory_space<vmem>>, vector<16xf32>,
        %mul3A_944 = arith.constant 16 : i32
        %mul3A_945 = arith.muli %add3A_418, %mul3A_944 : i32
        %swap3A_946 = arith.constant 1 : i32
        %swap3A_947 = arith.index_cast %swap3A_946 : i32 to index
        %swap3A_948 = arith.index_cast %mul3A_945 : i32 to index
        %swap3A_949 = tpu.vector_load %arg14[%swap3A_947, %swap3A_948] {strides = array<i32>} : memref<8x128xf32, #tpu.memory_space<vmem>>, vector<16xf32>,
        tpu.vector_store %arg14[%swap3A_947, %swap3A_948], %add3A_902 {strides = array<i32>} : memref<8x128xf32, #tpu.memory_space<vmem>>, vector<16xf32>,
        %mul3A_950 = arith.constant 16 : i32
        %mul3A_951 = arith.muli %add3A_418, %mul3A_950 : i32
        %swap3A_952 = arith.constant 2 : i32
        %swap3A_953 = arith.index_cast %swap3A_952 : i32 to index
        %swap3A_954 = arith.index_cast %mul3A_951 : i32 to index
        %swap3A_955 = tpu.vector_load %arg14[%swap3A_953, %swap3A_954] {strides = array<i32>} : memref<8x128xf32, #tpu.memory_space<vmem>>, vector<16xf32>,
        tpu.vector_store %arg14[%swap3A_953, %swap3A_954], %add3A_908 {strides = array<i32>} : memref<8x128xf32, #tpu.memory_space<vmem>>, vector<16xf32>,
        %mul3A_956 = arith.constant 16 : i32
        %mul3A_957 = arith.muli %add3A_418, %mul3A_956 : i32
        %swap3A_958 = arith.constant 3 : i32
        %swap3A_959 = arith.index_cast %swap3A_958 : i32 to index
        %swap3A_960 = arith.index_cast %mul3A_957 : i32 to index
        %swap3A_961 = tpu.vector_load %arg14[%swap3A_959, %swap3A_960] {strides = array<i32>} : memref<8x128xf32, #tpu.memory_space<vmem>>, vector<16xf32>,
        tpu.vector_store %arg14[%swap3A_959, %swap3A_960], %add3A_914 {strides = array<i32>} : memref<8x128xf32, #tpu.memory_space<vmem>>, vector<16xf32>,
        %mul3A_962 = arith.constant 16 : i32
        %mul3A_963 = arith.muli %add3A_418, %mul3A_962 : i32
        %swap3A_964 = arith.constant 4 : i32
        %swap3A_965 = arith.index_cast %swap3A_964 : i32 to index
        %swap3A_966 = arith.index_cast %mul3A_963 : i32 to index
        %swap3A_967 = tpu.vector_load %arg14[%swap3A_965, %swap3A_966] {strides = array<i32>} : memref<8x128xf32, #tpu.memory_space<vmem>>, vector<16xf32>,
        tpu.vector_store %arg14[%swap3A_965, %swap3A_966], %add3A_920 {strides = array<i32>} : memref<8x128xf32, #tpu.memory_space<vmem>>, vector<16xf32>,
        %mul3A_968 = arith.constant 16 : i32
        %mul3A_969 = arith.muli %add3A_418, %mul3A_968 : i32
        %swap3A_970 = arith.constant 5 : i32
        %swap3A_971 = arith.index_cast %swap3A_970 : i32 to index
        %swap3A_972 = arith.index_cast %mul3A_969 : i32 to index
        %swap3A_973 = tpu.vector_load %arg14[%swap3A_971, %swap3A_972] {strides = array<i32>} : memref<8x128xf32, #tpu.memory_space<vmem>>, vector<16xf32>,
        tpu.vector_store %arg14[%swap3A_971, %swap3A_972], %add3A_926 {strides = array<i32>} : memref<8x128xf32, #tpu.memory_space<vmem>>, vector<16xf32>,
        %mul3A_974 = arith.constant 16 : i32
        %mul3A_975 = arith.muli %add3A_418, %mul3A_974 : i32
        %swap3A_976 = arith.constant 6 : i32
        %swap3A_977 = arith.index_cast %swap3A_976 : i32 to index
        %swap3A_978 = arith.index_cast %mul3A_975 : i32 to index
        %swap3A_979 = tpu.vector_load %arg14[%swap3A_977, %swap3A_978] {strides = array<i32>} : memref<8x128xf32, #tpu.memory_space<vmem>>, vector<16xf32>,
        tpu.vector_store %arg14[%swap3A_977, %swap3A_978], %add3A_932 {strides = array<i32>} : memref<8x128xf32, #tpu.memory_space<vmem>>, vector<16xf32>,
        %mul3A_980 = arith.constant 16 : i32
        %mul3A_981 = arith.muli %add3A_418, %mul3A_980 : i32
        %swap3A_982 = arith.constant 7 : i32
        %swap3A_983 = arith.index_cast %swap3A_982 : i32 to index
        %swap3A_984 = arith.index_cast %mul3A_981 : i32 to index
        %swap3A_985 = tpu.vector_load %arg14[%swap3A_983, %swap3A_984] {strides = array<i32>} : memref<8x128xf32, #tpu.memory_space<vmem>>, vector<16xf32>,
        tpu.vector_store %arg14[%swap3A_983, %swap3A_984], %add3A_938 {strides = array<i32>} : memref<8x128xf32, #tpu.memory_space<vmem>>, vector<16xf32>,
      }
      %scan3A_389 = arith.constant 8 : i32
      %jit3A_390 = arith.constant 128 : i32
      %div3A_391 = arith.divsi %add3A_131, %jit3A_390 : i32
      %sign3A_392 = arith.constant 0 : i32
      %sign3A_393 = arith.cmpi sgt, %add3A_131, %sign3A_392 : i32
      %sign3A_394 = arith.extui %sign3A_393 : i1 to i32
      %sign3A_395 = arith.constant 0 : i32
      %sign3A_396 = arith.cmpi slt, %add3A_131, %sign3A_395 : i32
      %sign3A_397 = arith.extui %sign3A_396 : i1 to i32
      %sign3A_398 = arith.subi %sign3A_394, %sign3A_397 : i32
      %sign3A_399 = arith.constant 0 : i32
      %sign3A_400 = arith.cmpi sgt, %jit3A_390, %sign3A_399 : i32
      %sign3A_401 = arith.extui %sign3A_400 : i1 to i32
      %sign3A_402 = arith.constant 0 : i32
      %sign3A_403 = arith.cmpi slt, %jit3A_390, %sign3A_402 : i32
      %sign3A_404 = arith.extui %sign3A_403 : i1 to i32
      %sign3A_405 = arith.subi %sign3A_401, %sign3A_404 : i32
      %ne3A_406 = arith.cmpi ne, %sign3A_398, %sign3A_405 : i32
      %rem3A_407 = arith.remsi %add3A_131, %jit3A_390 : i32
      %ne3A_408 = arith.constant 0 : i32
      %ne3A_409 = arith.cmpi ne, %rem3A_407, %ne3A_408 : i32
      %and3A_410 = arith.andi %ne3A_406, %ne3A_409 : i1
      %sub3A_411 = arith.constant 1 : i32
      %sub3A_412 = arith.subi %div3A_391, %sub3A_411 : i32
      %select_n3A_413 = arith.select %and3A_410, %sub3A_412, %div3A_391 : i32
      "tpu.region"() ({
        %run_scoped3A = tpu.sem_alloc : memref<!tpu.dma_semaphore, #tpu.memory_space<semaphore_mem>>
        %dma_start3A_414 = arith.constant 0 : i32
        %dma_start3A_415 = arith.constant 0 : i32
        %dma_start3A_416 = tpu.memref_slice %arg4[%select_n3A_413, %dma_start3A_414, %dma_start3A_415] : memref<8192x8x128xf32, #tpu.memory_space<hbm>> -> memref<1x8x128xf32, #tpu.memory_space<hbm>>
        %dma_start3A_417 = tpu.memref_squeeze %dma_start3A_416 : memref<1x8x128xf32, #tpu.memory_space<hbm>> -> memref<8x128xf32, #tpu.memory_space<hbm>>
        %dma_start3A_418 = arith.constant 0 : i32
        %dma_start3A_419 = arith.constant 0 : i32
        %dma_start3A_420 = tpu.memref_slice %arg4[%select_n3A_413, %dma_start3A_418, %dma_start3A_419] : memref<8192x8x128xf32, #tpu.memory_space<hbm>> -> memref<1x8x128xf32, #tpu.memory_space<hbm>>
        %dma_start3A_421 = tpu.memref_squeeze %dma_start3A_420 : memref<1x8x128xf32, #tpu.memory_space<hbm>> -> memref<8x128xf32, #tpu.memory_space<hbm>>
        tpu.enqueue_dma source(%arg14 : memref<8x128xf32, #tpu.memory_space<vmem>>) target(%dma_start3A_421 : memref<8x128xf32, #tpu.memory_space<hbm>>) target_semaphore(%run_scoped3A : memref<!tpu.dma_semaphore, #tpu.memory_space<semaphore_mem>>)
        %dma_wait3A_422 = arith.constant 0 : i32
        %dma_wait3A_423 = arith.constant 0 : i32
        %dma_wait3A_424 = tpu.memref_slice %arg4[%select_n3A_413, %dma_wait3A_422, %dma_wait3A_423] : memref<8192x8x128xf32, #tpu.memory_space<hbm>> -> memref<1x8x128xf32, #tpu.memory_space<hbm>>
        %dma_wait3A_425 = tpu.memref_squeeze %dma_wait3A_424 : memref<1x8x128xf32, #tpu.memory_space<hbm>> -> memref<8x128xf32, #tpu.memory_space<hbm>>
        %dma_wait3A_426 = arith.constant 0 : i32
        %dma_wait3A_427 = arith.constant 0 : i32
        %dma_wait3A_428 = tpu.memref_slice %arg4[%select_n3A_413, %dma_wait3A_426, %dma_wait3A_427] : memref<8192x8x128xf32, #tpu.memory_space<hbm>> -> memref<1x8x128xf32, #tpu.memory_space<hbm>>
        %dma_wait3A_429 = tpu.memref_squeeze %dma_wait3A_428 : memref<1x8x128xf32, #tpu.memory_space<hbm>> -> memref<8x128xf32, #tpu.memory_space<hbm>>
        tpu.wait_dma2 semaphore(%run_scoped3A : memref<!tpu.dma_semaphore, #tpu.memory_space<semaphore_mem>>) src(%arg14 : memref<8x128xf32, #tpu.memory_space<vmem>>) dst(%dma_wait3A_429 : memref<8x128xf32, #tpu.memory_space<hbm>>)
        tpu.yield
      }) : () -> ()
    }
    %scan3A_121 = arith.constant 128 : i32
    return
  }
}

module attributes {stable_mosaic.version = 14 : i64} {
  func.func @_repack_body(%arg0: i32, %arg1: memref<1x16x32x8x64xf32, #tpu.memory_space<vmem>>, %arg2: memref<4096x128xf32, #tpu.memory_space<vmem>>) attributes {dimension_semantics = [#tpu.dimension_semantics<arbitrary>], iteration_bounds = array<i64: 256>, scalar_prefetch = 0 : i64, scratch_operands = 0 : i64, tpu.core_type = #tpu.core_type<tc>, window_params = [{transform_indices = @transform_0, window_bounds = array<i64: 1, 16, 32, 8, 64>}, {transform_indices = @transform_1, window_bounds = array<i64: 4096, 128>}]} {
    %scan3A = arith.constant 0 : i32
    %scan3A_0 = arith.constant 16 : i32
    %scan3A_1 = arith.addi %scan3A, %scan3A_0 : i32
    %scan3A_2 = arith.constant 1 : i32
    scf.for %scan3A_4 = %scan3A to %scan3A_1 step %scan3A_2  : i32 {
      %get3A = arith.constant 0 : index
      %get3A_5 = arith.index_cast %scan3A_4 : i32 to index
      %get3A_6 = arith.constant 0 : index
      %get3A_7 = arith.constant 0 : index
      %get3A_8 = arith.constant 0 : index
      %get3A_9 = vector.load %arg1[%get3A, %get3A_5, %get3A_6, %get3A_7, %get3A_8] : memref<1x16x32x8x64xf32, #tpu.memory_space<vmem>>, vector<1x1x32x8x64xf32>
      %get3A_10 = vector.shape_cast %get3A_9 : vector<1x1x32x8x64xf32> to vector<32x8x64xf32>
      %slice3A = vector.extract_strided_slice %get3A_10 {offsets = [1, 0, 0], sizes = [31, 8, 64], strides = [1, 1, 1]} : vector<32x8x64xf32> to vector<31x8x64xf32>
      %slice3A_11 = vector.extract_strided_slice %get3A_10 {offsets = [31, 0, 0], sizes = [1, 8, 64], strides = [1, 1, 1]} : vector<32x8x64xf32> to vector<1x8x64xf32>
      %concatenate3A = tpu.concatenate %slice3A, %slice3A_11 in 0 : vector<31x8x64xf32>, vector<1x8x64xf32> -> vector<32x8x64xf32>
      %concatenate3A_12 = tpu.concatenate %get3A_10, %concatenate3A in 1 : vector<32x8x64xf32>, vector<32x8x64xf32> -> vector<32x16x64xf32>
      %reshape3A = vector.shape_cast %concatenate3A_12 : vector<32x16x64xf32> to vector<512x64xf32>
      %transpose3A = tpu.transpose %reshape3A, [1, 0] : vector<512x64xf32> -> vector<64x512xf32>
      %slice3A_13 = vector.extract_strided_slice %transpose3A {offsets = [0, 0], sizes = [64, 128], strides = [1, 1]} : vector<64x512xf32> to vector<64x128xf32>
      %broadcast_in_dim3A = vector.shape_cast %slice3A_13 : vector<64x128xf32> to vector<64x1x128xf32>
      %slice3A_14 = vector.extract_strided_slice %transpose3A {offsets = [0, 128], sizes = [64, 128], strides = [1, 1]} : vector<64x512xf32> to vector<64x128xf32>
      %broadcast_in_dim3A_15 = vector.shape_cast %slice3A_14 : vector<64x128xf32> to vector<64x1x128xf32>
      %slice3A_16 = vector.extract_strided_slice %transpose3A {offsets = [0, 256], sizes = [64, 128], strides = [1, 1]} : vector<64x512xf32> to vector<64x128xf32>
      %broadcast_in_dim3A_17 = vector.shape_cast %slice3A_16 : vector<64x128xf32> to vector<64x1x128xf32>
      %slice3A_18 = vector.extract_strided_slice %transpose3A {offsets = [0, 384], sizes = [64, 128], strides = [1, 1]} : vector<64x512xf32> to vector<64x128xf32>
      %broadcast_in_dim3A_19 = vector.shape_cast %slice3A_18 : vector<64x128xf32> to vector<64x1x128xf32>
      %concatenate3A_20 = tpu.concatenate %broadcast_in_dim3A, %broadcast_in_dim3A_15, %broadcast_in_dim3A_17, %broadcast_in_dim3A_19 in 1 : vector<64x1x128xf32>, vector<64x1x128xf32>, vector<64x1x128xf32>, vector<64x1x128xf32> -> vector<64x4x128xf32>
      %reshape3A_21 = vector.shape_cast %concatenate3A_20 : vector<64x4x128xf32> to vector<256x128xf32>
      %mul3A = arith.constant 256 : i32
      %mul3A_22 = arith.muli %scan3A_4, %mul3A : i32
      %swap3A = arith.index_cast %mul3A_22 : i32 to index
      %swap3A_23 = arith.constant 0 : index
      %swap3A_24 = vector.load %arg2[%swap3A, %swap3A_23] : memref<4096x128xf32, #tpu.memory_space<vmem>>, vector<256x128xf32>
      tpu.vector_store %arg2[%swap3A, %swap3A_23], %reshape3A_21 {strides = array<i32>} : memref<4096x128xf32, #tpu.memory_space<vmem>>, vector<256x128xf32>,
    }
    %scan3A_3 = arith.constant 16 : i32
    return
  }
  func.func @transform_0(%arg0: i32) -> (i32, i32, i32, i32, i32) {
    %jit3A = arith.constant 4 : i32
    %div3A = arith.divsi %arg0, %jit3A : i32
    %sign3A = arith.constant 0 : i32
    %sign3A_0 = arith.cmpi sgt, %arg0, %sign3A : i32
    %sign3A_1 = arith.extui %sign3A_0 : i1 to i32
    %sign3A_2 = arith.constant 0 : i32
    %sign3A_3 = arith.cmpi slt, %arg0, %sign3A_2 : i32
    %sign3A_4 = arith.extui %sign3A_3 : i1 to i32
    %sign3A_5 = arith.subi %sign3A_1, %sign3A_4 : i32
    %sign3A_6 = arith.constant 0 : i32
    %sign3A_7 = arith.cmpi sgt, %jit3A, %sign3A_6 : i32
    %sign3A_8 = arith.extui %sign3A_7 : i1 to i32
    %sign3A_9 = arith.constant 0 : i32
    %sign3A_10 = arith.cmpi slt, %jit3A, %sign3A_9 : i32
    %sign3A_11 = arith.extui %sign3A_10 : i1 to i32
    %sign3A_12 = arith.subi %sign3A_8, %sign3A_11 : i32
    %ne3A = arith.cmpi ne, %sign3A_5, %sign3A_12 : i32
    %rem3A = arith.remsi %arg0, %jit3A : i32
    %ne3A_13 = arith.constant 0 : i32
    %ne3A_14 = arith.cmpi ne, %rem3A, %ne3A_13 : i32
    %and3A = arith.andi %ne3A, %ne3A_14 : i1
    %sub3A = arith.constant 1 : i32
    %sub3A_15 = arith.subi %div3A, %sub3A : i32
    %select_n3A = arith.select %and3A, %sub3A_15, %div3A : i32
    %jit3A_16 = arith.constant 4 : i32
    %eq3A = arith.constant 0 : i32
    %eq3A_17 = arith.cmpi eq, %jit3A_16, %eq3A : i32
    %jit3A_18 = arith.constant 1 : i32
    %select_n3A_19 = arith.select %eq3A_17, %jit3A_18, %jit3A_16 : i32
    %rem3A_20 = arith.remsi %arg0, %select_n3A_19 : i32
    %ne3A_21 = arith.constant 0 : i32
    %ne3A_22 = arith.cmpi ne, %rem3A_20, %ne3A_21 : i32
    %lt3A = arith.constant 0 : i32
    %lt3A_23 = arith.cmpi slt, %rem3A_20, %lt3A : i32
    %lt3A_24 = arith.constant 0 : i32
    %lt3A_25 = arith.cmpi slt, %select_n3A_19, %lt3A_24 : i32
    %ne3A_26 = arith.xori %lt3A_23, %lt3A_25 : i1
    %and3A_27 = arith.andi %ne3A_26, %ne3A_22 : i1
    %add3A = arith.addi %rem3A_20, %select_n3A_19 : i32
    %select_n3A_28 = arith.select %and3A_27, %add3A, %rem3A_20 : i32
    %c0_i32 = arith.constant 0 : i32
    %c0_i32_29 = arith.constant 0 : i32
    %c0_i32_30 = arith.constant 0 : i32
    %c0_i32_31 = arith.constant 0 : i32
    return %select_n3A, %select_n3A_28, %c0_i32, %c0_i32_29, %c0_i32_30 : i32, i32, i32, i32, i32
  }
  func.func @transform_1(%arg0: i32) -> (i32, i32) {
    %c0_i32 = arith.constant 0 : i32
    %c0_i32_0 = arith.constant 0 : i32
    return %arg0, %c0_i32 : i32, i32
  }
}

</mosaic_0001>

<sc_bundles>
// kernel: kernel.4.cloned.1.call-start
scs
__scs_entry_jumppad:
0x0: {  	(pc) =	sbr.rel $0x88, $3  }
0x1: {  	(tag) =	ssettag $0x0;
	lr =	simm.s32 $0x1  }
0x2: {  	[smem:$0x3F9F] =	sst lr;
	_ =	strace $0xD0000000  }
0x3: {  	_ = 	snop  }
0x4: {  	_ = 	snop  }
0x5: {  	_ = 	snop  }
0x6: {  	_ = 	snop  }
0x7: {  	_ = 	snop  }
__scs_overlays_trampoline_lowered:
0x8: {  	[smem:$0x3FAE] =	sst s0  }
0x9: {  	[smem:$0x3FAF] =	sst s1  }
0xa: {  	[smem:$0x3FB0] =	sst s2  }
0xb: {  	[smem:$0x3FB1] =	sst s3  }
0xc: {  	[smem:$0x3FB2] =	sst s4  }
0xd: {  	[smem:$0x3FB3] =	sst s5  }
0xe: {  	[smem:$0x3FB4] =	sst s6  }
0xf: {  	[smem:$0x3FB5] =	sst s7  }
0x10: {  	[smem:$0x3FB6] =	sst s8  }
0x11: {  	[smem:$0x3FB7] =	sst s9;
	s0 =	simm.s32 @!p0 $0x0  }
0x12: {  	s1 =	sld [smem:$0x3F9D];
	s0 =	simm.s32 @p0 $0x1  }
0x13: {  	[smem:$0x3FB8] =	sst s0;
	s0 =	simm.s32 @!p1 $0x0  }
0x14: {  	s2 =	sld [smem:$0x3F9C];
	s0 =	simm.s32 @p1 $0x1  }
0x15: {  	[smem:$0x3FB9] =	sst s0;
	s0 =	simm.s32 @!p2 $0x0  }
0x16: {  	s3 =	sld [smem:$0x3FDB];
	s0 =	simm.s32 @p2 $0x1  }
0x17: {  	s4 =	simm.s32 $0x1BF5;
	[smem:$0x3FBB] =	sst s0  }
0x18: {  	s0 =	sld [smem:$0x3F9E];
	_ =	swait.ge [sflag:s4], $0x0  }
0x19: {  	s7 =	sld [smem:$0x3F9F]  }
0x1a: {  	s8 =	sadd.s32 $0xFFFFE003, lr  }
0x1b: {  	s9 =	sadd.s32 $0xFFFFFEF7, lr;
	s5 =	simm.s32 $0xFFFFFFFF;
	p2 =	slt.u32 s8, $0xFFFFF086  }
0x1c: {  	p1 =	slt.u32 s9, $0xF7A;
	s5 =	simm.s32 @!p2 $0x0  }
0x1d: {  	s5 =	simm.s32 @p1 $0x1;
	p0 =	seq.s32 s7, s2  }
0x1e: {  	s7 =	smul.u32 @!p0 $0xF7A, s2;
	p2 =	seq.s32 @!p0 s5, $0x0  }
0x1f: {  	s9 =	smul.u32 $0xF7A, s1;
	s8 =	simm.s32 @!p0 $0x1BF5;
	p2 =	por !p2, p0  }
0x20: {  	[sflag:s8] =	ssyncset.s32 @!p0 $0xFFFFF086;
	s6 =	sadd.s32 @!p0 s3, s7;
	s7 =	simm.s32 @!p0 $0x108  }
0x21: {  	s3 =	sadd.s32 s3, s9;
	s6 =	sadd.s32 @!p0 $0x88, s6;
	s7 =	simm.s32 @p2 $0x1082  }
0x22: {  	[simem:s7], [sflag:s8] =	dma.local @!p0 [hbm:s6], $0xF7A  }
0x23: {  	s9 =	sor.u32 $0xD0000000, s2;
	s6 =	simm.s32 $0x108;
	_ =	swait.ge @!p0 [sflag:s8], $0x0  }
0x24: {  	s3 =	sadd.s32 $0x88, s3;
	s6 =	simm.s32 @!p1 $0x1082;
	[sflag:s4] =	ssyncset.s32 $0xFFFFF086  }
0x25: {  	[simem:s6], [sflag:s4] =	dma.local [hbm:s3], $0xF7A  }
0x26: {  	[smem:$0x3F9F] =	sst s1;
	(tag) =	ssettag s2;
	_ =	strace s9  }
0x27: {  	s1 =	sld [smem:$0x3FAF]  }
0x28: {  	s2 =	sld [smem:$0x3FB0]  }
0x29: {  	s4 =	sld [smem:$0x3FB2]  }
0x2a: {  	p0 =	seq.s32 s5, $0x0;
	s5 =	sld [smem:$0x3FB3]  }
0x2b: {  	s6 =	sld [smem:$0x3FB4]  }
0x2c: {  	s7 =	sld [smem:$0x3FB5]  }
0x2d: {  	s3 =	simm.s32 $0x108;
	s8 =	sld [smem:$0x3FB6]  }
0x2e: {  	s3 =	simm.s32 @!p0 $0x1082;
	s9 =	sld [smem:$0x3FB7]  }
0x2f: {  	lr =	sadd.s32 s0, s3;
	s0 =	sld [smem:$0x3FAE]  }
0x30: {  	s3 =	sld [smem:$0x3FB1]  }
0x31: {  	[smem:$0x3FBA] =	sst s10  }
0x32: {  	s10 =	sld [smem:$0x3FB8];
	_ =	sdelay $0x3  }
0x33: {  	p0 =	seq.s32 s10, $0x1;
	s10 =	sld [smem:$0x3FBA];
	_ =	sdelay $0x3  }
0x34: {  	[smem:$0x3FBA] =	sst s10  }
0x35: {  	s10 =	sld [smem:$0x3FB9];
	_ =	sdelay $0x3  }
0x36: {  	p1 =	seq.s32 s10, $0x1;
	s10 =	sld [smem:$0x3FBA];
	_ =	sdelay $0x3  }
0x37: {  	[smem:$0x3FBA] =	sst s10  }
0x38: {  	s10 =	sld [smem:$0x3FBB]  }
0x39: {  	_ = 	snop;
	(pc) =	sbr.ind lr, $3  }
0x3a: {  	_ = 	snop  }
0x3b: {  	_ = 	snop  }
0x3c: {  	p2 =	seq.s32 s10, $0x1;
	s10 =	sld [smem:$0x3FBA]  }
0x3d: {  	_ =	shalt  }
0x3e: {  	_ =	shalt  }
0x3f: {  	_ =	shalt  }
0x40: {  	_ =	shalt  }
0x41: {  	_ =	shalt  }
0x42: {  	_ =	shalt  }
0x43: {  	_ =	shalt  }
0x44: {  	_ =	shalt  }
0x45: {  	_ =	shalt  }
0x46: {  	_ =	shalt  }
0x47: {  	_ =	shalt  }
0x48: {  	_ =	shalt  }
0x49: {  	_ =	shalt  }
0x4a: {  	_ =	shalt  }
0x4b: {  	_ =	shalt  }
0x4c: {  	_ =	shalt  }
0x4d: {  	_ =	shalt  }
0x4e: {  	_ =	shalt  }
0x4f: {  	_ =	shalt  }
0x50: {  	_ =	shalt  }
0x51: {  	_ =	shalt  }
0x52: {  	_ =	shalt  }
0x53: {  	_ =	shalt  }
0x54: {  	_ =	shalt  }
0x55: {  	_ =	shalt  }
0x56: {  	_ =	shalt  }
0x57: {  	_ =	shalt  }
0x58: {  	_ =	shalt  }
0x59: {  	_ =	shalt  }
0x5a: {  	_ =	shalt  }
0x5b: {  	_ =	shalt  }
0x5c: {  	_ =	shalt  }
0x5d: {  	_ =	shalt  }
0x5e: {  	_ =	shalt  }
0x5f: {  	_ =	shalt  }
0x60: {  	_ =	shalt  }
0x61: {  	_ =	shalt  }
0x62: {  	_ =	shalt  }
0x63: {  	_ =	shalt  }
0x64: {  	_ =	shalt  }
0x65: {  	_ =	shalt  }
0x66: {  	_ =	shalt  }
0x67: {  	_ =	shalt  }
0x68: {  	_ =	shalt  }
0x69: {  	_ =	shalt  }
0x6a: {  	_ =	shalt  }
0x6b: {  	_ =	shalt  }
0x6c: {  	_ =	shalt  }
0x6d: {  	_ =	shalt  }
0x6e: {  	_ =	shalt  }
0x6f: {  	_ =	shalt  }
0x70: {  	_ =	shalt  }
0x71: {  	_ =	shalt  }
0x72: {  	_ =	shalt  }
0x73: {  	_ =	shalt  }
0x74: {  	_ =	shalt  }
0x75: {  	_ =	shalt  }
0x76: {  	_ =	shalt  }
0x77: {  	_ =	shalt  }
0x78: {  	_ =	shalt  }
0x79: {  	_ =	shalt  }
0x7a: {  	_ =	shalt  }
0x7b: {  	_ =	shalt  }
0x7c: {  	_ =	shalt  }
0x7d: {  	_ =	shalt  }
0x7e: {  	_ =	shalt  }
0x7f: {  	_ =	shalt  }
0x80: {  	_ =	shalt  }
0x81: {  	_ =	shalt  }
0x82: {  	_ =	shalt  }
0x83: {  	_ =	shalt  }
0x84: {  	_ =	shalt  }
0x85: {  	_ =	shalt  }
0x86: {  	_ =	shalt  }
0x87: {  	_ =	shalt  }
.Lfunc_end0:
.L_simem_size_0:
called_computation_lowered:
.L_overlay_start_0:
0x88: {  	s2 =	sld [smem:$0x3FD9]  }
0x89: {  	s3 =	sld [smem:$0x3FFE];
	_ =	sdelay $0x1  }
0x8a: {  	s1 =	srdreg.scid  }
0x8b: {  	s0 =	sand.u32 $0x1, s1  }
0x8c: {  	s17 =	sshll.u32 s0, $0xA;
	s2 =	sadd.s32 s3, s2  }
0x8d: {  	s2 =	sadd.s32 s2, s17  }
0x8e: {  	[smem:$0x3FC6] =	sst s2  }
0x8f: {  	_ = 	snop  }
0x90: {  	s2 =	sld [smem:$0x3FC9]  }
0x91: {  	s18 =	sld [smem:$0x3FD0];
	(tm) =	ssettm $0x1  }
0x92: {  	s4 =	sld [smem:$0x3FFB];
	_ =	sdelay $0x3  }
0x93: {  	_ =	strace s4  }
0x94: {  	s4 =	sld [smem:$0x3FFC];
	_ =	sdelay $0x3  }
0x95: {  	_ =	strace s4  }
0x96: {  	s4 =	sld [smem:$0x3FFD];
	_ =	sdelay $0x3  }
0x97: {  	_ =	strace s4  }
0x98: {  	_ =	strace $0x8FFFFFFF  }
0x99: {  	s19 =	sld [smem:$0x3FDB];
	_ =	sdelay $0x1  }
0x9a: {  	s5 =	simm.s32 $_scs_section_size  }
0x9b: {  	s6 =	simm.s32 $_size__tile_overlayer_lowered;
	s7 =	simm.s32 $_tile_overlayer_lowered  }
0x9c: {  	s22 =	simm.s32 $0x1BFF;
	s21 =	sshll.u32 s7, $0x1;
	s4 =	sadd.s32 s5, s19  }
0x9d: {  	s8 =	simm.s32 $0x0;
	s20 =	sshll.u32 s6, $0x1;
	s6 =	sadd.s32 s21, s4  }
0x9e: {  	[timem:s8], [sflag:s22] =	dma.local [hbm:s6], s20  }
0x9f: {  	_ =	swait.ge [sflag:s22], s20  }
0xa0: {  	s5 =	ssub.s32 $0x0, s20;
	[sflag:s22] =	ssyncset.done $0x0  }
0xa1: {  	[sflag:s22] =	ssyncadd.s32 s5;
	_ =	sdelay $0x1  }
0xa2: {  	s23 =	simm.s32 $0x1B8B  }
0xa3: {  	_ =	swait.ge [sflag:s23], $0x1  }
0xa4: {  	[sflag:s23] =	ssyncset.done $0x0  }
0xa5: {  	s25 =	simm.s32 $0x1B8E;
	s24 =	sld [smem:$0x3FFE];
	[sflag:s23] =	ssyncadd.s32 $0xFFFFFFFF  }
0xa6: {  	s26 =	simm.s32 $execute0_lowered;
	[smem:$0x3FD2] =	sst s25  }
0xa7: {  	s6 =	sshll.u32 s26, $0x1;
	_ =	strace $0x80000046;
	[dreg:$0x1] =	wrdreg $0xFFFFFFFF  }
0xa8: {  	s28 =	simm.s32 $_size_execute0_lowered;
	s4 =	sadd.s32 s4, s6;
	[dreg:$0x0] =	wrdreg $0x0  }
0xa9: {  	s6 =	sshll.u32 s28, $0x1;
	[dreg:$0x2] =	wrdreg s4  }
0xaa: {  	[dreg:$0x3] =	wrdreg s6  }
0xab: {  	[dreg:$0x4] =	wrdreg $0xC0  }
0xac: {  	_ =	task [dreg:s8], $0x5FFFF  }
0xad: {  	[dreg:$0x1] =	wrdreg $0xFFFFFFFF  }
0xae: {  	[dreg:$0x0] =	wrdreg $0x60  }
0xaf: {  	[dreg:$0x2] =	wrdreg s2  }
0xb0: {  	[dreg:$0x3] =	wrdreg s24  }
0xb1: {  	[dreg:$0x4] =	wrdreg s18  }
0xb2: {  	[dreg:$0x5] =	wrdreg $0x9  }
0xb3: {  	_ =	task.clear_ibuf [dreg:s8], $0x6FFFF;
	_ =	strace $0x90000046  }
0xb4: {  	s29 =	simm.s32 $0x9;
	_ =	strace $0x80000048  }
0xb5: {  	_ =	swait.ge [sflag:s29], $0x1  }
0xb6: {  	[sflag:s29] =	ssyncadd.s32 $0xFFFFFFFF  }
0xb7: {  	_ =	strace $0x90000048  }
0xb8: {  	_ =	sfence  }
0xb9: {  	s30 =	sld [smem:$0x0];
	_ =	sdelay $0x2  }
0xba: {  	s31 =	sshll.u32 s1, $0xD;
	s1 =	sshrl.u32 s1, $0x2  }
0xbb: {  	s3 =	sand.u32 $0x4000, s31;
	s1 =	sadd.s32 s1, s30  }
0xbc: {  	s0 =	sor.u32 s3, s0;
	s1 =	sshll.u32 s1, $0x11  }
0xbd: {  	s0 =	sor.u32 s1, s0  }
0xbe: {  	s0 =	sadd.s32 $0x8F2B, s0  }
0xbf: {  	[sflag:s0] =	ssyncadd.remote.s32 $0x1  }
0xc0: {  	_ =	sfence.sel $0xFFFF  }
0xc1: {  	[dreg:$0x0] =	wrdreg $0xFFFFFFFF;
	(pc) =	sbr.abs _section_cstart, $3  }
0xc2: {  	[dreg:$0x1] =	wrdreg $0xFFFFFFFF  }
0xc3: {  	_ =	task.clear_ibuf [dreg:s8], $0x2FFFF;
	_ =	strace $0x9FFFFFFF  }
0xc4: {  	(tm) =	ssettm $0x7FFFFFFF  }
0xc5: {  	_ =	shalt  }
tec
execute0_lowered:
.L_overlay_start_1:
0x0: {  	(tag) =	ssettag $0x1  }
0x1: {  	s1 =	rddreg [dreg:$0x0]  }
0x2: {  	s0 =	rddreg [dreg:$0x1]  }
0x3: {  	s3 =	rddreg [dreg:$0x2]  }
0x4: {  	s2 =	srdreg.scid;
	s4 =	simm.s32 $0x0;
	s5 =	stileid.u32  }
0x5: {  	s9 =	simm.s32 $0x3;
	s10 =	simm.s32 $0x80;
	s12 =	simm.s32 $0x1C00  }
0x6: {  	s29 =	simm.s32 $0x5C00;
	s8 =	simm.s32 $0x7400;
	s11 =	simm.s32 $0xA00  }
0x7: {  	s13 =	simm.s32 $0x7C00;
	s14 =	simm.s32 $0xA80;
	s15 =	simm.s32 $0x8400  }
0x8: {  	s16 =	simm.s32 $0xB00;
	s17 =	simm.s32 $0x8C00;
	s18 =	simm.s32 $0xB80  }
0x9: {  	s19 =	simm.s32 $0x9400;
	s20 =	simm.s32 $0x1;
	s2 =	sand.u32 $0x1, s2  }
0xa: {  	s5 =	sshll.u32 s5, $0x10;
	s6 =	ssub.s32 $0x2, s2;
	s2 =	sshll.u32 s2, $0xF  }
0xb: {  	s21 =	simm.s32 $0x9C00;
	s22 =	simm.s32 $0x2;
	s5 =	sor.u32 s2, s5  }
0xc: {  	s23 =	simm.s32 $0xA000;
	s7 =	sshrl.u32 s6, $0x1;
	s28 =	sshrl.u32 s5, $0x1  }
0xd: {  	[smem:$0x7FF] =	sst s4;
	s26 =	ssub.s32 s6, s7;
	s30 =	sadd.s32 s1, s28  }
0xe: {  	v0 =	vlaneseq.u32;
	_ =	strace $0x80000047;
	s31 =	smax.u32 s26, $0x1;
	[dreg:$0x4] =	wrdreg s30  }
0xf: {  	v0 =	vmul.u32 $0x10, v0;
	s2 =	simm.s32 $0x0;
	s6 =	sadd.s32 $0x400, s0;
	[dreg:$0x5] =	wrdreg s31  }
.LBB2_1:
0x10: {  	[dreg:$0x6] =	wrdreg s2  }
0x11: {  	s0 =	rddreg [dreg:$0x4]  }
0x12: {  	[tilespmem:s4], [sflag:$0x3] =	stream.linear.gather [hbm4b:s0+s4], $0x200, $0x38;
	[tilespmem:$0xA400] =	vst v63  }
0x13: {  	_ =	swait.ge [sflag:s9], $0x200  }
0x14: {  	[sflag:s9] =	ssyncset.done $0x0  }
0x15: {  	s31 =	simm.s32 $0x80;
	[sflag:s9] =	ssyncadd.s32 $0xFFFFFE00  }
0x16: {  	v1 =	vld [tilespmem:s31+$0xFFFFFF80]  }
0x17: {  	v2 =	vld [tilespmem:s31+$0x80];
	_ =	sdelay $0x2  }
0x18: {  	v3 =	vld [tilespmem:s31+$0x0]  }
0x19: {  	v1 =	vmul.f32 $3.200000000e+01, v1  }
0x1a: {  	v4 =	vld [tilespmem:s31+$0x100];
	v2 =	vmul.f32 $3.200000000e+01, v2  }
0x1b: {  	v1 =	vadd.f32 $3.200000000e+01, v1  }
0x1c: {  	v2 =	vadd.f32 $3.200000000e+01, v2  }
0x1d: {  	v3 =	vmul.f32 $3.200000000e+01, v3;
	v5 =	vtrunc.f32 v1  }
0x1e: {  	v7 =	vtrunc.f32 v2;
	v5 =	vcvt.f32.s32 v5  }
0x1f: {  	v4 =	vmul.f32 $1.600000000e+01, v4;
	v7 =	vcvt.f32.s32 v7  }
0x20: {  	v3 =	vadd.f32 $3.200000000e+01, v3;
	v6 =	vcvt.s32.f32 v5  }
0x21: {  	v4 =	vadd.f32 $1.600000000e+01, v4;
	vm0 =	vgt.s32 v5, $0x0;
	vm14 =	vgt.s32 v7, $0x0  }
0x22: {  	v5 =	vnsel vm0, $0x0, v5;
	v8 =	vsub.f32 v1, v6;
	v1 =	vtrunc.f32 v3  }
0x23: {  	v11 =	vmin.u32 v5, $0x3F;
	v6 =	vcvt.f32.s32 v1;
	v1 =	vcvt.s32.f32 v7  }
0x24: {  	v9 =	vtrunc.f32 v4;
	v7 =	vnsel vm14, $0x0, v7;
	v11 =	vshll.u32 v11, $0x11  }
0x25: {  	v10 =	vsub.f32 $1.000000000e+00, v8;
	v12 =	vcvt.s32.f32 v6;
	v1 =	vsub.f32 v2, v1  }
0x26: {  	v2 =	vmin.u32 v5, $0x3E;
	v5 =	vcvt.f32.s32 v9;
	vm15 =	vgt.s32 v6, $0x0  }
0x27: {  	v9 =	vshll.u32 v2, $0x11;
	v2 =	vmin.u32 v7, $0x3F;
	v6 =	vnsel vm15, $0x0, v6  }
0x28: {  	v7 =	vmin.u32 v7, $0x3E;
	v13 =	vsub.f32 $1.000000000e+00, v1;
	v12 =	vsub.f32 v3, v12  }
0x29: {  	v14 =	vcvt.s32.f32 v5;
	vm1 =	vgt.s32 v5, $0x0;
	v15 =	vshll.u32 v2, $0x5  }
0x2a: {  	v16 =	vadd.s32 $0x20000, v9;
	v3 =	vnsel vm1, $0x0, v5;
	v5 =	vsub.f32 $1.000000000e+00, v12  }
0x2b: {  	v22 =	vshll.u32 v7, $0x5;
	v2 =	vsub.f32 v4, v14;
	v3 =	vmin.u32 v3, $0x1F  }
0x2c: {  	v4 =	vmin.u32 v6, $0x3F;
	v14 =	vmin.u32 v6, $0x3E;
	v9 =	vmul.f32 v5, v10  }
0x2d: {  	v7 =	vmul.f32 v12, v8;
	v6 =	vshll.u32 v4, $0xB;
	v15 =	vor.u32 v15, v3  }
0x2e: {  	v14 =	vshll.u32 v14, $0xB;
	v4 =	vsub.f32 $1.000000000e+00, v2;
	v18 =	vmul.f32 v13, v9  }
0x2f: {  	v17 =	vor.u32 v11, v6;
	v6 =	vor.u32 v6, v16;
	v20 =	vmul.f32 v5, v8  }
0x30: {  	s25 =	simm.s32 $0x440;
	v5 =	vmul.f32 v12, v10;
	v19 =	vor.u32 v17, v15;
	v10 =	vmul.f32 v4, v18  }
0x31: {  	s24 =	simm.s32 $0xC80;
	v8 =	vadd.s32 $0x20, v22;
	[tilespmem:s25+$0xFFFFFFC0] =	vst v19;
	v19 =	vmul.f32 v13, v20;
	v18 =	vmul.f32 v18, v2  }
0x32: {  	v14 =	vadd.s32 $0x800, v14;
	v63 =	vmul.f32 v9, v1;
	v9 =	vmul.f32 v20, v1;
	[tilespmem:s24+$0xFFFFFF80] =	vst v10  }
0x33: {  	v21 =	vor.u32 v6, v15;
	v20 =	vmul.f32 v13, v7;
	[tilespmem:s24+$0xFFFFFF90] =	vst v18;
	v10 =	vmul.f32 v4, v19  }
0x34: {  	v12 =	vadd.s32 v17, v8;
	v17 =	vmul.f32 v19, v2;
	v18 =	vmul.f32 v13, v5;
	[tilespmem:s25+$0xFFFFFFD0] =	vst v21  }
0x35: {  	v11 =	vadd.s32 v11, v14;
	v13 =	vmul.f32 v4, v20;
	[tilespmem:s24+$0xFFFFFFA0] =	vst v10;
	v10 =	vadd.s32 v16, v14  }
0x36: {  	[tilespmem:s24+$0xFFFFFFB0] =	vst v17;
	v14 =	vor.u32 v11, v15;
	v19 =	vmul.f32 v4, v18;
	v18 =	vmul.f32 v18, v2  }
0x37: {  	v16 =	vmul.f32 v20, v2;
	v11 =	vadd.s32 v8, v11;
	v17 =	vor.u32 v10, v15;
	[tilespmem:s25+$0xFFFFFFE0] =	vst v14  }
0x38: {  	s28 =	simm.s32 $0x240;
	s26 =	simm.s32 $0x440;
	s0 =	simm.s32 $0xC80;
	v15 =	vmul.f32 v4, v63;
	v14 =	vmul.f32 v63, v2;
	v11 =	vor.u32 v3, v11;
	[tilespmem:s24+$0xFFFFFFC0] =	vst v19  }
.LBB2_2:
0x39: {  	p0 =	sne.s32 s28, $0x3C0;
	[tilespmem:s24+$0xFFFFFFD0] =	vst v18;
	v12 =	vor.u32 v3, v12;
	v6 =	vadd.s32 v6, v8;
	v18 =	vmul.f32 v4, v9;
	s0 =	sadd.s32 $0x100, s0;
	s25 =	sadd.s32 $0x80, s25  }
0x3a: {  	v9 =	vmul.f32 v9, v2;
	v8 =	vadd.s32 v8, v10;
	s2 =	smov.u32 s28;
	s28 =	sadd.s32 $0x40, s28;
	[tilespmem:s26+$0xFFFFFFF0] =	vst v17;
	v6 =	vor.u32 v3, v6  }
0x3b: {  	v5 =	vmul.f32 v1, v5;
	v1 =	vmul.f32 v1, v7;
	v3 =	vor.u32 v3, v8;
	[tilespmem:s24+$0xFFFFFFE0] =	vst v13  }
0x3c: {  	[tilespmem:s24+$0xFFFFFFF0] =	vst v16  }
0x3d: {  	v7 =	vmul.f32 v4, v5;
	v5 =	vmul.f32 v2, v5;
	[tilespmem:s26+$0x0] =	vst v12  }
0x3e: {  	v4 =	vmul.f32 v4, v1;
	v1 =	vmul.f32 v2, v1;
	[tilespmem:s24+$0x0] =	vst v15  }
0x3f: {  	[tilespmem:s24+$0x10] =	vst v14  }
0x40: {  	[tilespmem:s26+$0x10] =	vst v6  }
0x41: {  	[tilespmem:s24+$0x20] =	vst v18  }
0x42: {  	[tilespmem:s24+$0x30] =	vst v9  }
0x43: {  	[tilespmem:s26+$0x20] =	vst v11  }
0x44: {  	[tilespmem:s24+$0x40] =	vst v7  }
0x45: {  	[tilespmem:s24+$0x50] =	vst v5  }
0x46: {  	[tilespmem:s26+$0x30] =	vst v3;
	s26 =	smov.u32 s25  }
0x47: {  	[tilespmem:s24+$0x60] =	vst v4  }
0x48: {  	[tilespmem:s24+$0x70] =	vst v1;
	s24 =	smov.u32 s0  }
0x49: {  	s2 =	sshra.s32 s2, $0x2  }
0x4a: {  	v1 =	vld [tilespmem:s2+$0xFFFFFF80];
	_ =	sdelay $0x2  }
0x4b: {  	v2 =	vld [tilespmem:s2+$0x80]  }
0x4c: {  	v3 =	vld [tilespmem:s2+$0x0]  }
0x4d: {  	v1 =	vmul.f32 $3.200000000e+01, v1;
	v4 =	vld [tilespmem:s2+$0x100];
	_ =	sdelay $0x1  }
0x4e: {  	v1 =	vadd.f32 $3.200000000e+01, v1  }
0x4f: {  	v2 =	vmul.f32 $3.200000000e+01, v2  }
0x50: {  	v5 =	vtrunc.f32 v1;
	v3 =	vmul.f32 $3.200000000e+01, v3  }
0x51: {  	v5 =	vcvt.f32.s32 v5;
	v2 =	vadd.f32 $3.200000000e+01, v2  }
0x52: {  	v4 =	vmul.f32 $1.600000000e+01, v4;
	v3 =	vadd.f32 $3.200000000e+01, v3  }
0x53: {  	v6 =	vcvt.s32.f32 v5;
	vm0 =	vgt.s32 v5, $0x0;
	v7 =	vtrunc.f32 v2  }
0x54: {  	v4 =	vadd.f32 $1.600000000e+01, v4;
	v5 =	vnsel vm0, $0x0, v5;
	v7 =	vcvt.f32.s32 v7  }
0x55: {  	v8 =	vsub.f32 v1, v6;
	v1 =	vtrunc.f32 v3  }
0x56: {  	v6 =	vcvt.f32.s32 v1;
	v1 =	vcvt.s32.f32 v7  }
0x57: {  	v9 =	vtrunc.f32 v4;
	v10 =	vsub.f32 $1.000000000e+00, v8  }
0x58: {  	v11 =	vmin.u32 v5, $0x3F;
	v12 =	vcvt.s32.f32 v6;
	v1 =	vsub.f32 v2, v1  }
0x59: {  	vm0 =	vgt.s32 v7, $0x0;
	v2 =	vmin.u32 v5, $0x3E;
	v5 =	vcvt.f32.s32 v9  }
0x5a: {  	v7 =	vnsel vm0, $0x0, v7;
	v9 =	vshll.u32 v2, $0x11;
	v13 =	vsub.f32 $1.000000000e+00, v1  }
0x5b: {  	vm0 =	vgt.s32 v6, $0x0;
	v2 =	vmin.u32 v7, $0x3F;
	v14 =	vcvt.s32.f32 v5  }
0x5c: {  	v12 =	vsub.f32 v3, v12;
	vm1 =	vgt.s32 v5, $0x0;
	v15 =	vshll.u32 v2, $0x5  }
0x5d: {  	v6 =	vnsel vm0, $0x0, v6;
	v3 =	vnsel vm1, $0x0, v5;
	v2 =	vsub.f32 v4, v14  }
0x5e: {  	v11 =	vshll.u32 v11, $0x11;
	v3 =	vmin.u32 v3, $0x1F;
	v5 =	vsub.f32 $1.000000000e+00, v12  }
0x5f: {  	v16 =	vadd.s32 $0x20000, v9;
	v4 =	vmin.u32 v6, $0x3F;
	v14 =	vmin.u32 v6, $0x3E  }
0x60: {  	v6 =	vshll.u32 v4, $0xB;
	v4 =	vsub.f32 $1.000000000e+00, v2;
	v9 =	vmul.f32 v5, v10  }
0x61: {  	v15 =	vor.u32 v15, v3;
	v17 =	vor.u32 v11, v6;
	v6 =	vor.u32 v6, v16  }
0x62: {  	v20 =	vmul.f32 v5, v8;
	v19 =	vor.u32 v17, v15;
	v18 =	vmul.f32 v13, v9  }
0x63: {  	v14 =	vshll.u32 v14, $0xB;
	v5 =	vmul.f32 v12, v10;
	v21 =	vor.u32 v6, v15  }
0x64: {  	v7 =	vmin.u32 v7, $0x3E;
	v10 =	vmul.f32 v4, v18;
	v18 =	vmul.f32 v18, v2  }
0x65: {  	v22 =	vshll.u32 v7, $0x5;
	v7 =	vmul.f32 v12, v8;
	[tilespmem:s25+$0xFFFFFFC0] =	vst v19;
	v19 =	vmul.f32 v13, v20  }
0x66: {  	v8 =	vadd.s32 $0x20, v22;
	v22 =	vmul.f32 v9, v1;
	v9 =	vmul.f32 v20, v1;
	[tilespmem:s0+$0xFFFFFF80] =	vst v10  }
0x67: {  	v12 =	vadd.s32 v17, v8;
	v20 =	vmul.f32 v13, v7;
	[tilespmem:s0+$0xFFFFFF90] =	vst v18;
	v10 =	vmul.f32 v4, v19  }
.Ltmp0:
0x68: {  	v14 =	vadd.s32 $0x800, v14;
	v17 =	vmul.f32 v19, v2;
	v18 =	vmul.f32 v13, v5;
	[tilespmem:s25+$0xFFFFFFD0] =	vst v21;
	(pc) =	sbr.rel @p0 .LBB2_2-.Ltmp0, $4  }
0x69: {  	v11 =	vadd.s32 v11, v14;
	v13 =	vmul.f32 v4, v20;
	[tilespmem:s0+$0xFFFFFFA0] =	vst v10;
	v10 =	vadd.s32 v16, v14  }
0x6a: {  	v14 =	vor.u32 v11, v15;
	v19 =	vmul.f32 v4, v18;
	[tilespmem:s0+$0xFFFFFFB0] =	vst v17;
	v17 =	vor.u32 v10, v15  }
0x6b: {  	v18 =	vmul.f32 v18, v2;
	v16 =	vmul.f32 v20, v2;
	v11 =	vadd.s32 v8, v11;
	[tilespmem:s25+$0xFFFFFFE0] =	vst v14  }
0x6c: {  	v15 =	vmul.f32 v4, v22;
	v11 =	vor.u32 v3, v11;
	v14 =	vmul.f32 v22, v2;
	[tilespmem:s0+$0xFFFFFFC0] =	vst v19  }
0x6d: {  	[tilespmem:s24+$0xFFFFFFD0] =	vst v18  }
0x6e: {  	[tilespmem:s26+$0xFFFFFFF0] =	vst v17  }
0x6f: {  	[tilespmem:s24+$0xFFFFFFE0] =	vst v13  }
0x70: {  	v12 =	vor.u32 v3, v12;
	[tilespmem:s24+$0xFFFFFFF0] =	vst v16  }
0x71: {  	[tilespmem:s26+$0x0] =	vst v12  }
0x72: {  	v6 =	vadd.s32 v6, v8;
	[tilespmem:s24+$0x0] =	vst v15  }
0x73: {  	v59 =	vmul.f32 v4, v9;
	v6 =	vor.u32 v3, v6;
	[tilespmem:s24+$0x10] =	vst v14  }
0x74: {  	v60 =	vmul.f32 v9, v2;
	v5 =	vmul.f32 v1, v5;
	[tilespmem:s26+$0x10] =	vst v6  }
0x75: {  	[tilespmem:s24+$0x20] =	vst v59  }
0x76: {  	v61 =	vmul.f32 v4, v5;
	[tilespmem:s24+$0x30] =	vst v60  }
0x77: {  	v1 =	vmul.f32 v1, v7;
	v5 =	vmul.f32 v2, v5;
	[tilespmem:s26+$0x20] =	vst v11  }
0x78: {  	v62 =	vadd.s32 v8, v10;
	[tilespmem:s24+$0x40] =	vst v61  }
0x79: {  	v3 =	vor.u32 v3, v62;
	v63 =	vmul.f32 v4, v1;
	[tilespmem:s24+$0x50] =	vst v5  }
0x7a: {  	v1 =	vmul.f32 v2, v1;
	[tilespmem:s26+$0x30] =	vst v3  }
0x7b: {  	[tilespmem:s24+$0x60] =	vst v63  }
0x7c: {  	s0 =	simm.s32 $0x400;
	[tilespmem:s24+$0x70] =	vst v1  }
0x7d: {  	[tilespmem:s12], [sflag:$0x1] =	stream.indirect.gather [hbm4b:s6+s10], $0x10, s0, s10, $0xb8;
	[tilespmem:$0xA400] =	vst v63  }
0x7e: {  	s25 =	simm.s32 $0x480;
	s2 =	simm.s32 $0x2400  }
0x7f: {  	[tilespmem:s2], [sflag:$0x1] =	stream.indirect.gather [hbm4b:s6+s10], $0x10, s25, s10, $0xb8;
	[tilespmem:$0xA400] =	vst v63  }
0x80: {  	s28 =	simm.s32 $0x2C00;
	s26 =	simm.s32 $0x500  }
0x81: {  	[tilespmem:s28], [sflag:$0x1] =	stream.indirect.gather [hbm4b:s6+s10], $0x10, s26, s10, $0xb8;
	[tilespmem:$0xA400] =	vst v63  }
0x82: {  	s30 =	simm.s32 $0x580;
	s31 =	simm.s32 $0x3400  }
0x83: {  	[tilespmem:s31], [sflag:$0x1] =	stream.indirect.gather [hbm4b:s6+s10], $0x10, s30, s10, $0xb8;
	[tilespmem:$0xA400] =	vst v63  }
0x84: {  	s7 =	simm.s32 $0x3C00;
	s2 =	simm.s32 $0x600  }
0x85: {  	[tilespmem:s7], [sflag:$0x1] =	stream.indirect.gather [hbm4b:s6+s10], $0x10, s2, s10, $0xb8;
	[tilespmem:$0xA400] =	vst v63  }
0x86: {  	s24 =	simm.s32 $0x680;
	s25 =	simm.s32 $0x4400  }
0x87: {  	[tilespmem:s25], [sflag:$0x1] =	stream.indirect.gather [hbm4b:s6+s10], $0x10, s24, s10, $0xb8;
	[tilespmem:$0xA400] =	vst v63  }
0x88: {  	s26 =	simm.s32 $0x700;
	s28 =	simm.s32 $0x4C00  }
0x89: {  	[tilespmem:s28], [sflag:$0x1] =	stream.indirect.gather [hbm4b:s6+s10], $0x10, s26, s10, $0xb8;
	[tilespmem:$0xA400] =	vst v63  }
0x8a: {  	s30 =	simm.s32 $0x780;
	s31 =	simm.s32 $0x5400;
	s24 =	simm.s32 $0x0  }
0x8b: {  	[tilespmem:s31], [sflag:$0x1] =	stream.indirect.gather [hbm4b:s6+s10], $0x10, s30, s10, $0xb8;
	[tilespmem:$0xA400] =	vst v63  }
.LBB2_4:
0x8c: {  	s0 =	sshll.u32 s24, $0x8  }
0x8d: {  	s26 =	sadd.s32 s5, s0  }
0x8e: {  	s0 =	sshrl.u32 s26, $0x7  }
0x8f: {  	s25 =	sor.u32 $0x1, s0  }
0x90: {  	s0 =	sshll.u32 s25, $0x6  }
0x91: {  	s0 =	sand.u32 $0x1FFFFFC0, s0  }
0x92: {  	s2 =	simm.s32 $0x200;
	s0 =	sadd.s32 s1, s0  }
0x93: {  	[tilespmem:s2], [sflag:$0x3] =	stream.linear.gather [hbm4b:s0+s4], $0x200, $0x38;
	[tilespmem:$0xA400] =	vst v63  }
0x94: {  	_ =	swait.ge [sflag:s9], $0x200  }
0x95: {  	[sflag:s9] =	ssyncset.done $0x0  }
0x96: {  	s7 =	simm.s32 $0x80;
	[sflag:s9] =	ssyncadd.s32 $0xFFFFFE00  }
0x97: {  	v1 =	vld [tilespmem:s7+$0x180]  }
0x98: {  	v2 =	vld [tilespmem:s7+$0x280];
	_ =	sdelay $0x2  }
0x99: {  	v3 =	vld [tilespmem:s7+$0x200]  }
0x9a: {  	v1 =	vmul.f32 $3.200000000e+01, v1  }
0x9b: {  	v4 =	vld [tilespmem:s7+$0x300];
	v2 =	vmul.f32 $3.200000000e+01, v2  }
0x9c: {  	v1 =	vadd.f32 $3.200000000e+01, v1  }
0x9d: {  	v2 =	vadd.f32 $3.200000000e+01, v2  }
0x9e: {  	v3 =	vmul.f32 $3.200000000e+01, v3;
	v5 =	vtrunc.f32 v1  }
0x9f: {  	v7 =	vtrunc.f32 v2;
	v5 =	vcvt.f32.s32 v5  }
0xa0: {  	v4 =	vmul.f32 $1.600000000e+01, v4;
	v7 =	vcvt.f32.s32 v7  }
0xa1: {  	v3 =	vadd.f32 $3.200000000e+01, v3;
	v6 =	vcvt.s32.f32 v5  }
0xa2: {  	v4 =	vadd.f32 $1.600000000e+01, v4;
	vm0 =	vgt.s32 v5, $0x0;
	vm14 =	vgt.s32 v7, $0x0  }
0xa3: {  	v5 =	vnsel vm0, $0x0, v5;
	v8 =	vsub.f32 v1, v6;
	v1 =	vtrunc.f32 v3  }
0xa4: {  	v11 =	vmin.u32 v5, $0x3F;
	v6 =	vcvt.f32.s32 v1;
	v1 =	vcvt.s32.f32 v7  }
0xa5: {  	v9 =	vtrunc.f32 v4;
	v7 =	vnsel vm14, $0x0, v7;
	v11 =	vshll.u32 v11, $0x11  }
0xa6: {  	v10 =	vsub.f32 $1.000000000e+00, v8;
	v12 =	vcvt.s32.f32 v6;
	v1 =	vsub.f32 v2, v1  }
0xa7: {  	v2 =	vmin.u32 v5, $0x3E;
	v5 =	vcvt.f32.s32 v9;
	vm15 =	vgt.s32 v6, $0x0  }
0xa8: {  	v9 =	vshll.u32 v2, $0x11;
	v2 =	vmin.u32 v7, $0x3F;
	v6 =	vnsel vm15, $0x0, v6  }
0xa9: {  	v7 =	vmin.u32 v7, $0x3E;
	v13 =	vsub.f32 $1.000000000e+00, v1;
	v12 =	vsub.f32 v3, v12  }
0xaa: {  	v14 =	vcvt.s32.f32 v5;
	vm1 =	vgt.s32 v5, $0x0;
	v15 =	vshll.u32 v2, $0x5  }
0xab: {  	v16 =	vadd.s32 $0x20000, v9;
	v3 =	vnsel vm1, $0x0, v5;
	v5 =	vsub.f32 $1.000000000e+00, v12  }
0xac: {  	v22 =	vshll.u32 v7, $0x5;
	v2 =	vsub.f32 v4, v14;
	v3 =	vmin.u32 v3, $0x1F  }
0xad: {  	v4 =	vmin.u32 v6, $0x3F;
	v14 =	vmin.u32 v6, $0x3E;
	v9 =	vmul.f32 v5, v10  }
0xae: {  	v7 =	vmul.f32 v12, v8;
	v6 =	vshll.u32 v4, $0xB;
	v15 =	vor.u32 v15, v3  }
0xaf: {  	v14 =	vshll.u32 v14, $0xB;
	v4 =	vsub.f32 $1.000000000e+00, v2;
	v18 =	vmul.f32 v13, v9  }
0xb0: {  	v17 =	vor.u32 v11, v6;
	v6 =	vor.u32 v6, v16;
	v20 =	vmul.f32 v5, v8  }
0xb1: {  	s30 =	simm.s32 $0x840;
	v5 =	vmul.f32 v12, v10;
	v19 =	vor.u32 v17, v15;
	v10 =	vmul.f32 v4, v18  }
0xb2: {  	s28 =	simm.s32 $0x1480;
	v8 =	vadd.s32 $0x20, v22;
	[tilespmem:s30+$0xFFFFFFC0] =	vst v19;
	v19 =	vmul.f32 v13, v20;
	v18 =	vmul.f32 v18, v2  }
0xb3: {  	v14 =	vadd.s32 $0x800, v14;
	v63 =	vmul.f32 v9, v1;
	v9 =	vmul.f32 v20, v1;
	[tilespmem:s28+$0xFFFFFF80] =	vst v10  }
0xb4: {  	v21 =	vor.u32 v6, v15;
	v20 =	vmul.f32 v13, v7;
	[tilespmem:s28+$0xFFFFFF90] =	vst v18;
	v10 =	vmul.f32 v4, v19  }
0xb5: {  	v12 =	vadd.s32 v17, v8;
	v17 =	vmul.f32 v19, v2;
	v18 =	vmul.f32 v13, v5;
	[tilespmem:s30+$0xFFFFFFD0] =	vst v21  }
0xb6: {  	v11 =	vadd.s32 v11, v14;
	v13 =	vmul.f32 v4, v20;
	[tilespmem:s28+$0xFFFFFFA0] =	vst v10;
	v10 =	vadd.s32 v16, v14  }
0xb7: {  	[tilespmem:s28+$0xFFFFFFB0] =	vst v17;
	v14 =	vor.u32 v11, v15;
	v19 =	vmul.f32 v4, v18;
	v18 =	vmul.f32 v18, v2  }
0xb8: {  	v16 =	vmul.f32 v20, v2;
	v11 =	vadd.s32 v8, v11;
	v17 =	vor.u32 v10, v15;
	[tilespmem:s30+$0xFFFFFFE0] =	vst v14  }
0xb9: {  	s31 =	simm.s32 $0x840;
	s0 =	simm.s32 $0x240;
	s2 =	simm.s32 $0x1480;
	v15 =	vmul.f32 v4, v63;
	v14 =	vmul.f32 v63, v2;
	v11 =	vor.u32 v3, v11;
	[tilespmem:s28+$0xFFFFFFC0] =	vst v19  }
.LBB2_5:
0xba: {  	p0 =	sne.s32 s0, $0x3C0;
	[tilespmem:s28+$0xFFFFFFD0] =	vst v18;
	v12 =	vor.u32 v3, v12;
	v6 =	vadd.s32 v6, v8;
	v18 =	vmul.f32 v4, v9;
	s2 =	sadd.s32 $0x100, s2;
	s30 =	sadd.s32 $0x80, s30  }
0xbb: {  	v9 =	vmul.f32 v9, v2;
	v8 =	vadd.s32 v8, v10;
	s7 =	smov.u32 s0;
	s0 =	sadd.s32 $0x40, s0;
	[tilespmem:s31+$0xFFFFFFF0] =	vst v17;
	v6 =	vor.u32 v3, v6  }
0xbc: {  	v5 =	vmul.f32 v1, v5;
	v1 =	vmul.f32 v1, v7;
	v3 =	vor.u32 v3, v8;
	[tilespmem:s28+$0xFFFFFFE0] =	vst v13  }
0xbd: {  	[tilespmem:s28+$0xFFFFFFF0] =	vst v16  }
0xbe: {  	v7 =	vmul.f32 v4, v5;
	v5 =	vmul.f32 v2, v5;
	[tilespmem:s31+$0x0] =	vst v12  }
0xbf: {  	v4 =	vmul.f32 v4, v1;
	v1 =	vmul.f32 v2, v1;
	[tilespmem:s28+$0x0] =	vst v15  }
0xc0: {  	[tilespmem:s28+$0x10] =	vst v14  }
0xc1: {  	[tilespmem:s31+$0x10] =	vst v6  }
0xc2: {  	[tilespmem:s28+$0x20] =	vst v18  }
0xc3: {  	[tilespmem:s28+$0x30] =	vst v9  }
0xc4: {  	[tilespmem:s31+$0x20] =	vst v11  }
0xc5: {  	[tilespmem:s28+$0x40] =	vst v7  }
0xc6: {  	[tilespmem:s28+$0x50] =	vst v5  }
0xc7: {  	[tilespmem:s31+$0x30] =	vst v3;
	s31 =	smov.u32 s30  }
0xc8: {  	[tilespmem:s28+$0x60] =	vst v4  }
0xc9: {  	[tilespmem:s28+$0x70] =	vst v1;
	s28 =	smov.u32 s2  }
0xca: {  	s7 =	sshra.s32 s7, $0x2  }
0xcb: {  	v1 =	vld [tilespmem:s7+$0x180];
	_ =	sdelay $0x2  }
0xcc: {  	v2 =	vld [tilespmem:s7+$0x280]  }
0xcd: {  	v3 =	vld [tilespmem:s7+$0x200]  }
0xce: {  	v1 =	vmul.f32 $3.200000000e+01, v1;
	v4 =	vld [tilespmem:s7+$0x300];
	_ =	sdelay $0x1  }
0xcf: {  	v1 =	vadd.f32 $3.200000000e+01, v1  }
0xd0: {  	v2 =	vmul.f32 $3.200000000e+01, v2  }
0xd1: {  	v5 =	vtrunc.f32 v1;
	v3 =	vmul.f32 $3.200000000e+01, v3  }
0xd2: {  	v5 =	vcvt.f32.s32 v5;
	v2 =	vadd.f32 $3.200000000e+01, v2  }
0xd3: {  	v4 =	vmul.f32 $1.600000000e+01, v4;
	v3 =	vadd.f32 $3.200000000e+01, v3  }
0xd4: {  	v6 =	vcvt.s32.f32 v5;
	vm0 =	vgt.s32 v5, $0x0;
	v7 =	vtrunc.f32 v2  }
0xd5: {  	v4 =	vadd.f32 $1.600000000e+01, v4;
	v5 =	vnsel vm0, $0x0, v5;
	v7 =	vcvt.f32.s32 v7  }
0xd6: {  	v8 =	vsub.f32 v1, v6;
	v1 =	vtrunc.f32 v3  }
0xd7: {  	v6 =	vcvt.f32.s32 v1;
	v1 =	vcvt.s32.f32 v7  }
0xd8: {  	v9 =	vtrunc.f32 v4;
	v10 =	vsub.f32 $1.000000000e+00, v8  }
0xd9: {  	v11 =	vmin.u32 v5, $0x3F;
	v12 =	vcvt.s32.f32 v6;
	v1 =	vsub.f32 v2, v1  }
0xda: {  	vm0 =	vgt.s32 v7, $0x0;
	v2 =	vmin.u32 v5, $0x3E;
	v5 =	vcvt.f32.s32 v9  }
0xdb: {  	v7 =	vnsel vm0, $0x0, v7;
	v9 =	vshll.u32 v2, $0x11;
	v13 =	vsub.f32 $1.000000000e+00, v1  }
0xdc: {  	vm0 =	vgt.s32 v6, $0x0;
	v2 =	vmin.u32 v7, $0x3F;
	v14 =	vcvt.s32.f32 v5  }
0xdd: {  	v12 =	vsub.f32 v3, v12;
	vm1 =	vgt.s32 v5, $0x0;
	v15 =	vshll.u32 v2, $0x5  }
0xde: {  	v6 =	vnsel vm0, $0x0, v6;
	v3 =	vnsel vm1, $0x0, v5;
	v2 =	vsub.f32 v4, v14  }
0xdf: {  	v11 =	vshll.u32 v11, $0x11;
	v3 =	vmin.u32 v3, $0x1F;
	v5 =	vsub.f32 $1.000000000e+00, v12  }
0xe0: {  	v16 =	vadd.s32 $0x20000, v9;
	v4 =	vmin.u32 v6, $0x3F;
	v14 =	vmin.u32 v6, $0x3E  }
0xe1: {  	v6 =	vshll.u32 v4, $0xB;
	v4 =	vsub.f32 $1.000000000e+00, v2;
	v9 =	vmul.f32 v5, v10  }
0xe2: {  	v15 =	vor.u32 v15, v3;
	v17 =	vor.u32 v11, v6;
	v6 =	vor.u32 v6, v16  }
0xe3: {  	v20 =	vmul.f32 v5, v8;
	v19 =	vor.u32 v17, v15;
	v18 =	vmul.f32 v13, v9  }
0xe4: {  	v14 =	vshll.u32 v14, $0xB;
	v5 =	vmul.f32 v12, v10;
	v21 =	vor.u32 v6, v15  }
0xe5: {  	v7 =	vmin.u32 v7, $0x3E;
	v10 =	vmul.f32 v4, v18;
	v18 =	vmul.f32 v18, v2  }
0xe6: {  	v22 =	vshll.u32 v7, $0x5;
	v7 =	vmul.f32 v12, v8;
	[tilespmem:s30+$0xFFFFFFC0] =	vst v19;
	v19 =	vmul.f32 v13, v20  }
0xe7: {  	v8 =	vadd.s32 $0x20, v22;
	v22 =	vmul.f32 v9, v1;
	v9 =	vmul.f32 v20, v1;
	[tilespmem:s2+$0xFFFFFF80] =	vst v10  }
0xe8: {  	v12 =	vadd.s32 v17, v8;
	v20 =	vmul.f32 v13, v7;
	[tilespmem:s2+$0xFFFFFF90] =	vst v18;
	v10 =	vmul.f32 v4, v19  }
.Ltmp1:
0xe9: {  	v14 =	vadd.s32 $0x800, v14;
	v17 =	vmul.f32 v19, v2;
	v18 =	vmul.f32 v13, v5;
	[tilespmem:s30+$0xFFFFFFD0] =	vst v21;
	(pc) =	sbr.rel @p0 .LBB2_5-.Ltmp1, $4  }
0xea: {  	v11 =	vadd.s32 v11, v14;
	v13 =	vmul.f32 v4, v20;
	[tilespmem:s2+$0xFFFFFFA0] =	vst v10;
	v10 =	vadd.s32 v16, v14  }
0xeb: {  	v14 =	vor.u32 v11, v15;
	v19 =	vmul.f32 v4, v18;
	[tilespmem:s2+$0xFFFFFFB0] =	vst v17;
	v17 =	vor.u32 v10, v15  }
0xec: {  	v18 =	vmul.f32 v18, v2;
	v16 =	vmul.f32 v20, v2;
	v11 =	vadd.s32 v8, v11;
	[tilespmem:s30+$0xFFFFFFE0] =	vst v14  }
0xed: {  	v15 =	vmul.f32 v4, v22;
	v11 =	vor.u32 v3, v11;
	v14 =	vmul.f32 v22, v2;
	[tilespmem:s2+$0xFFFFFFC0] =	vst v19  }
0xee: {  	[tilespmem:s28+$0xFFFFFFD0] =	vst v18  }
0xef: {  	[tilespmem:s31+$0xFFFFFFF0] =	vst v17  }
0xf0: {  	[tilespmem:s28+$0xFFFFFFE0] =	vst v13  }
0xf1: {  	v12 =	vor.u32 v3, v12;
	[tilespmem:s28+$0xFFFFFFF0] =	vst v16  }
0xf2: {  	[tilespmem:s31+$0x0] =	vst v12  }
0xf3: {  	v6 =	vadd.s32 v6, v8;
	[tilespmem:s28+$0x0] =	vst v15  }
0xf4: {  	v59 =	vmul.f32 v4, v9;
	v6 =	vor.u32 v3, v6;
	[tilespmem:s28+$0x10] =	vst v14  }
0xf5: {  	v60 =	vmul.f32 v9, v2;
	v5 =	vmul.f32 v1, v5;
	[tilespmem:s31+$0x10] =	vst v6  }
0xf6: {  	[tilespmem:s28+$0x20] =	vst v59  }
0xf7: {  	v61 =	vmul.f32 v4, v5;
	[tilespmem:s28+$0x30] =	vst v60  }
0xf8: {  	v1 =	vmul.f32 v1, v7;
	v5 =	vmul.f32 v2, v5;
	[tilespmem:s31+$0x20] =	vst v11  }
0xf9: {  	v62 =	vadd.s32 v8, v10;
	[tilespmem:s28+$0x40] =	vst v61  }
0xfa: {  	v3 =	vor.u32 v3, v62;
	v63 =	vmul.f32 v4, v1;
	[tilespmem:s28+$0x50] =	vst v5  }
0xfb: {  	v1 =	vmul.f32 v2, v1;
	[tilespmem:s31+$0x30] =	vst v3  }
0xfc: {  	[tilespmem:s28+$0x60] =	vst v63  }
0xfd: {  	s0 =	simm.s32 $0x800;
	[tilespmem:s28+$0x70] =	vst v1  }
0xfe: {  	[tilespmem:s29], [sflag:$0x2] =	stream.indirect.gather [hbm4b:s6+s10], $0x10, s0, s10, $0xb8;
	[tilespmem:$0xA400] =	vst v63  }
0xff: {  	s7 =	simm.s32 $0x880;
	s2 =	simm.s32 $0x6400  }
0x100: {  	[tilespmem:s2], [sflag:$0x2] =	stream.indirect.gather [hbm4b:s6+s10], $0x10, s7, s10, $0xb8;
	[tilespmem:$0xA400] =	vst v63  }
0x101: {  	s2 =	simm.s32 $0x900;
	s7 =	simm.s32 $0x6C00  }
0x102: {  	[tilespmem:s7], [sflag:$0x2] =	stream.indirect.gather [hbm4b:s6+s10], $0x10, s2, s10, $0xb8;
	[tilespmem:$0xA400] =	vst v63  }
0x103: {  	s7 =	simm.s32 $0x980  }
0x104: {  	[tilespmem:s8], [sflag:$0x2] =	stream.indirect.gather [hbm4b:s6+s10], $0x10, s7, s10, $0xb8;
	[tilespmem:$0xA400] =	vst v63  }
0x105: {  	_ = 	snop  }
0x106: {  	[tilespmem:s13], [sflag:$0x2] =	stream.indirect.gather [hbm4b:s6+s10], $0x10, s11, s10, $0xb8;
	[tilespmem:$0xA400] =	vst v63  }
0x107: {  	_ = 	snop  }
0x108: {  	[tilespmem:s15], [sflag:$0x2] =	stream.indirect.gather [hbm4b:s6+s10], $0x10, s14, s10, $0xb8;
	[tilespmem:$0xA400] =	vst v63  }
0x109: {  	_ = 	snop  }
0x10a: {  	[tilespmem:s17], [sflag:$0x2] =	stream.indirect.gather [hbm4b:s6+s10], $0x10, s16, s10, $0xb8;
	[tilespmem:$0xA400] =	vst v63  }
0x10b: {  	_ = 	snop  }
0x10c: {  	[tilespmem:s19], [sflag:$0x2] =	stream.indirect.gather [hbm4b:s6+s10], $0x10, s18, s10, $0xb8;
	[tilespmem:$0xA400] =	vst v63  }
0x10d: {  	_ =	swait.ge [sflag:s20], $0x800  }
0x10e: {  	[sflag:s20] =	ssyncset.done $0x0  }
0x10f: {  	[sflag:s20] =	ssyncadd.s32 $0xFFFFF800  }
0x110: {  	_ =	swait.ge [sflag:s20], $0x800  }
0x111: {  	[sflag:s20] =	ssyncset.done $0x0  }
0x112: {  	[sflag:s20] =	ssyncadd.s32 $0xFFFFF800  }
0x113: {  	_ =	swait.ge [sflag:s20], $0x800  }
0x114: {  	[sflag:s20] =	ssyncset.done $0x0  }
0x115: {  	[sflag:s20] =	ssyncadd.s32 $0xFFFFF800  }
0x116: {  	_ =	swait.ge [sflag:s20], $0x800  }
0x117: {  	[sflag:s20] =	ssyncset.done $0x0  }
0x118: {  	[sflag:s20] =	ssyncadd.s32 $0xFFFFF800  }
0x119: {  	_ =	swait.ge [sflag:s20], $0x800  }
0x11a: {  	[sflag:s20] =	ssyncset.done $0x0  }
0x11b: {  	[sflag:s20] =	ssyncadd.s32 $0xFFFFF800  }
0x11c: {  	_ =	swait.ge [sflag:s20], $0x800  }
0x11d: {  	[sflag:s20] =	ssyncset.done $0x0  }
0x11e: {  	[sflag:s20] =	ssyncadd.s32 $0xFFFFF800  }
0x11f: {  	_ =	swait.ge [sflag:s20], $0x800  }
0x120: {  	[sflag:s20] =	ssyncset.done $0x0  }
0x121: {  	[sflag:s20] =	ssyncadd.s32 $0xFFFFF800  }
0x122: {  	_ =	swait.ge [sflag:s20], $0x800  }
0x123: {  	s30 =	simm.s32 $0x9E00;
	[sflag:s20] =	ssyncset.done $0x0  }
0x124: {  	s31 =	simm.s32 $0xC80;
	s28 =	simm.s32 $0x70;
	[sflag:s20] =	ssyncadd.s32 $0xFFFFF800  }
.LBB2_7:
0x125: {  	s0 =	sadd.s32 $0xFFFFFF90, s28  }
0x126: {  	s2 =	sadd.s32 $0xFFFFFFA0, s28;
	v1 =	vmov s0  }
0x127: {  	v19 =	vmov s2;
	v1 =	vshll.u32 v1, $0x4  }
0x128: {  	v19 =	vshll.u32 v19, $0x4;
	v1 =	vor.u32 v0, v1  }
0x129: {  	v4 =	vld [tilespmem:s31+$0xFFFFFF80];
	v19 =	vor.u32 v0, v19  }
0x12a: {  	v6 =	vld [tilespmem:s31+$0xFFFFFF90];
	v2 =	vor.u32 $0x8, v1  }
0x12b: {  	v22 =	vld [tilespmem:s31+$0xFFFFFFA0];
	v3 =	vor.u32 $0x1, v1  }
0x12c: {  	v24 =	vld [tilespmem:s31+$0xFFFFFFB0];
	v5 =	vor.u32 $0x9, v1  }
0x12d: {  	v7 =	vor.u32 $0x2, v1;
	v8 =	vld.idx.msk [tilespmem:v1+s12+$0x0], $0xffff  }
0x12e: {  	v9 =	vor.u32 $0xA, v1;
	v26 =	vld.idx.msk [tilespmem:v19+s12+$0x0], $0xffff  }
0x12f: {  	v10 =	vor.u32 $0x3, v1;
	v2 =	vld.idx.msk [tilespmem:v2+s12+$0x0], $0xffff  }
0x130: {  	v11 =	vor.u32 $0xB, v1;
	v3 =	vld.idx.msk [tilespmem:v3+s12+$0x0], $0xffff  }
0x131: {  	v12 =	vor.u32 $0x4, v1;
	v5 =	vld.idx.msk [tilespmem:v5+s12+$0x0], $0xffff  }
0x132: {  	v13 =	vor.u32 $0xC, v1;
	v7 =	vld.idx.msk [tilespmem:v7+s12+$0x0], $0xffff  }
0x133: {  	v14 =	vor.u32 $0x5, v1;
	v9 =	vld.idx.msk [tilespmem:v9+s12+$0x0], $0xffff  }
0x134: {  	v15 =	vor.u32 $0xD, v1;
	v10 =	vld.idx.msk [tilespmem:v10+s12+$0x0], $0xffff  }
0x135: {  	v16 =	vor.u32 $0x6, v1;
	v11 =	vld.idx.msk [tilespmem:v11+s12+$0x0], $0xffff  }
0x136: {  	v17 =	vor.u32 $0xE, v1;
	v12 =	vld.idx.msk [tilespmem:v12+s12+$0x0], $0xffff  }
0x137: {  	v18 =	vor.u32 $0x7, v1;
	v1 =	vor.u32 $0xF, v1;
	v13 =	vld.idx.msk [tilespmem:v13+s12+$0x0], $0xffff  }
0x138: {  	v14 =	vld.idx.msk [tilespmem:v14+s12+$0x0], $0xffff  }
0x139: {  	v20 =	vor.u32 $0x8, v19;
	v15 =	vld.idx.msk [tilespmem:v15+s12+$0x0], $0xffff  }
0x13a: {  	v23 =	vor.u32 $0x9, v19;
	v16 =	vld.idx.msk [tilespmem:v16+s12+$0x0], $0xffff  }
0x13b: {  	v25 =	vor.u32 $0x2, v19;
	v17 =	vld.idx.msk [tilespmem:v17+s12+$0x0], $0xffff  }
0x13c: {  	v21 =	vld.idx.msk [tilespmem:v1+s12+$0x0], $0xffff;
	v1 =	vor.u32 $0x1, v19  }
0x13d: {  	v27 =	vor.u32 $0xA, v19;
	v18 =	vld.idx.msk [tilespmem:v18+s12+$0x0], $0xffff  }
0x13e: {  	v28 =	vor.u32 $0x3, v19;
	v20 =	vld.idx.msk [tilespmem:v20+s12+$0x0], $0xffff  }
0x13f: {  	v31 =	vor.u32 $0xC, v19;
	v23 =	vld.idx.msk [tilespmem:v23+s12+$0x0], $0xffff  }
0x140: {  	v33 =	vor.u32 $0xD, v19;
	v25 =	vld.idx.msk [tilespmem:v25+s12+$0x0], $0xffff;
	v8 =	vmul.f32 v8, v4  }
0x141: {  	v2 =	vmul.f32 v2, v6;
	v3 =	vmul.f32 v3, v4;
	v29 =	vld.idx.msk [tilespmem:v1+s12+$0x0], $0xffff;
	v1 =	vor.u32 $0xB, v19  }
0x142: {  	v30 =	vor.u32 $0x4, v19;
	v27 =	vld.idx.msk [tilespmem:v27+s12+$0x0], $0xffff;
	v5 =	vmul.f32 v5, v6;
	v7 =	vmul.f32 v7, v4  }
0x143: {  	v32 =	vor.u32 $0x5, v19;
	v28 =	vld.idx.msk [tilespmem:v28+s12+$0x0], $0xffff;
	v9 =	vmul.f32 v9, v6;
	v10 =	vmul.f32 v10, v4  }
0x144: {  	v35 =	vor.u32 $0xE, v19;
	v31 =	vld.idx.msk [tilespmem:v31+s12+$0x0], $0xffff;
	v11 =	vmul.f32 v11, v6;
	v12 =	vmul.f32 v12, v4  }
0x145: {  	v36 =	vor.u32 $0x7, v19;
	v33 =	vld.idx.msk [tilespmem:v33+s12+$0x0], $0xffff;
	v13 =	vmul.f32 v13, v6;
	v14 =	vmul.f32 v14, v4  }
0x146: {  	v15 =	vmul.f32 v15, v6;
	v16 =	vmul.f32 v16, v4;
	v34 =	vld.idx.msk [tilespmem:v1+s12+$0x0], $0xffff;
	v1 =	vor.u32 $0x6, v19  }
0x147: {  	s7 =	sadd.s32 $0xFFFFFFB0, s28;
	v30 =	vld.idx.msk [tilespmem:v30+s12+$0x0], $0xffff;
	v17 =	vmul.f32 v17, v6;
	v4 =	vmul.f32 v18, v4  }
0x148: {  	v37 =	vmov s7;
	v32 =	vld.idx.msk [tilespmem:v32+s12+$0x0], $0xffff;
	v23 =	vmul.f32 v23, v24;
	v29 =	vmul.f32 v29, v22  }
0x149: {  	v35 =	vld.idx.msk [tilespmem:v35+s12+$0x0], $0xffff;
	v45 =	vmul.f32 v31, v24;
	v8 =	vadd.f32 v2, v8;
	v19 =	vor.u32 $0xF, v19  }
0x14a: {  	v46 =	vmul.f32 v33, v24;
	v3 =	vadd.f32 v5, v3;
	v5 =	vld.idx.msk [tilespmem:v36+s12+$0x0], $0xffff;
	v61 =	vadd.f32 v23, v29  }
0x14b: {  	s2 =	sadd.s32 $0xFFFFFFC0, s28;
	v16 =	vadd.f32 v17, v16;
	v6 =	vmul.f32 v21, v6;
	v38 =	vld.idx.msk [tilespmem:v1+s12+$0x0], $0xffff;
	v1 =	vshll.u32 v37, $0x4  }
0x14c: {  	v2 =	vld [tilespmem:s31+$0xFFFFFFD0];
	v17 =	vadd.f32 v61, v3;
	v3 =	vmov s2;
	v37 =	vor.u32 v0, v1  }
0x14d: {  	v6 =	vadd.f32 v6, v4;
	v4 =	vld [tilespmem:s31+$0xFFFFFFF0];
	v3 =	vshll.u32 v3, $0x4;
	v50 =	vor.u32 $0x8, v37  }
0x14e: {  	v19 =	vld.idx.msk [tilespmem:v19+s12+$0x0], $0xffff;
	v31 =	vor.u32 v0, v3;
	v3 =	vmul.f32 v32, v22;
	v39 =	vor.u32 $0x1, v37  }
0x14f: {  	v1 =	vld [tilespmem:s31+$0xFFFFFFC0];
	v40 =	vor.u32 $0x9, v37  }
0x150: {  	v41 =	vor.u32 $0x2, v37;
	v32 =	vadd.f32 v46, v3;
	v3 =	vld [tilespmem:s31+$0xFFFFFFE0]  }
0x151: {  	v43 =	vor.u32 $0xA, v37;
	v42 =	vld.idx.msk [tilespmem:v37+s12+$0x0], $0xffff  }
0x152: {  	v51 =	vadd.f32 v11, v10;
	v52 =	vor.u32 $0x3, v37;
	v10 =	vld.idx.msk [tilespmem:v50+s12+$0x0], $0xffff  }
0x153: {  	v53 =	vadd.f32 v15, v14;
	v54 =	vor.u32 $0xB, v37;
	v14 =	vld.idx.msk [tilespmem:v39+s12+$0x0], $0xffff  }
0x154: {  	v55 =	vor.u32 $0x4, v37;
	v36 =	vld.idx.msk [tilespmem:v40+s12+$0x0], $0xffff  }
0x155: {  	v56 =	vor.u32 $0xC, v37;
	v18 =	vld.idx.msk [tilespmem:v41+s12+$0x0], $0xffff  }
0x156: {  	v57 =	vor.u32 $0x5, v37;
	v40 =	vld.idx.msk [tilespmem:v43+s12+$0x0], $0xffff  }
0x157: {  	v58 =	vor.u32 $0xD, v37;
	v11 =	vld.idx.msk [tilespmem:v52+s12+$0x0], $0xffff  }
0x158: {  	v26 =	vmul.f32 v26, v22;
	v59 =	vor.u32 $0x6, v37;
	v15 =	vld.idx.msk [tilespmem:v54+s12+$0x0], $0xffff  }
0x159: {  	v20 =	vmul.f32 v20, v24;
	v25 =	vmul.f32 v25, v22;
	v62 =	vor.u32 $0xE, v37;
	v23 =	vld.idx.msk [tilespmem:v55+s12+$0x0], $0xffff  }
0x15a: {  	v27 =	vmul.f32 v27, v24;
	v28 =	vmul.f32 v28, v22;
	v63 =	vor.u32 $0x7, v37;
	v21 =	vld.idx.msk [tilespmem:v56+s12+$0x0], $0xffff  }
0x15b: {  	v44 =	vmul.f32 v30, v22;
	v34 =	vmul.f32 v34, v24;
	v39 =	vld.idx.msk [tilespmem:v57+s12+$0x0], $0xffff  }
0x15c: {  	v7 =	vadd.f32 v9, v7;
	v60 =	vadd.f32 v20, v26;
	v47 =	vor.u32 $0x8, v31;
	v20 =	vld.idx.msk [tilespmem:v58+s12+$0x0], $0xffff  }
0x15d: {  	v12 =	vadd.f32 v13, v12;
	v48 =	vor.u32 $0x1, v31;
	v43 =	vadd.f32 v34, v28;
	v28 =	vld.idx.msk [tilespmem:v59+s12+$0x0], $0xffff  }
0x15e: {  	v25 =	vadd.f32 v27, v25;
	v30 =	vadd.f32 v45, v44;
	v49 =	vor.u32 $0x9, v31;
	v26 =	vld.idx.msk [tilespmem:v62+s12+$0x0], $0xffff  }
0x15f: {  	v8 =	vadd.f32 v60, v8;
	v5 =	vmul.f32 v5, v22;
	v60 =	vor.u32 $0xD, v31;
	v29 =	vld.idx.msk [tilespmem:v63+s12+$0x0], $0xffff  }
0x160: {  	v46 =	vor.u32 $0xF, v31;
	v19 =	vmul.f32 v19, v24;
	v50 =	vmul.f32 v38, v22;
	v22 =	vld.idx.msk [tilespmem:v31+s12+$0x0], $0xffff  }
0x161: {  	v12 =	vadd.f32 v30, v12;
	v13 =	vadd.f32 v32, v53;
	v53 =	vor.u32 $0x3, v31;
	v30 =	vld.idx.msk [tilespmem:v47+s12+$0x0], $0xffff  }
0x162: {  	v35 =	vmul.f32 v35, v24;
	v37 =	vor.u32 $0xF, v37;
	v5 =	vadd.f32 v19, v5;
	v19 =	vld.idx.msk [tilespmem:v48+s12+$0x0], $0xffff  }
0x163: {  	v7 =	vadd.f32 v25, v7;
	v44 =	vor.u32 $0x7, v31;
	v52 =	vor.u32 $0xA, v31;
	v34 =	vld.idx.msk [tilespmem:v49+s12+$0x0], $0xffff  }
0x164: {  	v55 =	vor.u32 $0xB, v31;
	v57 =	vor.u32 $0x4, v31;
	v58 =	vor.u32 $0xC, v31;
	v47 =	vld.idx.msk [tilespmem:v60+s12+$0x0], $0xffff  }
0x165: {  	v59 =	vor.u32 $0x5, v31;
	v62 =	vor.u32 $0x6, v31;
	v63 =	vor.u32 $0xE, v31;
	v24 =	vld.idx.msk [tilespmem:v46+s12+$0x0], $0xffff  }
0x166: {  	v9 =	vadd.f32 v43, v51;
	v32 =	vld.idx.msk [tilespmem:v53+s12+$0x0], $0xffff;
	v56 =	vmul.f32 v42, v1;
	v10 =	vmul.f32 v10, v2  }
0x167: {  	v51 =	vor.u32 $0x2, v31;
	v25 =	vld.idx.msk [tilespmem:v37+s12+$0x0], $0xffff;
	v14 =	vmul.f32 v14, v1;
	v36 =	vmul.f32 v36, v2  }
0x168: {  	s7 =	sadd.s32 $0xFFFFFFD0, s28;
	v5 =	vadd.f32 v5, v6;
	v6 =	vld.idx.msk [tilespmem:v52+s12+$0x0], $0xffff;
	v18 =	vmul.f32 v18, v1;
	v61 =	vmul.f32 v40, v2  }
0x169: {  	v48 =	vmov s7;
	v27 =	vld.idx.msk [tilespmem:v55+s12+$0x0], $0xffff;
	v11 =	vmul.f32 v11, v1;
	v15 =	vmul.f32 v15, v2  }
0x16a: {  	v54 =	vadd.f32 v35, v50;
	v37 =	vld.idx.msk [tilespmem:v57+s12+$0x0], $0xffff;
	v23 =	vmul.f32 v23, v1;
	v21 =	vmul.f32 v21, v2  }
0x16b: {  	v33 =	vshll.u32 v48, $0x4;
	v45 =	vld.idx.msk [tilespmem:v59+s12+$0x0], $0xffff;
	v49 =	vmul.f32 v39, v1;
	v20 =	vmul.f32 v20, v2  }
0x16c: {  	v16 =	vadd.f32 v54, v16;
	v50 =	vld.idx.msk [tilespmem:v63+s12+$0x0], $0xffff;
	v28 =	vmul.f32 v28, v1;
	v26 =	vmul.f32 v26, v2  }
0x16d: {  	v1 =	vmul.f32 v29, v1;
	v22 =	vmul.f32 v22, v3;
	v38 =	vld.idx.msk [tilespmem:v51+s12+$0x0], $0xffff;
	v14 =	vadd.f32 v36, v14  }
0x16e: {  	v30 =	vmul.f32 v30, v4;
	v19 =	vmul.f32 v19, v3;
	v36 =	vld.idx.msk [tilespmem:v62+s12+$0x0], $0xffff;
	v51 =	vor.u32 v0, v33  }
0x16f: {  	s2 =	sadd.s32 $0xFFFFFFE0, s28;
	v34 =	vmul.f32 v34, v4;
	v31 =	vmul.f32 v47, v4;
	v43 =	vadd.f32 v14, v17;
	v14 =	vld.idx.msk [tilespmem:v58+s12+$0x0], $0xffff  }
0x170: {  	v47 =	vmov s2;
	v20 =	vadd.f32 v20, v49;
	v52 =	vor.u32 $0x8, v51;
	v17 =	vld.idx.msk [tilespmem:v44+s12+$0x0], $0xffff  }
0x171: {  	v11 =	vadd.f32 v15, v11;
	v33 =	vor.u32 $0x1, v51;
	v2 =	vmul.f32 v25, v2;
	v25 =	vld [tilespmem:s31+$0x0]  }
0x172: {  	v53 =	vor.u32 $0x9, v51;
	v13 =	vadd.f32 v20, v13;
	v20 =	vld [tilespmem:s31+$0x10];
	v15 =	vmul.f32 v45, v3  }
0x173: {  	v10 =	vadd.f32 v10, v56;
	v54 =	vor.u32 $0x2, v51;
	v1 =	vadd.f32 v2, v1;
	v2 =	vld.idx.msk [tilespmem:v51+s12+$0x0], $0xffff  }
0x174: {  	v18 =	vadd.f32 v61, v18;
	v55 =	vor.u32 $0xA, v51;
	v15 =	vadd.f32 v31, v15;
	v31 =	vld [tilespmem:s31+$0x30]  }
0x175: {  	v21 =	vadd.f32 v21, v23;
	v26 =	vadd.f32 v26, v28;
	v56 =	vor.u32 $0x3, v51;
	v23 =	vld.idx.msk [tilespmem:v52+s12+$0x0], $0xffff  }
0x176: {  	v22 =	vadd.f32 v30, v22;
	v19 =	vadd.f32 v34, v19;
	v57 =	vor.u32 $0xB, v51;
	v33 =	vld.idx.msk [tilespmem:v33+s12+$0x0], $0xffff  }
0x177: {  	v59 =	vor.u32 $0x4, v51;
	v60 =	vor.u32 $0xC, v51;
	v62 =	vor.u32 $0x5, v51;
	v58 =	vld.idx.msk [tilespmem:v53+s12+$0x0], $0xffff  }
0x178: {  	v32 =	vmul.f32 v32, v3;
	v63 =	vor.u32 $0xD, v51;
	v12 =	vadd.f32 v21, v12;
	v21 =	vld.idx.msk [tilespmem:v54+s12+$0x0], $0xffff  }
0x179: {  	v41 =	vor.u32 $0x6, v51;
	v8 =	vadd.f32 v10, v8;
	v7 =	vadd.f32 v18, v7;
	v28 =	vld.idx.msk [tilespmem:v55+s12+$0x0], $0xffff  }
0x17a: {  	v42 =	vor.u32 $0xE, v51;
	v9 =	vadd.f32 v11, v9;
	v16 =	vadd.f32 v26, v16;
	v35 =	vld.idx.msk [tilespmem:v56+s12+$0x0], $0xffff  }
0x17b: {  	v44 =	vor.u32 $0x7, v51;
	v18 =	vor.u32 $0xF, v51;
	v27 =	vmul.f32 v27, v4;
	v40 =	vld.idx.msk [tilespmem:v57+s12+$0x0], $0xffff  }
0x17c: {  	v6 =	vmul.f32 v6, v4;
	v11 =	vmul.f32 v50, v4;
	v8 =	vadd.f32 v22, v8;
	v26 =	vld.idx.msk [tilespmem:v59+s12+$0x0], $0xffff  }
0x17d: {  	v10 =	vadd.f32 v19, v43;
	v61 =	vmul.f32 v38, v3;
	v27 =	vadd.f32 v27, v32;
	v29 =	vld.idx.msk [tilespmem:v60+s12+$0x0], $0xffff  }
0x17e: {  	v43 =	vmul.f32 v37, v3;
	v48 =	vmul.f32 v36, v3;
	v1 =	vadd.f32 v1, v5;
	v34 =	vld.idx.msk [tilespmem:v62+s12+$0x0], $0xffff  }
0x17f: {  	v46 =	vld.idx.msk [tilespmem:v63+s12+$0x0], $0xffff;
	v6 =	vadd.f32 v6, v61;
	v14 =	vmul.f32 v14, v4;
	v45 =	vadd.f32 v27, v9  }
0x180: {  	v30 =	vld.idx.msk [tilespmem:v42+s12+$0x0], $0xffff;
	v27 =	vshll.u32 v47, $0x4;
	v3 =	vmul.f32 v17, v3;
	v4 =	vmul.f32 v24, v4  }
0x181: {  	s7 =	sadd.s32 $0xFFFFFFF0, s28;
	v22 =	vld.idx.msk [tilespmem:v41+s12+$0x0], $0xffff;
	v13 =	vadd.f32 v15, v13;
	v11 =	vadd.f32 v11, v48;
	v27 =	vor.u32 v0, v27  }
0x182: {  	v49 =	vld.idx.msk [tilespmem:v44+s12+$0x0], $0xffff;
	v47 =	vmov s7;
	v6 =	vadd.f32 v6, v7;
	v50 =	vor.u32 $0x8, v27  }
0x183: {  	v51 =	vld.idx.msk [tilespmem:v18+s12+$0x0], $0xffff;
	v14 =	vadd.f32 v14, v43;
	v52 =	vor.u32 $0x1, v27;
	v3 =	vadd.f32 v4, v3  }
0x184: {  	v4 =	vld [tilespmem:s31+$0x20];
	v53 =	vor.u32 $0x9, v27;
	v54 =	vor.u32 $0x2, v27;
	v56 =	vor.u32 $0xA, v27  }
0x185: {  	v11 =	vadd.f32 v11, v16;
	v9 =	vmul.f32 v46, v20;
	v46 =	vmul.f32 v30, v20;
	v30 =	vld [tilespmem:s31+$0x40]  }
0x186: {  	v57 =	vor.u32 $0x3, v27;
	v60 =	vor.u32 $0x4, v27;
	v62 =	vor.u32 $0xC, v27;
	v55 =	vld.idx.msk [tilespmem:v27+s12+$0x0], $0xffff  }
0x187: {  	v41 =	vor.u32 $0xD, v27;
	v2 =	vmul.f32 v2, v25;
	v1 =	vadd.f32 v3, v1;
	v3 =	vld.idx.msk [tilespmem:v50+s12+$0x0], $0xffff  }
0x188: {  	v42 =	vor.u32 $0x6, v27;
	v23 =	vmul.f32 v23, v20;
	v33 =	vmul.f32 v33, v25;
	v15 =	vld.idx.msk [tilespmem:v52+s12+$0x0], $0xffff  }
0x189: {  	v43 =	vor.u32 $0xE, v27;
	v5 =	vmul.f32 v58, v20;
	v21 =	vmul.f32 v21, v25;
	v18 =	vld.idx.msk [tilespmem:v53+s12+$0x0], $0xffff  }
0x18a: {  	v12 =	vadd.f32 v14, v12;
	v59 =	vmul.f32 v28, v20;
	v61 =	vmul.f32 v35, v25;
	v32 =	vld.idx.msk [tilespmem:v54+s12+$0x0], $0xffff  }
0x18b: {  	v58 =	vor.u32 $0xB, v27;
	v19 =	vmul.f32 v40, v20;
	v26 =	vmul.f32 v26, v25;
	v63 =	vld.idx.msk [tilespmem:v56+s12+$0x0], $0xffff  }
0x18c: {  	v40 =	vor.u32 $0x5, v27;
	v29 =	vmul.f32 v29, v20;
	v34 =	vmul.f32 v34, v25;
	v16 =	vld.idx.msk [tilespmem:v57+s12+$0x0], $0xffff  }
0x18d: {  	v22 =	vmul.f32 v22, v25;
	v17 =	vmul.f32 v49, v25;
	v2 =	vadd.f32 v23, v2;
	v28 =	vld.idx.msk [tilespmem:v60+s12+$0x0], $0xffff  }
0x18e: {  	v14 =	vmul.f32 v51, v20;
	v5 =	vadd.f32 v5, v33;
	v21 =	vadd.f32 v59, v21;
	v44 =	vld.idx.msk [tilespmem:v62+s12+$0x0], $0xffff  }
0x18f: {  	v49 =	vshll.u32 v47, $0x4;
	v19 =	vadd.f32 v19, v61;
	v26 =	vadd.f32 v29, v26;
	v24 =	vld.idx.msk [tilespmem:v41+s12+$0x0], $0xffff  }
0x190: {  	v9 =	vadd.f32 v9, v34;
	v25 =	vor.u32 v0, v49;
	v22 =	vadd.f32 v46, v22;
	v48 =	vld.idx.msk [tilespmem:v42+s12+$0x0], $0xffff  }
0x191: {  	v46 =	vmov s28;
	v50 =	vld.idx.msk [tilespmem:v43+s12+$0x0], $0xffff;
	v14 =	vadd.f32 v14, v17;
	v52 =	vor.u32 $0x8, v25  }
0x192: {  	v54 =	vor.u32 $0x1, v25;
	v56 =	vor.u32 $0x2, v25;
	v59 =	vor.u32 $0x3, v25;
	v23 =	vld.idx.msk [tilespmem:v58+s12+$0x0], $0xffff  }
0x193: {  	v60 =	vor.u32 $0xB, v25;
	v62 =	vor.u32 $0x4, v25;
	v5 =	vadd.f32 v5, v10;
	v10 =	vld.idx.msk [tilespmem:v40+s12+$0x0], $0xffff  }
0x194: {  	v36 =	vor.u32 $0x5, v25;
	v38 =	vor.u32 $0xD, v25;
	v1 =	vadd.f32 v14, v1;
	v14 =	vld [tilespmem:s31+$0x50]  }
0x195: {  	v41 =	vor.u32 $0xE, v25;
	v43 =	vor.u32 $0x7, v25;
	v2 =	vadd.f32 v2, v8;
	v57 =	vld.idx.msk [tilespmem:v25+s12+$0x0], $0xffff  }
0x196: {  	v6 =	vadd.f32 v21, v6;
	v7 =	vadd.f32 v19, v45;
	v45 =	vor.u32 $0x7, v27;
	v21 =	vld.idx.msk [tilespmem:v52+s12+$0x0], $0xffff  }
0x197: {  	v27 =	vor.u32 $0xF, v27;
	v12 =	vadd.f32 v26, v12;
	v53 =	vmul.f32 v55, v4;
	v29 =	vld.idx.msk [tilespmem:v54+s12+$0x0], $0xffff  }
0x198: {  	v11 =	vadd.f32 v22, v11;
	v3 =	vmul.f32 v3, v31;
	v15 =	vmul.f32 v15, v4;
	v22 =	vld.idx.msk [tilespmem:v56+s12+$0x0], $0xffff  }
0x199: {  	v9 =	vadd.f32 v9, v13;
	v18 =	vmul.f32 v18, v31;
	v32 =	vmul.f32 v32, v4;
	v37 =	vld.idx.msk [tilespmem:v59+s12+$0x0], $0xffff  }
0x19a: {  	v58 =	vor.u32 $0xA, v25;
	v8 =	vmul.f32 v63, v31;
	v16 =	vmul.f32 v16, v4;
	v39 =	vld.idx.msk [tilespmem:v60+s12+$0x0], $0xffff  }
0x19b: {  	v40 =	vor.u32 $0x6, v25;
	v28 =	vmul.f32 v28, v4;
	v19 =	vmul.f32 v44, v31;
	v44 =	vld.idx.msk [tilespmem:v36+s12+$0x0], $0xffff  }
0x19c: {  	v55 =	vor.u32 $0x9, v25;
	v24 =	vmul.f32 v24, v31;
	v20 =	vmul.f32 v48, v4;
	v48 =	vld.idx.msk [tilespmem:v41+s12+$0x0], $0xffff  }
0x19d: {  	v13 =	vmul.f32 v50, v31;
	v51 =	vld.idx.msk [tilespmem:v45+s12+$0x0], $0xffff;
	v3 =	vadd.f32 v3, v53;
	v15 =	vadd.f32 v18, v15  }
0x19e: {  	v27 =	vld.idx.msk [tilespmem:v27+s12+$0x0], $0xffff;
	v23 =	vmul.f32 v23, v31;
	v8 =	vadd.f32 v8, v32;
	v19 =	vadd.f32 v19, v28  }
0x19f: {  	v45 =	vld.idx.msk [tilespmem:v38+s12+$0x0], $0xffff;
	v10 =	vmul.f32 v10, v4;
	v13 =	vadd.f32 v13, v20;
	v2 =	vadd.f32 v3, v2  }
0x1a0: {  	v63 =	vor.u32 $0xC, v25;
	v26 =	vld.idx.msk [tilespmem:v58+s12+$0x0], $0xffff;
	v3 =	vadd.f32 v15, v5;
	v16 =	vadd.f32 v23, v16  }
0x1a1: {  	v25 =	vor.u32 $0xF, v25;
	v20 =	vld [tilespmem:s31+$0x60];
	v6 =	vadd.f32 v8, v6;
	v10 =	vadd.f32 v24, v10  }
0x1a2: {  	v61 =	vld.idx.msk [tilespmem:v55+s12+$0x0], $0xffff;
	v12 =	vadd.f32 v19, v12;
	v19 =	vshll.u32 v46, $0x4;
	v18 =	vmul.f32 v57, v30  }
0x1a3: {  	v15 =	vld.idx.msk [tilespmem:v62+s12+$0x0], $0xffff;
	v11 =	vadd.f32 v13, v11;
	v47 =	vmul.f32 v21, v14;
	v49 =	vmul.f32 v29, v30  }
0x1a4: {  	v23 =	vld.idx.msk [tilespmem:v43+s12+$0x0], $0xffff;
	v19 =	vor.u32 v0, v19;
	v22 =	vmul.f32 v22, v30;
	v56 =	vmul.f32 v37, v30  }
0x1a5: {  	v42 =	vld.idx.msk [tilespmem:v63+s12+$0x0], $0xffff;
	v8 =	vmul.f32 v39, v14;
	v28 =	vmul.f32 v44, v30;
	v50 =	vor.u32 $0x8, v19  }
0x1a6: {  	v21 =	vmul.f32 v48, v14;
	v7 =	vadd.f32 v16, v7;
	v16 =	vld.idx.msk [tilespmem:v40+s12+$0x0], $0xffff;
	v52 =	vor.u32 $0x1, v19  }
0x1a7: {  	v4 =	vmul.f32 v51, v4;
	v27 =	vmul.f32 v27, v31;
	v51 =	vld.idx.msk [tilespmem:v25+s12+$0x0], $0xffff;
	v53 =	vor.u32 $0x9, v19  }
0x1a8: {  	v9 =	vadd.f32 v10, v9;
	v55 =	vor.u32 $0x2, v19;
	v54 =	vmul.f32 v26, v14;
	v26 =	vld [tilespmem:s31+$0x70]  }
0x1a9: {  	v58 =	vor.u32 $0xA, v19;
	v60 =	vor.u32 $0x3, v19;
	v62 =	vor.u32 $0x4, v19;
	v57 =	vld.idx.msk [tilespmem:v19+s12+$0x0], $0xffff  }
0x1aa: {  	v10 =	vmul.f32 v45, v14;
	v63 =	vor.u32 $0xC, v19;
	v35 =	vor.u32 $0x5, v19;
	v59 =	vld.idx.msk [tilespmem:v50+s12+$0x0], $0xffff  }
0x1ab: {  	v37 =	vor.u32 $0xD, v19;
	v38 =	vor.u32 $0x6, v19;
	v40 =	vor.u32 $0xE, v19;
	v13 =	vld.idx.msk [tilespmem:v52+s12+$0x0], $0xffff  }
0x1ac: {  	v43 =	vor.u32 $0x7, v19;
	v18 =	vadd.f32 v47, v18;
	v8 =	vadd.f32 v8, v56;
	v24 =	vld.idx.msk [tilespmem:v53+s12+$0x0], $0xffff  }
0x1ad: {  	v4 =	vadd.f32 v27, v4;
	v10 =	vadd.f32 v10, v28;
	v5 =	vmul.f32 v61, v14;
	v29 =	vld.idx.msk [tilespmem:v55+s12+$0x0], $0xffff  }
0x1ae: {  	v2 =	vadd.f32 v18, v2;
	v22 =	vadd.f32 v54, v22;
	v61 =	vor.u32 $0xB, v19;
	v34 =	vld.idx.msk [tilespmem:v58+s12+$0x0], $0xffff  }
0x1af: {  	v15 =	vmul.f32 v15, v30;
	v7 =	vadd.f32 v8, v7;
	v23 =	vmul.f32 v23, v30;
	v36 =	vld.idx.msk [tilespmem:v60+s12+$0x0], $0xffff  }
0x1b0: {  	v1 =	vadd.f32 v4, v1;
	v17 =	vmul.f32 v42, v14;
	v9 =	vadd.f32 v10, v9;
	v39 =	vld.idx.msk [tilespmem:v62+s12+$0x0], $0xffff  }
0x1b1: {  	v19 =	vor.u32 $0xF, v19;
	v5 =	vadd.f32 v5, v49;
	v16 =	vmul.f32 v16, v30;
	v42 =	vld.idx.msk [tilespmem:v63+s12+$0x0], $0xffff  }
0x1b2: {  	v6 =	vadd.f32 v22, v6;
	v4 =	vmul.f32 v51, v14;
	v44 =	vld.idx.msk [tilespmem:v35+s12+$0x0], $0xffff;
	v15 =	vadd.f32 v17, v15  }
0x1b3: {  	v18 =	vld.idx.msk [tilespmem:v37+s12+$0x0], $0xffff;
	v3 =	vadd.f32 v5, v3;
	v41 =	vadd.f32 v21, v16  }
0x1b4: {  	v4 =	vadd.f32 v4, v23;
	v21 =	vld.idx.msk [tilespmem:v43+s12+$0x0], $0xffff;
	v45 =	vmul.f32 v57, v20;
	v5 =	vmul.f32 v59, v26  }
0x1b5: {  	v25 =	vld.idx.msk [tilespmem:v61+s12+$0x0], $0xffff;
	v12 =	vadd.f32 v15, v12;
	v46 =	vmul.f32 v13, v20;
	v47 =	vmul.f32 v24, v26  }
0x1b6: {  	v11 =	vadd.f32 v41, v11;
	v54 =	vld.idx.msk [tilespmem:v19+s12+$0x0], $0xffff;
	v49 =	vmul.f32 v29, v20;
	v8 =	vmul.f32 v34, v26  }
0x1b7: {  	v50 =	vld.idx.msk [tilespmem:v40+s12+$0x0], $0xffff;
	v1 =	vadd.f32 v4, v1;
	v51 =	vmul.f32 v36, v20;
	v56 =	vmul.f32 v39, v20  }
0x1b8: {  	v48 =	vld.idx.msk [tilespmem:v38+s12+$0x0], $0xffff;
	v57 =	vmul.f32 v42, v26;
	v5 =	vadd.f32 v5, v45;
	v4 =	vadd.f32 v47, v46  }
0x1b9: {  	v58 =	vmul.f32 v44, v20;
	v53 =	vadd.f32 v8, v49;
	v61 =	vmul.f32 v21, v20  }
0x1ba: {  	v52 =	vmul.f32 v25, v26;
	v2 =	vadd.f32 v5, v2;
	v3 =	vadd.f32 v4, v3  }
0x1bb: {  	v5 =	vadd.f32 v53, v6;
	v6 =	vadd.f32 v57, v56;
	v8 =	vmul.f32 v54, v26  }
0x1bc: {  	v59 =	vmul.f32 v18, v26;
	v60 =	vmul.f32 v50, v26;
	v55 =	vadd.f32 v52, v51;
	[tilespmem:s30+$0xFFFFFE00] =	vst v2  }
0x1bd: {  	v2 =	vmul.f32 v48, v20;
	[tilespmem:s30+$0xFFFFFE80] =	vst v3;
	v3 =	vadd.f32 v6, v12;
	v63 =	vadd.f32 v8, v61  }
0x1be: {  	p0 =	sne.s32 s28, $0x3F0;
	[tilespmem:s30+$0xFFFFFF00] =	vst v5;
	v4 =	vadd.f32 v55, v7;
	v7 =	vadd.f32 v59, v58  }
.Ltmp2:
0x1bf: {  	v2 =	vadd.f32 v60, v2;
	[tilespmem:s30+$0x0] =	vst v3;
	v1 =	vadd.f32 v63, v1;
	(pc) =	sbr.rel @p0 .LBB2_7-.Ltmp2, $4  }
0x1c0: {  	v62 =	vadd.f32 v7, v9;
	[tilespmem:s30+$0xFFFFFF80] =	vst v4  }
0x1c1: {  	v2 =	vadd.f32 v2, v11;
	[tilespmem:s30+$0x180] =	vst v1  }
0x1c2: {  	[tilespmem:s30+$0x80] =	vst v62  }
0x1c3: {  	s28 =	sadd.s32 $0x80, s28;
	s31 =	sadd.s32 $0x100, s31;
	[tilespmem:s30+$0x100] =	vst v2;
	s30 =	sadd.s32 $0x10, s30  }
0x1c4: {  	p0 =	seq.s32 s24, $0x7F  }
.Ltmp3:
0x1c5: {  	s0 =	sadd.s32 s3, s26;
	(pc) =	sbr.rel @p0 .LBB2_12-.Ltmp3, $4  }
0x1c6: {  	[hbm4b:s0+s4] =	stream.linear.scatter [tilespmem:s21], [sflag:$0x3], $0x400, $0x38;
	[tilespmem:$0xA400] =	vst v63  }
0x1c7: {  	_ =	swait.ge [sflag:s9], $0x400  }
0x1c8: {  	[sflag:s9] =	ssyncset.done $0x0  }
0x1c9: {  	[sflag:s9] =	ssyncadd.s32 $0xFFFFFC00  }
0x1ca: {  	s0 =	sshrl.u32 s26, $0x1  }
0x1cb: {  	s0 =	sand.u32 $0x1FFFFFFF, s0  }
0x1cc: {  	s0 =	sadd.s32 s1, s0  }
0x1cd: {  	s0 =	sadd.s32 $0x80, s0  }
0x1ce: {  	[tilespmem:s4], [sflag:$0x3] =	stream.linear.gather [hbm4b:s0+s4], $0x200, $0x38;
	[tilespmem:$0xA400] =	vst v63  }
0x1cf: {  	_ =	swait.ge [sflag:s9], $0x200  }
0x1d0: {  	[sflag:s9] =	ssyncset.done $0x0  }
0x1d1: {  	s31 =	simm.s32 $0x80;
	[sflag:s9] =	ssyncadd.s32 $0xFFFFFE00  }
0x1d2: {  	v1 =	vld [tilespmem:s31+$0xFFFFFF80]  }
0x1d3: {  	v2 =	vld [tilespmem:s31+$0x80];
	_ =	sdelay $0x2  }
0x1d4: {  	v3 =	vld [tilespmem:s31+$0x0]  }
0x1d5: {  	v1 =	vmul.f32 $3.200000000e+01, v1  }
0x1d6: {  	v4 =	vld [tilespmem:s31+$0x100];
	v2 =	vmul.f32 $3.200000000e+01, v2  }
0x1d7: {  	v1 =	vadd.f32 $3.200000000e+01, v1  }
0x1d8: {  	v2 =	vadd.f32 $3.200000000e+01, v2  }
0x1d9: {  	v3 =	vmul.f32 $3.200000000e+01, v3;
	v5 =	vtrunc.f32 v1  }
0x1da: {  	v7 =	vtrunc.f32 v2;
	v5 =	vcvt.f32.s32 v5  }
0x1db: {  	v4 =	vmul.f32 $1.600000000e+01, v4;
	v7 =	vcvt.f32.s32 v7  }
0x1dc: {  	v3 =	vadd.f32 $3.200000000e+01, v3;
	v6 =	vcvt.s32.f32 v5  }
0x1dd: {  	v4 =	vadd.f32 $1.600000000e+01, v4;
	vm0 =	vgt.s32 v5, $0x0;
	vm14 =	vgt.s32 v7, $0x0  }
0x1de: {  	v5 =	vnsel vm0, $0x0, v5;
	v8 =	vsub.f32 v1, v6;
	v1 =	vtrunc.f32 v3  }
0x1df: {  	v11 =	vmin.u32 v5, $0x3F;
	v6 =	vcvt.f32.s32 v1;
	v1 =	vcvt.s32.f32 v7  }
0x1e0: {  	v9 =	vtrunc.f32 v4;
	v7 =	vnsel vm14, $0x0, v7;
	v11 =	vshll.u32 v11, $0x11  }
0x1e1: {  	v10 =	vsub.f32 $1.000000000e+00, v8;
	v12 =	vcvt.s32.f32 v6;
	v1 =	vsub.f32 v2, v1  }
0x1e2: {  	v2 =	vmin.u32 v5, $0x3E;
	v5 =	vcvt.f32.s32 v9;
	vm15 =	vgt.s32 v6, $0x0  }
0x1e3: {  	v9 =	vshll.u32 v2, $0x11;
	v2 =	vmin.u32 v7, $0x3F;
	v6 =	vnsel vm15, $0x0, v6  }
0x1e4: {  	v7 =	vmin.u32 v7, $0x3E;
	v13 =	vsub.f32 $1.000000000e+00, v1;
	v12 =	vsub.f32 v3, v12  }
0x1e5: {  	v14 =	vcvt.s32.f32 v5;
	vm1 =	vgt.s32 v5, $0x0;
	v15 =	vshll.u32 v2, $0x5  }
0x1e6: {  	v16 =	vadd.s32 $0x20000, v9;
	v3 =	vnsel vm1, $0x0, v5;
	v5 =	vsub.f32 $1.000000000e+00, v12  }
0x1e7: {  	v22 =	vshll.u32 v7, $0x5;
	v2 =	vsub.f32 v4, v14;
	v3 =	vmin.u32 v3, $0x1F  }
0x1e8: {  	v4 =	vmin.u32 v6, $0x3F;
	v14 =	vmin.u32 v6, $0x3E;
	v9 =	vmul.f32 v5, v10  }
0x1e9: {  	v7 =	vmul.f32 v12, v8;
	v6 =	vshll.u32 v4, $0xB;
	v15 =	vor.u32 v15, v3  }
0x1ea: {  	v14 =	vshll.u32 v14, $0xB;
	v4 =	vsub.f32 $1.000000000e+00, v2;
	v18 =	vmul.f32 v13, v9  }
0x1eb: {  	v17 =	vor.u32 v11, v6;
	v6 =	vor.u32 v6, v16;
	v20 =	vmul.f32 v5, v8  }
0x1ec: {  	s28 =	simm.s32 $0x440;
	v5 =	vmul.f32 v12, v10;
	v19 =	vor.u32 v17, v15;
	v10 =	vmul.f32 v4, v18  }
0x1ed: {  	s26 =	simm.s32 $0xC80;
	v8 =	vadd.s32 $0x20, v22;
	[tilespmem:s28+$0xFFFFFFC0] =	vst v19;
	v19 =	vmul.f32 v13, v20;
	v18 =	vmul.f32 v18, v2  }
0x1ee: {  	v14 =	vadd.s32 $0x800, v14;
	v63 =	vmul.f32 v9, v1;
	v9 =	vmul.f32 v20, v1;
	[tilespmem:s26+$0xFFFFFF80] =	vst v10  }
0x1ef: {  	v21 =	vor.u32 v6, v15;
	v20 =	vmul.f32 v13, v7;
	[tilespmem:s26+$0xFFFFFF90] =	vst v18;
	v10 =	vmul.f32 v4, v19  }
0x1f0: {  	v12 =	vadd.s32 v17, v8;
	v17 =	vmul.f32 v19, v2;
	v18 =	vmul.f32 v13, v5;
	[tilespmem:s28+$0xFFFFFFD0] =	vst v21  }
0x1f1: {  	v11 =	vadd.s32 v11, v14;
	v13 =	vmul.f32 v4, v20;
	[tilespmem:s26+$0xFFFFFFA0] =	vst v10;
	v10 =	vadd.s32 v16, v14  }
0x1f2: {  	[tilespmem:s26+$0xFFFFFFB0] =	vst v17;
	v14 =	vor.u32 v11, v15;
	v19 =	vmul.f32 v4, v18;
	v18 =	vmul.f32 v18, v2  }
0x1f3: {  	v16 =	vmul.f32 v20, v2;
	v11 =	vadd.s32 v8, v11;
	v17 =	vor.u32 v10, v15;
	[tilespmem:s28+$0xFFFFFFE0] =	vst v14  }
0x1f4: {  	s2 =	simm.s32 $0xC80;
	s30 =	simm.s32 $0x440;
	s0 =	simm.s32 $0x240;
	v15 =	vmul.f32 v4, v63;
	v14 =	vmul.f32 v63, v2;
	v11 =	vor.u32 v3, v11;
	[tilespmem:s26+$0xFFFFFFC0] =	vst v19  }
.LBB2_10:
0x1f5: {  	p0 =	sne.s32 s0, $0x3C0;
	[tilespmem:s26+$0xFFFFFFD0] =	vst v18;
	v12 =	vor.u32 v3, v12;
	v6 =	vadd.s32 v6, v8;
	v18 =	vmul.f32 v4, v9;
	s2 =	sadd.s32 $0x100, s2;
	s28 =	sadd.s32 $0x80, s28  }
0x1f6: {  	v9 =	vmul.f32 v9, v2;
	v8 =	vadd.s32 v8, v10;
	s7 =	smov.u32 s0;
	s0 =	sadd.s32 $0x40, s0;
	[tilespmem:s30+$0xFFFFFFF0] =	vst v17;
	v6 =	vor.u32 v3, v6  }
0x1f7: {  	v5 =	vmul.f32 v1, v5;
	v1 =	vmul.f32 v1, v7;
	v3 =	vor.u32 v3, v8;
	[tilespmem:s26+$0xFFFFFFE0] =	vst v13  }
0x1f8: {  	[tilespmem:s26+$0xFFFFFFF0] =	vst v16  }
0x1f9: {  	v7 =	vmul.f32 v4, v5;
	v5 =	vmul.f32 v2, v5;
	[tilespmem:s30+$0x0] =	vst v12  }
0x1fa: {  	v4 =	vmul.f32 v4, v1;
	v1 =	vmul.f32 v2, v1;
	[tilespmem:s26+$0x0] =	vst v15  }
0x1fb: {  	[tilespmem:s26+$0x10] =	vst v14  }
0x1fc: {  	[tilespmem:s30+$0x10] =	vst v6  }
0x1fd: {  	[tilespmem:s26+$0x20] =	vst v18  }
0x1fe: {  	[tilespmem:s26+$0x30] =	vst v9  }
0x1ff: {  	[tilespmem:s30+$0x20] =	vst v11  }
0x200: {  	[tilespmem:s26+$0x40] =	vst v7  }
0x201: {  	[tilespmem:s26+$0x50] =	vst v5  }
0x202: {  	[tilespmem:s30+$0x30] =	vst v3;
	s30 =	smov.u32 s28  }
0x203: {  	[tilespmem:s26+$0x60] =	vst v4  }
0x204: {  	[tilespmem:s26+$0x70] =	vst v1;
	s26 =	smov.u32 s2  }
0x205: {  	s7 =	sshra.s32 s7, $0x2  }
0x206: {  	v1 =	vld [tilespmem:s7+$0xFFFFFF80];
	_ =	sdelay $0x2  }
0x207: {  	v2 =	vld [tilespmem:s7+$0x80]  }
0x208: {  	v3 =	vld [tilespmem:s7+$0x0]  }
0x209: {  	v1 =	vmul.f32 $3.200000000e+01, v1;
	v4 =	vld [tilespmem:s7+$0x100];
	_ =	sdelay $0x1  }
0x20a: {  	v1 =	vadd.f32 $3.200000000e+01, v1  }
0x20b: {  	v2 =	vmul.f32 $3.200000000e+01, v2  }
0x20c: {  	v5 =	vtrunc.f32 v1;
	v3 =	vmul.f32 $3.200000000e+01, v3  }
0x20d: {  	v5 =	vcvt.f32.s32 v5;
	v2 =	vadd.f32 $3.200000000e+01, v2  }
0x20e: {  	v4 =	vmul.f32 $1.600000000e+01, v4;
	v3 =	vadd.f32 $3.200000000e+01, v3  }
0x20f: {  	v6 =	vcvt.s32.f32 v5;
	vm0 =	vgt.s32 v5, $0x0;
	v7 =	vtrunc.f32 v2  }
0x210: {  	v4 =	vadd.f32 $1.600000000e+01, v4;
	v5 =	vnsel vm0, $0x0, v5;
	v7 =	vcvt.f32.s32 v7  }
0x211: {  	v8 =	vsub.f32 v1, v6;
	v1 =	vtrunc.f32 v3  }
0x212: {  	v6 =	vcvt.f32.s32 v1;
	v1 =	vcvt.s32.f32 v7  }
0x213: {  	v9 =	vtrunc.f32 v4;
	v10 =	vsub.f32 $1.000000000e+00, v8  }
0x214: {  	v11 =	vmin.u32 v5, $0x3F;
	v12 =	vcvt.s32.f32 v6;
	v1 =	vsub.f32 v2, v1  }
0x215: {  	vm0 =	vgt.s32 v7, $0x0;
	v2 =	vmin.u32 v5, $0x3E;
	v5 =	vcvt.f32.s32 v9  }
0x216: {  	v7 =	vnsel vm0, $0x0, v7;
	v9 =	vshll.u32 v2, $0x11;
	v13 =	vsub.f32 $1.000000000e+00, v1  }
0x217: {  	vm0 =	vgt.s32 v6, $0x0;
	v2 =	vmin.u32 v7, $0x3F;
	v14 =	vcvt.s32.f32 v5  }
0x218: {  	v12 =	vsub.f32 v3, v12;
	vm1 =	vgt.s32 v5, $0x0;
	v15 =	vshll.u32 v2, $0x5  }
0x219: {  	v6 =	vnsel vm0, $0x0, v6;
	v3 =	vnsel vm1, $0x0, v5;
	v2 =	vsub.f32 v4, v14  }
0x21a: {  	v11 =	vshll.u32 v11, $0x11;
	v3 =	vmin.u32 v3, $0x1F;
	v5 =	vsub.f32 $1.000000000e+00, v12  }
0x21b: {  	v16 =	vadd.s32 $0x20000, v9;
	v4 =	vmin.u32 v6, $0x3F;
	v14 =	vmin.u32 v6, $0x3E  }
0x21c: {  	v6 =	vshll.u32 v4, $0xB;
	v4 =	vsub.f32 $1.000000000e+00, v2;
	v9 =	vmul.f32 v5, v10  }
0x21d: {  	v15 =	vor.u32 v15, v3;
	v17 =	vor.u32 v11, v6;
	v6 =	vor.u32 v6, v16  }
0x21e: {  	v20 =	vmul.f32 v5, v8;
	v19 =	vor.u32 v17, v15;
	v18 =	vmul.f32 v13, v9  }
0x21f: {  	v14 =	vshll.u32 v14, $0xB;
	v5 =	vmul.f32 v12, v10;
	v21 =	vor.u32 v6, v15  }
0x220: {  	v7 =	vmin.u32 v7, $0x3E;
	v10 =	vmul.f32 v4, v18;
	v18 =	vmul.f32 v18, v2  }
0x221: {  	v22 =	vshll.u32 v7, $0x5;
	v7 =	vmul.f32 v12, v8;
	[tilespmem:s28+$0xFFFFFFC0] =	vst v19;
	v19 =	vmul.f32 v13, v20  }
0x222: {  	v8 =	vadd.s32 $0x20, v22;
	v22 =	vmul.f32 v9, v1;
	v9 =	vmul.f32 v20, v1;
	[tilespmem:s2+$0xFFFFFF80] =	vst v10  }
0x223: {  	v12 =	vadd.s32 v17, v8;
	v20 =	vmul.f32 v13, v7;
	[tilespmem:s2+$0xFFFFFF90] =	vst v18;
	v10 =	vmul.f32 v4, v19  }
.Ltmp4:
0x224: {  	v14 =	vadd.s32 $0x800, v14;
	v17 =	vmul.f32 v19, v2;
	v18 =	vmul.f32 v13, v5;
	[tilespmem:s28+$0xFFFFFFD0] =	vst v21;
	(pc) =	sbr.rel @p0 .LBB2_10-.Ltmp4, $4  }
0x225: {  	v11 =	vadd.s32 v11, v14;
	v13 =	vmul.f32 v4, v20;
	[tilespmem:s2+$0xFFFFFFA0] =	vst v10;
	v10 =	vadd.s32 v16, v14  }
0x226: {  	v14 =	vor.u32 v11, v15;
	v19 =	vmul.f32 v4, v18;
	[tilespmem:s2+$0xFFFFFFB0] =	vst v17;
	v17 =	vor.u32 v10, v15  }
0x227: {  	v18 =	vmul.f32 v18, v2;
	v16 =	vmul.f32 v20, v2;
	v11 =	vadd.s32 v8, v11;
	[tilespmem:s28+$0xFFFFFFE0] =	vst v14  }
0x228: {  	v15 =	vmul.f32 v4, v22;
	v11 =	vor.u32 v3, v11;
	v14 =	vmul.f32 v22, v2;
	[tilespmem:s2+$0xFFFFFFC0] =	vst v19  }
0x229: {  	[tilespmem:s26+$0xFFFFFFD0] =	vst v18  }
0x22a: {  	[tilespmem:s30+$0xFFFFFFF0] =	vst v17  }
0x22b: {  	[tilespmem:s26+$0xFFFFFFE0] =	vst v13  }
0x22c: {  	v12 =	vor.u32 v3, v12;
	[tilespmem:s26+$0xFFFFFFF0] =	vst v16  }
0x22d: {  	[tilespmem:s30+$0x0] =	vst v12  }
0x22e: {  	v6 =	vadd.s32 v6, v8;
	[tilespmem:s26+$0x0] =	vst v15  }
0x22f: {  	v59 =	vmul.f32 v4, v9;
	v6 =	vor.u32 v3, v6;
	[tilespmem:s26+$0x10] =	vst v14  }
0x230: {  	v60 =	vmul.f32 v9, v2;
	v5 =	vmul.f32 v1, v5;
	[tilespmem:s30+$0x10] =	vst v6  }
0x231: {  	[tilespmem:s26+$0x20] =	vst v59  }
0x232: {  	v61 =	vmul.f32 v4, v5;
	[tilespmem:s26+$0x30] =	vst v60  }
0x233: {  	v1 =	vmul.f32 v1, v7;
	v5 =	vmul.f32 v2, v5;
	[tilespmem:s30+$0x20] =	vst v11  }
0x234: {  	v62 =	vadd.s32 v8, v10;
	[tilespmem:s26+$0x40] =	vst v61  }
0x235: {  	v3 =	vor.u32 v3, v62;
	v63 =	vmul.f32 v4, v1;
	[tilespmem:s26+$0x50] =	vst v5  }
0x236: {  	v1 =	vmul.f32 v2, v1;
	[tilespmem:s30+$0x30] =	vst v3  }
0x237: {  	[tilespmem:s26+$0x60] =	vst v63  }
0x238: {  	s0 =	simm.s32 $0x400;
	[tilespmem:s26+$0x70] =	vst v1  }
0x239: {  	[tilespmem:s12], [sflag:$0x1] =	stream.indirect.gather [hbm4b:s6+s10], $0x10, s0, s10, $0xb8;
	[tilespmem:$0xA400] =	vst v63  }
0x23a: {  	s31 =	simm.s32 $0x480;
	s2 =	simm.s32 $0x2400  }
0x23b: {  	[tilespmem:s2], [sflag:$0x1] =	stream.indirect.gather [hbm4b:s6+s10], $0x10, s31, s10, $0xb8;
	[tilespmem:$0xA400] =	vst v63  }
0x23c: {  	s7 =	simm.s32 $0x2C00;
	s2 =	simm.s32 $0x500  }
0x23d: {  	[tilespmem:s7], [sflag:$0x1] =	stream.indirect.gather [hbm4b:s6+s10], $0x10, s2, s10, $0xb8;
	[tilespmem:$0xA400] =	vst v63  }
0x23e: {  	s28 =	simm.s32 $0x3400;
	s26 =	simm.s32 $0x580  }
0x23f: {  	[tilespmem:s28], [sflag:$0x1] =	stream.indirect.gather [hbm4b:s6+s10], $0x10, s26, s10, $0xb8;
	[tilespmem:$0xA400] =	vst v63  }
0x240: {  	s30 =	simm.s32 $0x600;
	s31 =	simm.s32 $0x3C00  }
0x241: {  	[tilespmem:s31], [sflag:$0x1] =	stream.indirect.gather [hbm4b:s6+s10], $0x10, s30, s10, $0xb8;
	[tilespmem:$0xA400] =	vst v63  }
0x242: {  	s2 =	simm.s32 $0x680;
	s7 =	simm.s32 $0x4400  }
0x243: {  	[tilespmem:s7], [sflag:$0x1] =	stream.indirect.gather [hbm4b:s6+s10], $0x10, s2, s10, $0xb8;
	[tilespmem:$0xA400] =	vst v63  }
0x244: {  	s26 =	simm.s32 $0x700;
	s28 =	simm.s32 $0x4C00  }
0x245: {  	[tilespmem:s28], [sflag:$0x1] =	stream.indirect.gather [hbm4b:s6+s10], $0x10, s26, s10, $0xb8;
	[tilespmem:$0xA400] =	vst v63  }
0x246: {  	s30 =	simm.s32 $0x780;
	s31 =	simm.s32 $0x5400  }
0x247: {  	[tilespmem:s31], [sflag:$0x1] =	stream.indirect.gather [hbm4b:s6+s10], $0x10, s30, s10, $0xb8;
	[tilespmem:$0xA400] =	vst v63  }
.LBB2_12:
0x248: {  	_ =	swait.ge [sflag:s22], $0x800  }
0x249: {  	[sflag:s22] =	ssyncset.done $0x0  }
0x24a: {  	[sflag:s22] =	ssyncadd.s32 $0xFFFFF800  }
0x24b: {  	_ =	swait.ge [sflag:s22], $0x800  }
0x24c: {  	[sflag:s22] =	ssyncset.done $0x0  }
0x24d: {  	[sflag:s22] =	ssyncadd.s32 $0xFFFFF800  }
0x24e: {  	_ =	swait.ge [sflag:s22], $0x800  }
0x24f: {  	[sflag:s22] =	ssyncset.done $0x0  }
0x250: {  	[sflag:s22] =	ssyncadd.s32 $0xFFFFF800  }
0x251: {  	_ =	swait.ge [sflag:s22], $0x800  }
0x252: {  	[sflag:s22] =	ssyncset.done $0x0  }
0x253: {  	[sflag:s22] =	ssyncadd.s32 $0xFFFFF800  }
0x254: {  	_ =	swait.ge [sflag:s22], $0x800  }
0x255: {  	[sflag:s22] =	ssyncset.done $0x0  }
0x256: {  	[sflag:s22] =	ssyncadd.s32 $0xFFFFF800  }
0x257: {  	_ =	swait.ge [sflag:s22], $0x800  }
0x258: {  	[sflag:s22] =	ssyncset.done $0x0  }
0x259: {  	[sflag:s22] =	ssyncadd.s32 $0xFFFFF800  }
0x25a: {  	_ =	swait.ge [sflag:s22], $0x800  }
0x25b: {  	[sflag:s22] =	ssyncset.done $0x0  }
0x25c: {  	[sflag:s22] =	ssyncadd.s32 $0xFFFFF800  }
0x25d: {  	_ =	swait.ge [sflag:s22], $0x800  }
0x25e: {  	s26 =	simm.s32 $0x70;
	[sflag:s22] =	ssyncset.done $0x0  }
0x25f: {  	s28 =	simm.s32 $0xA200;
	s30 =	simm.s32 $0x1480;
	[sflag:s22] =	ssyncadd.s32 $0xFFFFF800  }
.LBB2_13:
0x260: {  	s0 =	sadd.s32 $0xFFFFFF90, s26  }
0x261: {  	s2 =	sadd.s32 $0xFFFFFFA0, s26;
	v1 =	vmov s0  }
0x262: {  	v19 =	vmov s2;
	v1 =	vshll.u32 v1, $0x4  }
0x263: {  	v19 =	vshll.u32 v19, $0x4;
	v1 =	vor.u32 v0, v1  }
0x264: {  	v4 =	vld [tilespmem:s30+$0xFFFFFF80];
	v19 =	vor.u32 v0, v19  }
0x265: {  	v6 =	vld [tilespmem:s30+$0xFFFFFF90];
	v2 =	vor.u32 $0x8, v1  }
0x266: {  	v22 =	vld [tilespmem:s30+$0xFFFFFFA0];
	v3 =	vor.u32 $0x1, v1  }
0x267: {  	v24 =	vld [tilespmem:s30+$0xFFFFFFB0];
	v5 =	vor.u32 $0x9, v1  }
0x268: {  	v7 =	vor.u32 $0x2, v1;
	v8 =	vld.idx.msk [tilespmem:v1+s29+$0x0], $0xffff  }
0x269: {  	v9 =	vor.u32 $0xA, v1;
	v26 =	vld.idx.msk [tilespmem:v19+s29+$0x0], $0xffff  }
0x26a: {  	v10 =	vor.u32 $0x3, v1;
	v2 =	vld.idx.msk [tilespmem:v2+s29+$0x0], $0xffff  }
0x26b: {  	v11 =	vor.u32 $0xB, v1;
	v3 =	vld.idx.msk [tilespmem:v3+s29+$0x0], $0xffff  }
0x26c: {  	v12 =	vor.u32 $0x4, v1;
	v5 =	vld.idx.msk [tilespmem:v5+s29+$0x0], $0xffff  }
0x26d: {  	v13 =	vor.u32 $0xC, v1;
	v7 =	vld.idx.msk [tilespmem:v7+s29+$0x0], $0xffff  }
0x26e: {  	v14 =	vor.u32 $0x5, v1;
	v9 =	vld.idx.msk [tilespmem:v9+s29+$0x0], $0xffff  }
0x26f: {  	v15 =	vor.u32 $0xD, v1;
	v10 =	vld.idx.msk [tilespmem:v10+s29+$0x0], $0xffff  }
0x270: {  	v16 =	vor.u32 $0x6, v1;
	v11 =	vld.idx.msk [tilespmem:v11+s29+$0x0], $0xffff  }
0x271: {  	v17 =	vor.u32 $0xE, v1;
	v12 =	vld.idx.msk [tilespmem:v12+s29+$0x0], $0xffff  }
0x272: {  	v18 =	vor.u32 $0x7, v1;
	v1 =	vor.u32 $0xF, v1;
	v13 =	vld.idx.msk [tilespmem:v13+s29+$0x0], $0xffff  }
0x273: {  	v14 =	vld.idx.msk [tilespmem:v14+s29+$0x0], $0xffff  }
0x274: {  	v20 =	vor.u32 $0x8, v19;
	v15 =	vld.idx.msk [tilespmem:v15+s29+$0x0], $0xffff  }
0x275: {  	v23 =	vor.u32 $0x9, v19;
	v16 =	vld.idx.msk [tilespmem:v16+s29+$0x0], $0xffff  }
0x276: {  	v25 =	vor.u32 $0x2, v19;
	v17 =	vld.idx.msk [tilespmem:v17+s29+$0x0], $0xffff  }
0x277: {  	v21 =	vld.idx.msk [tilespmem:v1+s29+$0x0], $0xffff;
	v1 =	vor.u32 $0x1, v19  }
0x278: {  	v27 =	vor.u32 $0xA, v19;
	v18 =	vld.idx.msk [tilespmem:v18+s29+$0x0], $0xffff  }
0x279: {  	v28 =	vor.u32 $0x3, v19;
	v20 =	vld.idx.msk [tilespmem:v20+s29+$0x0], $0xffff  }
0x27a: {  	v31 =	vor.u32 $0xC, v19;
	v23 =	vld.idx.msk [tilespmem:v23+s29+$0x0], $0xffff  }
0x27b: {  	v33 =	vor.u32 $0xD, v19;
	v25 =	vld.idx.msk [tilespmem:v25+s29+$0x0], $0xffff;
	v8 =	vmul.f32 v8, v4  }
0x27c: {  	v2 =	vmul.f32 v2, v6;
	v3 =	vmul.f32 v3, v4;
	v29 =	vld.idx.msk [tilespmem:v1+s29+$0x0], $0xffff;
	v1 =	vor.u32 $0xB, v19  }
0x27d: {  	v30 =	vor.u32 $0x4, v19;
	v27 =	vld.idx.msk [tilespmem:v27+s29+$0x0], $0xffff;
	v5 =	vmul.f32 v5, v6;
	v7 =	vmul.f32 v7, v4  }
0x27e: {  	v32 =	vor.u32 $0x5, v19;
	v28 =	vld.idx.msk [tilespmem:v28+s29+$0x0], $0xffff;
	v9 =	vmul.f32 v9, v6;
	v10 =	vmul.f32 v10, v4  }
0x27f: {  	v35 =	vor.u32 $0xE, v19;
	v31 =	vld.idx.msk [tilespmem:v31+s29+$0x0], $0xffff;
	v11 =	vmul.f32 v11, v6;
	v12 =	vmul.f32 v12, v4  }
0x280: {  	v36 =	vor.u32 $0x7, v19;
	v33 =	vld.idx.msk [tilespmem:v33+s29+$0x0], $0xffff;
	v13 =	vmul.f32 v13, v6;
	v14 =	vmul.f32 v14, v4  }
0x281: {  	v15 =	vmul.f32 v15, v6;
	v16 =	vmul.f32 v16, v4;
	v34 =	vld.idx.msk [tilespmem:v1+s29+$0x0], $0xffff;
	v1 =	vor.u32 $0x6, v19  }
0x282: {  	s7 =	sadd.s32 $0xFFFFFFB0, s26;
	v30 =	vld.idx.msk [tilespmem:v30+s29+$0x0], $0xffff;
	v17 =	vmul.f32 v17, v6;
	v4 =	vmul.f32 v18, v4  }
0x283: {  	v37 =	vmov s7;
	v32 =	vld.idx.msk [tilespmem:v32+s29+$0x0], $0xffff;
	v23 =	vmul.f32 v23, v24;
	v29 =	vmul.f32 v29, v22  }
0x284: {  	v35 =	vld.idx.msk [tilespmem:v35+s29+$0x0], $0xffff;
	v45 =	vmul.f32 v31, v24;
	v8 =	vadd.f32 v2, v8;
	v19 =	vor.u32 $0xF, v19  }
0x285: {  	v46 =	vmul.f32 v33, v24;
	v3 =	vadd.f32 v5, v3;
	v5 =	vld.idx.msk [tilespmem:v36+s29+$0x0], $0xffff;
	v61 =	vadd.f32 v23, v29  }
0x286: {  	s31 =	sadd.s32 $0xFFFFFFC0, s26;
	v16 =	vadd.f32 v17, v16;
	v6 =	vmul.f32 v21, v6;
	v38 =	vld.idx.msk [tilespmem:v1+s29+$0x0], $0xffff;
	v1 =	vshll.u32 v37, $0x4  }
0x287: {  	v2 =	vld [tilespmem:s30+$0xFFFFFFD0];
	v17 =	vadd.f32 v61, v3;
	v3 =	vmov s31;
	v37 =	vor.u32 v0, v1  }
0x288: {  	v6 =	vadd.f32 v6, v4;
	v4 =	vld [tilespmem:s30+$0xFFFFFFF0];
	v3 =	vshll.u32 v3, $0x4;
	v50 =	vor.u32 $0x8, v37  }
0x289: {  	v19 =	vld.idx.msk [tilespmem:v19+s29+$0x0], $0xffff;
	v31 =	vor.u32 v0, v3;
	v3 =	vmul.f32 v32, v22;
	v39 =	vor.u32 $0x1, v37  }
0x28a: {  	v1 =	vld [tilespmem:s30+$0xFFFFFFC0];
	v40 =	vor.u32 $0x9, v37  }
0x28b: {  	v41 =	vor.u32 $0x2, v37;
	v32 =	vadd.f32 v46, v3;
	v3 =	vld [tilespmem:s30+$0xFFFFFFE0]  }
0x28c: {  	v43 =	vor.u32 $0xA, v37;
	v42 =	vld.idx.msk [tilespmem:v37+s29+$0x0], $0xffff  }
0x28d: {  	v51 =	vadd.f32 v11, v10;
	v52 =	vor.u32 $0x3, v37;
	v10 =	vld.idx.msk [tilespmem:v50+s29+$0x0], $0xffff  }
0x28e: {  	v53 =	vadd.f32 v15, v14;
	v54 =	vor.u32 $0xB, v37;
	v14 =	vld.idx.msk [tilespmem:v39+s29+$0x0], $0xffff  }
0x28f: {  	v55 =	vor.u32 $0x4, v37;
	v36 =	vld.idx.msk [tilespmem:v40+s29+$0x0], $0xffff  }
0x290: {  	v56 =	vor.u32 $0xC, v37;
	v18 =	vld.idx.msk [tilespmem:v41+s29+$0x0], $0xffff  }
0x291: {  	v57 =	vor.u32 $0x5, v37;
	v40 =	vld.idx.msk [tilespmem:v43+s29+$0x0], $0xffff  }
0x292: {  	v58 =	vor.u32 $0xD, v37;
	v11 =	vld.idx.msk [tilespmem:v52+s29+$0x0], $0xffff  }
0x293: {  	v26 =	vmul.f32 v26, v22;
	v59 =	vor.u32 $0x6, v37;
	v15 =	vld.idx.msk [tilespmem:v54+s29+$0x0], $0xffff  }
0x294: {  	v20 =	vmul.f32 v20, v24;
	v25 =	vmul.f32 v25, v22;
	v62 =	vor.u32 $0xE, v37;
	v23 =	vld.idx.msk [tilespmem:v55+s29+$0x0], $0xffff  }
0x295: {  	v27 =	vmul.f32 v27, v24;
	v28 =	vmul.f32 v28, v22;
	v63 =	vor.u32 $0x7, v37;
	v21 =	vld.idx.msk [tilespmem:v56+s29+$0x0], $0xffff  }
0x296: {  	v44 =	vmul.f32 v30, v22;
	v34 =	vmul.f32 v34, v24;
	v39 =	vld.idx.msk [tilespmem:v57+s29+$0x0], $0xffff  }
0x297: {  	v7 =	vadd.f32 v9, v7;
	v60 =	vadd.f32 v20, v26;
	v47 =	vor.u32 $0x8, v31;
	v20 =	vld.idx.msk [tilespmem:v58+s29+$0x0], $0xffff  }
0x298: {  	v12 =	vadd.f32 v13, v12;
	v48 =	vor.u32 $0x1, v31;
	v43 =	vadd.f32 v34, v28;
	v28 =	vld.idx.msk [tilespmem:v59+s29+$0x0], $0xffff  }
0x299: {  	v25 =	vadd.f32 v27, v25;
	v30 =	vadd.f32 v45, v44;
	v49 =	vor.u32 $0x9, v31;
	v26 =	vld.idx.msk [tilespmem:v62+s29+$0x0], $0xffff  }
0x29a: {  	v8 =	vadd.f32 v60, v8;
	v5 =	vmul.f32 v5, v22;
	v60 =	vor.u32 $0xD, v31;
	v29 =	vld.idx.msk [tilespmem:v63+s29+$0x0], $0xffff  }
0x29b: {  	v46 =	vor.u32 $0xF, v31;
	v19 =	vmul.f32 v19, v24;
	v50 =	vmul.f32 v38, v22;
	v22 =	vld.idx.msk [tilespmem:v31+s29+$0x0], $0xffff  }
0x29c: {  	v12 =	vadd.f32 v30, v12;
	v13 =	vadd.f32 v32, v53;
	v53 =	vor.u32 $0x3, v31;
	v30 =	vld.idx.msk [tilespmem:v47+s29+$0x0], $0xffff  }
0x29d: {  	v35 =	vmul.f32 v35, v24;
	v37 =	vor.u32 $0xF, v37;
	v5 =	vadd.f32 v19, v5;
	v19 =	vld.idx.msk [tilespmem:v48+s29+$0x0], $0xffff  }
0x29e: {  	v7 =	vadd.f32 v25, v7;
	v44 =	vor.u32 $0x7, v31;
	v52 =	vor.u32 $0xA, v31;
	v34 =	vld.idx.msk [tilespmem:v49+s29+$0x0], $0xffff  }
0x29f: {  	v55 =	vor.u32 $0xB, v31;
	v57 =	vor.u32 $0x4, v31;
	v58 =	vor.u32 $0xC, v31;
	v47 =	vld.idx.msk [tilespmem:v60+s29+$0x0], $0xffff  }
0x2a0: {  	v59 =	vor.u32 $0x5, v31;
	v62 =	vor.u32 $0x6, v31;
	v63 =	vor.u32 $0xE, v31;
	v24 =	vld.idx.msk [tilespmem:v46+s29+$0x0], $0xffff  }
0x2a1: {  	v9 =	vadd.f32 v43, v51;
	v32 =	vld.idx.msk [tilespmem:v53+s29+$0x0], $0xffff;
	v56 =	vmul.f32 v42, v1;
	v10 =	vmul.f32 v10, v2  }
0x2a2: {  	v51 =	vor.u32 $0x2, v31;
	v25 =	vld.idx.msk [tilespmem:v37+s29+$0x0], $0xffff;
	v14 =	vmul.f32 v14, v1;
	v36 =	vmul.f32 v36, v2  }
0x2a3: {  	s2 =	sadd.s32 $0xFFFFFFD0, s26;
	v5 =	vadd.f32 v5, v6;
	v6 =	vld.idx.msk [tilespmem:v52+s29+$0x0], $0xffff;
	v18 =	vmul.f32 v18, v1;
	v61 =	vmul.f32 v40, v2  }
0x2a4: {  	v48 =	vmov s2;
	v27 =	vld.idx.msk [tilespmem:v55+s29+$0x0], $0xffff;
	v11 =	vmul.f32 v11, v1;
	v15 =	vmul.f32 v15, v2  }
0x2a5: {  	v54 =	vadd.f32 v35, v50;
	v37 =	vld.idx.msk [tilespmem:v57+s29+$0x0], $0xffff;
	v23 =	vmul.f32 v23, v1;
	v21 =	vmul.f32 v21, v2  }
0x2a6: {  	v33 =	vshll.u32 v48, $0x4;
	v45 =	vld.idx.msk [tilespmem:v59+s29+$0x0], $0xffff;
	v49 =	vmul.f32 v39, v1;
	v20 =	vmul.f32 v20, v2  }
0x2a7: {  	v16 =	vadd.f32 v54, v16;
	v50 =	vld.idx.msk [tilespmem:v63+s29+$0x0], $0xffff;
	v28 =	vmul.f32 v28, v1;
	v26 =	vmul.f32 v26, v2  }
0x2a8: {  	v1 =	vmul.f32 v29, v1;
	v22 =	vmul.f32 v22, v3;
	v38 =	vld.idx.msk [tilespmem:v51+s29+$0x0], $0xffff;
	v14 =	vadd.f32 v36, v14  }
0x2a9: {  	v30 =	vmul.f32 v30, v4;
	v19 =	vmul.f32 v19, v3;
	v36 =	vld.idx.msk [tilespmem:v62+s29+$0x0], $0xffff;
	v51 =	vor.u32 v0, v33  }
0x2aa: {  	s7 =	sadd.s32 $0xFFFFFFE0, s26;
	v34 =	vmul.f32 v34, v4;
	v31 =	vmul.f32 v47, v4;
	v43 =	vadd.f32 v14, v17;
	v14 =	vld.idx.msk [tilespmem:v58+s29+$0x0], $0xffff  }
0x2ab: {  	v47 =	vmov s7;
	v20 =	vadd.f32 v20, v49;
	v52 =	vor.u32 $0x8, v51;
	v17 =	vld.idx.msk [tilespmem:v44+s29+$0x0], $0xffff  }
0x2ac: {  	v11 =	vadd.f32 v15, v11;
	v33 =	vor.u32 $0x1, v51;
	v2 =	vmul.f32 v25, v2;
	v25 =	vld [tilespmem:s30+$0x0]  }
0x2ad: {  	v53 =	vor.u32 $0x9, v51;
	v13 =	vadd.f32 v20, v13;
	v20 =	vld [tilespmem:s30+$0x10];
	v15 =	vmul.f32 v45, v3  }
0x2ae: {  	v10 =	vadd.f32 v10, v56;
	v54 =	vor.u32 $0x2, v51;
	v1 =	vadd.f32 v2, v1;
	v2 =	vld.idx.msk [tilespmem:v51+s29+$0x0], $0xffff  }
0x2af: {  	v18 =	vadd.f32 v61, v18;
	v55 =	vor.u32 $0xA, v51;
	v15 =	vadd.f32 v31, v15;
	v31 =	vld [tilespmem:s30+$0x30]  }
0x2b0: {  	v21 =	vadd.f32 v21, v23;
	v26 =	vadd.f32 v26, v28;
	v56 =	vor.u32 $0x3, v51;
	v23 =	vld.idx.msk [tilespmem:v52+s29+$0x0], $0xffff  }
0x2b1: {  	v22 =	vadd.f32 v30, v22;
	v19 =	vadd.f32 v34, v19;
	v57 =	vor.u32 $0xB, v51;
	v33 =	vld.idx.msk [tilespmem:v33+s29+$0x0], $0xffff  }
0x2b2: {  	v59 =	vor.u32 $0x4, v51;
	v60 =	vor.u32 $0xC, v51;
	v62 =	vor.u32 $0x5, v51;
	v58 =	vld.idx.msk [tilespmem:v53+s29+$0x0], $0xffff  }
0x2b3: {  	v32 =	vmul.f32 v32, v3;
	v63 =	vor.u32 $0xD, v51;
	v12 =	vadd.f32 v21, v12;
	v21 =	vld.idx.msk [tilespmem:v54+s29+$0x0], $0xffff  }
0x2b4: {  	v41 =	vor.u32 $0x6, v51;
	v8 =	vadd.f32 v10, v8;
	v7 =	vadd.f32 v18, v7;
	v28 =	vld.idx.msk [tilespmem:v55+s29+$0x0], $0xffff  }
0x2b5: {  	v42 =	vor.u32 $0xE, v51;
	v9 =	vadd.f32 v11, v9;
	v16 =	vadd.f32 v26, v16;
	v35 =	vld.idx.msk [tilespmem:v56+s29+$0x0], $0xffff  }
0x2b6: {  	v44 =	vor.u32 $0x7, v51;
	v18 =	vor.u32 $0xF, v51;
	v27 =	vmul.f32 v27, v4;
	v40 =	vld.idx.msk [tilespmem:v57+s29+$0x0], $0xffff  }
0x2b7: {  	v6 =	vmul.f32 v6, v4;
	v11 =	vmul.f32 v50, v4;
	v8 =	vadd.f32 v22, v8;
	v26 =	vld.idx.msk [tilespmem:v59+s29+$0x0], $0xffff  }
0x2b8: {  	v10 =	vadd.f32 v19, v43;
	v61 =	vmul.f32 v38, v3;
	v27 =	vadd.f32 v27, v32;
	v29 =	vld.idx.msk [tilespmem:v60+s29+$0x0], $0xffff  }
0x2b9: {  	v43 =	vmul.f32 v37, v3;
	v48 =	vmul.f32 v36, v3;
	v1 =	vadd.f32 v1, v5;
	v34 =	vld.idx.msk [tilespmem:v62+s29+$0x0], $0xffff  }
0x2ba: {  	v46 =	vld.idx.msk [tilespmem:v63+s29+$0x0], $0xffff;
	v6 =	vadd.f32 v6, v61;
	v14 =	vmul.f32 v14, v4;
	v45 =	vadd.f32 v27, v9  }
0x2bb: {  	v30 =	vld.idx.msk [tilespmem:v42+s29+$0x0], $0xffff;
	v27 =	vshll.u32 v47, $0x4;
	v3 =	vmul.f32 v17, v3;
	v4 =	vmul.f32 v24, v4  }
0x2bc: {  	s31 =	sadd.s32 $0xFFFFFFF0, s26;
	v22 =	vld.idx.msk [tilespmem:v41+s29+$0x0], $0xffff;
	v13 =	vadd.f32 v15, v13;
	v11 =	vadd.f32 v11, v48;
	v27 =	vor.u32 v0, v27  }
0x2bd: {  	v49 =	vld.idx.msk [tilespmem:v44+s29+$0x0], $0xffff;
	v47 =	vmov s31;
	v6 =	vadd.f32 v6, v7;
	v50 =	vor.u32 $0x8, v27  }
0x2be: {  	v51 =	vld.idx.msk [tilespmem:v18+s29+$0x0], $0xffff;
	v14 =	vadd.f32 v14, v43;
	v52 =	vor.u32 $0x1, v27;
	v3 =	vadd.f32 v4, v3  }
0x2bf: {  	v4 =	vld [tilespmem:s30+$0x20];
	v53 =	vor.u32 $0x9, v27;
	v54 =	vor.u32 $0x2, v27;
	v56 =	vor.u32 $0xA, v27  }
0x2c0: {  	v11 =	vadd.f32 v11, v16;
	v9 =	vmul.f32 v46, v20;
	v46 =	vmul.f32 v30, v20;
	v30 =	vld [tilespmem:s30+$0x40]  }
0x2c1: {  	v57 =	vor.u32 $0x3, v27;
	v60 =	vor.u32 $0x4, v27;
	v62 =	vor.u32 $0xC, v27;
	v55 =	vld.idx.msk [tilespmem:v27+s29+$0x0], $0xffff  }
0x2c2: {  	v41 =	vor.u32 $0xD, v27;
	v2 =	vmul.f32 v2, v25;
	v1 =	vadd.f32 v3, v1;
	v3 =	vld.idx.msk [tilespmem:v50+s29+$0x0], $0xffff  }
0x2c3: {  	v42 =	vor.u32 $0x6, v27;
	v23 =	vmul.f32 v23, v20;
	v33 =	vmul.f32 v33, v25;
	v15 =	vld.idx.msk [tilespmem:v52+s29+$0x0], $0xffff  }
0x2c4: {  	v43 =	vor.u32 $0xE, v27;
	v5 =	vmul.f32 v58, v20;
	v21 =	vmul.f32 v21, v25;
	v18 =	vld.idx.msk [tilespmem:v53+s29+$0x0], $0xffff  }
0x2c5: {  	v12 =	vadd.f32 v14, v12;
	v59 =	vmul.f32 v28, v20;
	v61 =	vmul.f32 v35, v25;
	v32 =	vld.idx.msk [tilespmem:v54+s29+$0x0], $0xffff  }
0x2c6: {  	v58 =	vor.u32 $0xB, v27;
	v19 =	vmul.f32 v40, v20;
	v26 =	vmul.f32 v26, v25;
	v63 =	vld.idx.msk [tilespmem:v56+s29+$0x0], $0xffff  }
0x2c7: {  	v40 =	vor.u32 $0x5, v27;
	v29 =	vmul.f32 v29, v20;
	v34 =	vmul.f32 v34, v25;
	v16 =	vld.idx.msk [tilespmem:v57+s29+$0x0], $0xffff  }
0x2c8: {  	v22 =	vmul.f32 v22, v25;
	v17 =	vmul.f32 v49, v25;
	v2 =	vadd.f32 v23, v2;
	v28 =	vld.idx.msk [tilespmem:v60+s29+$0x0], $0xffff  }
0x2c9: {  	v14 =	vmul.f32 v51, v20;
	v5 =	vadd.f32 v5, v33;
	v21 =	vadd.f32 v59, v21;
	v44 =	vld.idx.msk [tilespmem:v62+s29+$0x0], $0xffff  }
0x2ca: {  	v49 =	vshll.u32 v47, $0x4;
	v19 =	vadd.f32 v19, v61;
	v26 =	vadd.f32 v29, v26;
	v24 =	vld.idx.msk [tilespmem:v41+s29+$0x0], $0xffff  }
0x2cb: {  	v9 =	vadd.f32 v9, v34;
	v25 =	vor.u32 v0, v49;
	v22 =	vadd.f32 v46, v22;
	v48 =	vld.idx.msk [tilespmem:v42+s29+$0x0], $0xffff  }
0x2cc: {  	v46 =	vmov s26;
	v50 =	vld.idx.msk [tilespmem:v43+s29+$0x0], $0xffff;
	v14 =	vadd.f32 v14, v17;
	v52 =	vor.u32 $0x8, v25  }
0x2cd: {  	v54 =	vor.u32 $0x1, v25;
	v56 =	vor.u32 $0x2, v25;
	v59 =	vor.u32 $0x3, v25;
	v23 =	vld.idx.msk [tilespmem:v58+s29+$0x0], $0xffff  }
0x2ce: {  	v60 =	vor.u32 $0xB, v25;
	v62 =	vor.u32 $0x4, v25;
	v5 =	vadd.f32 v5, v10;
	v10 =	vld.idx.msk [tilespmem:v40+s29+$0x0], $0xffff  }
0x2cf: {  	v36 =	vor.u32 $0x5, v25;
	v38 =	vor.u32 $0xD, v25;
	v1 =	vadd.f32 v14, v1;
	v14 =	vld [tilespmem:s30+$0x50]  }
0x2d0: {  	v41 =	vor.u32 $0xE, v25;
	v43 =	vor.u32 $0x7, v25;
	v2 =	vadd.f32 v2, v8;
	v57 =	vld.idx.msk [tilespmem:v25+s29+$0x0], $0xffff  }
0x2d1: {  	v6 =	vadd.f32 v21, v6;
	v7 =	vadd.f32 v19, v45;
	v45 =	vor.u32 $0x7, v27;
	v21 =	vld.idx.msk [tilespmem:v52+s29+$0x0], $0xffff  }
0x2d2: {  	v27 =	vor.u32 $0xF, v27;
	v12 =	vadd.f32 v26, v12;
	v53 =	vmul.f32 v55, v4;
	v29 =	vld.idx.msk [tilespmem:v54+s29+$0x0], $0xffff  }
0x2d3: {  	v11 =	vadd.f32 v22, v11;
	v3 =	vmul.f32 v3, v31;
	v15 =	vmul.f32 v15, v4;
	v22 =	vld.idx.msk [tilespmem:v56+s29+$0x0], $0xffff  }
0x2d4: {  	v9 =	vadd.f32 v9, v13;
	v18 =	vmul.f32 v18, v31;
	v32 =	vmul.f32 v32, v4;
	v37 =	vld.idx.msk [tilespmem:v59+s29+$0x0], $0xffff  }
0x2d5: {  	v58 =	vor.u32 $0xA, v25;
	v8 =	vmul.f32 v63, v31;
	v16 =	vmul.f32 v16, v4;
	v39 =	vld.idx.msk [tilespmem:v60+s29+$0x0], $0xffff  }
0x2d6: {  	v40 =	vor.u32 $0x6, v25;
	v28 =	vmul.f32 v28, v4;
	v19 =	vmul.f32 v44, v31;
	v44 =	vld.idx.msk [tilespmem:v36+s29+$0x0], $0xffff  }
0x2d7: {  	v55 =	vor.u32 $0x9, v25;
	v24 =	vmul.f32 v24, v31;
	v20 =	vmul.f32 v48, v4;
	v48 =	vld.idx.msk [tilespmem:v41+s29+$0x0], $0xffff  }
0x2d8: {  	v13 =	vmul.f32 v50, v31;
	v51 =	vld.idx.msk [tilespmem:v45+s29+$0x0], $0xffff;
	v3 =	vadd.f32 v3, v53;
	v15 =	vadd.f32 v18, v15  }
0x2d9: {  	v27 =	vld.idx.msk [tilespmem:v27+s29+$0x0], $0xffff;
	v23 =	vmul.f32 v23, v31;
	v8 =	vadd.f32 v8, v32;
	v19 =	vadd.f32 v19, v28  }
0x2da: {  	v45 =	vld.idx.msk [tilespmem:v38+s29+$0x0], $0xffff;
	v10 =	vmul.f32 v10, v4;
	v13 =	vadd.f32 v13, v20;
	v2 =	vadd.f32 v3, v2  }
0x2db: {  	v63 =	vor.u32 $0xC, v25;
	v26 =	vld.idx.msk [tilespmem:v58+s29+$0x0], $0xffff;
	v3 =	vadd.f32 v15, v5;
	v16 =	vadd.f32 v23, v16  }
0x2dc: {  	v25 =	vor.u32 $0xF, v25;
	v20 =	vld [tilespmem:s30+$0x60];
	v6 =	vadd.f32 v8, v6;
	v10 =	vadd.f32 v24, v10  }
0x2dd: {  	v61 =	vld.idx.msk [tilespmem:v55+s29+$0x0], $0xffff;
	v12 =	vadd.f32 v19, v12;
	v19 =	vshll.u32 v46, $0x4;
	v18 =	vmul.f32 v57, v30  }
0x2de: {  	v15 =	vld.idx.msk [tilespmem:v62+s29+$0x0], $0xffff;
	v11 =	vadd.f32 v13, v11;
	v47 =	vmul.f32 v21, v14;
	v49 =	vmul.f32 v29, v30  }
0x2df: {  	v23 =	vld.idx.msk [tilespmem:v43+s29+$0x0], $0xffff;
	v19 =	vor.u32 v0, v19;
	v22 =	vmul.f32 v22, v30;
	v56 =	vmul.f32 v37, v30  }
0x2e0: {  	v42 =	vld.idx.msk [tilespmem:v63+s29+$0x0], $0xffff;
	v8 =	vmul.f32 v39, v14;
	v28 =	vmul.f32 v44, v30;
	v50 =	vor.u32 $0x8, v19  }
0x2e1: {  	v21 =	vmul.f32 v48, v14;
	v7 =	vadd.f32 v16, v7;
	v16 =	vld.idx.msk [tilespmem:v40+s29+$0x0], $0xffff;
	v52 =	vor.u32 $0x1, v19  }
0x2e2: {  	v4 =	vmul.f32 v51, v4;
	v27 =	vmul.f32 v27, v31;
	v51 =	vld.idx.msk [tilespmem:v25+s29+$0x0], $0xffff;
	v53 =	vor.u32 $0x9, v19  }
0x2e3: {  	v9 =	vadd.f32 v10, v9;
	v55 =	vor.u32 $0x2, v19;
	v54 =	vmul.f32 v26, v14;
	v26 =	vld [tilespmem:s30+$0x70]  }
0x2e4: {  	v58 =	vor.u32 $0xA, v19;
	v60 =	vor.u32 $0x3, v19;
	v62 =	vor.u32 $0x4, v19;
	v57 =	vld.idx.msk [tilespmem:v19+s29+$0x0], $0xffff  }
0x2e5: {  	v10 =	vmul.f32 v45, v14;
	v63 =	vor.u32 $0xC, v19;
	v35 =	vor.u32 $0x5, v19;
	v59 =	vld.idx.msk [tilespmem:v50+s29+$0x0], $0xffff  }
0x2e6: {  	v37 =	vor.u32 $0xD, v19;
	v38 =	vor.u32 $0x6, v19;
	v40 =	vor.u32 $0xE, v19;
	v13 =	vld.idx.msk [tilespmem:v52+s29+$0x0], $0xffff  }
0x2e7: {  	v43 =	vor.u32 $0x7, v19;
	v18 =	vadd.f32 v47, v18;
	v8 =	vadd.f32 v8, v56;
	v24 =	vld.idx.msk [tilespmem:v53+s29+$0x0], $0xffff  }
0x2e8: {  	v4 =	vadd.f32 v27, v4;
	v10 =	vadd.f32 v10, v28;
	v5 =	vmul.f32 v61, v14;
	v29 =	vld.idx.msk [tilespmem:v55+s29+$0x0], $0xffff  }
0x2e9: {  	v2 =	vadd.f32 v18, v2;
	v22 =	vadd.f32 v54, v22;
	v61 =	vor.u32 $0xB, v19;
	v34 =	vld.idx.msk [tilespmem:v58+s29+$0x0], $0xffff  }
0x2ea: {  	v15 =	vmul.f32 v15, v30;
	v7 =	vadd.f32 v8, v7;
	v23 =	vmul.f32 v23, v30;
	v36 =	vld.idx.msk [tilespmem:v60+s29+$0x0], $0xffff  }
0x2eb: {  	v1 =	vadd.f32 v4, v1;
	v17 =	vmul.f32 v42, v14;
	v9 =	vadd.f32 v10, v9;
	v39 =	vld.idx.msk [tilespmem:v62+s29+$0x0], $0xffff  }
0x2ec: {  	v19 =	vor.u32 $0xF, v19;
	v5 =	vadd.f32 v5, v49;
	v16 =	vmul.f32 v16, v30;
	v42 =	vld.idx.msk [tilespmem:v63+s29+$0x0], $0xffff  }
0x2ed: {  	v6 =	vadd.f32 v22, v6;
	v4 =	vmul.f32 v51, v14;
	v44 =	vld.idx.msk [tilespmem:v35+s29+$0x0], $0xffff;
	v15 =	vadd.f32 v17, v15  }
0x2ee: {  	v18 =	vld.idx.msk [tilespmem:v37+s29+$0x0], $0xffff;
	v3 =	vadd.f32 v5, v3;
	v41 =	vadd.f32 v21, v16  }
0x2ef: {  	v4 =	vadd.f32 v4, v23;
	v21 =	vld.idx.msk [tilespmem:v43+s29+$0x0], $0xffff;
	v45 =	vmul.f32 v57, v20;
	v5 =	vmul.f32 v59, v26  }
0x2f0: {  	v25 =	vld.idx.msk [tilespmem:v61+s29+$0x0], $0xffff;
	v12 =	vadd.f32 v15, v12;
	v46 =	vmul.f32 v13, v20;
	v47 =	vmul.f32 v24, v26  }
0x2f1: {  	v11 =	vadd.f32 v41, v11;
	v54 =	vld.idx.msk [tilespmem:v19+s29+$0x0], $0xffff;
	v49 =	vmul.f32 v29, v20;
	v8 =	vmul.f32 v34, v26  }
0x2f2: {  	v50 =	vld.idx.msk [tilespmem:v40+s29+$0x0], $0xffff;
	v1 =	vadd.f32 v4, v1;
	v51 =	vmul.f32 v36, v20;
	v56 =	vmul.f32 v39, v20  }
0x2f3: {  	v48 =	vld.idx.msk [tilespmem:v38+s29+$0x0], $0xffff;
	v57 =	vmul.f32 v42, v26;
	v5 =	vadd.f32 v5, v45;
	v4 =	vadd.f32 v47, v46  }
0x2f4: {  	v58 =	vmul.f32 v44, v20;
	v53 =	vadd.f32 v8, v49;
	v61 =	vmul.f32 v21, v20  }
0x2f5: {  	v52 =	vmul.f32 v25, v26;
	v2 =	vadd.f32 v5, v2;
	v3 =	vadd.f32 v4, v3  }
0x2f6: {  	v5 =	vadd.f32 v53, v6;
	v6 =	vadd.f32 v57, v56;
	v8 =	vmul.f32 v54, v26  }
0x2f7: {  	v59 =	vmul.f32 v18, v26;
	v60 =	vmul.f32 v50, v26;
	v55 =	vadd.f32 v52, v51;
	[tilespmem:s28+$0xFFFFFE00] =	vst v2  }
0x2f8: {  	v2 =	vmul.f32 v48, v20;
	[tilespmem:s28+$0xFFFFFE80] =	vst v3;
	v3 =	vadd.f32 v6, v12;
	v63 =	vadd.f32 v8, v61  }
0x2f9: {  	p0 =	sne.s32 s26, $0x3F0;
	[tilespmem:s28+$0xFFFFFF00] =	vst v5;
	v4 =	vadd.f32 v55, v7;
	v7 =	vadd.f32 v59, v58  }
.Ltmp5:
0x2fa: {  	v2 =	vadd.f32 v60, v2;
	[tilespmem:s28+$0x0] =	vst v3;
	v1 =	vadd.f32 v63, v1;
	(pc) =	sbr.rel @p0 .LBB2_13-.Ltmp5, $4  }
0x2fb: {  	v62 =	vadd.f32 v7, v9;
	[tilespmem:s28+$0xFFFFFF80] =	vst v4  }
0x2fc: {  	v2 =	vadd.f32 v2, v11;
	[tilespmem:s28+$0x180] =	vst v1  }
0x2fd: {  	[tilespmem:s28+$0x80] =	vst v62  }
0x2fe: {  	s26 =	sadd.s32 $0x80, s26;
	s30 =	sadd.s32 $0x100, s30;
	[tilespmem:s28+$0x100] =	vst v2;
	s28 =	sadd.s32 $0x10, s28  }
0x2ff: {  	s24 =	sadd.s32 $0x1, s24  }
0x300: {  	s0 =	sshll.u32 s25, $0x7;
	p0 =	sne.s32 s24, $0x80  }
.Ltmp6:
0x301: {  	s0 =	sadd.s32 s3, s0;
	(pc) =	sbr.rel @p0 .LBB2_4-.Ltmp6, $4  }
0x302: {  	[hbm4b:s0+s4] =	stream.linear.scatter [tilespmem:s23], [sflag:$0x3], $0x400, $0x38;
	[tilespmem:$0xA400] =	vst v63  }
0x303: {  	_ =	swait.ge [sflag:s9], $0x400  }
0x304: {  	[sflag:s9] =	ssyncset.done $0x0  }
0x305: {  	[sflag:s9] =	ssyncadd.s32 $0xFFFFFC00  }
0x306: {  	s2 =	rddreg [dreg:$0x6]  }
0x307: {  	s0 =	rddreg [dreg:$0x5];
	s2 =	sadd.s32 $0x1, s2  }
0x308: {  	p0 =	sne.s32 s2, s0  }
.Ltmp7:
0x309: {  	_ = 	snop;
	(pc) =	sbr.rel @p0 .LBB2_1-.Ltmp7, $1  }
0x30a: {  	_ =	sdelay $0x3  }
0x30b: {  	_ =	sfence.sel $0x180000  }
0x30c: {  	[bflag:$0x0] =	sbarrier.arrive $0xFFFF  }
0x30d: {  	_ =	strace $0x90000047  }
0x30e: {  	s0 =	stileid.u32;
	[bflag:$0x2] =	sbarrier.arrive $0xFFFF  }
0x30f: {  	p0 =	sne.s32 s0, $0x0;
	s0 =	rddreg [dreg:$0x3]  }
0x310: {  	s0 =	sadd.s32 @!p0 $0x100000, s0  }
0x311: {  	[sflag:s0] =	ssyncadd.tile.s32 @!p0 $0x1;
	_ =	shalt  }
.Lfunc_end2:
_tile_overlayer_lowered:
.L_overlay_start_2:
0x312: {  	(tag) =	ssettag $0x2  }
0x313: {  	s0 =	rddreg [dreg:$0x0];
	s2 =	stileid.u32  }
0x314: {  	s1 =	rddreg [dreg:$0x1];
	p0 =	sne.s32 s2, $0x0  }
0x315: {  	s3 =	rddreg [dreg:$0x2];
	[bflag:$0x3] =	sbarrier.arrive $0xFFFF;
	s2 =	simm.s32 @!p0 $0x1C03  }
0x316: {  	[timem:s3], [sflag:s2] =	dma.local @!p0 [hbm:s0], s1  }
0x317: {  	s0 =	simm.s32 @!p0 $0x3  }
0x318: {  	_ =	swait.ge @!p0 [sflag:s0], s1  }
0x319: {  	s1 =	ssub.s32 @!p0 $0x0, s1;
	[sflag:s0] =	ssyncset.done @!p0 $0x0  }
0x31a: {  	[sflag:s0] =	ssyncadd.s32 @!p0 s1  }
0x31b: {  	[bflag:$0x3] =	sbarrier.arrive $0xFFFF  }
0x31c: {  	_ =	shalt  }

</sc_bundles>
